<compile_context>
chip_gen: v7x
topology: tpu7x:2x2x1
jax: 0.10.2.dev20260603
libtpu: 0.0.44.dev20260713+nightly
codegen_flags: <defaults>
</compile_context>

<pallas_src>
import functools

import jax
import jax.numpy as jnp
from jax import lax
from jax.experimental import pallas as pl
from jax.experimental.pallas import tpu as pltpu
from jax.experimental.pallas import tpu_sc as plsc

BATCH = 16384
EMB = 32
NC = 2
NS = 16
NW = NC * NS
BPW = BATCH // NW
LANES = 16
NBUF = 8
NGRP = BPW // LANES
TB_PER_W = BPW // 128

_mesh = plsc.VectorSubcoreMesh(core_axis_name="c", subcore_axis_name="s")

@functools.partial(
    pl.kernel,
    mesh=_mesh,
    compiler_params=pltpu.CompilerParams(needs_layout_passes=False),
    out_type=jax.ShapeDtypeStruct((4, BATCH // 128, 8, 128), jnp.float32),
    scratch_types=[
        pltpu.VMEM((BPW,), jnp.int32),
        pltpu.VMEM((BPW,), jnp.int32),
        pltpu.VMEM((NBUF, EMB, 128), jnp.float32),
        pltpu.VMEM((NBUF, EMB, 128), jnp.float32),
        pltpu.VMEM((4, TB_PER_W, 8, 128), jnp.float32),
        pltpu.SemaphoreType.DMA((2, NBUF)),
    ],
)
def _interac(first_hbm, second_hbm, w1t_hbm, w2t_hbm, out_hbm,
             idx1_v, idx2_v, g1_v, g2_v, ost_v, sems):
    wid = lax.axis_index("s") * NC + lax.axis_index("c")
    base = wid * BPW

    pltpu.sync_copy(first_hbm.at[pl.ds(base, BPW)], idx1_v)
    pltpu.sync_copy(second_hbm.at[pl.ds(base, BPW)], idx2_v)

    iota = lax.iota(jnp.int32, LANES)
    chi_lo = iota >> 3
    clo_lo = lax.bitwise_and(iota, jnp.int32(7))
    chi_hi = (iota + LANES) >> 3
    clo_hi = clo_lo

    def issue(gv1, gv2, j):
        s = j % NBUF
        w1 = pl.multiple_of(gv1[j], 128)
        w2 = pl.multiple_of(gv2[j], 128)
        pltpu.async_copy(w1t_hbm.at[:, pl.ds(w1, 128)], g1_v.at[s],
                         sems.at[0, s])
        pltpu.async_copy(w2t_hbm.at[:, pl.ds(w2, 128)], g2_v.at[s],
                         sems.at[1, s])

    def drain(s):
        pltpu.make_async_copy(w1t_hbm.at[:, pl.ds(0, 128)], g1_v.at[s],
                              sems.at[0, s]).wait()
        pltpu.make_async_copy(w2t_hbm.at[:, pl.ds(0, 128)], g2_v.at[s],
                              sems.at[1, s]).wait()

    def extract(b_prev, lv1, lv2, jlane, s):
        l1 = jnp.full((LANES,), lv1[jlane], jnp.int32)
        l2 = jnp.full((LANES,), lv2[jlane], jnp.int32)
        sv = jnp.full((LANES,), s, jnp.int32)
        v1a = plsc.load_gather(g1_v, [sv, iota, l1])
        v1b = plsc.load_gather(g1_v, [sv, iota + LANES, l1])
        v2a = plsc.load_gather(g2_v, [sv, iota, l2])
        v2b = plsc.load_gather(g2_v, [sv, iota + LANES, l2])
        tb = jnp.full((LANES,), b_prev >> 7, jnp.int32)
        blo = jnp.full((LANES,), b_prev & 127, jnp.int32)
        plsc.store_scatter(ost_v, [chi_lo, tb, clo_lo, blo], v1a * v2a)
        plsc.store_scatter(ost_v, [chi_hi, tb, clo_hi, blo], v1b * v2b)

    def body(g, carry):
        plv1, plv2 = carry
        i1 = idx1_v[pl.ds(g * LANES, LANES)]
        i2 = idx2_v[pl.ds(g * LANES, LANES)]
        gv1 = (i1 >> 7) * 128
        gv2 = (i2 >> 7) * 128
        lv1 = lax.bitwise_and(i1, jnp.int32(127))
        lv2 = lax.bitwise_and(i2, jnp.int32(127))
        for j in range(LANES):
            s = j % NBUF
            if j < NBUF:
                @pl.when(g > 0)
                def _():
                    drain(s)
                    extract(g * LANES + j - NBUF, plv1, plv2, j + NBUF, s)
            else:
                drain(s)
                extract(g * LANES + j - NBUF, lv1, lv2, j - NBUF, s)
            issue(gv1, gv2, j)
        return (lv1, lv2)

    zeros = jnp.zeros((LANES,), jnp.int32)
    lv1, lv2 = lax.fori_loop(0, NGRP, body, (zeros, zeros))

    for j in range(NBUF):
        drain(j)
        extract(BPW - NBUF + j, lv1, lv2, NBUF + j, j)

    for c_hi in range(4):
        pltpu.sync_copy(ost_v.at[c_hi],
                        out_hbm.at[c_hi, pl.ds(wid * TB_PER_W, TB_PER_W)])


def kernel(first, second, W1, W2):
    out4 = _interac(first, second, W1.T, W2.T)
    return out4.transpose(0, 2, 1, 3).reshape(EMB, BATCH).T

# --- scband reference (transcript-rebuilt; emitter-appended) ---
"""Pipeline reference for scband-interac-3882650436472 (READ-ONLY COPY).

The authoritative reference and input builder live on the scoring server;
editing this copy changes nothing except your own understanding.
"""

import jax, jax.numpy as jnp
import numpy as np

FIRST_SIZE = 1000000
SECOND_SIZE = 1000000
EMB_SIZE = 32
BATCH = 16384
INIT_STD = 0.01


def setup_inputs(seed: int = 0) -> dict:
    key = jax.random.key(seed)
    k1, k2, k3, k4 = jax.random.split(key, 4)
    first = jax.random.randint(k1, (BATCH,), 0, FIRST_SIZE, dtype=jnp.int64 if jax.config.jax_enable_x64 else jnp.int32)
    second = jax.random.randint(k2, (BATCH,), 0, SECOND_SIZE, dtype=jnp.int64 if jax.config.jax_enable_x64 else jnp.int32)
    # emb1 weight: normal init with std=init_std (matches nn.init.normal_)
    W1 = jax.random.normal(k3, (FIRST_SIZE, EMB_SIZE), dtype=jnp.float32) * INIT_STD
    # emb2 weight: default nn.Embedding init (standard normal)
    W2 = jax.random.normal(k4, (SECOND_SIZE, EMB_SIZE), dtype=jnp.float32)
    return {"first": first, "second": second, "W1": W1, "W2": W2}


def reference(first, second, W1, W2):
    first_emb = jnp.take(W1, first, axis=0)
    second_emb = jnp.take(W2, second, axis=0)
    y = first_emb * second_emb
    return y

if __name__ == "__main__":
    import jax
    _d = setup_inputs()
    print(jax.jit(kernel)(*tuple(_d.values())))

</pallas_src>

<mosaic_0001>
#map = affine_map<(d0, d1) -> (0)>
#map1 = affine_map<(d0, d1) -> (0, 0)>
#map2 = affine_map<(d0, d1) -> (0, 0, 0, 0)>
module attributes {stable_mosaic.version = 14 : i64} {
  func.func @_interac(%arg0: i32, %arg1: i32, %arg2: memref<16384xi32, #tpu.memory_space<hbm>>, %arg3: memref<16384xi32, #tpu.memory_space<hbm>>, %arg4: memref<32x1000000xf32, #tpu.memory_space<hbm>>, %arg5: memref<32x1000000xf32, #tpu.memory_space<hbm>>, %arg6: memref<4x128x8x128xf32, #tpu.memory_space<hbm>>, %arg7: memref<512xi32, #tpu.memory_space<vmem>>, %arg8: memref<512xi32, #tpu.memory_space<vmem>>, %arg9: memref<8x32x128xf32, #tpu.memory_space<vmem>>, %arg10: memref<8x32x128xf32, #tpu.memory_space<vmem>>, %arg11: memref<4x4x8x128xf32, #tpu.memory_space<vmem>>, %arg12: memref<2x8x!tpu.dma_semaphore, #tpu.memory_space<semaphore_mem>>) attributes {dimension_semantics = [#tpu.dimension_semantics<core_parallel>, #tpu.dimension_semantics<subcore_parallel>], iteration_bounds = array<i64: 2, 16>, scalar_prefetch = 0 : i64, scratch_operands = 6 : i64, tpu.core_type = #tpu.core_type<sc_vector_subcore>, window_params = [{transform_indices = #map}, {transform_indices = #map}, {transform_indices = #map1}, {transform_indices = #map1}, {transform_indices = #map2}]} {
    %mul3A = arith.constant 2 : i32
    %mul3A_0 = arith.muli %arg1, %mul3A : i32
    %add3A = arith.addi %mul3A_0, %arg0 : i32
    %mul3A_1 = arith.constant 512 : i32
    %mul3A_2 = arith.muli %add3A, %mul3A_1 : i32
    "tpu.region"() ({
      %run_scoped3A_526 = tpu.sem_alloc : memref<!tpu.dma_semaphore, #tpu.memory_space<semaphore_mem>>
      %dma_start3A = tpu.memref_slice %arg2[%mul3A_2] : memref<16384xi32, #tpu.memory_space<hbm>> -> memref<512xi32, #tpu.memory_space<hbm>>
      %dma_start3A_527 = tpu.memref_slice %arg2[%mul3A_2] : memref<16384xi32, #tpu.memory_space<hbm>> -> memref<512xi32, #tpu.memory_space<hbm>>
      tpu.enqueue_dma source(%dma_start3A_527 : memref<512xi32, #tpu.memory_space<hbm>>) target(%arg7 : memref<512xi32, #tpu.memory_space<vmem>>) target_semaphore(%run_scoped3A_526 : memref<!tpu.dma_semaphore, #tpu.memory_space<semaphore_mem>>)
      %dma_wait3A_528 = tpu.memref_slice %arg2[%mul3A_2] : memref<16384xi32, #tpu.memory_space<hbm>> -> memref<512xi32, #tpu.memory_space<hbm>>
      %dma_wait3A_529 = tpu.memref_slice %arg2[%mul3A_2] : memref<16384xi32, #tpu.memory_space<hbm>> -> memref<512xi32, #tpu.memory_space<hbm>>
      tpu.wait_dma2 semaphore(%run_scoped3A_526 : memref<!tpu.dma_semaphore, #tpu.memory_space<semaphore_mem>>) src(%dma_wait3A_529 : memref<512xi32, #tpu.memory_space<hbm>>) dst(%arg7 : memref<512xi32, #tpu.memory_space<vmem>>)
      tpu.yield
    }) : () -> ()
    "tpu.region"() ({
      %run_scoped3A_526 = tpu.sem_alloc : memref<!tpu.dma_semaphore, #tpu.memory_space<semaphore_mem>>
      %dma_start3A = tpu.memref_slice %arg3[%mul3A_2] : memref<16384xi32, #tpu.memory_space<hbm>> -> memref<512xi32, #tpu.memory_space<hbm>>
      %dma_start3A_527 = tpu.memref_slice %arg3[%mul3A_2] : memref<16384xi32, #tpu.memory_space<hbm>> -> memref<512xi32, #tpu.memory_space<hbm>>
      tpu.enqueue_dma source(%dma_start3A_527 : memref<512xi32, #tpu.memory_space<hbm>>) target(%arg8 : memref<512xi32, #tpu.memory_space<vmem>>) target_semaphore(%run_scoped3A_526 : memref<!tpu.dma_semaphore, #tpu.memory_space<semaphore_mem>>)
      %dma_wait3A_528 = tpu.memref_slice %arg3[%mul3A_2] : memref<16384xi32, #tpu.memory_space<hbm>> -> memref<512xi32, #tpu.memory_space<hbm>>
      %dma_wait3A_529 = tpu.memref_slice %arg3[%mul3A_2] : memref<16384xi32, #tpu.memory_space<hbm>> -> memref<512xi32, #tpu.memory_space<hbm>>
      tpu.wait_dma2 semaphore(%run_scoped3A_526 : memref<!tpu.dma_semaphore, #tpu.memory_space<semaphore_mem>>) src(%dma_wait3A_529 : memref<512xi32, #tpu.memory_space<hbm>>) dst(%arg8 : memref<512xi32, #tpu.memory_space<vmem>>)
      tpu.yield
    }) : () -> ()
    %iota3A = tpu.iota {dimensions = array<i32: 0>} : vector<16xi32>
    %shift_right_arithmetic3A = arith.constant 3 : i32
    %shift_right_arithmetic3A_3 = vector.broadcast %shift_right_arithmetic3A : i32 to vector<16xi32>
    %shift_right_arithmetic3A_4 = arith.shrsi %iota3A, %shift_right_arithmetic3A_3 : vector<16xi32>
    %and3A = arith.constant 7 : i32
    %and3A_5 = vector.broadcast %and3A : i32 to vector<16xi32>
    %and3A_6 = arith.andi %iota3A, %and3A_5 : vector<16xi32>
    %add3A_7 = arith.constant 16 : i32
    %add3A_8 = vector.broadcast %add3A_7 : i32 to vector<16xi32>
    %add3A_9 = arith.addi %iota3A, %add3A_8 : vector<16xi32>
    %shift_right_arithmetic3A_10 = arith.constant 3 : i32
    %shift_right_arithmetic3A_11 = vector.broadcast %shift_right_arithmetic3A_10 : i32 to vector<16xi32>
    %shift_right_arithmetic3A_12 = arith.shrsi %add3A_9, %shift_right_arithmetic3A_11 : vector<16xi32>
    %broadcast_in_dim3A = arith.constant 0 : i32
    %broadcast_in_dim3A_13 = vector.broadcast %broadcast_in_dim3A : i32 to vector<16xi32>
    %scan3A = arith.constant 0 : i32
    %scan3A_14 = arith.constant 32 : i32
    %scan3A_15 = arith.addi %scan3A, %scan3A_14 : i32
    %scan3A_16 = arith.constant 1 : i32
    %scan3A_17:2 = scf.for %scan3A_526 = %scan3A to %scan3A_15 step %scan3A_16 iter_args(%scan3A_527 = %broadcast_in_dim3A_13, %scan3A_528 = %broadcast_in_dim3A_13) -> (vector<16xi32>, vector<16xi32>)  : i32 {
      %mul3A_529 = arith.constant 16 : i32
      %mul3A_530 = arith.muli %scan3A_526, %mul3A_529 : i32
      %get3A = arith.index_cast %mul3A_530 : i32 to index
      %get3A_531 = tpu.vector_load %arg7[%get3A] {strides = array<i32>} : memref<512xi32, #tpu.memory_space<vmem>>, vector<16xi32>,
      %mul3A_532 = arith.constant 16 : i32
      %mul3A_533 = arith.muli %scan3A_526, %mul3A_532 : i32
      %get3A_534 = arith.index_cast %mul3A_533 : i32 to index
      %get3A_535 = tpu.vector_load %arg8[%get3A_534] {strides = array<i32>} : memref<512xi32, #tpu.memory_space<vmem>>, vector<16xi32>,
      %shift_right_arithmetic3A_536 = arith.constant 7 : i32
      %shift_right_arithmetic3A_537 = vector.broadcast %shift_right_arithmetic3A_536 : i32 to vector<16xi32>
      %shift_right_arithmetic3A_538 = arith.shrsi %get3A_531, %shift_right_arithmetic3A_537 : vector<16xi32>
      %mul3A_539 = arith.constant 128 : i32
      %mul3A_540 = vector.broadcast %mul3A_539 : i32 to vector<16xi32>
      %mul3A_541 = arith.muli %shift_right_arithmetic3A_538, %mul3A_540 : vector<16xi32>
      %shift_right_arithmetic3A_542 = arith.constant 7 : i32
      %shift_right_arithmetic3A_543 = vector.broadcast %shift_right_arithmetic3A_542 : i32 to vector<16xi32>
      %shift_right_arithmetic3A_544 = arith.shrsi %get3A_535, %shift_right_arithmetic3A_543 : vector<16xi32>
      %mul3A_545 = arith.constant 128 : i32
      %mul3A_546 = vector.broadcast %mul3A_545 : i32 to vector<16xi32>
      %mul3A_547 = arith.muli %shift_right_arithmetic3A_544, %mul3A_546 : vector<16xi32>
      %and3A_548 = arith.constant 127 : i32
      %and3A_549 = vector.broadcast %and3A_548 : i32 to vector<16xi32>
      %and3A_550 = arith.andi %get3A_531, %and3A_549 : vector<16xi32>
      %and3A_551 = arith.constant 127 : i32
      %and3A_552 = vector.broadcast %and3A_551 : i32 to vector<16xi32>
      %and3A_553 = arith.andi %get3A_535, %and3A_552 : vector<16xi32>
      %gt3A = arith.constant 0 : i32
      %gt3A_554 = arith.cmpi sgt, %scan3A_526, %gt3A : i32
      %convert_element_type3A = arith.extui %gt3A_554 : i1 to i32
      %cond3A = arith.constant 0 : i32
      %cond3A_555 = arith.cmpi ne, %convert_element_type3A, %cond3A : i32
      scf.if %cond3A_555 {
        %dma_wait3A_1788 = arith.constant 0 : i32
        %dma_wait3A_1789 = arith.constant 0 : i32
        %dma_wait3A_1790 = arith.constant 0 : i32
        %dma_wait3A_1791 = arith.constant 0 : i32
        %dma_wait3A_1792 = arith.constant 0 : i32
        %dma_wait3A_1793 = tpu.memref_slice %arg9[%dma_wait3A_1788, %dma_wait3A_1791, %dma_wait3A_1792] : memref<8x32x128xf32, #tpu.memory_space<vmem>> -> memref<1x32x128xf32, #tpu.memory_space<vmem>>
        %dma_wait3A_1794 = tpu.memref_squeeze %dma_wait3A_1793 : memref<1x32x128xf32, #tpu.memory_space<vmem>> -> memref<32x128xf32, #tpu.memory_space<vmem>>
        %dma_wait3A_1795 = arith.constant 0 : i32
        %dma_wait3A_1796 = arith.constant 0 : i32
        %dma_wait3A_1797 = tpu.memref_slice %arg4[%dma_wait3A_1795, %dma_wait3A_1796] : memref<32x1000000xf32, #tpu.memory_space<hbm>> -> memref<32x128xf32, #tpu.memory_space<hbm>>
        %dma_wait3A_1798 = tpu.memref_slice %arg12[%dma_wait3A_1789, %dma_wait3A_1790] : memref<2x8x!tpu.dma_semaphore, #tpu.memory_space<semaphore_mem>> -> memref<1x1x!tpu.dma_semaphore, #tpu.memory_space<semaphore_mem>>
        %dma_wait3A_1799 = tpu.memref_squeeze %dma_wait3A_1798 : memref<1x1x!tpu.dma_semaphore, #tpu.memory_space<semaphore_mem>> -> memref<!tpu.dma_semaphore, #tpu.memory_space<semaphore_mem>>
        %dma_wait3A_1800 = arith.constant 0 : i32
        %dma_wait3A_1801 = arith.constant 0 : i32
        %dma_wait3A_1802 = tpu.memref_slice %arg9[%dma_wait3A_1788, %dma_wait3A_1800, %dma_wait3A_1801] : memref<8x32x128xf32, #tpu.memory_space<vmem>> -> memref<1x32x128xf32, #tpu.memory_space<vmem>>
        %dma_wait3A_1803 = tpu.memref_squeeze %dma_wait3A_1802 : memref<1x32x128xf32, #tpu.memory_space<vmem>> -> memref<32x128xf32, #tpu.memory_space<vmem>>
        %dma_wait3A_1804 = arith.constant 0 : i32
        %dma_wait3A_1805 = arith.constant 0 : i32
        %dma_wait3A_1806 = tpu.memref_slice %arg4[%dma_wait3A_1804, %dma_wait3A_1805] : memref<32x1000000xf32, #tpu.memory_space<hbm>> -> memref<32x128xf32, #tpu.memory_space<hbm>>
        tpu.wait_dma2 semaphore(%dma_wait3A_1799 : memref<!tpu.dma_semaphore, #tpu.memory_space<semaphore_mem>>) src(%dma_wait3A_1806 : memref<32x128xf32, #tpu.memory_space<hbm>>) dst(%dma_wait3A_1803 : memref<32x128xf32, #tpu.memory_space<vmem>>)
        %dma_wait3A_1807 = arith.constant 0 : i32
        %dma_wait3A_1808 = arith.constant 1 : i32
        %dma_wait3A_1809 = arith.constant 0 : i32
        %dma_wait3A_1810 = arith.constant 0 : i32
        %dma_wait3A_1811 = arith.constant 0 : i32
        %dma_wait3A_1812 = tpu.memref_slice %arg10[%dma_wait3A_1807, %dma_wait3A_1810, %dma_wait3A_1811] : memref<8x32x128xf32, #tpu.memory_space<vmem>> -> memref<1x32x128xf32, #tpu.memory_space<vmem>>
        %dma_wait3A_1813 = tpu.memref_squeeze %dma_wait3A_1812 : memref<1x32x128xf32, #tpu.memory_space<vmem>> -> memref<32x128xf32, #tpu.memory_space<vmem>>
        %dma_wait3A_1814 = arith.constant 0 : i32
        %dma_wait3A_1815 = arith.constant 0 : i32
        %dma_wait3A_1816 = tpu.memref_slice %arg5[%dma_wait3A_1814, %dma_wait3A_1815] : memref<32x1000000xf32, #tpu.memory_space<hbm>> -> memref<32x128xf32, #tpu.memory_space<hbm>>
        %dma_wait3A_1817 = tpu.memref_slice %arg12[%dma_wait3A_1808, %dma_wait3A_1809] : memref<2x8x!tpu.dma_semaphore, #tpu.memory_space<semaphore_mem>> -> memref<1x1x!tpu.dma_semaphore, #tpu.memory_space<semaphore_mem>>
        %dma_wait3A_1818 = tpu.memref_squeeze %dma_wait3A_1817 : memref<1x1x!tpu.dma_semaphore, #tpu.memory_space<semaphore_mem>> -> memref<!tpu.dma_semaphore, #tpu.memory_space<semaphore_mem>>
        %dma_wait3A_1819 = arith.constant 0 : i32
        %dma_wait3A_1820 = arith.constant 0 : i32
        %dma_wait3A_1821 = tpu.memref_slice %arg10[%dma_wait3A_1807, %dma_wait3A_1819, %dma_wait3A_1820] : memref<8x32x128xf32, #tpu.memory_space<vmem>> -> memref<1x32x128xf32, #tpu.memory_space<vmem>>
        %dma_wait3A_1822 = tpu.memref_squeeze %dma_wait3A_1821 : memref<1x32x128xf32, #tpu.memory_space<vmem>> -> memref<32x128xf32, #tpu.memory_space<vmem>>
        %dma_wait3A_1823 = arith.constant 0 : i32
        %dma_wait3A_1824 = arith.constant 0 : i32
        %dma_wait3A_1825 = tpu.memref_slice %arg5[%dma_wait3A_1823, %dma_wait3A_1824] : memref<32x1000000xf32, #tpu.memory_space<hbm>> -> memref<32x128xf32, #tpu.memory_space<hbm>>
        tpu.wait_dma2 semaphore(%dma_wait3A_1818 : memref<!tpu.dma_semaphore, #tpu.memory_space<semaphore_mem>>) src(%dma_wait3A_1825 : memref<32x128xf32, #tpu.memory_space<hbm>>) dst(%dma_wait3A_1822 : memref<32x128xf32, #tpu.memory_space<vmem>>)
        %mul3A_1826 = arith.constant 16 : i32
        %mul3A_1827 = arith.muli %scan3A_526, %mul3A_1826 : i32
        %add3A_1828 = arith.constant 0 : i32
        %add3A_1829 = arith.addi %mul3A_1827, %add3A_1828 : i32
        %sub3A_1830 = arith.constant 8 : i32
        %sub3A_1831 = arith.subi %add3A_1829, %sub3A_1830 : i32
        %slice3A_1832 = vector.extract_strided_slice %scan3A_527 {offsets = [8], sizes = [1], strides = [1]} : vector<16xi32> to vector<1xi32>
        %squeeze3A_1833 = vector.extract %slice3A_1832[0] : i32 from vector<1xi32>
        %broadcast_in_dim3A_1834 = vector.broadcast %squeeze3A_1833 : i32 to vector<16xi32>
        %slice3A_1835 = vector.extract_strided_slice %scan3A_528 {offsets = [8], sizes = [1], strides = [1]} : vector<16xi32> to vector<1xi32>
        %squeeze3A_1836 = vector.extract %slice3A_1835[0] : i32 from vector<1xi32>
        %broadcast_in_dim3A_1837 = vector.broadcast %squeeze3A_1836 : i32 to vector<16xi32>
        %broadcast_in_dim3A_1838 = arith.constant 0 : i32
        %broadcast_in_dim3A_1839 = vector.broadcast %broadcast_in_dim3A_1838 : i32 to vector<16xi32>
        %gather3A_1840 = tpu.vector_load_idx %arg9[%broadcast_in_dim3A_1839, %iota3A, %broadcast_in_dim3A_1834] : memref<8x32x128xf32, #tpu.memory_space<vmem>>[vector<16xi32>, vector<16xi32>, vector<16xi32>], vector<16xf32>,
        %add3A_1841 = arith.constant 16 : i32
        %add3A_1842 = vector.broadcast %add3A_1841 : i32 to vector<16xi32>
        %add3A_1843 = arith.addi %iota3A, %add3A_1842 : vector<16xi32>
        %gather3A_1844 = tpu.vector_load_idx %arg9[%broadcast_in_dim3A_1839, %add3A_1843, %broadcast_in_dim3A_1834] : memref<8x32x128xf32, #tpu.memory_space<vmem>>[vector<16xi32>, vector<16xi32>, vector<16xi32>], vector<16xf32>,
        %gather3A_1845 = tpu.vector_load_idx %arg10[%broadcast_in_dim3A_1839, %iota3A, %broadcast_in_dim3A_1837] : memref<8x32x128xf32, #tpu.memory_space<vmem>>[vector<16xi32>, vector<16xi32>, vector<16xi32>], vector<16xf32>,
        %add3A_1846 = arith.constant 16 : i32
        %add3A_1847 = vector.broadcast %add3A_1846 : i32 to vector<16xi32>
        %add3A_1848 = arith.addi %iota3A, %add3A_1847 : vector<16xi32>
        %gather3A_1849 = tpu.vector_load_idx %arg10[%broadcast_in_dim3A_1839, %add3A_1848, %broadcast_in_dim3A_1837] : memref<8x32x128xf32, #tpu.memory_space<vmem>>[vector<16xi32>, vector<16xi32>, vector<16xi32>], vector<16xf32>,
        %shift_right_arithmetic3A_1850 = arith.constant 7 : i32
        %shift_right_arithmetic3A_1851 = arith.shrsi %sub3A_1831, %shift_right_arithmetic3A_1850 : i32
        %broadcast_in_dim3A_1852 = vector.broadcast %shift_right_arithmetic3A_1851 : i32 to vector<16xi32>
        %and3A_1853 = arith.constant 127 : i32
        %and3A_1854 = arith.andi %sub3A_1831, %and3A_1853 : i32
        %broadcast_in_dim3A_1855 = vector.broadcast %and3A_1854 : i32 to vector<16xi32>
        %mul3A_1856 = arith.mulf %gather3A_1840, %gather3A_1845 : vector<16xf32>
        tpu.vector_store_idx %arg11[%shift_right_arithmetic3A_4, %broadcast_in_dim3A_1852, %and3A_6, %broadcast_in_dim3A_1855], %mul3A_1856 : memref<4x4x8x128xf32, #tpu.memory_space<vmem>>[vector<16xi32>, vector<16xi32>, vector<16xi32>, vector<16xi32>], vector<16xf32>,
        %mul3A_1857 = arith.mulf %gather3A_1844, %gather3A_1849 : vector<16xf32>
        tpu.vector_store_idx %arg11[%shift_right_arithmetic3A_12, %broadcast_in_dim3A_1852, %and3A_6, %broadcast_in_dim3A_1855], %mul3A_1857 : memref<4x4x8x128xf32, #tpu.memory_space<vmem>>[vector<16xi32>, vector<16xi32>, vector<16xi32>, vector<16xi32>], vector<16xf32>,
      } else {
      }
      %slice3A_556 = vector.extract_strided_slice %mul3A_541 {offsets = [0], sizes = [1], strides = [1]} : vector<16xi32> to vector<1xi32>
      %squeeze3A_557 = vector.extract %slice3A_556[0] : i32 from vector<1xi32>
      %multiple_of3A = tpu.assume_multiple %squeeze3A_557, 128 : i32
      %slice3A_558 = vector.extract_strided_slice %mul3A_547 {offsets = [0], sizes = [1], strides = [1]} : vector<16xi32> to vector<1xi32>
      %squeeze3A_559 = vector.extract %slice3A_558[0] : i32 from vector<1xi32>
      %multiple_of3A_560 = tpu.assume_multiple %squeeze3A_559, 128 : i32
      %dma_start3A = arith.constant 0 : i32
      %dma_start3A_561 = arith.constant 0 : i32
      %dma_start3A_562 = arith.constant 0 : i32
      %dma_start3A_563 = arith.constant 0 : i32
      %dma_start3A_564 = arith.constant 0 : i32
      %dma_start3A_565 = tpu.memref_slice %arg9[%dma_start3A, %dma_start3A_563, %dma_start3A_564] : memref<8x32x128xf32, #tpu.memory_space<vmem>> -> memref<1x32x128xf32, #tpu.memory_space<vmem>>
      %dma_start3A_566 = tpu.memref_squeeze %dma_start3A_565 : memref<1x32x128xf32, #tpu.memory_space<vmem>> -> memref<32x128xf32, #tpu.memory_space<vmem>>
      %dma_start3A_567 = arith.constant 0 : i32
      %dma_start3A_568 = tpu.memref_slice %arg4[%dma_start3A_567, %multiple_of3A] : memref<32x1000000xf32, #tpu.memory_space<hbm>> -> memref<32x128xf32, #tpu.memory_space<hbm>>
      %dma_start3A_569 = tpu.memref_slice %arg12[%dma_start3A_561, %dma_start3A_562] : memref<2x8x!tpu.dma_semaphore, #tpu.memory_space<semaphore_mem>> -> memref<1x1x!tpu.dma_semaphore, #tpu.memory_space<semaphore_mem>>
      %dma_start3A_570 = tpu.memref_squeeze %dma_start3A_569 : memref<1x1x!tpu.dma_semaphore, #tpu.memory_space<semaphore_mem>> -> memref<!tpu.dma_semaphore, #tpu.memory_space<semaphore_mem>>
      %dma_start3A_571 = arith.constant 0 : i32
      %dma_start3A_572 = arith.constant 0 : i32
      %dma_start3A_573 = tpu.memref_slice %arg9[%dma_start3A, %dma_start3A_571, %dma_start3A_572] : memref<8x32x128xf32, #tpu.memory_space<vmem>> -> memref<1x32x128xf32, #tpu.memory_space<vmem>>
      %dma_start3A_574 = tpu.memref_squeeze %dma_start3A_573 : memref<1x32x128xf32, #tpu.memory_space<vmem>> -> memref<32x128xf32, #tpu.memory_space<vmem>>
      %dma_start3A_575 = arith.constant 0 : i32
      %dma_start3A_576 = tpu.memref_slice %arg4[%dma_start3A_575, %multiple_of3A] : memref<32x1000000xf32, #tpu.memory_space<hbm>> -> memref<32x128xf32, #tpu.memory_space<hbm>>
      tpu.enqueue_dma source(%dma_start3A_576 : memref<32x128xf32, #tpu.memory_space<hbm>>) target(%dma_start3A_574 : memref<32x128xf32, #tpu.memory_space<vmem>>) target_semaphore(%dma_start3A_570 : memref<!tpu.dma_semaphore, #tpu.memory_space<semaphore_mem>>)
      %dma_start3A_577 = arith.constant 0 : i32
      %dma_start3A_578 = arith.constant 1 : i32
      %dma_start3A_579 = arith.constant 0 : i32
      %dma_start3A_580 = arith.constant 0 : i32
      %dma_start3A_581 = arith.constant 0 : i32
      %dma_start3A_582 = tpu.memref_slice %arg10[%dma_start3A_577, %dma_start3A_580, %dma_start3A_581] : memref<8x32x128xf32, #tpu.memory_space<vmem>> -> memref<1x32x128xf32, #tpu.memory_space<vmem>>
      %dma_start3A_583 = tpu.memref_squeeze %dma_start3A_582 : memref<1x32x128xf32, #tpu.memory_space<vmem>> -> memref<32x128xf32, #tpu.memory_space<vmem>>
      %dma_start3A_584 = arith.constant 0 : i32
      %dma_start3A_585 = tpu.memref_slice %arg5[%dma_start3A_584, %multiple_of3A_560] : memref<32x1000000xf32, #tpu.memory_space<hbm>> -> memref<32x128xf32, #tpu.memory_space<hbm>>
      %dma_start3A_586 = tpu.memref_slice %arg12[%dma_start3A_578, %dma_start3A_579] : memref<2x8x!tpu.dma_semaphore, #tpu.memory_space<semaphore_mem>> -> memref<1x1x!tpu.dma_semaphore, #tpu.memory_space<semaphore_mem>>
      %dma_start3A_587 = tpu.memref_squeeze %dma_start3A_586 : memref<1x1x!tpu.dma_semaphore, #tpu.memory_space<semaphore_mem>> -> memref<!tpu.dma_semaphore, #tpu.memory_space<semaphore_mem>>
      %dma_start3A_588 = arith.constant 0 : i32
      %dma_start3A_589 = arith.constant 0 : i32
      %dma_start3A_590 = tpu.memref_slice %arg10[%dma_start3A_577, %dma_start3A_588, %dma_start3A_589] : memref<8x32x128xf32, #tpu.memory_space<vmem>> -> memref<1x32x128xf32, #tpu.memory_space<vmem>>
      %dma_start3A_591 = tpu.memref_squeeze %dma_start3A_590 : memref<1x32x128xf32, #tpu.memory_space<vmem>> -> memref<32x128xf32, #tpu.memory_space<vmem>>
      %dma_start3A_592 = arith.constant 0 : i32
      %dma_start3A_593 = tpu.memref_slice %arg5[%dma_start3A_592, %multiple_of3A_560] : memref<32x1000000xf32, #tpu.memory_space<hbm>> -> memref<32x128xf32, #tpu.memory_space<hbm>>
      tpu.enqueue_dma source(%dma_start3A_593 : memref<32x128xf32, #tpu.memory_space<hbm>>) target(%dma_start3A_591 : memref<32x128xf32, #tpu.memory_space<vmem>>) target_semaphore(%dma_start3A_587 : memref<!tpu.dma_semaphore, #tpu.memory_space<semaphore_mem>>)
      %gt3A_594 = arith.constant 0 : i32
      %gt3A_595 = arith.cmpi sgt, %scan3A_526, %gt3A_594 : i32
      %convert_element_type3A_596 = arith.extui %gt3A_595 : i1 to i32
      %cond3A_597 = arith.constant 0 : i32
      %cond3A_598 = arith.cmpi ne, %convert_element_type3A_596, %cond3A_597 : i32
      scf.if %cond3A_598 {
        %dma_wait3A_1788 = arith.constant 1 : i32
        %dma_wait3A_1789 = arith.constant 0 : i32
        %dma_wait3A_1790 = arith.constant 1 : i32
        %dma_wait3A_1791 = arith.constant 0 : i32
        %dma_wait3A_1792 = arith.constant 0 : i32
        %dma_wait3A_1793 = tpu.memref_slice %arg9[%dma_wait3A_1788, %dma_wait3A_1791, %dma_wait3A_1792] : memref<8x32x128xf32, #tpu.memory_space<vmem>> -> memref<1x32x128xf32, #tpu.memory_space<vmem>>
        %dma_wait3A_1794 = tpu.memref_squeeze %dma_wait3A_1793 : memref<1x32x128xf32, #tpu.memory_space<vmem>> -> memref<32x128xf32, #tpu.memory_space<vmem>>
        %dma_wait3A_1795 = arith.constant 0 : i32
        %dma_wait3A_1796 = arith.constant 0 : i32
        %dma_wait3A_1797 = tpu.memref_slice %arg4[%dma_wait3A_1795, %dma_wait3A_1796] : memref<32x1000000xf32, #tpu.memory_space<hbm>> -> memref<32x128xf32, #tpu.memory_space<hbm>>
        %dma_wait3A_1798 = tpu.memref_slice %arg12[%dma_wait3A_1789, %dma_wait3A_1790] : memref<2x8x!tpu.dma_semaphore, #tpu.memory_space<semaphore_mem>> -> memref<1x1x!tpu.dma_semaphore, #tpu.memory_space<semaphore_mem>>
        %dma_wait3A_1799 = tpu.memref_squeeze %dma_wait3A_1798 : memref<1x1x!tpu.dma_semaphore, #tpu.memory_space<semaphore_mem>> -> memref<!tpu.dma_semaphore, #tpu.memory_space<semaphore_mem>>
        %dma_wait3A_1800 = arith.constant 0 : i32
        %dma_wait3A_1801 = arith.constant 0 : i32
        %dma_wait3A_1802 = tpu.memref_slice %arg9[%dma_wait3A_1788, %dma_wait3A_1800, %dma_wait3A_1801] : memref<8x32x128xf32, #tpu.memory_space<vmem>> -> memref<1x32x128xf32, #tpu.memory_space<vmem>>
        %dma_wait3A_1803 = tpu.memref_squeeze %dma_wait3A_1802 : memref<1x32x128xf32, #tpu.memory_space<vmem>> -> memref<32x128xf32, #tpu.memory_space<vmem>>
        %dma_wait3A_1804 = arith.constant 0 : i32
        %dma_wait3A_1805 = arith.constant 0 : i32
        %dma_wait3A_1806 = tpu.memref_slice %arg4[%dma_wait3A_1804, %dma_wait3A_1805] : memref<32x1000000xf32, #tpu.memory_space<hbm>> -> memref<32x128xf32, #tpu.memory_space<hbm>>
        tpu.wait_dma2 semaphore(%dma_wait3A_1799 : memref<!tpu.dma_semaphore, #tpu.memory_space<semaphore_mem>>) src(%dma_wait3A_1806 : memref<32x128xf32, #tpu.memory_space<hbm>>) dst(%dma_wait3A_1803 : memref<32x128xf32, #tpu.memory_space<vmem>>)
        %dma_wait3A_1807 = arith.constant 1 : i32
        %dma_wait3A_1808 = arith.constant 1 : i32
        %dma_wait3A_1809 = arith.constant 1 : i32
        %dma_wait3A_1810 = arith.constant 0 : i32
        %dma_wait3A_1811 = arith.constant 0 : i32
        %dma_wait3A_1812 = tpu.memref_slice %arg10[%dma_wait3A_1807, %dma_wait3A_1810, %dma_wait3A_1811] : memref<8x32x128xf32, #tpu.memory_space<vmem>> -> memref<1x32x128xf32, #tpu.memory_space<vmem>>
        %dma_wait3A_1813 = tpu.memref_squeeze %dma_wait3A_1812 : memref<1x32x128xf32, #tpu.memory_space<vmem>> -> memref<32x128xf32, #tpu.memory_space<vmem>>
        %dma_wait3A_1814 = arith.constant 0 : i32
        %dma_wait3A_1815 = arith.constant 0 : i32
        %dma_wait3A_1816 = tpu.memref_slice %arg5[%dma_wait3A_1814, %dma_wait3A_1815] : memref<32x1000000xf32, #tpu.memory_space<hbm>> -> memref<32x128xf32, #tpu.memory_space<hbm>>
        %dma_wait3A_1817 = tpu.memref_slice %arg12[%dma_wait3A_1808, %dma_wait3A_1809] : memref<2x8x!tpu.dma_semaphore, #tpu.memory_space<semaphore_mem>> -> memref<1x1x!tpu.dma_semaphore, #tpu.memory_space<semaphore_mem>>
        %dma_wait3A_1818 = tpu.memref_squeeze %dma_wait3A_1817 : memref<1x1x!tpu.dma_semaphore, #tpu.memory_space<semaphore_mem>> -> memref<!tpu.dma_semaphore, #tpu.memory_space<semaphore_mem>>
        %dma_wait3A_1819 = arith.constant 0 : i32
        %dma_wait3A_1820 = arith.constant 0 : i32
        %dma_wait3A_1821 = tpu.memref_slice %arg10[%dma_wait3A_1807, %dma_wait3A_1819, %dma_wait3A_1820] : memref<8x32x128xf32, #tpu.memory_space<vmem>> -> memref<1x32x128xf32, #tpu.memory_space<vmem>>
        %dma_wait3A_1822 = tpu.memref_squeeze %dma_wait3A_1821 : memref<1x32x128xf32, #tpu.memory_space<vmem>> -> memref<32x128xf32, #tpu.memory_space<vmem>>
        %dma_wait3A_1823 = arith.constant 0 : i32
        %dma_wait3A_1824 = arith.constant 0 : i32
        %dma_wait3A_1825 = tpu.memref_slice %arg5[%dma_wait3A_1823, %dma_wait3A_1824] : memref<32x1000000xf32, #tpu.memory_space<hbm>> -> memref<32x128xf32, #tpu.memory_space<hbm>>
        tpu.wait_dma2 semaphore(%dma_wait3A_1818 : memref<!tpu.dma_semaphore, #tpu.memory_space<semaphore_mem>>) src(%dma_wait3A_1825 : memref<32x128xf32, #tpu.memory_space<hbm>>) dst(%dma_wait3A_1822 : memref<32x128xf32, #tpu.memory_space<vmem>>)
        %mul3A_1826 = arith.constant 16 : i32
        %mul3A_1827 = arith.muli %scan3A_526, %mul3A_1826 : i32
        %add3A_1828 = arith.constant 1 : i32
        %add3A_1829 = arith.addi %mul3A_1827, %add3A_1828 : i32
        %sub3A_1830 = arith.constant 8 : i32
        %sub3A_1831 = arith.subi %add3A_1829, %sub3A_1830 : i32
        %slice3A_1832 = vector.extract_strided_slice %scan3A_527 {offsets = [9], sizes = [1], strides = [1]} : vector<16xi32> to vector<1xi32>
        %squeeze3A_1833 = vector.extract %slice3A_1832[0] : i32 from vector<1xi32>
        %broadcast_in_dim3A_1834 = vector.broadcast %squeeze3A_1833 : i32 to vector<16xi32>
        %slice3A_1835 = vector.extract_strided_slice %scan3A_528 {offsets = [9], sizes = [1], strides = [1]} : vector<16xi32> to vector<1xi32>
        %squeeze3A_1836 = vector.extract %slice3A_1835[0] : i32 from vector<1xi32>
        %broadcast_in_dim3A_1837 = vector.broadcast %squeeze3A_1836 : i32 to vector<16xi32>
        %broadcast_in_dim3A_1838 = arith.constant 1 : i32
        %broadcast_in_dim3A_1839 = vector.broadcast %broadcast_in_dim3A_1838 : i32 to vector<16xi32>
        %gather3A_1840 = tpu.vector_load_idx %arg9[%broadcast_in_dim3A_1839, %iota3A, %broadcast_in_dim3A_1834] : memref<8x32x128xf32, #tpu.memory_space<vmem>>[vector<16xi32>, vector<16xi32>, vector<16xi32>], vector<16xf32>,
        %add3A_1841 = arith.constant 16 : i32
        %add3A_1842 = vector.broadcast %add3A_1841 : i32 to vector<16xi32>
        %add3A_1843 = arith.addi %iota3A, %add3A_1842 : vector<16xi32>
        %gather3A_1844 = tpu.vector_load_idx %arg9[%broadcast_in_dim3A_1839, %add3A_1843, %broadcast_in_dim3A_1834] : memref<8x32x128xf32, #tpu.memory_space<vmem>>[vector<16xi32>, vector<16xi32>, vector<16xi32>], vector<16xf32>,
        %gather3A_1845 = tpu.vector_load_idx %arg10[%broadcast_in_dim3A_1839, %iota3A, %broadcast_in_dim3A_1837] : memref<8x32x128xf32, #tpu.memory_space<vmem>>[vector<16xi32>, vector<16xi32>, vector<16xi32>], vector<16xf32>,
        %add3A_1846 = arith.constant 16 : i32
        %add3A_1847 = vector.broadcast %add3A_1846 : i32 to vector<16xi32>
        %add3A_1848 = arith.addi %iota3A, %add3A_1847 : vector<16xi32>
        %gather3A_1849 = tpu.vector_load_idx %arg10[%broadcast_in_dim3A_1839, %add3A_1848, %broadcast_in_dim3A_1837] : memref<8x32x128xf32, #tpu.memory_space<vmem>>[vector<16xi32>, vector<16xi32>, vector<16xi32>], vector<16xf32>,
        %shift_right_arithmetic3A_1850 = arith.constant 7 : i32
        %shift_right_arithmetic3A_1851 = arith.shrsi %sub3A_1831, %shift_right_arithmetic3A_1850 : i32
        %broadcast_in_dim3A_1852 = vector.broadcast %shift_right_arithmetic3A_1851 : i32 to vector<16xi32>
        %and3A_1853 = arith.constant 127 : i32
        %and3A_1854 = arith.andi %sub3A_1831, %and3A_1853 : i32
        %broadcast_in_dim3A_1855 = vector.broadcast %and3A_1854 : i32 to vector<16xi32>
        %mul3A_1856 = arith.mulf %gather3A_1840, %gather3A_1845 : vector<16xf32>
        tpu.vector_store_idx %arg11[%shift_right_arithmetic3A_4, %broadcast_in_dim3A_1852, %and3A_6, %broadcast_in_dim3A_1855], %mul3A_1856 : memref<4x4x8x128xf32, #tpu.memory_space<vmem>>[vector<16xi32>, vector<16xi32>, vector<16xi32>, vector<16xi32>], vector<16xf32>,
        %mul3A_1857 = arith.mulf %gather3A_1844, %gather3A_1849 : vector<16xf32>
        tpu.vector_store_idx %arg11[%shift_right_arithmetic3A_12, %broadcast_in_dim3A_1852, %and3A_6, %broadcast_in_dim3A_1855], %mul3A_1857 : memref<4x4x8x128xf32, #tpu.memory_space<vmem>>[vector<16xi32>, vector<16xi32>, vector<16xi32>, vector<16xi32>], vector<16xf32>,
      } else {
      }
      %slice3A_599 = vector.extract_strided_slice %mul3A_541 {offsets = [1], sizes = [1], strides = [1]} : vector<16xi32> to vector<1xi32>
      %squeeze3A_600 = vector.extract %slice3A_599[0] : i32 from vector<1xi32>
      %multiple_of3A_601 = tpu.assume_multiple %squeeze3A_600, 128 : i32
      %slice3A_602 = vector.extract_strided_slice %mul3A_547 {offsets = [1], sizes = [1], strides = [1]} : vector<16xi32> to vector<1xi32>
      %squeeze3A_603 = vector.extract %slice3A_602[0] : i32 from vector<1xi32>
      %multiple_of3A_604 = tpu.assume_multiple %squeeze3A_603, 128 : i32
      %dma_start3A_605 = arith.constant 1 : i32
      %dma_start3A_606 = arith.constant 0 : i32
      %dma_start3A_607 = arith.constant 1 : i32
      %dma_start3A_608 = arith.constant 0 : i32
      %dma_start3A_609 = arith.constant 0 : i32
      %dma_start3A_610 = tpu.memref_slice %arg9[%dma_start3A_605, %dma_start3A_608, %dma_start3A_609] : memref<8x32x128xf32, #tpu.memory_space<vmem>> -> memref<1x32x128xf32, #tpu.memory_space<vmem>>
      %dma_start3A_611 = tpu.memref_squeeze %dma_start3A_610 : memref<1x32x128xf32, #tpu.memory_space<vmem>> -> memref<32x128xf32, #tpu.memory_space<vmem>>
      %dma_start3A_612 = arith.constant 0 : i32
      %dma_start3A_613 = tpu.memref_slice %arg4[%dma_start3A_612, %multiple_of3A_601] : memref<32x1000000xf32, #tpu.memory_space<hbm>> -> memref<32x128xf32, #tpu.memory_space<hbm>>
      %dma_start3A_614 = tpu.memref_slice %arg12[%dma_start3A_606, %dma_start3A_607] : memref<2x8x!tpu.dma_semaphore, #tpu.memory_space<semaphore_mem>> -> memref<1x1x!tpu.dma_semaphore, #tpu.memory_space<semaphore_mem>>
      %dma_start3A_615 = tpu.memref_squeeze %dma_start3A_614 : memref<1x1x!tpu.dma_semaphore, #tpu.memory_space<semaphore_mem>> -> memref<!tpu.dma_semaphore, #tpu.memory_space<semaphore_mem>>
      %dma_start3A_616 = arith.constant 0 : i32
      %dma_start3A_617 = arith.constant 0 : i32
      %dma_start3A_618 = tpu.memref_slice %arg9[%dma_start3A_605, %dma_start3A_616, %dma_start3A_617] : memref<8x32x128xf32, #tpu.memory_space<vmem>> -> memref<1x32x128xf32, #tpu.memory_space<vmem>>
      %dma_start3A_619 = tpu.memref_squeeze %dma_start3A_618 : memref<1x32x128xf32, #tpu.memory_space<vmem>> -> memref<32x128xf32, #tpu.memory_space<vmem>>
      %dma_start3A_620 = arith.constant 0 : i32
      %dma_start3A_621 = tpu.memref_slice %arg4[%dma_start3A_620, %multiple_of3A_601] : memref<32x1000000xf32, #tpu.memory_space<hbm>> -> memref<32x128xf32, #tpu.memory_space<hbm>>
      tpu.enqueue_dma source(%dma_start3A_621 : memref<32x128xf32, #tpu.memory_space<hbm>>) target(%dma_start3A_619 : memref<32x128xf32, #tpu.memory_space<vmem>>) target_semaphore(%dma_start3A_615 : memref<!tpu.dma_semaphore, #tpu.memory_space<semaphore_mem>>)
      %dma_start3A_622 = arith.constant 1 : i32
      %dma_start3A_623 = arith.constant 1 : i32
      %dma_start3A_624 = arith.constant 1 : i32
      %dma_start3A_625 = arith.constant 0 : i32
      %dma_start3A_626 = arith.constant 0 : i32
      %dma_start3A_627 = tpu.memref_slice %arg10[%dma_start3A_622, %dma_start3A_625, %dma_start3A_626] : memref<8x32x128xf32, #tpu.memory_space<vmem>> -> memref<1x32x128xf32, #tpu.memory_space<vmem>>
      %dma_start3A_628 = tpu.memref_squeeze %dma_start3A_627 : memref<1x32x128xf32, #tpu.memory_space<vmem>> -> memref<32x128xf32, #tpu.memory_space<vmem>>
      %dma_start3A_629 = arith.constant 0 : i32
      %dma_start3A_630 = tpu.memref_slice %arg5[%dma_start3A_629, %multiple_of3A_604] : memref<32x1000000xf32, #tpu.memory_space<hbm>> -> memref<32x128xf32, #tpu.memory_space<hbm>>
      %dma_start3A_631 = tpu.memref_slice %arg12[%dma_start3A_623, %dma_start3A_624] : memref<2x8x!tpu.dma_semaphore, #tpu.memory_space<semaphore_mem>> -> memref<1x1x!tpu.dma_semaphore, #tpu.memory_space<semaphore_mem>>
      %dma_start3A_632 = tpu.memref_squeeze %dma_start3A_631 : memref<1x1x!tpu.dma_semaphore, #tpu.memory_space<semaphore_mem>> -> memref<!tpu.dma_semaphore, #tpu.memory_space<semaphore_mem>>
      %dma_start3A_633 = arith.constant 0 : i32
      %dma_start3A_634 = arith.constant 0 : i32
      %dma_start3A_635 = tpu.memref_slice %arg10[%dma_start3A_622, %dma_start3A_633, %dma_start3A_634] : memref<8x32x128xf32, #tpu.memory_space<vmem>> -> memref<1x32x128xf32, #tpu.memory_space<vmem>>
      %dma_start3A_636 = tpu.memref_squeeze %dma_start3A_635 : memref<1x32x128xf32, #tpu.memory_space<vmem>> -> memref<32x128xf32, #tpu.memory_space<vmem>>
      %dma_start3A_637 = arith.constant 0 : i32
      %dma_start3A_638 = tpu.memref_slice %arg5[%dma_start3A_637, %multiple_of3A_604] : memref<32x1000000xf32, #tpu.memory_space<hbm>> -> memref<32x128xf32, #tpu.memory_space<hbm>>
      tpu.enqueue_dma source(%dma_start3A_638 : memref<32x128xf32, #tpu.memory_space<hbm>>) target(%dma_start3A_636 : memref<32x128xf32, #tpu.memory_space<vmem>>) target_semaphore(%dma_start3A_632 : memref<!tpu.dma_semaphore, #tpu.memory_space<semaphore_mem>>)
      %gt3A_639 = arith.constant 0 : i32
      %gt3A_640 = arith.cmpi sgt, %scan3A_526, %gt3A_639 : i32
      %convert_element_type3A_641 = arith.extui %gt3A_640 : i1 to i32
      %cond3A_642 = arith.constant 0 : i32
      %cond3A_643 = arith.cmpi ne, %convert_element_type3A_641, %cond3A_642 : i32
      scf.if %cond3A_643 {
        %dma_wait3A_1788 = arith.constant 2 : i32
        %dma_wait3A_1789 = arith.constant 0 : i32
        %dma_wait3A_1790 = arith.constant 2 : i32
        %dma_wait3A_1791 = arith.constant 0 : i32
        %dma_wait3A_1792 = arith.constant 0 : i32
        %dma_wait3A_1793 = tpu.memref_slice %arg9[%dma_wait3A_1788, %dma_wait3A_1791, %dma_wait3A_1792] : memref<8x32x128xf32, #tpu.memory_space<vmem>> -> memref<1x32x128xf32, #tpu.memory_space<vmem>>
        %dma_wait3A_1794 = tpu.memref_squeeze %dma_wait3A_1793 : memref<1x32x128xf32, #tpu.memory_space<vmem>> -> memref<32x128xf32, #tpu.memory_space<vmem>>
        %dma_wait3A_1795 = arith.constant 0 : i32
        %dma_wait3A_1796 = arith.constant 0 : i32
        %dma_wait3A_1797 = tpu.memref_slice %arg4[%dma_wait3A_1795, %dma_wait3A_1796] : memref<32x1000000xf32, #tpu.memory_space<hbm>> -> memref<32x128xf32, #tpu.memory_space<hbm>>
        %dma_wait3A_1798 = tpu.memref_slice %arg12[%dma_wait3A_1789, %dma_wait3A_1790] : memref<2x8x!tpu.dma_semaphore, #tpu.memory_space<semaphore_mem>> -> memref<1x1x!tpu.dma_semaphore, #tpu.memory_space<semaphore_mem>>
        %dma_wait3A_1799 = tpu.memref_squeeze %dma_wait3A_1798 : memref<1x1x!tpu.dma_semaphore, #tpu.memory_space<semaphore_mem>> -> memref<!tpu.dma_semaphore, #tpu.memory_space<semaphore_mem>>
        %dma_wait3A_1800 = arith.constant 0 : i32
        %dma_wait3A_1801 = arith.constant 0 : i32
        %dma_wait3A_1802 = tpu.memref_slice %arg9[%dma_wait3A_1788, %dma_wait3A_1800, %dma_wait3A_1801] : memref<8x32x128xf32, #tpu.memory_space<vmem>> -> memref<1x32x128xf32, #tpu.memory_space<vmem>>
        %dma_wait3A_1803 = tpu.memref_squeeze %dma_wait3A_1802 : memref<1x32x128xf32, #tpu.memory_space<vmem>> -> memref<32x128xf32, #tpu.memory_space<vmem>>
        %dma_wait3A_1804 = arith.constant 0 : i32
        %dma_wait3A_1805 = arith.constant 0 : i32
        %dma_wait3A_1806 = tpu.memref_slice %arg4[%dma_wait3A_1804, %dma_wait3A_1805] : memref<32x1000000xf32, #tpu.memory_space<hbm>> -> memref<32x128xf32, #tpu.memory_space<hbm>>
        tpu.wait_dma2 semaphore(%dma_wait3A_1799 : memref<!tpu.dma_semaphore, #tpu.memory_space<semaphore_mem>>) src(%dma_wait3A_1806 : memref<32x128xf32, #tpu.memory_space<hbm>>) dst(%dma_wait3A_1803 : memref<32x128xf32, #tpu.memory_space<vmem>>)
        %dma_wait3A_1807 = arith.constant 2 : i32
        %dma_wait3A_1808 = arith.constant 1 : i32
        %dma_wait3A_1809 = arith.constant 2 : i32
        %dma_wait3A_1810 = arith.constant 0 : i32
        %dma_wait3A_1811 = arith.constant 0 : i32
        %dma_wait3A_1812 = tpu.memref_slice %arg10[%dma_wait3A_1807, %dma_wait3A_1810, %dma_wait3A_1811] : memref<8x32x128xf32, #tpu.memory_space<vmem>> -> memref<1x32x128xf32, #tpu.memory_space<vmem>>
        %dma_wait3A_1813 = tpu.memref_squeeze %dma_wait3A_1812 : memref<1x32x128xf32, #tpu.memory_space<vmem>> -> memref<32x128xf32, #tpu.memory_space<vmem>>
        %dma_wait3A_1814 = arith.constant 0 : i32
        %dma_wait3A_1815 = arith.constant 0 : i32
        %dma_wait3A_1816 = tpu.memref_slice %arg5[%dma_wait3A_1814, %dma_wait3A_1815] : memref<32x1000000xf32, #tpu.memory_space<hbm>> -> memref<32x128xf32, #tpu.memory_space<hbm>>
        %dma_wait3A_1817 = tpu.memref_slice %arg12[%dma_wait3A_1808, %dma_wait3A_1809] : memref<2x8x!tpu.dma_semaphore, #tpu.memory_space<semaphore_mem>> -> memref<1x1x!tpu.dma_semaphore, #tpu.memory_space<semaphore_mem>>
        %dma_wait3A_1818 = tpu.memref_squeeze %dma_wait3A_1817 : memref<1x1x!tpu.dma_semaphore, #tpu.memory_space<semaphore_mem>> -> memref<!tpu.dma_semaphore, #tpu.memory_space<semaphore_mem>>
        %dma_wait3A_1819 = arith.constant 0 : i32
        %dma_wait3A_1820 = arith.constant 0 : i32
        %dma_wait3A_1821 = tpu.memref_slice %arg10[%dma_wait3A_1807, %dma_wait3A_1819, %dma_wait3A_1820] : memref<8x32x128xf32, #tpu.memory_space<vmem>> -> memref<1x32x128xf32, #tpu.memory_space<vmem>>
        %dma_wait3A_1822 = tpu.memref_squeeze %dma_wait3A_1821 : memref<1x32x128xf32, #tpu.memory_space<vmem>> -> memref<32x128xf32, #tpu.memory_space<vmem>>
        %dma_wait3A_1823 = arith.constant 0 : i32
        %dma_wait3A_1824 = arith.constant 0 : i32
        %dma_wait3A_1825 = tpu.memref_slice %arg5[%dma_wait3A_1823, %dma_wait3A_1824] : memref<32x1000000xf32, #tpu.memory_space<hbm>> -> memref<32x128xf32, #tpu.memory_space<hbm>>
        tpu.wait_dma2 semaphore(%dma_wait3A_1818 : memref<!tpu.dma_semaphore, #tpu.memory_space<semaphore_mem>>) src(%dma_wait3A_1825 : memref<32x128xf32, #tpu.memory_space<hbm>>) dst(%dma_wait3A_1822 : memref<32x128xf32, #tpu.memory_space<vmem>>)
        %mul3A_1826 = arith.constant 16 : i32
        %mul3A_1827 = arith.muli %scan3A_526, %mul3A_1826 : i32
        %add3A_1828 = arith.constant 2 : i32
        %add3A_1829 = arith.addi %mul3A_1827, %add3A_1828 : i32
        %sub3A_1830 = arith.constant 8 : i32
        %sub3A_1831 = arith.subi %add3A_1829, %sub3A_1830 : i32
        %slice3A_1832 = vector.extract_strided_slice %scan3A_527 {offsets = [10], sizes = [1], strides = [1]} : vector<16xi32> to vector<1xi32>
        %squeeze3A_1833 = vector.extract %slice3A_1832[0] : i32 from vector<1xi32>
        %broadcast_in_dim3A_1834 = vector.broadcast %squeeze3A_1833 : i32 to vector<16xi32>
        %slice3A_1835 = vector.extract_strided_slice %scan3A_528 {offsets = [10], sizes = [1], strides = [1]} : vector<16xi32> to vector<1xi32>
        %squeeze3A_1836 = vector.extract %slice3A_1835[0] : i32 from vector<1xi32>
        %broadcast_in_dim3A_1837 = vector.broadcast %squeeze3A_1836 : i32 to vector<16xi32>
        %broadcast_in_dim3A_1838 = arith.constant 2 : i32
        %broadcast_in_dim3A_1839 = vector.broadcast %broadcast_in_dim3A_1838 : i32 to vector<16xi32>
        %gather3A_1840 = tpu.vector_load_idx %arg9[%broadcast_in_dim3A_1839, %iota3A, %broadcast_in_dim3A_1834] : memref<8x32x128xf32, #tpu.memory_space<vmem>>[vector<16xi32>, vector<16xi32>, vector<16xi32>], vector<16xf32>,
        %add3A_1841 = arith.constant 16 : i32
        %add3A_1842 = vector.broadcast %add3A_1841 : i32 to vector<16xi32>
        %add3A_1843 = arith.addi %iota3A, %add3A_1842 : vector<16xi32>
        %gather3A_1844 = tpu.vector_load_idx %arg9[%broadcast_in_dim3A_1839, %add3A_1843, %broadcast_in_dim3A_1834] : memref<8x32x128xf32, #tpu.memory_space<vmem>>[vector<16xi32>, vector<16xi32>, vector<16xi32>], vector<16xf32>,
        %gather3A_1845 = tpu.vector_load_idx %arg10[%broadcast_in_dim3A_1839, %iota3A, %broadcast_in_dim3A_1837] : memref<8x32x128xf32, #tpu.memory_space<vmem>>[vector<16xi32>, vector<16xi32>, vector<16xi32>], vector<16xf32>,
        %add3A_1846 = arith.constant 16 : i32
        %add3A_1847 = vector.broadcast %add3A_1846 : i32 to vector<16xi32>
        %add3A_1848 = arith.addi %iota3A, %add3A_1847 : vector<16xi32>
        %gather3A_1849 = tpu.vector_load_idx %arg10[%broadcast_in_dim3A_1839, %add3A_1848, %broadcast_in_dim3A_1837] : memref<8x32x128xf32, #tpu.memory_space<vmem>>[vector<16xi32>, vector<16xi32>, vector<16xi32>], vector<16xf32>,
        %shift_right_arithmetic3A_1850 = arith.constant 7 : i32
        %shift_right_arithmetic3A_1851 = arith.shrsi %sub3A_1831, %shift_right_arithmetic3A_1850 : i32
        %broadcast_in_dim3A_1852 = vector.broadcast %shift_right_arithmetic3A_1851 : i32 to vector<16xi32>
        %and3A_1853 = arith.constant 127 : i32
        %and3A_1854 = arith.andi %sub3A_1831, %and3A_1853 : i32
        %broadcast_in_dim3A_1855 = vector.broadcast %and3A_1854 : i32 to vector<16xi32>
        %mul3A_1856 = arith.mulf %gather3A_1840, %gather3A_1845 : vector<16xf32>
        tpu.vector_store_idx %arg11[%shift_right_arithmetic3A_4, %broadcast_in_dim3A_1852, %and3A_6, %broadcast_in_dim3A_1855], %mul3A_1856 : memref<4x4x8x128xf32, #tpu.memory_space<vmem>>[vector<16xi32>, vector<16xi32>, vector<16xi32>, vector<16xi32>], vector<16xf32>,
        %mul3A_1857 = arith.mulf %gather3A_1844, %gather3A_1849 : vector<16xf32>
        tpu.vector_store_idx %arg11[%shift_right_arithmetic3A_12, %broadcast_in_dim3A_1852, %and3A_6, %broadcast_in_dim3A_1855], %mul3A_1857 : memref<4x4x8x128xf32, #tpu.memory_space<vmem>>[vector<16xi32>, vector<16xi32>, vector<16xi32>, vector<16xi32>], vector<16xf32>,
      } else {
      }
      %slice3A_644 = vector.extract_strided_slice %mul3A_541 {offsets = [2], sizes = [1], strides = [1]} : vector<16xi32> to vector<1xi32>
      %squeeze3A_645 = vector.extract %slice3A_644[0] : i32 from vector<1xi32>
      %multiple_of3A_646 = tpu.assume_multiple %squeeze3A_645, 128 : i32
      %slice3A_647 = vector.extract_strided_slice %mul3A_547 {offsets = [2], sizes = [1], strides = [1]} : vector<16xi32> to vector<1xi32>
      %squeeze3A_648 = vector.extract %slice3A_647[0] : i32 from vector<1xi32>
      %multiple_of3A_649 = tpu.assume_multiple %squeeze3A_648, 128 : i32
      %dma_start3A_650 = arith.constant 2 : i32
      %dma_start3A_651 = arith.constant 0 : i32
      %dma_start3A_652 = arith.constant 2 : i32
      %dma_start3A_653 = arith.constant 0 : i32
      %dma_start3A_654 = arith.constant 0 : i32
      %dma_start3A_655 = tpu.memref_slice %arg9[%dma_start3A_650, %dma_start3A_653, %dma_start3A_654] : memref<8x32x128xf32, #tpu.memory_space<vmem>> -> memref<1x32x128xf32, #tpu.memory_space<vmem>>
      %dma_start3A_656 = tpu.memref_squeeze %dma_start3A_655 : memref<1x32x128xf32, #tpu.memory_space<vmem>> -> memref<32x128xf32, #tpu.memory_space<vmem>>
      %dma_start3A_657 = arith.constant 0 : i32
      %dma_start3A_658 = tpu.memref_slice %arg4[%dma_start3A_657, %multiple_of3A_646] : memref<32x1000000xf32, #tpu.memory_space<hbm>> -> memref<32x128xf32, #tpu.memory_space<hbm>>
      %dma_start3A_659 = tpu.memref_slice %arg12[%dma_start3A_651, %dma_start3A_652] : memref<2x8x!tpu.dma_semaphore, #tpu.memory_space<semaphore_mem>> -> memref<1x1x!tpu.dma_semaphore, #tpu.memory_space<semaphore_mem>>
      %dma_start3A_660 = tpu.memref_squeeze %dma_start3A_659 : memref<1x1x!tpu.dma_semaphore, #tpu.memory_space<semaphore_mem>> -> memref<!tpu.dma_semaphore, #tpu.memory_space<semaphore_mem>>
      %dma_start3A_661 = arith.constant 0 : i32
      %dma_start3A_662 = arith.constant 0 : i32
      %dma_start3A_663 = tpu.memref_slice %arg9[%dma_start3A_650, %dma_start3A_661, %dma_start3A_662] : memref<8x32x128xf32, #tpu.memory_space<vmem>> -> memref<1x32x128xf32, #tpu.memory_space<vmem>>
      %dma_start3A_664 = tpu.memref_squeeze %dma_start3A_663 : memref<1x32x128xf32, #tpu.memory_space<vmem>> -> memref<32x128xf32, #tpu.memory_space<vmem>>
      %dma_start3A_665 = arith.constant 0 : i32
      %dma_start3A_666 = tpu.memref_slice %arg4[%dma_start3A_665, %multiple_of3A_646] : memref<32x1000000xf32, #tpu.memory_space<hbm>> -> memref<32x128xf32, #tpu.memory_space<hbm>>
      tpu.enqueue_dma source(%dma_start3A_666 : memref<32x128xf32, #tpu.memory_space<hbm>>) target(%dma_start3A_664 : memref<32x128xf32, #tpu.memory_space<vmem>>) target_semaphore(%dma_start3A_660 : memref<!tpu.dma_semaphore, #tpu.memory_space<semaphore_mem>>)
      %dma_start3A_667 = arith.constant 2 : i32
      %dma_start3A_668 = arith.constant 1 : i32
      %dma_start3A_669 = arith.constant 2 : i32
      %dma_start3A_670 = arith.constant 0 : i32
      %dma_start3A_671 = arith.constant 0 : i32
      %dma_start3A_672 = tpu.memref_slice %arg10[%dma_start3A_667, %dma_start3A_670, %dma_start3A_671] : memref<8x32x128xf32, #tpu.memory_space<vmem>> -> memref<1x32x128xf32, #tpu.memory_space<vmem>>
      %dma_start3A_673 = tpu.memref_squeeze %dma_start3A_672 : memref<1x32x128xf32, #tpu.memory_space<vmem>> -> memref<32x128xf32, #tpu.memory_space<vmem>>
      %dma_start3A_674 = arith.constant 0 : i32
      %dma_start3A_675 = tpu.memref_slice %arg5[%dma_start3A_674, %multiple_of3A_649] : memref<32x1000000xf32, #tpu.memory_space<hbm>> -> memref<32x128xf32, #tpu.memory_space<hbm>>
      %dma_start3A_676 = tpu.memref_slice %arg12[%dma_start3A_668, %dma_start3A_669] : memref<2x8x!tpu.dma_semaphore, #tpu.memory_space<semaphore_mem>> -> memref<1x1x!tpu.dma_semaphore, #tpu.memory_space<semaphore_mem>>
      %dma_start3A_677 = tpu.memref_squeeze %dma_start3A_676 : memref<1x1x!tpu.dma_semaphore, #tpu.memory_space<semaphore_mem>> -> memref<!tpu.dma_semaphore, #tpu.memory_space<semaphore_mem>>
      %dma_start3A_678 = arith.constant 0 : i32
      %dma_start3A_679 = arith.constant 0 : i32
      %dma_start3A_680 = tpu.memref_slice %arg10[%dma_start3A_667, %dma_start3A_678, %dma_start3A_679] : memref<8x32x128xf32, #tpu.memory_space<vmem>> -> memref<1x32x128xf32, #tpu.memory_space<vmem>>
      %dma_start3A_681 = tpu.memref_squeeze %dma_start3A_680 : memref<1x32x128xf32, #tpu.memory_space<vmem>> -> memref<32x128xf32, #tpu.memory_space<vmem>>
      %dma_start3A_682 = arith.constant 0 : i32
      %dma_start3A_683 = tpu.memref_slice %arg5[%dma_start3A_682, %multiple_of3A_649] : memref<32x1000000xf32, #tpu.memory_space<hbm>> -> memref<32x128xf32, #tpu.memory_space<hbm>>
      tpu.enqueue_dma source(%dma_start3A_683 : memref<32x128xf32, #tpu.memory_space<hbm>>) target(%dma_start3A_681 : memref<32x128xf32, #tpu.memory_space<vmem>>) target_semaphore(%dma_start3A_677 : memref<!tpu.dma_semaphore, #tpu.memory_space<semaphore_mem>>)
      %gt3A_684 = arith.constant 0 : i32
      %gt3A_685 = arith.cmpi sgt, %scan3A_526, %gt3A_684 : i32
      %convert_element_type3A_686 = arith.extui %gt3A_685 : i1 to i32
      %cond3A_687 = arith.constant 0 : i32
      %cond3A_688 = arith.cmpi ne, %convert_element_type3A_686, %cond3A_687 : i32
      scf.if %cond3A_688 {
        %dma_wait3A_1788 = arith.constant 3 : i32
        %dma_wait3A_1789 = arith.constant 0 : i32
        %dma_wait3A_1790 = arith.constant 3 : i32
        %dma_wait3A_1791 = arith.constant 0 : i32
        %dma_wait3A_1792 = arith.constant 0 : i32
        %dma_wait3A_1793 = tpu.memref_slice %arg9[%dma_wait3A_1788, %dma_wait3A_1791, %dma_wait3A_1792] : memref<8x32x128xf32, #tpu.memory_space<vmem>> -> memref<1x32x128xf32, #tpu.memory_space<vmem>>
        %dma_wait3A_1794 = tpu.memref_squeeze %dma_wait3A_1793 : memref<1x32x128xf32, #tpu.memory_space<vmem>> -> memref<32x128xf32, #tpu.memory_space<vmem>>
        %dma_wait3A_1795 = arith.constant 0 : i32
        %dma_wait3A_1796 = arith.constant 0 : i32
        %dma_wait3A_1797 = tpu.memref_slice %arg4[%dma_wait3A_1795, %dma_wait3A_1796] : memref<32x1000000xf32, #tpu.memory_space<hbm>> -> memref<32x128xf32, #tpu.memory_space<hbm>>
        %dma_wait3A_1798 = tpu.memref_slice %arg12[%dma_wait3A_1789, %dma_wait3A_1790] : memref<2x8x!tpu.dma_semaphore, #tpu.memory_space<semaphore_mem>> -> memref<1x1x!tpu.dma_semaphore, #tpu.memory_space<semaphore_mem>>
        %dma_wait3A_1799 = tpu.memref_squeeze %dma_wait3A_1798 : memref<1x1x!tpu.dma_semaphore, #tpu.memory_space<semaphore_mem>> -> memref<!tpu.dma_semaphore, #tpu.memory_space<semaphore_mem>>
        %dma_wait3A_1800 = arith.constant 0 : i32
        %dma_wait3A_1801 = arith.constant 0 : i32
        %dma_wait3A_1802 = tpu.memref_slice %arg9[%dma_wait3A_1788, %dma_wait3A_1800, %dma_wait3A_1801] : memref<8x32x128xf32, #tpu.memory_space<vmem>> -> memref<1x32x128xf32, #tpu.memory_space<vmem>>
        %dma_wait3A_1803 = tpu.memref_squeeze %dma_wait3A_1802 : memref<1x32x128xf32, #tpu.memory_space<vmem>> -> memref<32x128xf32, #tpu.memory_space<vmem>>
        %dma_wait3A_1804 = arith.constant 0 : i32
        %dma_wait3A_1805 = arith.constant 0 : i32
        %dma_wait3A_1806 = tpu.memref_slice %arg4[%dma_wait3A_1804, %dma_wait3A_1805] : memref<32x1000000xf32, #tpu.memory_space<hbm>> -> memref<32x128xf32, #tpu.memory_space<hbm>>
        tpu.wait_dma2 semaphore(%dma_wait3A_1799 : memref<!tpu.dma_semaphore, #tpu.memory_space<semaphore_mem>>) src(%dma_wait3A_1806 : memref<32x128xf32, #tpu.memory_space<hbm>>) dst(%dma_wait3A_1803 : memref<32x128xf32, #tpu.memory_space<vmem>>)
        %dma_wait3A_1807 = arith.constant 3 : i32
        %dma_wait3A_1808 = arith.constant 1 : i32
        %dma_wait3A_1809 = arith.constant 3 : i32
        %dma_wait3A_1810 = arith.constant 0 : i32
        %dma_wait3A_1811 = arith.constant 0 : i32
        %dma_wait3A_1812 = tpu.memref_slice %arg10[%dma_wait3A_1807, %dma_wait3A_1810, %dma_wait3A_1811] : memref<8x32x128xf32, #tpu.memory_space<vmem>> -> memref<1x32x128xf32, #tpu.memory_space<vmem>>
        %dma_wait3A_1813 = tpu.memref_squeeze %dma_wait3A_1812 : memref<1x32x128xf32, #tpu.memory_space<vmem>> -> memref<32x128xf32, #tpu.memory_space<vmem>>
        %dma_wait3A_1814 = arith.constant 0 : i32
        %dma_wait3A_1815 = arith.constant 0 : i32
        %dma_wait3A_1816 = tpu.memref_slice %arg5[%dma_wait3A_1814, %dma_wait3A_1815] : memref<32x1000000xf32, #tpu.memory_space<hbm>> -> memref<32x128xf32, #tpu.memory_space<hbm>>
        %dma_wait3A_1817 = tpu.memref_slice %arg12[%dma_wait3A_1808, %dma_wait3A_1809] : memref<2x8x!tpu.dma_semaphore, #tpu.memory_space<semaphore_mem>> -> memref<1x1x!tpu.dma_semaphore, #tpu.memory_space<semaphore_mem>>
        %dma_wait3A_1818 = tpu.memref_squeeze %dma_wait3A_1817 : memref<1x1x!tpu.dma_semaphore, #tpu.memory_space<semaphore_mem>> -> memref<!tpu.dma_semaphore, #tpu.memory_space<semaphore_mem>>
        %dma_wait3A_1819 = arith.constant 0 : i32
        %dma_wait3A_1820 = arith.constant 0 : i32
        %dma_wait3A_1821 = tpu.memref_slice %arg10[%dma_wait3A_1807, %dma_wait3A_1819, %dma_wait3A_1820] : memref<8x32x128xf32, #tpu.memory_space<vmem>> -> memref<1x32x128xf32, #tpu.memory_space<vmem>>
        %dma_wait3A_1822 = tpu.memref_squeeze %dma_wait3A_1821 : memref<1x32x128xf32, #tpu.memory_space<vmem>> -> memref<32x128xf32, #tpu.memory_space<vmem>>
        %dma_wait3A_1823 = arith.constant 0 : i32
        %dma_wait3A_1824 = arith.constant 0 : i32
        %dma_wait3A_1825 = tpu.memref_slice %arg5[%dma_wait3A_1823, %dma_wait3A_1824] : memref<32x1000000xf32, #tpu.memory_space<hbm>> -> memref<32x128xf32, #tpu.memory_space<hbm>>
        tpu.wait_dma2 semaphore(%dma_wait3A_1818 : memref<!tpu.dma_semaphore, #tpu.memory_space<semaphore_mem>>) src(%dma_wait3A_1825 : memref<32x128xf32, #tpu.memory_space<hbm>>) dst(%dma_wait3A_1822 : memref<32x128xf32, #tpu.memory_space<vmem>>)
        %mul3A_1826 = arith.constant 16 : i32
        %mul3A_1827 = arith.muli %scan3A_526, %mul3A_1826 : i32
        %add3A_1828 = arith.constant 3 : i32
        %add3A_1829 = arith.addi %mul3A_1827, %add3A_1828 : i32
        %sub3A_1830 = arith.constant 8 : i32
        %sub3A_1831 = arith.subi %add3A_1829, %sub3A_1830 : i32
        %slice3A_1832 = vector.extract_strided_slice %scan3A_527 {offsets = [11], sizes = [1], strides = [1]} : vector<16xi32> to vector<1xi32>
        %squeeze3A_1833 = vector.extract %slice3A_1832[0] : i32 from vector<1xi32>
        %broadcast_in_dim3A_1834 = vector.broadcast %squeeze3A_1833 : i32 to vector<16xi32>
        %slice3A_1835 = vector.extract_strided_slice %scan3A_528 {offsets = [11], sizes = [1], strides = [1]} : vector<16xi32> to vector<1xi32>
        %squeeze3A_1836 = vector.extract %slice3A_1835[0] : i32 from vector<1xi32>
        %broadcast_in_dim3A_1837 = vector.broadcast %squeeze3A_1836 : i32 to vector<16xi32>
        %broadcast_in_dim3A_1838 = arith.constant 3 : i32
        %broadcast_in_dim3A_1839 = vector.broadcast %broadcast_in_dim3A_1838 : i32 to vector<16xi32>
        %gather3A_1840 = tpu.vector_load_idx %arg9[%broadcast_in_dim3A_1839, %iota3A, %broadcast_in_dim3A_1834] : memref<8x32x128xf32, #tpu.memory_space<vmem>>[vector<16xi32>, vector<16xi32>, vector<16xi32>], vector<16xf32>,
        %add3A_1841 = arith.constant 16 : i32
        %add3A_1842 = vector.broadcast %add3A_1841 : i32 to vector<16xi32>
        %add3A_1843 = arith.addi %iota3A, %add3A_1842 : vector<16xi32>
        %gather3A_1844 = tpu.vector_load_idx %arg9[%broadcast_in_dim3A_1839, %add3A_1843, %broadcast_in_dim3A_1834] : memref<8x32x128xf32, #tpu.memory_space<vmem>>[vector<16xi32>, vector<16xi32>, vector<16xi32>], vector<16xf32>,
        %gather3A_1845 = tpu.vector_load_idx %arg10[%broadcast_in_dim3A_1839, %iota3A, %broadcast_in_dim3A_1837] : memref<8x32x128xf32, #tpu.memory_space<vmem>>[vector<16xi32>, vector<16xi32>, vector<16xi32>], vector<16xf32>,
        %add3A_1846 = arith.constant 16 : i32
        %add3A_1847 = vector.broadcast %add3A_1846 : i32 to vector<16xi32>
        %add3A_1848 = arith.addi %iota3A, %add3A_1847 : vector<16xi32>
        %gather3A_1849 = tpu.vector_load_idx %arg10[%broadcast_in_dim3A_1839, %add3A_1848, %broadcast_in_dim3A_1837] : memref<8x32x128xf32, #tpu.memory_space<vmem>>[vector<16xi32>, vector<16xi32>, vector<16xi32>], vector<16xf32>,
        %shift_right_arithmetic3A_1850 = arith.constant 7 : i32
        %shift_right_arithmetic3A_1851 = arith.shrsi %sub3A_1831, %shift_right_arithmetic3A_1850 : i32
        %broadcast_in_dim3A_1852 = vector.broadcast %shift_right_arithmetic3A_1851 : i32 to vector<16xi32>
        %and3A_1853 = arith.constant 127 : i32
        %and3A_1854 = arith.andi %sub3A_1831, %and3A_1853 : i32
        %broadcast_in_dim3A_1855 = vector.broadcast %and3A_1854 : i32 to vector<16xi32>
        %mul3A_1856 = arith.mulf %gather3A_1840, %gather3A_1845 : vector<16xf32>
        tpu.vector_store_idx %arg11[%shift_right_arithmetic3A_4, %broadcast_in_dim3A_1852, %and3A_6, %broadcast_in_dim3A_1855], %mul3A_1856 : memref<4x4x8x128xf32, #tpu.memory_space<vmem>>[vector<16xi32>, vector<16xi32>, vector<16xi32>, vector<16xi32>], vector<16xf32>,
        %mul3A_1857 = arith.mulf %gather3A_1844, %gather3A_1849 : vector<16xf32>
        tpu.vector_store_idx %arg11[%shift_right_arithmetic3A_12, %broadcast_in_dim3A_1852, %and3A_6, %broadcast_in_dim3A_1855], %mul3A_1857 : memref<4x4x8x128xf32, #tpu.memory_space<vmem>>[vector<16xi32>, vector<16xi32>, vector<16xi32>, vector<16xi32>], vector<16xf32>,
      } else {
      }
      %slice3A_689 = vector.extract_strided_slice %mul3A_541 {offsets = [3], sizes = [1], strides = [1]} : vector<16xi32> to vector<1xi32>
      %squeeze3A_690 = vector.extract %slice3A_689[0] : i32 from vector<1xi32>
      %multiple_of3A_691 = tpu.assume_multiple %squeeze3A_690, 128 : i32
      %slice3A_692 = vector.extract_strided_slice %mul3A_547 {offsets = [3], sizes = [1], strides = [1]} : vector<16xi32> to vector<1xi32>
      %squeeze3A_693 = vector.extract %slice3A_692[0] : i32 from vector<1xi32>
      %multiple_of3A_694 = tpu.assume_multiple %squeeze3A_693, 128 : i32
      %dma_start3A_695 = arith.constant 3 : i32
      %dma_start3A_696 = arith.constant 0 : i32
      %dma_start3A_697 = arith.constant 3 : i32
      %dma_start3A_698 = arith.constant 0 : i32
      %dma_start3A_699 = arith.constant 0 : i32
      %dma_start3A_700 = tpu.memref_slice %arg9[%dma_start3A_695, %dma_start3A_698, %dma_start3A_699] : memref<8x32x128xf32, #tpu.memory_space<vmem>> -> memref<1x32x128xf32, #tpu.memory_space<vmem>>
      %dma_start3A_701 = tpu.memref_squeeze %dma_start3A_700 : memref<1x32x128xf32, #tpu.memory_space<vmem>> -> memref<32x128xf32, #tpu.memory_space<vmem>>
      %dma_start3A_702 = arith.constant 0 : i32
      %dma_start3A_703 = tpu.memref_slice %arg4[%dma_start3A_702, %multiple_of3A_691] : memref<32x1000000xf32, #tpu.memory_space<hbm>> -> memref<32x128xf32, #tpu.memory_space<hbm>>
      %dma_start3A_704 = tpu.memref_slice %arg12[%dma_start3A_696, %dma_start3A_697] : memref<2x8x!tpu.dma_semaphore, #tpu.memory_space<semaphore_mem>> -> memref<1x1x!tpu.dma_semaphore, #tpu.memory_space<semaphore_mem>>
      %dma_start3A_705 = tpu.memref_squeeze %dma_start3A_704 : memref<1x1x!tpu.dma_semaphore, #tpu.memory_space<semaphore_mem>> -> memref<!tpu.dma_semaphore, #tpu.memory_space<semaphore_mem>>
      %dma_start3A_706 = arith.constant 0 : i32
      %dma_start3A_707 = arith.constant 0 : i32
      %dma_start3A_708 = tpu.memref_slice %arg9[%dma_start3A_695, %dma_start3A_706, %dma_start3A_707] : memref<8x32x128xf32, #tpu.memory_space<vmem>> -> memref<1x32x128xf32, #tpu.memory_space<vmem>>
      %dma_start3A_709 = tpu.memref_squeeze %dma_start3A_708 : memref<1x32x128xf32, #tpu.memory_space<vmem>> -> memref<32x128xf32, #tpu.memory_space<vmem>>
      %dma_start3A_710 = arith.constant 0 : i32
      %dma_start3A_711 = tpu.memref_slice %arg4[%dma_start3A_710, %multiple_of3A_691] : memref<32x1000000xf32, #tpu.memory_space<hbm>> -> memref<32x128xf32, #tpu.memory_space<hbm>>
      tpu.enqueue_dma source(%dma_start3A_711 : memref<32x128xf32, #tpu.memory_space<hbm>>) target(%dma_start3A_709 : memref<32x128xf32, #tpu.memory_space<vmem>>) target_semaphore(%dma_start3A_705 : memref<!tpu.dma_semaphore, #tpu.memory_space<semaphore_mem>>)
      %dma_start3A_712 = arith.constant 3 : i32
      %dma_start3A_713 = arith.constant 1 : i32
      %dma_start3A_714 = arith.constant 3 : i32
      %dma_start3A_715 = arith.constant 0 : i32
      %dma_start3A_716 = arith.constant 0 : i32
      %dma_start3A_717 = tpu.memref_slice %arg10[%dma_start3A_712, %dma_start3A_715, %dma_start3A_716] : memref<8x32x128xf32, #tpu.memory_space<vmem>> -> memref<1x32x128xf32, #tpu.memory_space<vmem>>
      %dma_start3A_718 = tpu.memref_squeeze %dma_start3A_717 : memref<1x32x128xf32, #tpu.memory_space<vmem>> -> memref<32x128xf32, #tpu.memory_space<vmem>>
      %dma_start3A_719 = arith.constant 0 : i32
      %dma_start3A_720 = tpu.memref_slice %arg5[%dma_start3A_719, %multiple_of3A_694] : memref<32x1000000xf32, #tpu.memory_space<hbm>> -> memref<32x128xf32, #tpu.memory_space<hbm>>
      %dma_start3A_721 = tpu.memref_slice %arg12[%dma_start3A_713, %dma_start3A_714] : memref<2x8x!tpu.dma_semaphore, #tpu.memory_space<semaphore_mem>> -> memref<1x1x!tpu.dma_semaphore, #tpu.memory_space<semaphore_mem>>
      %dma_start3A_722 = tpu.memref_squeeze %dma_start3A_721 : memref<1x1x!tpu.dma_semaphore, #tpu.memory_space<semaphore_mem>> -> memref<!tpu.dma_semaphore, #tpu.memory_space<semaphore_mem>>
      %dma_start3A_723 = arith.constant 0 : i32
      %dma_start3A_724 = arith.constant 0 : i32
      %dma_start3A_725 = tpu.memref_slice %arg10[%dma_start3A_712, %dma_start3A_723, %dma_start3A_724] : memref<8x32x128xf32, #tpu.memory_space<vmem>> -> memref<1x32x128xf32, #tpu.memory_space<vmem>>
      %dma_start3A_726 = tpu.memref_squeeze %dma_start3A_725 : memref<1x32x128xf32, #tpu.memory_space<vmem>> -> memref<32x128xf32, #tpu.memory_space<vmem>>
      %dma_start3A_727 = arith.constant 0 : i32
      %dma_start3A_728 = tpu.memref_slice %arg5[%dma_start3A_727, %multiple_of3A_694] : memref<32x1000000xf32, #tpu.memory_space<hbm>> -> memref<32x128xf32, #tpu.memory_space<hbm>>
      tpu.enqueue_dma source(%dma_start3A_728 : memref<32x128xf32, #tpu.memory_space<hbm>>) target(%dma_start3A_726 : memref<32x128xf32, #tpu.memory_space<vmem>>) target_semaphore(%dma_start3A_722 : memref<!tpu.dma_semaphore, #tpu.memory_space<semaphore_mem>>)
      %gt3A_729 = arith.constant 0 : i32
      %gt3A_730 = arith.cmpi sgt, %scan3A_526, %gt3A_729 : i32
      %convert_element_type3A_731 = arith.extui %gt3A_730 : i1 to i32
      %cond3A_732 = arith.constant 0 : i32
      %cond3A_733 = arith.cmpi ne, %convert_element_type3A_731, %cond3A_732 : i32
      scf.if %cond3A_733 {
        %dma_wait3A_1788 = arith.constant 4 : i32
        %dma_wait3A_1789 = arith.constant 0 : i32
        %dma_wait3A_1790 = arith.constant 4 : i32
        %dma_wait3A_1791 = arith.constant 0 : i32
        %dma_wait3A_1792 = arith.constant 0 : i32
        %dma_wait3A_1793 = tpu.memref_slice %arg9[%dma_wait3A_1788, %dma_wait3A_1791, %dma_wait3A_1792] : memref<8x32x128xf32, #tpu.memory_space<vmem>> -> memref<1x32x128xf32, #tpu.memory_space<vmem>>
        %dma_wait3A_1794 = tpu.memref_squeeze %dma_wait3A_1793 : memref<1x32x128xf32, #tpu.memory_space<vmem>> -> memref<32x128xf32, #tpu.memory_space<vmem>>
        %dma_wait3A_1795 = arith.constant 0 : i32
        %dma_wait3A_1796 = arith.constant 0 : i32
        %dma_wait3A_1797 = tpu.memref_slice %arg4[%dma_wait3A_1795, %dma_wait3A_1796] : memref<32x1000000xf32, #tpu.memory_space<hbm>> -> memref<32x128xf32, #tpu.memory_space<hbm>>
        %dma_wait3A_1798 = tpu.memref_slice %arg12[%dma_wait3A_1789, %dma_wait3A_1790] : memref<2x8x!tpu.dma_semaphore, #tpu.memory_space<semaphore_mem>> -> memref<1x1x!tpu.dma_semaphore, #tpu.memory_space<semaphore_mem>>
        %dma_wait3A_1799 = tpu.memref_squeeze %dma_wait3A_1798 : memref<1x1x!tpu.dma_semaphore, #tpu.memory_space<semaphore_mem>> -> memref<!tpu.dma_semaphore, #tpu.memory_space<semaphore_mem>>
        %dma_wait3A_1800 = arith.constant 0 : i32
        %dma_wait3A_1801 = arith.constant 0 : i32
        %dma_wait3A_1802 = tpu.memref_slice %arg9[%dma_wait3A_1788, %dma_wait3A_1800, %dma_wait3A_1801] : memref<8x32x128xf32, #tpu.memory_space<vmem>> -> memref<1x32x128xf32, #tpu.memory_space<vmem>>
        %dma_wait3A_1803 = tpu.memref_squeeze %dma_wait3A_1802 : memref<1x32x128xf32, #tpu.memory_space<vmem>> -> memref<32x128xf32, #tpu.memory_space<vmem>>
        %dma_wait3A_1804 = arith.constant 0 : i32
        %dma_wait3A_1805 = arith.constant 0 : i32
        %dma_wait3A_1806 = tpu.memref_slice %arg4[%dma_wait3A_1804, %dma_wait3A_1805] : memref<32x1000000xf32, #tpu.memory_space<hbm>> -> memref<32x128xf32, #tpu.memory_space<hbm>>
        tpu.wait_dma2 semaphore(%dma_wait3A_1799 : memref<!tpu.dma_semaphore, #tpu.memory_space<semaphore_mem>>) src(%dma_wait3A_1806 : memref<32x128xf32, #tpu.memory_space<hbm>>) dst(%dma_wait3A_1803 : memref<32x128xf32, #tpu.memory_space<vmem>>)
        %dma_wait3A_1807 = arith.constant 4 : i32
        %dma_wait3A_1808 = arith.constant 1 : i32
        %dma_wait3A_1809 = arith.constant 4 : i32
        %dma_wait3A_1810 = arith.constant 0 : i32
        %dma_wait3A_1811 = arith.constant 0 : i32
        %dma_wait3A_1812 = tpu.memref_slice %arg10[%dma_wait3A_1807, %dma_wait3A_1810, %dma_wait3A_1811] : memref<8x32x128xf32, #tpu.memory_space<vmem>> -> memref<1x32x128xf32, #tpu.memory_space<vmem>>
        %dma_wait3A_1813 = tpu.memref_squeeze %dma_wait3A_1812 : memref<1x32x128xf32, #tpu.memory_space<vmem>> -> memref<32x128xf32, #tpu.memory_space<vmem>>
        %dma_wait3A_1814 = arith.constant 0 : i32
        %dma_wait3A_1815 = arith.constant 0 : i32
        %dma_wait3A_1816 = tpu.memref_slice %arg5[%dma_wait3A_1814, %dma_wait3A_1815] : memref<32x1000000xf32, #tpu.memory_space<hbm>> -> memref<32x128xf32, #tpu.memory_space<hbm>>
        %dma_wait3A_1817 = tpu.memref_slice %arg12[%dma_wait3A_1808, %dma_wait3A_1809] : memref<2x8x!tpu.dma_semaphore, #tpu.memory_space<semaphore_mem>> -> memref<1x1x!tpu.dma_semaphore, #tpu.memory_space<semaphore_mem>>
        %dma_wait3A_1818 = tpu.memref_squeeze %dma_wait3A_1817 : memref<1x1x!tpu.dma_semaphore, #tpu.memory_space<semaphore_mem>> -> memref<!tpu.dma_semaphore, #tpu.memory_space<semaphore_mem>>
        %dma_wait3A_1819 = arith.constant 0 : i32
        %dma_wait3A_1820 = arith.constant 0 : i32
        %dma_wait3A_1821 = tpu.memref_slice %arg10[%dma_wait3A_1807, %dma_wait3A_1819, %dma_wait3A_1820] : memref<8x32x128xf32, #tpu.memory_space<vmem>> -> memref<1x32x128xf32, #tpu.memory_space<vmem>>
        %dma_wait3A_1822 = tpu.memref_squeeze %dma_wait3A_1821 : memref<1x32x128xf32, #tpu.memory_space<vmem>> -> memref<32x128xf32, #tpu.memory_space<vmem>>
        %dma_wait3A_1823 = arith.constant 0 : i32
        %dma_wait3A_1824 = arith.constant 0 : i32
        %dma_wait3A_1825 = tpu.memref_slice %arg5[%dma_wait3A_1823, %dma_wait3A_1824] : memref<32x1000000xf32, #tpu.memory_space<hbm>> -> memref<32x128xf32, #tpu.memory_space<hbm>>
        tpu.wait_dma2 semaphore(%dma_wait3A_1818 : memref<!tpu.dma_semaphore, #tpu.memory_space<semaphore_mem>>) src(%dma_wait3A_1825 : memref<32x128xf32, #tpu.memory_space<hbm>>) dst(%dma_wait3A_1822 : memref<32x128xf32, #tpu.memory_space<vmem>>)
        %mul3A_1826 = arith.constant 16 : i32
        %mul3A_1827 = arith.muli %scan3A_526, %mul3A_1826 : i32
        %add3A_1828 = arith.constant 4 : i32
        %add3A_1829 = arith.addi %mul3A_1827, %add3A_1828 : i32
        %sub3A_1830 = arith.constant 8 : i32
        %sub3A_1831 = arith.subi %add3A_1829, %sub3A_1830 : i32
        %slice3A_1832 = vector.extract_strided_slice %scan3A_527 {offsets = [12], sizes = [1], strides = [1]} : vector<16xi32> to vector<1xi32>
        %squeeze3A_1833 = vector.extract %slice3A_1832[0] : i32 from vector<1xi32>
        %broadcast_in_dim3A_1834 = vector.broadcast %squeeze3A_1833 : i32 to vector<16xi32>
        %slice3A_1835 = vector.extract_strided_slice %scan3A_528 {offsets = [12], sizes = [1], strides = [1]} : vector<16xi32> to vector<1xi32>
        %squeeze3A_1836 = vector.extract %slice3A_1835[0] : i32 from vector<1xi32>
        %broadcast_in_dim3A_1837 = vector.broadcast %squeeze3A_1836 : i32 to vector<16xi32>
        %broadcast_in_dim3A_1838 = arith.constant 4 : i32
        %broadcast_in_dim3A_1839 = vector.broadcast %broadcast_in_dim3A_1838 : i32 to vector<16xi32>
        %gather3A_1840 = tpu.vector_load_idx %arg9[%broadcast_in_dim3A_1839, %iota3A, %broadcast_in_dim3A_1834] : memref<8x32x128xf32, #tpu.memory_space<vmem>>[vector<16xi32>, vector<16xi32>, vector<16xi32>], vector<16xf32>,
        %add3A_1841 = arith.constant 16 : i32
        %add3A_1842 = vector.broadcast %add3A_1841 : i32 to vector<16xi32>
        %add3A_1843 = arith.addi %iota3A, %add3A_1842 : vector<16xi32>
        %gather3A_1844 = tpu.vector_load_idx %arg9[%broadcast_in_dim3A_1839, %add3A_1843, %broadcast_in_dim3A_1834] : memref<8x32x128xf32, #tpu.memory_space<vmem>>[vector<16xi32>, vector<16xi32>, vector<16xi32>], vector<16xf32>,
        %gather3A_1845 = tpu.vector_load_idx %arg10[%broadcast_in_dim3A_1839, %iota3A, %broadcast_in_dim3A_1837] : memref<8x32x128xf32, #tpu.memory_space<vmem>>[vector<16xi32>, vector<16xi32>, vector<16xi32>], vector<16xf32>,
        %add3A_1846 = arith.constant 16 : i32
        %add3A_1847 = vector.broadcast %add3A_1846 : i32 to vector<16xi32>
        %add3A_1848 = arith.addi %iota3A, %add3A_1847 : vector<16xi32>
        %gather3A_1849 = tpu.vector_load_idx %arg10[%broadcast_in_dim3A_1839, %add3A_1848, %broadcast_in_dim3A_1837] : memref<8x32x128xf32, #tpu.memory_space<vmem>>[vector<16xi32>, vector<16xi32>, vector<16xi32>], vector<16xf32>,
        %shift_right_arithmetic3A_1850 = arith.constant 7 : i32
        %shift_right_arithmetic3A_1851 = arith.shrsi %sub3A_1831, %shift_right_arithmetic3A_1850 : i32
        %broadcast_in_dim3A_1852 = vector.broadcast %shift_right_arithmetic3A_1851 : i32 to vector<16xi32>
        %and3A_1853 = arith.constant 127 : i32
        %and3A_1854 = arith.andi %sub3A_1831, %and3A_1853 : i32
        %broadcast_in_dim3A_1855 = vector.broadcast %and3A_1854 : i32 to vector<16xi32>
        %mul3A_1856 = arith.mulf %gather3A_1840, %gather3A_1845 : vector<16xf32>
        tpu.vector_store_idx %arg11[%shift_right_arithmetic3A_4, %broadcast_in_dim3A_1852, %and3A_6, %broadcast_in_dim3A_1855], %mul3A_1856 : memref<4x4x8x128xf32, #tpu.memory_space<vmem>>[vector<16xi32>, vector<16xi32>, vector<16xi32>, vector<16xi32>], vector<16xf32>,
        %mul3A_1857 = arith.mulf %gather3A_1844, %gather3A_1849 : vector<16xf32>
        tpu.vector_store_idx %arg11[%shift_right_arithmetic3A_12, %broadcast_in_dim3A_1852, %and3A_6, %broadcast_in_dim3A_1855], %mul3A_1857 : memref<4x4x8x128xf32, #tpu.memory_space<vmem>>[vector<16xi32>, vector<16xi32>, vector<16xi32>, vector<16xi32>], vector<16xf32>,
      } else {
      }
      %slice3A_734 = vector.extract_strided_slice %mul3A_541 {offsets = [4], sizes = [1], strides = [1]} : vector<16xi32> to vector<1xi32>
      %squeeze3A_735 = vector.extract %slice3A_734[0] : i32 from vector<1xi32>
      %multiple_of3A_736 = tpu.assume_multiple %squeeze3A_735, 128 : i32
      %slice3A_737 = vector.extract_strided_slice %mul3A_547 {offsets = [4], sizes = [1], strides = [1]} : vector<16xi32> to vector<1xi32>
      %squeeze3A_738 = vector.extract %slice3A_737[0] : i32 from vector<1xi32>
      %multiple_of3A_739 = tpu.assume_multiple %squeeze3A_738, 128 : i32
      %dma_start3A_740 = arith.constant 4 : i32
      %dma_start3A_741 = arith.constant 0 : i32
      %dma_start3A_742 = arith.constant 4 : i32
      %dma_start3A_743 = arith.constant 0 : i32
      %dma_start3A_744 = arith.constant 0 : i32
      %dma_start3A_745 = tpu.memref_slice %arg9[%dma_start3A_740, %dma_start3A_743, %dma_start3A_744] : memref<8x32x128xf32, #tpu.memory_space<vmem>> -> memref<1x32x128xf32, #tpu.memory_space<vmem>>
      %dma_start3A_746 = tpu.memref_squeeze %dma_start3A_745 : memref<1x32x128xf32, #tpu.memory_space<vmem>> -> memref<32x128xf32, #tpu.memory_space<vmem>>
      %dma_start3A_747 = arith.constant 0 : i32
      %dma_start3A_748 = tpu.memref_slice %arg4[%dma_start3A_747, %multiple_of3A_736] : memref<32x1000000xf32, #tpu.memory_space<hbm>> -> memref<32x128xf32, #tpu.memory_space<hbm>>
      %dma_start3A_749 = tpu.memref_slice %arg12[%dma_start3A_741, %dma_start3A_742] : memref<2x8x!tpu.dma_semaphore, #tpu.memory_space<semaphore_mem>> -> memref<1x1x!tpu.dma_semaphore, #tpu.memory_space<semaphore_mem>>
      %dma_start3A_750 = tpu.memref_squeeze %dma_start3A_749 : memref<1x1x!tpu.dma_semaphore, #tpu.memory_space<semaphore_mem>> -> memref<!tpu.dma_semaphore, #tpu.memory_space<semaphore_mem>>
      %dma_start3A_751 = arith.constant 0 : i32
      %dma_start3A_752 = arith.constant 0 : i32
      %dma_start3A_753 = tpu.memref_slice %arg9[%dma_start3A_740, %dma_start3A_751, %dma_start3A_752] : memref<8x32x128xf32, #tpu.memory_space<vmem>> -> memref<1x32x128xf32, #tpu.memory_space<vmem>>
      %dma_start3A_754 = tpu.memref_squeeze %dma_start3A_753 : memref<1x32x128xf32, #tpu.memory_space<vmem>> -> memref<32x128xf32, #tpu.memory_space<vmem>>
      %dma_start3A_755 = arith.constant 0 : i32
      %dma_start3A_756 = tpu.memref_slice %arg4[%dma_start3A_755, %multiple_of3A_736] : memref<32x1000000xf32, #tpu.memory_space<hbm>> -> memref<32x128xf32, #tpu.memory_space<hbm>>
      tpu.enqueue_dma source(%dma_start3A_756 : memref<32x128xf32, #tpu.memory_space<hbm>>) target(%dma_start3A_754 : memref<32x128xf32, #tpu.memory_space<vmem>>) target_semaphore(%dma_start3A_750 : memref<!tpu.dma_semaphore, #tpu.memory_space<semaphore_mem>>)
      %dma_start3A_757 = arith.constant 4 : i32
      %dma_start3A_758 = arith.constant 1 : i32
      %dma_start3A_759 = arith.constant 4 : i32
      %dma_start3A_760 = arith.constant 0 : i32
      %dma_start3A_761 = arith.constant 0 : i32
      %dma_start3A_762 = tpu.memref_slice %arg10[%dma_start3A_757, %dma_start3A_760, %dma_start3A_761] : memref<8x32x128xf32, #tpu.memory_space<vmem>> -> memref<1x32x128xf32, #tpu.memory_space<vmem>>
      %dma_start3A_763 = tpu.memref_squeeze %dma_start3A_762 : memref<1x32x128xf32, #tpu.memory_space<vmem>> -> memref<32x128xf32, #tpu.memory_space<vmem>>
      %dma_start3A_764 = arith.constant 0 : i32
      %dma_start3A_765 = tpu.memref_slice %arg5[%dma_start3A_764, %multiple_of3A_739] : memref<32x1000000xf32, #tpu.memory_space<hbm>> -> memref<32x128xf32, #tpu.memory_space<hbm>>
      %dma_start3A_766 = tpu.memref_slice %arg12[%dma_start3A_758, %dma_start3A_759] : memref<2x8x!tpu.dma_semaphore, #tpu.memory_space<semaphore_mem>> -> memref<1x1x!tpu.dma_semaphore, #tpu.memory_space<semaphore_mem>>
      %dma_start3A_767 = tpu.memref_squeeze %dma_start3A_766 : memref<1x1x!tpu.dma_semaphore, #tpu.memory_space<semaphore_mem>> -> memref<!tpu.dma_semaphore, #tpu.memory_space<semaphore_mem>>
      %dma_start3A_768 = arith.constant 0 : i32
      %dma_start3A_769 = arith.constant 0 : i32
      %dma_start3A_770 = tpu.memref_slice %arg10[%dma_start3A_757, %dma_start3A_768, %dma_start3A_769] : memref<8x32x128xf32, #tpu.memory_space<vmem>> -> memref<1x32x128xf32, #tpu.memory_space<vmem>>
      %dma_start3A_771 = tpu.memref_squeeze %dma_start3A_770 : memref<1x32x128xf32, #tpu.memory_space<vmem>> -> memref<32x128xf32, #tpu.memory_space<vmem>>
      %dma_start3A_772 = arith.constant 0 : i32
      %dma_start3A_773 = tpu.memref_slice %arg5[%dma_start3A_772, %multiple_of3A_739] : memref<32x1000000xf32, #tpu.memory_space<hbm>> -> memref<32x128xf32, #tpu.memory_space<hbm>>
      tpu.enqueue_dma source(%dma_start3A_773 : memref<32x128xf32, #tpu.memory_space<hbm>>) target(%dma_start3A_771 : memref<32x128xf32, #tpu.memory_space<vmem>>) target_semaphore(%dma_start3A_767 : memref<!tpu.dma_semaphore, #tpu.memory_space<semaphore_mem>>)
      %gt3A_774 = arith.constant 0 : i32
      %gt3A_775 = arith.cmpi sgt, %scan3A_526, %gt3A_774 : i32
      %convert_element_type3A_776 = arith.extui %gt3A_775 : i1 to i32
      %cond3A_777 = arith.constant 0 : i32
      %cond3A_778 = arith.cmpi ne, %convert_element_type3A_776, %cond3A_777 : i32
      scf.if %cond3A_778 {
        %dma_wait3A_1788 = arith.constant 5 : i32
        %dma_wait3A_1789 = arith.constant 0 : i32
        %dma_wait3A_1790 = arith.constant 5 : i32
        %dma_wait3A_1791 = arith.constant 0 : i32
        %dma_wait3A_1792 = arith.constant 0 : i32
        %dma_wait3A_1793 = tpu.memref_slice %arg9[%dma_wait3A_1788, %dma_wait3A_1791, %dma_wait3A_1792] : memref<8x32x128xf32, #tpu.memory_space<vmem>> -> memref<1x32x128xf32, #tpu.memory_space<vmem>>
        %dma_wait3A_1794 = tpu.memref_squeeze %dma_wait3A_1793 : memref<1x32x128xf32, #tpu.memory_space<vmem>> -> memref<32x128xf32, #tpu.memory_space<vmem>>
        %dma_wait3A_1795 = arith.constant 0 : i32
        %dma_wait3A_1796 = arith.constant 0 : i32
        %dma_wait3A_1797 = tpu.memref_slice %arg4[%dma_wait3A_1795, %dma_wait3A_1796] : memref<32x1000000xf32, #tpu.memory_space<hbm>> -> memref<32x128xf32, #tpu.memory_space<hbm>>
        %dma_wait3A_1798 = tpu.memref_slice %arg12[%dma_wait3A_1789, %dma_wait3A_1790] : memref<2x8x!tpu.dma_semaphore, #tpu.memory_space<semaphore_mem>> -> memref<1x1x!tpu.dma_semaphore, #tpu.memory_space<semaphore_mem>>
        %dma_wait3A_1799 = tpu.memref_squeeze %dma_wait3A_1798 : memref<1x1x!tpu.dma_semaphore, #tpu.memory_space<semaphore_mem>> -> memref<!tpu.dma_semaphore, #tpu.memory_space<semaphore_mem>>
        %dma_wait3A_1800 = arith.constant 0 : i32
        %dma_wait3A_1801 = arith.constant 0 : i32
        %dma_wait3A_1802 = tpu.memref_slice %arg9[%dma_wait3A_1788, %dma_wait3A_1800, %dma_wait3A_1801] : memref<8x32x128xf32, #tpu.memory_space<vmem>> -> memref<1x32x128xf32, #tpu.memory_space<vmem>>
        %dma_wait3A_1803 = tpu.memref_squeeze %dma_wait3A_1802 : memref<1x32x128xf32, #tpu.memory_space<vmem>> -> memref<32x128xf32, #tpu.memory_space<vmem>>
        %dma_wait3A_1804 = arith.constant 0 : i32
        %dma_wait3A_1805 = arith.constant 0 : i32
        %dma_wait3A_1806 = tpu.memref_slice %arg4[%dma_wait3A_1804, %dma_wait3A_1805] : memref<32x1000000xf32, #tpu.memory_space<hbm>> -> memref<32x128xf32, #tpu.memory_space<hbm>>
        tpu.wait_dma2 semaphore(%dma_wait3A_1799 : memref<!tpu.dma_semaphore, #tpu.memory_space<semaphore_mem>>) src(%dma_wait3A_1806 : memref<32x128xf32, #tpu.memory_space<hbm>>) dst(%dma_wait3A_1803 : memref<32x128xf32, #tpu.memory_space<vmem>>)
        %dma_wait3A_1807 = arith.constant 5 : i32
        %dma_wait3A_1808 = arith.constant 1 : i32
        %dma_wait3A_1809 = arith.constant 5 : i32
        %dma_wait3A_1810 = arith.constant 0 : i32
        %dma_wait3A_1811 = arith.constant 0 : i32
        %dma_wait3A_1812 = tpu.memref_slice %arg10[%dma_wait3A_1807, %dma_wait3A_1810, %dma_wait3A_1811] : memref<8x32x128xf32, #tpu.memory_space<vmem>> -> memref<1x32x128xf32, #tpu.memory_space<vmem>>
        %dma_wait3A_1813 = tpu.memref_squeeze %dma_wait3A_1812 : memref<1x32x128xf32, #tpu.memory_space<vmem>> -> memref<32x128xf32, #tpu.memory_space<vmem>>
        %dma_wait3A_1814 = arith.constant 0 : i32
        %dma_wait3A_1815 = arith.constant 0 : i32
        %dma_wait3A_1816 = tpu.memref_slice %arg5[%dma_wait3A_1814, %dma_wait3A_1815] : memref<32x1000000xf32, #tpu.memory_space<hbm>> -> memref<32x128xf32, #tpu.memory_space<hbm>>
        %dma_wait3A_1817 = tpu.memref_slice %arg12[%dma_wait3A_1808, %dma_wait3A_1809] : memref<2x8x!tpu.dma_semaphore, #tpu.memory_space<semaphore_mem>> -> memref<1x1x!tpu.dma_semaphore, #tpu.memory_space<semaphore_mem>>
        %dma_wait3A_1818 = tpu.memref_squeeze %dma_wait3A_1817 : memref<1x1x!tpu.dma_semaphore, #tpu.memory_space<semaphore_mem>> -> memref<!tpu.dma_semaphore, #tpu.memory_space<semaphore_mem>>
        %dma_wait3A_1819 = arith.constant 0 : i32
        %dma_wait3A_1820 = arith.constant 0 : i32
        %dma_wait3A_1821 = tpu.memref_slice %arg10[%dma_wait3A_1807, %dma_wait3A_1819, %dma_wait3A_1820] : memref<8x32x128xf32, #tpu.memory_space<vmem>> -> memref<1x32x128xf32, #tpu.memory_space<vmem>>
        %dma_wait3A_1822 = tpu.memref_squeeze %dma_wait3A_1821 : memref<1x32x128xf32, #tpu.memory_space<vmem>> -> memref<32x128xf32, #tpu.memory_space<vmem>>
        %dma_wait3A_1823 = arith.constant 0 : i32
        %dma_wait3A_1824 = arith.constant 0 : i32
        %dma_wait3A_1825 = tpu.memref_slice %arg5[%dma_wait3A_1823, %dma_wait3A_1824] : memref<32x1000000xf32, #tpu.memory_space<hbm>> -> memref<32x128xf32, #tpu.memory_space<hbm>>
        tpu.wait_dma2 semaphore(%dma_wait3A_1818 : memref<!tpu.dma_semaphore, #tpu.memory_space<semaphore_mem>>) src(%dma_wait3A_1825 : memref<32x128xf32, #tpu.memory_space<hbm>>) dst(%dma_wait3A_1822 : memref<32x128xf32, #tpu.memory_space<vmem>>)
        %mul3A_1826 = arith.constant 16 : i32
        %mul3A_1827 = arith.muli %scan3A_526, %mul3A_1826 : i32
        %add3A_1828 = arith.constant 5 : i32
        %add3A_1829 = arith.addi %mul3A_1827, %add3A_1828 : i32
        %sub3A_1830 = arith.constant 8 : i32
        %sub3A_1831 = arith.subi %add3A_1829, %sub3A_1830 : i32
        %slice3A_1832 = vector.extract_strided_slice %scan3A_527 {offsets = [13], sizes = [1], strides = [1]} : vector<16xi32> to vector<1xi32>
        %squeeze3A_1833 = vector.extract %slice3A_1832[0] : i32 from vector<1xi32>
        %broadcast_in_dim3A_1834 = vector.broadcast %squeeze3A_1833 : i32 to vector<16xi32>
        %slice3A_1835 = vector.extract_strided_slice %scan3A_528 {offsets = [13], sizes = [1], strides = [1]} : vector<16xi32> to vector<1xi32>
        %squeeze3A_1836 = vector.extract %slice3A_1835[0] : i32 from vector<1xi32>
        %broadcast_in_dim3A_1837 = vector.broadcast %squeeze3A_1836 : i32 to vector<16xi32>
        %broadcast_in_dim3A_1838 = arith.constant 5 : i32
        %broadcast_in_dim3A_1839 = vector.broadcast %broadcast_in_dim3A_1838 : i32 to vector<16xi32>
        %gather3A_1840 = tpu.vector_load_idx %arg9[%broadcast_in_dim3A_1839, %iota3A, %broadcast_in_dim3A_1834] : memref<8x32x128xf32, #tpu.memory_space<vmem>>[vector<16xi32>, vector<16xi32>, vector<16xi32>], vector<16xf32>,
        %add3A_1841 = arith.constant 16 : i32
        %add3A_1842 = vector.broadcast %add3A_1841 : i32 to vector<16xi32>
        %add3A_1843 = arith.addi %iota3A, %add3A_1842 : vector<16xi32>
        %gather3A_1844 = tpu.vector_load_idx %arg9[%broadcast_in_dim3A_1839, %add3A_1843, %broadcast_in_dim3A_1834] : memref<8x32x128xf32, #tpu.memory_space<vmem>>[vector<16xi32>, vector<16xi32>, vector<16xi32>], vector<16xf32>,
        %gather3A_1845 = tpu.vector_load_idx %arg10[%broadcast_in_dim3A_1839, %iota3A, %broadcast_in_dim3A_1837] : memref<8x32x128xf32, #tpu.memory_space<vmem>>[vector<16xi32>, vector<16xi32>, vector<16xi32>], vector<16xf32>,
        %add3A_1846 = arith.constant 16 : i32
        %add3A_1847 = vector.broadcast %add3A_1846 : i32 to vector<16xi32>
        %add3A_1848 = arith.addi %iota3A, %add3A_1847 : vector<16xi32>
        %gather3A_1849 = tpu.vector_load_idx %arg10[%broadcast_in_dim3A_1839, %add3A_1848, %broadcast_in_dim3A_1837] : memref<8x32x128xf32, #tpu.memory_space<vmem>>[vector<16xi32>, vector<16xi32>, vector<16xi32>], vector<16xf32>,
        %shift_right_arithmetic3A_1850 = arith.constant 7 : i32
        %shift_right_arithmetic3A_1851 = arith.shrsi %sub3A_1831, %shift_right_arithmetic3A_1850 : i32
        %broadcast_in_dim3A_1852 = vector.broadcast %shift_right_arithmetic3A_1851 : i32 to vector<16xi32>
        %and3A_1853 = arith.constant 127 : i32
        %and3A_1854 = arith.andi %sub3A_1831, %and3A_1853 : i32
        %broadcast_in_dim3A_1855 = vector.broadcast %and3A_1854 : i32 to vector<16xi32>
        %mul3A_1856 = arith.mulf %gather3A_1840, %gather3A_1845 : vector<16xf32>
        tpu.vector_store_idx %arg11[%shift_right_arithmetic3A_4, %broadcast_in_dim3A_1852, %and3A_6, %broadcast_in_dim3A_1855], %mul3A_1856 : memref<4x4x8x128xf32, #tpu.memory_space<vmem>>[vector<16xi32>, vector<16xi32>, vector<16xi32>, vector<16xi32>], vector<16xf32>,
        %mul3A_1857 = arith.mulf %gather3A_1844, %gather3A_1849 : vector<16xf32>
        tpu.vector_store_idx %arg11[%shift_right_arithmetic3A_12, %broadcast_in_dim3A_1852, %and3A_6, %broadcast_in_dim3A_1855], %mul3A_1857 : memref<4x4x8x128xf32, #tpu.memory_space<vmem>>[vector<16xi32>, vector<16xi32>, vector<16xi32>, vector<16xi32>], vector<16xf32>,
      } else {
      }
      %slice3A_779 = vector.extract_strided_slice %mul3A_541 {offsets = [5], sizes = [1], strides = [1]} : vector<16xi32> to vector<1xi32>
      %squeeze3A_780 = vector.extract %slice3A_779[0] : i32 from vector<1xi32>
      %multiple_of3A_781 = tpu.assume_multiple %squeeze3A_780, 128 : i32
      %slice3A_782 = vector.extract_strided_slice %mul3A_547 {offsets = [5], sizes = [1], strides = [1]} : vector<16xi32> to vector<1xi32>
      %squeeze3A_783 = vector.extract %slice3A_782[0] : i32 from vector<1xi32>
      %multiple_of3A_784 = tpu.assume_multiple %squeeze3A_783, 128 : i32
      %dma_start3A_785 = arith.constant 5 : i32
      %dma_start3A_786 = arith.constant 0 : i32
      %dma_start3A_787 = arith.constant 5 : i32
      %dma_start3A_788 = arith.constant 0 : i32
      %dma_start3A_789 = arith.constant 0 : i32
      %dma_start3A_790 = tpu.memref_slice %arg9[%dma_start3A_785, %dma_start3A_788, %dma_start3A_789] : memref<8x32x128xf32, #tpu.memory_space<vmem>> -> memref<1x32x128xf32, #tpu.memory_space<vmem>>
      %dma_start3A_791 = tpu.memref_squeeze %dma_start3A_790 : memref<1x32x128xf32, #tpu.memory_space<vmem>> -> memref<32x128xf32, #tpu.memory_space<vmem>>
      %dma_start3A_792 = arith.constant 0 : i32
      %dma_start3A_793 = tpu.memref_slice %arg4[%dma_start3A_792, %multiple_of3A_781] : memref<32x1000000xf32, #tpu.memory_space<hbm>> -> memref<32x128xf32, #tpu.memory_space<hbm>>
      %dma_start3A_794 = tpu.memref_slice %arg12[%dma_start3A_786, %dma_start3A_787] : memref<2x8x!tpu.dma_semaphore, #tpu.memory_space<semaphore_mem>> -> memref<1x1x!tpu.dma_semaphore, #tpu.memory_space<semaphore_mem>>
      %dma_start3A_795 = tpu.memref_squeeze %dma_start3A_794 : memref<1x1x!tpu.dma_semaphore, #tpu.memory_space<semaphore_mem>> -> memref<!tpu.dma_semaphore, #tpu.memory_space<semaphore_mem>>
      %dma_start3A_796 = arith.constant 0 : i32
      %dma_start3A_797 = arith.constant 0 : i32
      %dma_start3A_798 = tpu.memref_slice %arg9[%dma_start3A_785, %dma_start3A_796, %dma_start3A_797] : memref<8x32x128xf32, #tpu.memory_space<vmem>> -> memref<1x32x128xf32, #tpu.memory_space<vmem>>
      %dma_start3A_799 = tpu.memref_squeeze %dma_start3A_798 : memref<1x32x128xf32, #tpu.memory_space<vmem>> -> memref<32x128xf32, #tpu.memory_space<vmem>>
      %dma_start3A_800 = arith.constant 0 : i32
      %dma_start3A_801 = tpu.memref_slice %arg4[%dma_start3A_800, %multiple_of3A_781] : memref<32x1000000xf32, #tpu.memory_space<hbm>> -> memref<32x128xf32, #tpu.memory_space<hbm>>
      tpu.enqueue_dma source(%dma_start3A_801 : memref<32x128xf32, #tpu.memory_space<hbm>>) target(%dma_start3A_799 : memref<32x128xf32, #tpu.memory_space<vmem>>) target_semaphore(%dma_start3A_795 : memref<!tpu.dma_semaphore, #tpu.memory_space<semaphore_mem>>)
      %dma_start3A_802 = arith.constant 5 : i32
      %dma_start3A_803 = arith.constant 1 : i32
      %dma_start3A_804 = arith.constant 5 : i32
      %dma_start3A_805 = arith.constant 0 : i32
      %dma_start3A_806 = arith.constant 0 : i32
      %dma_start3A_807 = tpu.memref_slice %arg10[%dma_start3A_802, %dma_start3A_805, %dma_start3A_806] : memref<8x32x128xf32, #tpu.memory_space<vmem>> -> memref<1x32x128xf32, #tpu.memory_space<vmem>>
      %dma_start3A_808 = tpu.memref_squeeze %dma_start3A_807 : memref<1x32x128xf32, #tpu.memory_space<vmem>> -> memref<32x128xf32, #tpu.memory_space<vmem>>
      %dma_start3A_809 = arith.constant 0 : i32
      %dma_start3A_810 = tpu.memref_slice %arg5[%dma_start3A_809, %multiple_of3A_784] : memref<32x1000000xf32, #tpu.memory_space<hbm>> -> memref<32x128xf32, #tpu.memory_space<hbm>>
      %dma_start3A_811 = tpu.memref_slice %arg12[%dma_start3A_803, %dma_start3A_804] : memref<2x8x!tpu.dma_semaphore, #tpu.memory_space<semaphore_mem>> -> memref<1x1x!tpu.dma_semaphore, #tpu.memory_space<semaphore_mem>>
      %dma_start3A_812 = tpu.memref_squeeze %dma_start3A_811 : memref<1x1x!tpu.dma_semaphore, #tpu.memory_space<semaphore_mem>> -> memref<!tpu.dma_semaphore, #tpu.memory_space<semaphore_mem>>
      %dma_start3A_813 = arith.constant 0 : i32
      %dma_start3A_814 = arith.constant 0 : i32
      %dma_start3A_815 = tpu.memref_slice %arg10[%dma_start3A_802, %dma_start3A_813, %dma_start3A_814] : memref<8x32x128xf32, #tpu.memory_space<vmem>> -> memref<1x32x128xf32, #tpu.memory_space<vmem>>
      %dma_start3A_816 = tpu.memref_squeeze %dma_start3A_815 : memref<1x32x128xf32, #tpu.memory_space<vmem>> -> memref<32x128xf32, #tpu.memory_space<vmem>>
      %dma_start3A_817 = arith.constant 0 : i32
      %dma_start3A_818 = tpu.memref_slice %arg5[%dma_start3A_817, %multiple_of3A_784] : memref<32x1000000xf32, #tpu.memory_space<hbm>> -> memref<32x128xf32, #tpu.memory_space<hbm>>
      tpu.enqueue_dma source(%dma_start3A_818 : memref<32x128xf32, #tpu.memory_space<hbm>>) target(%dma_start3A_816 : memref<32x128xf32, #tpu.memory_space<vmem>>) target_semaphore(%dma_start3A_812 : memref<!tpu.dma_semaphore, #tpu.memory_space<semaphore_mem>>)
      %gt3A_819 = arith.constant 0 : i32
      %gt3A_820 = arith.cmpi sgt, %scan3A_526, %gt3A_819 : i32
      %convert_element_type3A_821 = arith.extui %gt3A_820 : i1 to i32
      %cond3A_822 = arith.constant 0 : i32
      %cond3A_823 = arith.cmpi ne, %convert_element_type3A_821, %cond3A_822 : i32
      scf.if %cond3A_823 {
        %dma_wait3A_1788 = arith.constant 6 : i32
        %dma_wait3A_1789 = arith.constant 0 : i32
        %dma_wait3A_1790 = arith.constant 6 : i32
        %dma_wait3A_1791 = arith.constant 0 : i32
        %dma_wait3A_1792 = arith.constant 0 : i32
        %dma_wait3A_1793 = tpu.memref_slice %arg9[%dma_wait3A_1788, %dma_wait3A_1791, %dma_wait3A_1792] : memref<8x32x128xf32, #tpu.memory_space<vmem>> -> memref<1x32x128xf32, #tpu.memory_space<vmem>>
        %dma_wait3A_1794 = tpu.memref_squeeze %dma_wait3A_1793 : memref<1x32x128xf32, #tpu.memory_space<vmem>> -> memref<32x128xf32, #tpu.memory_space<vmem>>
        %dma_wait3A_1795 = arith.constant 0 : i32
        %dma_wait3A_1796 = arith.constant 0 : i32
        %dma_wait3A_1797 = tpu.memref_slice %arg4[%dma_wait3A_1795, %dma_wait3A_1796] : memref<32x1000000xf32, #tpu.memory_space<hbm>> -> memref<32x128xf32, #tpu.memory_space<hbm>>
        %dma_wait3A_1798 = tpu.memref_slice %arg12[%dma_wait3A_1789, %dma_wait3A_1790] : memref<2x8x!tpu.dma_semaphore, #tpu.memory_space<semaphore_mem>> -> memref<1x1x!tpu.dma_semaphore, #tpu.memory_space<semaphore_mem>>
        %dma_wait3A_1799 = tpu.memref_squeeze %dma_wait3A_1798 : memref<1x1x!tpu.dma_semaphore, #tpu.memory_space<semaphore_mem>> -> memref<!tpu.dma_semaphore, #tpu.memory_space<semaphore_mem>>
        %dma_wait3A_1800 = arith.constant 0 : i32
        %dma_wait3A_1801 = arith.constant 0 : i32
        %dma_wait3A_1802 = tpu.memref_slice %arg9[%dma_wait3A_1788, %dma_wait3A_1800, %dma_wait3A_1801] : memref<8x32x128xf32, #tpu.memory_space<vmem>> -> memref<1x32x128xf32, #tpu.memory_space<vmem>>
        %dma_wait3A_1803 = tpu.memref_squeeze %dma_wait3A_1802 : memref<1x32x128xf32, #tpu.memory_space<vmem>> -> memref<32x128xf32, #tpu.memory_space<vmem>>
        %dma_wait3A_1804 = arith.constant 0 : i32
        %dma_wait3A_1805 = arith.constant 0 : i32
        %dma_wait3A_1806 = tpu.memref_slice %arg4[%dma_wait3A_1804, %dma_wait3A_1805] : memref<32x1000000xf32, #tpu.memory_space<hbm>> -> memref<32x128xf32, #tpu.memory_space<hbm>>
        tpu.wait_dma2 semaphore(%dma_wait3A_1799 : memref<!tpu.dma_semaphore, #tpu.memory_space<semaphore_mem>>) src(%dma_wait3A_1806 : memref<32x128xf32, #tpu.memory_space<hbm>>) dst(%dma_wait3A_1803 : memref<32x128xf32, #tpu.memory_space<vmem>>)
        %dma_wait3A_1807 = arith.constant 6 : i32
        %dma_wait3A_1808 = arith.constant 1 : i32
        %dma_wait3A_1809 = arith.constant 6 : i32
        %dma_wait3A_1810 = arith.constant 0 : i32
        %dma_wait3A_1811 = arith.constant 0 : i32
        %dma_wait3A_1812 = tpu.memref_slice %arg10[%dma_wait3A_1807, %dma_wait3A_1810, %dma_wait3A_1811] : memref<8x32x128xf32, #tpu.memory_space<vmem>> -> memref<1x32x128xf32, #tpu.memory_space<vmem>>
        %dma_wait3A_1813 = tpu.memref_squeeze %dma_wait3A_1812 : memref<1x32x128xf32, #tpu.memory_space<vmem>> -> memref<32x128xf32, #tpu.memory_space<vmem>>
        %dma_wait3A_1814 = arith.constant 0 : i32
        %dma_wait3A_1815 = arith.constant 0 : i32
        %dma_wait3A_1816 = tpu.memref_slice %arg5[%dma_wait3A_1814, %dma_wait3A_1815] : memref<32x1000000xf32, #tpu.memory_space<hbm>> -> memref<32x128xf32, #tpu.memory_space<hbm>>
        %dma_wait3A_1817 = tpu.memref_slice %arg12[%dma_wait3A_1808, %dma_wait3A_1809] : memref<2x8x!tpu.dma_semaphore, #tpu.memory_space<semaphore_mem>> -> memref<1x1x!tpu.dma_semaphore, #tpu.memory_space<semaphore_mem>>
        %dma_wait3A_1818 = tpu.memref_squeeze %dma_wait3A_1817 : memref<1x1x!tpu.dma_semaphore, #tpu.memory_space<semaphore_mem>> -> memref<!tpu.dma_semaphore, #tpu.memory_space<semaphore_mem>>
        %dma_wait3A_1819 = arith.constant 0 : i32
        %dma_wait3A_1820 = arith.constant 0 : i32
        %dma_wait3A_1821 = tpu.memref_slice %arg10[%dma_wait3A_1807, %dma_wait3A_1819, %dma_wait3A_1820] : memref<8x32x128xf32, #tpu.memory_space<vmem>> -> memref<1x32x128xf32, #tpu.memory_space<vmem>>
        %dma_wait3A_1822 = tpu.memref_squeeze %dma_wait3A_1821 : memref<1x32x128xf32, #tpu.memory_space<vmem>> -> memref<32x128xf32, #tpu.memory_space<vmem>>
        %dma_wait3A_1823 = arith.constant 0 : i32
        %dma_wait3A_1824 = arith.constant 0 : i32
        %dma_wait3A_1825 = tpu.memref_slice %arg5[%dma_wait3A_1823, %dma_wait3A_1824] : memref<32x1000000xf32, #tpu.memory_space<hbm>> -> memref<32x128xf32, #tpu.memory_space<hbm>>
        tpu.wait_dma2 semaphore(%dma_wait3A_1818 : memref<!tpu.dma_semaphore, #tpu.memory_space<semaphore_mem>>) src(%dma_wait3A_1825 : memref<32x128xf32, #tpu.memory_space<hbm>>) dst(%dma_wait3A_1822 : memref<32x128xf32, #tpu.memory_space<vmem>>)
        %mul3A_1826 = arith.constant 16 : i32
        %mul3A_1827 = arith.muli %scan3A_526, %mul3A_1826 : i32
        %add3A_1828 = arith.constant 6 : i32
        %add3A_1829 = arith.addi %mul3A_1827, %add3A_1828 : i32
        %sub3A_1830 = arith.constant 8 : i32
        %sub3A_1831 = arith.subi %add3A_1829, %sub3A_1830 : i32
        %slice3A_1832 = vector.extract_strided_slice %scan3A_527 {offsets = [14], sizes = [1], strides = [1]} : vector<16xi32> to vector<1xi32>
        %squeeze3A_1833 = vector.extract %slice3A_1832[0] : i32 from vector<1xi32>
        %broadcast_in_dim3A_1834 = vector.broadcast %squeeze3A_1833 : i32 to vector<16xi32>
        %slice3A_1835 = vector.extract_strided_slice %scan3A_528 {offsets = [14], sizes = [1], strides = [1]} : vector<16xi32> to vector<1xi32>
        %squeeze3A_1836 = vector.extract %slice3A_1835[0] : i32 from vector<1xi32>
        %broadcast_in_dim3A_1837 = vector.broadcast %squeeze3A_1836 : i32 to vector<16xi32>
        %broadcast_in_dim3A_1838 = arith.constant 6 : i32
        %broadcast_in_dim3A_1839 = vector.broadcast %broadcast_in_dim3A_1838 : i32 to vector<16xi32>
        %gather3A_1840 = tpu.vector_load_idx %arg9[%broadcast_in_dim3A_1839, %iota3A, %broadcast_in_dim3A_1834] : memref<8x32x128xf32, #tpu.memory_space<vmem>>[vector<16xi32>, vector<16xi32>, vector<16xi32>], vector<16xf32>,
        %add3A_1841 = arith.constant 16 : i32
        %add3A_1842 = vector.broadcast %add3A_1841 : i32 to vector<16xi32>
        %add3A_1843 = arith.addi %iota3A, %add3A_1842 : vector<16xi32>
        %gather3A_1844 = tpu.vector_load_idx %arg9[%broadcast_in_dim3A_1839, %add3A_1843, %broadcast_in_dim3A_1834] : memref<8x32x128xf32, #tpu.memory_space<vmem>>[vector<16xi32>, vector<16xi32>, vector<16xi32>], vector<16xf32>,
        %gather3A_1845 = tpu.vector_load_idx %arg10[%broadcast_in_dim3A_1839, %iota3A, %broadcast_in_dim3A_1837] : memref<8x32x128xf32, #tpu.memory_space<vmem>>[vector<16xi32>, vector<16xi32>, vector<16xi32>], vector<16xf32>,
        %add3A_1846 = arith.constant 16 : i32
        %add3A_1847 = vector.broadcast %add3A_1846 : i32 to vector<16xi32>
        %add3A_1848 = arith.addi %iota3A, %add3A_1847 : vector<16xi32>
        %gather3A_1849 = tpu.vector_load_idx %arg10[%broadcast_in_dim3A_1839, %add3A_1848, %broadcast_in_dim3A_1837] : memref<8x32x128xf32, #tpu.memory_space<vmem>>[vector<16xi32>, vector<16xi32>, vector<16xi32>], vector<16xf32>,
        %shift_right_arithmetic3A_1850 = arith.constant 7 : i32
        %shift_right_arithmetic3A_1851 = arith.shrsi %sub3A_1831, %shift_right_arithmetic3A_1850 : i32
        %broadcast_in_dim3A_1852 = vector.broadcast %shift_right_arithmetic3A_1851 : i32 to vector<16xi32>
        %and3A_1853 = arith.constant 127 : i32
        %and3A_1854 = arith.andi %sub3A_1831, %and3A_1853 : i32
        %broadcast_in_dim3A_1855 = vector.broadcast %and3A_1854 : i32 to vector<16xi32>
        %mul3A_1856 = arith.mulf %gather3A_1840, %gather3A_1845 : vector<16xf32>
        tpu.vector_store_idx %arg11[%shift_right_arithmetic3A_4, %broadcast_in_dim3A_1852, %and3A_6, %broadcast_in_dim3A_1855], %mul3A_1856 : memref<4x4x8x128xf32, #tpu.memory_space<vmem>>[vector<16xi32>, vector<16xi32>, vector<16xi32>, vector<16xi32>], vector<16xf32>,
        %mul3A_1857 = arith.mulf %gather3A_1844, %gather3A_1849 : vector<16xf32>
        tpu.vector_store_idx %arg11[%shift_right_arithmetic3A_12, %broadcast_in_dim3A_1852, %and3A_6, %broadcast_in_dim3A_1855], %mul3A_1857 : memref<4x4x8x128xf32, #tpu.memory_space<vmem>>[vector<16xi32>, vector<16xi32>, vector<16xi32>, vector<16xi32>], vector<16xf32>,
      } else {
      }
      %slice3A_824 = vector.extract_strided_slice %mul3A_541 {offsets = [6], sizes = [1], strides = [1]} : vector<16xi32> to vector<1xi32>
      %squeeze3A_825 = vector.extract %slice3A_824[0] : i32 from vector<1xi32>
      %multiple_of3A_826 = tpu.assume_multiple %squeeze3A_825, 128 : i32
      %slice3A_827 = vector.extract_strided_slice %mul3A_547 {offsets = [6], sizes = [1], strides = [1]} : vector<16xi32> to vector<1xi32>
      %squeeze3A_828 = vector.extract %slice3A_827[0] : i32 from vector<1xi32>
      %multiple_of3A_829 = tpu.assume_multiple %squeeze3A_828, 128 : i32
      %dma_start3A_830 = arith.constant 6 : i32
      %dma_start3A_831 = arith.constant 0 : i32
      %dma_start3A_832 = arith.constant 6 : i32
      %dma_start3A_833 = arith.constant 0 : i32
      %dma_start3A_834 = arith.constant 0 : i32
      %dma_start3A_835 = tpu.memref_slice %arg9[%dma_start3A_830, %dma_start3A_833, %dma_start3A_834] : memref<8x32x128xf32, #tpu.memory_space<vmem>> -> memref<1x32x128xf32, #tpu.memory_space<vmem>>
      %dma_start3A_836 = tpu.memref_squeeze %dma_start3A_835 : memref<1x32x128xf32, #tpu.memory_space<vmem>> -> memref<32x128xf32, #tpu.memory_space<vmem>>
      %dma_start3A_837 = arith.constant 0 : i32
      %dma_start3A_838 = tpu.memref_slice %arg4[%dma_start3A_837, %multiple_of3A_826] : memref<32x1000000xf32, #tpu.memory_space<hbm>> -> memref<32x128xf32, #tpu.memory_space<hbm>>
      %dma_start3A_839 = tpu.memref_slice %arg12[%dma_start3A_831, %dma_start3A_832] : memref<2x8x!tpu.dma_semaphore, #tpu.memory_space<semaphore_mem>> -> memref<1x1x!tpu.dma_semaphore, #tpu.memory_space<semaphore_mem>>
      %dma_start3A_840 = tpu.memref_squeeze %dma_start3A_839 : memref<1x1x!tpu.dma_semaphore, #tpu.memory_space<semaphore_mem>> -> memref<!tpu.dma_semaphore, #tpu.memory_space<semaphore_mem>>
      %dma_start3A_841 = arith.constant 0 : i32
      %dma_start3A_842 = arith.constant 0 : i32
      %dma_start3A_843 = tpu.memref_slice %arg9[%dma_start3A_830, %dma_start3A_841, %dma_start3A_842] : memref<8x32x128xf32, #tpu.memory_space<vmem>> -> memref<1x32x128xf32, #tpu.memory_space<vmem>>
      %dma_start3A_844 = tpu.memref_squeeze %dma_start3A_843 : memref<1x32x128xf32, #tpu.memory_space<vmem>> -> memref<32x128xf32, #tpu.memory_space<vmem>>
      %dma_start3A_845 = arith.constant 0 : i32
      %dma_start3A_846 = tpu.memref_slice %arg4[%dma_start3A_845, %multiple_of3A_826] : memref<32x1000000xf32, #tpu.memory_space<hbm>> -> memref<32x128xf32, #tpu.memory_space<hbm>>
      tpu.enqueue_dma source(%dma_start3A_846 : memref<32x128xf32, #tpu.memory_space<hbm>>) target(%dma_start3A_844 : memref<32x128xf32, #tpu.memory_space<vmem>>) target_semaphore(%dma_start3A_840 : memref<!tpu.dma_semaphore, #tpu.memory_space<semaphore_mem>>)
      %dma_start3A_847 = arith.constant 6 : i32
      %dma_start3A_848 = arith.constant 1 : i32
      %dma_start3A_849 = arith.constant 6 : i32
      %dma_start3A_850 = arith.constant 0 : i32
      %dma_start3A_851 = arith.constant 0 : i32
      %dma_start3A_852 = tpu.memref_slice %arg10[%dma_start3A_847, %dma_start3A_850, %dma_start3A_851] : memref<8x32x128xf32, #tpu.memory_space<vmem>> -> memref<1x32x128xf32, #tpu.memory_space<vmem>>
      %dma_start3A_853 = tpu.memref_squeeze %dma_start3A_852 : memref<1x32x128xf32, #tpu.memory_space<vmem>> -> memref<32x128xf32, #tpu.memory_space<vmem>>
      %dma_start3A_854 = arith.constant 0 : i32
      %dma_start3A_855 = tpu.memref_slice %arg5[%dma_start3A_854, %multiple_of3A_829] : memref<32x1000000xf32, #tpu.memory_space<hbm>> -> memref<32x128xf32, #tpu.memory_space<hbm>>
      %dma_start3A_856 = tpu.memref_slice %arg12[%dma_start3A_848, %dma_start3A_849] : memref<2x8x!tpu.dma_semaphore, #tpu.memory_space<semaphore_mem>> -> memref<1x1x!tpu.dma_semaphore, #tpu.memory_space<semaphore_mem>>
      %dma_start3A_857 = tpu.memref_squeeze %dma_start3A_856 : memref<1x1x!tpu.dma_semaphore, #tpu.memory_space<semaphore_mem>> -> memref<!tpu.dma_semaphore, #tpu.memory_space<semaphore_mem>>
      %dma_start3A_858 = arith.constant 0 : i32
      %dma_start3A_859 = arith.constant 0 : i32
      %dma_start3A_860 = tpu.memref_slice %arg10[%dma_start3A_847, %dma_start3A_858, %dma_start3A_859] : memref<8x32x128xf32, #tpu.memory_space<vmem>> -> memref<1x32x128xf32, #tpu.memory_space<vmem>>
      %dma_start3A_861 = tpu.memref_squeeze %dma_start3A_860 : memref<1x32x128xf32, #tpu.memory_space<vmem>> -> memref<32x128xf32, #tpu.memory_space<vmem>>
      %dma_start3A_862 = arith.constant 0 : i32
      %dma_start3A_863 = tpu.memref_slice %arg5[%dma_start3A_862, %multiple_of3A_829] : memref<32x1000000xf32, #tpu.memory_space<hbm>> -> memref<32x128xf32, #tpu.memory_space<hbm>>
      tpu.enqueue_dma source(%dma_start3A_863 : memref<32x128xf32, #tpu.memory_space<hbm>>) target(%dma_start3A_861 : memref<32x128xf32, #tpu.memory_space<vmem>>) target_semaphore(%dma_start3A_857 : memref<!tpu.dma_semaphore, #tpu.memory_space<semaphore_mem>>)
      %gt3A_864 = arith.constant 0 : i32
      %gt3A_865 = arith.cmpi sgt, %scan3A_526, %gt3A_864 : i32
      %convert_element_type3A_866 = arith.extui %gt3A_865 : i1 to i32
      %cond3A_867 = arith.constant 0 : i32
      %cond3A_868 = arith.cmpi ne, %convert_element_type3A_866, %cond3A_867 : i32
      scf.if %cond3A_868 {
        %dma_wait3A_1788 = arith.constant 7 : i32
        %dma_wait3A_1789 = arith.constant 0 : i32
        %dma_wait3A_1790 = arith.constant 7 : i32
        %dma_wait3A_1791 = arith.constant 0 : i32
        %dma_wait3A_1792 = arith.constant 0 : i32
        %dma_wait3A_1793 = tpu.memref_slice %arg9[%dma_wait3A_1788, %dma_wait3A_1791, %dma_wait3A_1792] : memref<8x32x128xf32, #tpu.memory_space<vmem>> -> memref<1x32x128xf32, #tpu.memory_space<vmem>>
        %dma_wait3A_1794 = tpu.memref_squeeze %dma_wait3A_1793 : memref<1x32x128xf32, #tpu.memory_space<vmem>> -> memref<32x128xf32, #tpu.memory_space<vmem>>
        %dma_wait3A_1795 = arith.constant 0 : i32
        %dma_wait3A_1796 = arith.constant 0 : i32
        %dma_wait3A_1797 = tpu.memref_slice %arg4[%dma_wait3A_1795, %dma_wait3A_1796] : memref<32x1000000xf32, #tpu.memory_space<hbm>> -> memref<32x128xf32, #tpu.memory_space<hbm>>
        %dma_wait3A_1798 = tpu.memref_slice %arg12[%dma_wait3A_1789, %dma_wait3A_1790] : memref<2x8x!tpu.dma_semaphore, #tpu.memory_space<semaphore_mem>> -> memref<1x1x!tpu.dma_semaphore, #tpu.memory_space<semaphore_mem>>
        %dma_wait3A_1799 = tpu.memref_squeeze %dma_wait3A_1798 : memref<1x1x!tpu.dma_semaphore, #tpu.memory_space<semaphore_mem>> -> memref<!tpu.dma_semaphore, #tpu.memory_space<semaphore_mem>>
        %dma_wait3A_1800 = arith.constant 0 : i32
        %dma_wait3A_1801 = arith.constant 0 : i32
        %dma_wait3A_1802 = tpu.memref_slice %arg9[%dma_wait3A_1788, %dma_wait3A_1800, %dma_wait3A_1801] : memref<8x32x128xf32, #tpu.memory_space<vmem>> -> memref<1x32x128xf32, #tpu.memory_space<vmem>>
        %dma_wait3A_1803 = tpu.memref_squeeze %dma_wait3A_1802 : memref<1x32x128xf32, #tpu.memory_space<vmem>> -> memref<32x128xf32, #tpu.memory_space<vmem>>
        %dma_wait3A_1804 = arith.constant 0 : i32
        %dma_wait3A_1805 = arith.constant 0 : i32
        %dma_wait3A_1806 = tpu.memref_slice %arg4[%dma_wait3A_1804, %dma_wait3A_1805] : memref<32x1000000xf32, #tpu.memory_space<hbm>> -> memref<32x128xf32, #tpu.memory_space<hbm>>
        tpu.wait_dma2 semaphore(%dma_wait3A_1799 : memref<!tpu.dma_semaphore, #tpu.memory_space<semaphore_mem>>) src(%dma_wait3A_1806 : memref<32x128xf32, #tpu.memory_space<hbm>>) dst(%dma_wait3A_1803 : memref<32x128xf32, #tpu.memory_space<vmem>>)
        %dma_wait3A_1807 = arith.constant 7 : i32
        %dma_wait3A_1808 = arith.constant 1 : i32
        %dma_wait3A_1809 = arith.constant 7 : i32
        %dma_wait3A_1810 = arith.constant 0 : i32
        %dma_wait3A_1811 = arith.constant 0 : i32
        %dma_wait3A_1812 = tpu.memref_slice %arg10[%dma_wait3A_1807, %dma_wait3A_1810, %dma_wait3A_1811] : memref<8x32x128xf32, #tpu.memory_space<vmem>> -> memref<1x32x128xf32, #tpu.memory_space<vmem>>
        %dma_wait3A_1813 = tpu.memref_squeeze %dma_wait3A_1812 : memref<1x32x128xf32, #tpu.memory_space<vmem>> -> memref<32x128xf32, #tpu.memory_space<vmem>>
        %dma_wait3A_1814 = arith.constant 0 : i32
        %dma_wait3A_1815 = arith.constant 0 : i32
        %dma_wait3A_1816 = tpu.memref_slice %arg5[%dma_wait3A_1814, %dma_wait3A_1815] : memref<32x1000000xf32, #tpu.memory_space<hbm>> -> memref<32x128xf32, #tpu.memory_space<hbm>>
        %dma_wait3A_1817 = tpu.memref_slice %arg12[%dma_wait3A_1808, %dma_wait3A_1809] : memref<2x8x!tpu.dma_semaphore, #tpu.memory_space<semaphore_mem>> -> memref<1x1x!tpu.dma_semaphore, #tpu.memory_space<semaphore_mem>>
        %dma_wait3A_1818 = tpu.memref_squeeze %dma_wait3A_1817 : memref<1x1x!tpu.dma_semaphore, #tpu.memory_space<semaphore_mem>> -> memref<!tpu.dma_semaphore, #tpu.memory_space<semaphore_mem>>
        %dma_wait3A_1819 = arith.constant 0 : i32
        %dma_wait3A_1820 = arith.constant 0 : i32
        %dma_wait3A_1821 = tpu.memref_slice %arg10[%dma_wait3A_1807, %dma_wait3A_1819, %dma_wait3A_1820] : memref<8x32x128xf32, #tpu.memory_space<vmem>> -> memref<1x32x128xf32, #tpu.memory_space<vmem>>
        %dma_wait3A_1822 = tpu.memref_squeeze %dma_wait3A_1821 : memref<1x32x128xf32, #tpu.memory_space<vmem>> -> memref<32x128xf32, #tpu.memory_space<vmem>>
        %dma_wait3A_1823 = arith.constant 0 : i32
        %dma_wait3A_1824 = arith.constant 0 : i32
        %dma_wait3A_1825 = tpu.memref_slice %arg5[%dma_wait3A_1823, %dma_wait3A_1824] : memref<32x1000000xf32, #tpu.memory_space<hbm>> -> memref<32x128xf32, #tpu.memory_space<hbm>>
        tpu.wait_dma2 semaphore(%dma_wait3A_1818 : memref<!tpu.dma_semaphore, #tpu.memory_space<semaphore_mem>>) src(%dma_wait3A_1825 : memref<32x128xf32, #tpu.memory_space<hbm>>) dst(%dma_wait3A_1822 : memref<32x128xf32, #tpu.memory_space<vmem>>)
        %mul3A_1826 = arith.constant 16 : i32
        %mul3A_1827 = arith.muli %scan3A_526, %mul3A_1826 : i32
        %add3A_1828 = arith.constant 7 : i32
        %add3A_1829 = arith.addi %mul3A_1827, %add3A_1828 : i32
        %sub3A_1830 = arith.constant 8 : i32
        %sub3A_1831 = arith.subi %add3A_1829, %sub3A_1830 : i32
        %slice3A_1832 = vector.extract_strided_slice %scan3A_527 {offsets = [15], sizes = [1], strides = [1]} : vector<16xi32> to vector<1xi32>
        %squeeze3A_1833 = vector.extract %slice3A_1832[0] : i32 from vector<1xi32>
        %broadcast_in_dim3A_1834 = vector.broadcast %squeeze3A_1833 : i32 to vector<16xi32>
        %slice3A_1835 = vector.extract_strided_slice %scan3A_528 {offsets = [15], sizes = [1], strides = [1]} : vector<16xi32> to vector<1xi32>
        %squeeze3A_1836 = vector.extract %slice3A_1835[0] : i32 from vector<1xi32>
        %broadcast_in_dim3A_1837 = vector.broadcast %squeeze3A_1836 : i32 to vector<16xi32>
        %broadcast_in_dim3A_1838 = arith.constant 7 : i32
        %broadcast_in_dim3A_1839 = vector.broadcast %broadcast_in_dim3A_1838 : i32 to vector<16xi32>
        %gather3A_1840 = tpu.vector_load_idx %arg9[%broadcast_in_dim3A_1839, %iota3A, %broadcast_in_dim3A_1834] : memref<8x32x128xf32, #tpu.memory_space<vmem>>[vector<16xi32>, vector<16xi32>, vector<16xi32>], vector<16xf32>,
        %add3A_1841 = arith.constant 16 : i32
        %add3A_1842 = vector.broadcast %add3A_1841 : i32 to vector<16xi32>
        %add3A_1843 = arith.addi %iota3A, %add3A_1842 : vector<16xi32>
        %gather3A_1844 = tpu.vector_load_idx %arg9[%broadcast_in_dim3A_1839, %add3A_1843, %broadcast_in_dim3A_1834] : memref<8x32x128xf32, #tpu.memory_space<vmem>>[vector<16xi32>, vector<16xi32>, vector<16xi32>], vector<16xf32>,
        %gather3A_1845 = tpu.vector_load_idx %arg10[%broadcast_in_dim3A_1839, %iota3A, %broadcast_in_dim3A_1837] : memref<8x32x128xf32, #tpu.memory_space<vmem>>[vector<16xi32>, vector<16xi32>, vector<16xi32>], vector<16xf32>,
        %add3A_1846 = arith.constant 16 : i32
        %add3A_1847 = vector.broadcast %add3A_1846 : i32 to vector<16xi32>
        %add3A_1848 = arith.addi %iota3A, %add3A_1847 : vector<16xi32>
        %gather3A_1849 = tpu.vector_load_idx %arg10[%broadcast_in_dim3A_1839, %add3A_1848, %broadcast_in_dim3A_1837] : memref<8x32x128xf32, #tpu.memory_space<vmem>>[vector<16xi32>, vector<16xi32>, vector<16xi32>], vector<16xf32>,
        %shift_right_arithmetic3A_1850 = arith.constant 7 : i32
        %shift_right_arithmetic3A_1851 = arith.shrsi %sub3A_1831, %shift_right_arithmetic3A_1850 : i32
        %broadcast_in_dim3A_1852 = vector.broadcast %shift_right_arithmetic3A_1851 : i32 to vector<16xi32>
        %and3A_1853 = arith.constant 127 : i32
        %and3A_1854 = arith.andi %sub3A_1831, %and3A_1853 : i32
        %broadcast_in_dim3A_1855 = vector.broadcast %and3A_1854 : i32 to vector<16xi32>
        %mul3A_1856 = arith.mulf %gather3A_1840, %gather3A_1845 : vector<16xf32>
        tpu.vector_store_idx %arg11[%shift_right_arithmetic3A_4, %broadcast_in_dim3A_1852, %and3A_6, %broadcast_in_dim3A_1855], %mul3A_1856 : memref<4x4x8x128xf32, #tpu.memory_space<vmem>>[vector<16xi32>, vector<16xi32>, vector<16xi32>, vector<16xi32>], vector<16xf32>,
        %mul3A_1857 = arith.mulf %gather3A_1844, %gather3A_1849 : vector<16xf32>
        tpu.vector_store_idx %arg11[%shift_right_arithmetic3A_12, %broadcast_in_dim3A_1852, %and3A_6, %broadcast_in_dim3A_1855], %mul3A_1857 : memref<4x4x8x128xf32, #tpu.memory_space<vmem>>[vector<16xi32>, vector<16xi32>, vector<16xi32>, vector<16xi32>], vector<16xf32>,
      } else {
      }
      %slice3A_869 = vector.extract_strided_slice %mul3A_541 {offsets = [7], sizes = [1], strides = [1]} : vector<16xi32> to vector<1xi32>
      %squeeze3A_870 = vector.extract %slice3A_869[0] : i32 from vector<1xi32>
      %multiple_of3A_871 = tpu.assume_multiple %squeeze3A_870, 128 : i32
      %slice3A_872 = vector.extract_strided_slice %mul3A_547 {offsets = [7], sizes = [1], strides = [1]} : vector<16xi32> to vector<1xi32>
      %squeeze3A_873 = vector.extract %slice3A_872[0] : i32 from vector<1xi32>
      %multiple_of3A_874 = tpu.assume_multiple %squeeze3A_873, 128 : i32
      %dma_start3A_875 = arith.constant 7 : i32
      %dma_start3A_876 = arith.constant 0 : i32
      %dma_start3A_877 = arith.constant 7 : i32
      %dma_start3A_878 = arith.constant 0 : i32
      %dma_start3A_879 = arith.constant 0 : i32
      %dma_start3A_880 = tpu.memref_slice %arg9[%dma_start3A_875, %dma_start3A_878, %dma_start3A_879] : memref<8x32x128xf32, #tpu.memory_space<vmem>> -> memref<1x32x128xf32, #tpu.memory_space<vmem>>
      %dma_start3A_881 = tpu.memref_squeeze %dma_start3A_880 : memref<1x32x128xf32, #tpu.memory_space<vmem>> -> memref<32x128xf32, #tpu.memory_space<vmem>>
      %dma_start3A_882 = arith.constant 0 : i32
      %dma_start3A_883 = tpu.memref_slice %arg4[%dma_start3A_882, %multiple_of3A_871] : memref<32x1000000xf32, #tpu.memory_space<hbm>> -> memref<32x128xf32, #tpu.memory_space<hbm>>
      %dma_start3A_884 = tpu.memref_slice %arg12[%dma_start3A_876, %dma_start3A_877] : memref<2x8x!tpu.dma_semaphore, #tpu.memory_space<semaphore_mem>> -> memref<1x1x!tpu.dma_semaphore, #tpu.memory_space<semaphore_mem>>
      %dma_start3A_885 = tpu.memref_squeeze %dma_start3A_884 : memref<1x1x!tpu.dma_semaphore, #tpu.memory_space<semaphore_mem>> -> memref<!tpu.dma_semaphore, #tpu.memory_space<semaphore_mem>>
      %dma_start3A_886 = arith.constant 0 : i32
      %dma_start3A_887 = arith.constant 0 : i32
      %dma_start3A_888 = tpu.memref_slice %arg9[%dma_start3A_875, %dma_start3A_886, %dma_start3A_887] : memref<8x32x128xf32, #tpu.memory_space<vmem>> -> memref<1x32x128xf32, #tpu.memory_space<vmem>>
      %dma_start3A_889 = tpu.memref_squeeze %dma_start3A_888 : memref<1x32x128xf32, #tpu.memory_space<vmem>> -> memref<32x128xf32, #tpu.memory_space<vmem>>
      %dma_start3A_890 = arith.constant 0 : i32
      %dma_start3A_891 = tpu.memref_slice %arg4[%dma_start3A_890, %multiple_of3A_871] : memref<32x1000000xf32, #tpu.memory_space<hbm>> -> memref<32x128xf32, #tpu.memory_space<hbm>>
      tpu.enqueue_dma source(%dma_start3A_891 : memref<32x128xf32, #tpu.memory_space<hbm>>) target(%dma_start3A_889 : memref<32x128xf32, #tpu.memory_space<vmem>>) target_semaphore(%dma_start3A_885 : memref<!tpu.dma_semaphore, #tpu.memory_space<semaphore_mem>>)
      %dma_start3A_892 = arith.constant 7 : i32
      %dma_start3A_893 = arith.constant 1 : i32
      %dma_start3A_894 = arith.constant 7 : i32
      %dma_start3A_895 = arith.constant 0 : i32
      %dma_start3A_896 = arith.constant 0 : i32
      %dma_start3A_897 = tpu.memref_slice %arg10[%dma_start3A_892, %dma_start3A_895, %dma_start3A_896] : memref<8x32x128xf32, #tpu.memory_space<vmem>> -> memref<1x32x128xf32, #tpu.memory_space<vmem>>
      %dma_start3A_898 = tpu.memref_squeeze %dma_start3A_897 : memref<1x32x128xf32, #tpu.memory_space<vmem>> -> memref<32x128xf32, #tpu.memory_space<vmem>>
      %dma_start3A_899 = arith.constant 0 : i32
      %dma_start3A_900 = tpu.memref_slice %arg5[%dma_start3A_899, %multiple_of3A_874] : memref<32x1000000xf32, #tpu.memory_space<hbm>> -> memref<32x128xf32, #tpu.memory_space<hbm>>
      %dma_start3A_901 = tpu.memref_slice %arg12[%dma_start3A_893, %dma_start3A_894] : memref<2x8x!tpu.dma_semaphore, #tpu.memory_space<semaphore_mem>> -> memref<1x1x!tpu.dma_semaphore, #tpu.memory_space<semaphore_mem>>
      %dma_start3A_902 = tpu.memref_squeeze %dma_start3A_901 : memref<1x1x!tpu.dma_semaphore, #tpu.memory_space<semaphore_mem>> -> memref<!tpu.dma_semaphore, #tpu.memory_space<semaphore_mem>>
      %dma_start3A_903 = arith.constant 0 : i32
      %dma_start3A_904 = arith.constant 0 : i32
      %dma_start3A_905 = tpu.memref_slice %arg10[%dma_start3A_892, %dma_start3A_903, %dma_start3A_904] : memref<8x32x128xf32, #tpu.memory_space<vmem>> -> memref<1x32x128xf32, #tpu.memory_space<vmem>>
      %dma_start3A_906 = tpu.memref_squeeze %dma_start3A_905 : memref<1x32x128xf32, #tpu.memory_space<vmem>> -> memref<32x128xf32, #tpu.memory_space<vmem>>
      %dma_start3A_907 = arith.constant 0 : i32
      %dma_start3A_908 = tpu.memref_slice %arg5[%dma_start3A_907, %multiple_of3A_874] : memref<32x1000000xf32, #tpu.memory_space<hbm>> -> memref<32x128xf32, #tpu.memory_space<hbm>>
      tpu.enqueue_dma source(%dma_start3A_908 : memref<32x128xf32, #tpu.memory_space<hbm>>) target(%dma_start3A_906 : memref<32x128xf32, #tpu.memory_space<vmem>>) target_semaphore(%dma_start3A_902 : memref<!tpu.dma_semaphore, #tpu.memory_space<semaphore_mem>>)
      %dma_wait3A_909 = arith.constant 0 : i32
      %dma_wait3A_910 = arith.constant 0 : i32
      %dma_wait3A_911 = arith.constant 0 : i32
      %dma_wait3A_912 = arith.constant 0 : i32
      %dma_wait3A_913 = arith.constant 0 : i32
      %dma_wait3A_914 = tpu.memref_slice %arg9[%dma_wait3A_909, %dma_wait3A_912, %dma_wait3A_913] : memref<8x32x128xf32, #tpu.memory_space<vmem>> -> memref<1x32x128xf32, #tpu.memory_space<vmem>>
      %dma_wait3A_915 = tpu.memref_squeeze %dma_wait3A_914 : memref<1x32x128xf32, #tpu.memory_space<vmem>> -> memref<32x128xf32, #tpu.memory_space<vmem>>
      %dma_wait3A_916 = arith.constant 0 : i32
      %dma_wait3A_917 = arith.constant 0 : i32
      %dma_wait3A_918 = tpu.memref_slice %arg4[%dma_wait3A_916, %dma_wait3A_917] : memref<32x1000000xf32, #tpu.memory_space<hbm>> -> memref<32x128xf32, #tpu.memory_space<hbm>>
      %dma_wait3A_919 = tpu.memref_slice %arg12[%dma_wait3A_910, %dma_wait3A_911] : memref<2x8x!tpu.dma_semaphore, #tpu.memory_space<semaphore_mem>> -> memref<1x1x!tpu.dma_semaphore, #tpu.memory_space<semaphore_mem>>
      %dma_wait3A_920 = tpu.memref_squeeze %dma_wait3A_919 : memref<1x1x!tpu.dma_semaphore, #tpu.memory_space<semaphore_mem>> -> memref<!tpu.dma_semaphore, #tpu.memory_space<semaphore_mem>>
      %dma_wait3A_921 = arith.constant 0 : i32
      %dma_wait3A_922 = arith.constant 0 : i32
      %dma_wait3A_923 = tpu.memref_slice %arg9[%dma_wait3A_909, %dma_wait3A_921, %dma_wait3A_922] : memref<8x32x128xf32, #tpu.memory_space<vmem>> -> memref<1x32x128xf32, #tpu.memory_space<vmem>>
      %dma_wait3A_924 = tpu.memref_squeeze %dma_wait3A_923 : memref<1x32x128xf32, #tpu.memory_space<vmem>> -> memref<32x128xf32, #tpu.memory_space<vmem>>
      %dma_wait3A_925 = arith.constant 0 : i32
      %dma_wait3A_926 = arith.constant 0 : i32
      %dma_wait3A_927 = tpu.memref_slice %arg4[%dma_wait3A_925, %dma_wait3A_926] : memref<32x1000000xf32, #tpu.memory_space<hbm>> -> memref<32x128xf32, #tpu.memory_space<hbm>>
      tpu.wait_dma2 semaphore(%dma_wait3A_920 : memref<!tpu.dma_semaphore, #tpu.memory_space<semaphore_mem>>) src(%dma_wait3A_927 : memref<32x128xf32, #tpu.memory_space<hbm>>) dst(%dma_wait3A_924 : memref<32x128xf32, #tpu.memory_space<vmem>>)
      %dma_wait3A_928 = arith.constant 0 : i32
      %dma_wait3A_929 = arith.constant 1 : i32
      %dma_wait3A_930 = arith.constant 0 : i32
      %dma_wait3A_931 = arith.constant 0 : i32
      %dma_wait3A_932 = arith.constant 0 : i32
      %dma_wait3A_933 = tpu.memref_slice %arg10[%dma_wait3A_928, %dma_wait3A_931, %dma_wait3A_932] : memref<8x32x128xf32, #tpu.memory_space<vmem>> -> memref<1x32x128xf32, #tpu.memory_space<vmem>>
      %dma_wait3A_934 = tpu.memref_squeeze %dma_wait3A_933 : memref<1x32x128xf32, #tpu.memory_space<vmem>> -> memref<32x128xf32, #tpu.memory_space<vmem>>
      %dma_wait3A_935 = arith.constant 0 : i32
      %dma_wait3A_936 = arith.constant 0 : i32
      %dma_wait3A_937 = tpu.memref_slice %arg5[%dma_wait3A_935, %dma_wait3A_936] : memref<32x1000000xf32, #tpu.memory_space<hbm>> -> memref<32x128xf32, #tpu.memory_space<hbm>>
      %dma_wait3A_938 = tpu.memref_slice %arg12[%dma_wait3A_929, %dma_wait3A_930] : memref<2x8x!tpu.dma_semaphore, #tpu.memory_space<semaphore_mem>> -> memref<1x1x!tpu.dma_semaphore, #tpu.memory_space<semaphore_mem>>
      %dma_wait3A_939 = tpu.memref_squeeze %dma_wait3A_938 : memref<1x1x!tpu.dma_semaphore, #tpu.memory_space<semaphore_mem>> -> memref<!tpu.dma_semaphore, #tpu.memory_space<semaphore_mem>>
      %dma_wait3A_940 = arith.constant 0 : i32
      %dma_wait3A_941 = arith.constant 0 : i32
      %dma_wait3A_942 = tpu.memref_slice %arg10[%dma_wait3A_928, %dma_wait3A_940, %dma_wait3A_941] : memref<8x32x128xf32, #tpu.memory_space<vmem>> -> memref<1x32x128xf32, #tpu.memory_space<vmem>>
      %dma_wait3A_943 = tpu.memref_squeeze %dma_wait3A_942 : memref<1x32x128xf32, #tpu.memory_space<vmem>> -> memref<32x128xf32, #tpu.memory_space<vmem>>
      %dma_wait3A_944 = arith.constant 0 : i32
      %dma_wait3A_945 = arith.constant 0 : i32
      %dma_wait3A_946 = tpu.memref_slice %arg5[%dma_wait3A_944, %dma_wait3A_945] : memref<32x1000000xf32, #tpu.memory_space<hbm>> -> memref<32x128xf32, #tpu.memory_space<hbm>>
      tpu.wait_dma2 semaphore(%dma_wait3A_939 : memref<!tpu.dma_semaphore, #tpu.memory_space<semaphore_mem>>) src(%dma_wait3A_946 : memref<32x128xf32, #tpu.memory_space<hbm>>) dst(%dma_wait3A_943 : memref<32x128xf32, #tpu.memory_space<vmem>>)
      %mul3A_947 = arith.constant 16 : i32
      %mul3A_948 = arith.muli %scan3A_526, %mul3A_947 : i32
      %add3A_949 = arith.constant 8 : i32
      %add3A_950 = arith.addi %mul3A_948, %add3A_949 : i32
      %sub3A = arith.constant 8 : i32
      %sub3A_951 = arith.subi %add3A_950, %sub3A : i32
      %slice3A_952 = vector.extract_strided_slice %and3A_550 {offsets = [0], sizes = [1], strides = [1]} : vector<16xi32> to vector<1xi32>
      %squeeze3A_953 = vector.extract %slice3A_952[0] : i32 from vector<1xi32>
      %broadcast_in_dim3A_954 = vector.broadcast %squeeze3A_953 : i32 to vector<16xi32>
      %slice3A_955 = vector.extract_strided_slice %and3A_553 {offsets = [0], sizes = [1], strides = [1]} : vector<16xi32> to vector<1xi32>
      %squeeze3A_956 = vector.extract %slice3A_955[0] : i32 from vector<1xi32>
      %broadcast_in_dim3A_957 = vector.broadcast %squeeze3A_956 : i32 to vector<16xi32>
      %broadcast_in_dim3A_958 = arith.constant 0 : i32
      %broadcast_in_dim3A_959 = vector.broadcast %broadcast_in_dim3A_958 : i32 to vector<16xi32>
      %gather3A_960 = tpu.vector_load_idx %arg9[%broadcast_in_dim3A_959, %iota3A, %broadcast_in_dim3A_954] : memref<8x32x128xf32, #tpu.memory_space<vmem>>[vector<16xi32>, vector<16xi32>, vector<16xi32>], vector<16xf32>,
      %add3A_961 = arith.constant 16 : i32
      %add3A_962 = vector.broadcast %add3A_961 : i32 to vector<16xi32>
      %add3A_963 = arith.addi %iota3A, %add3A_962 : vector<16xi32>
      %gather3A_964 = tpu.vector_load_idx %arg9[%broadcast_in_dim3A_959, %add3A_963, %broadcast_in_dim3A_954] : memref<8x32x128xf32, #tpu.memory_space<vmem>>[vector<16xi32>, vector<16xi32>, vector<16xi32>], vector<16xf32>,
      %gather3A_965 = tpu.vector_load_idx %arg10[%broadcast_in_dim3A_959, %iota3A, %broadcast_in_dim3A_957] : memref<8x32x128xf32, #tpu.memory_space<vmem>>[vector<16xi32>, vector<16xi32>, vector<16xi32>], vector<16xf32>,
      %add3A_966 = arith.constant 16 : i32
      %add3A_967 = vector.broadcast %add3A_966 : i32 to vector<16xi32>
      %add3A_968 = arith.addi %iota3A, %add3A_967 : vector<16xi32>
      %gather3A_969 = tpu.vector_load_idx %arg10[%broadcast_in_dim3A_959, %add3A_968, %broadcast_in_dim3A_957] : memref<8x32x128xf32, #tpu.memory_space<vmem>>[vector<16xi32>, vector<16xi32>, vector<16xi32>], vector<16xf32>,
      %shift_right_arithmetic3A_970 = arith.constant 7 : i32
      %shift_right_arithmetic3A_971 = arith.shrsi %sub3A_951, %shift_right_arithmetic3A_970 : i32
      %broadcast_in_dim3A_972 = vector.broadcast %shift_right_arithmetic3A_971 : i32 to vector<16xi32>
      %and3A_973 = arith.constant 127 : i32
      %and3A_974 = arith.andi %sub3A_951, %and3A_973 : i32
      %broadcast_in_dim3A_975 = vector.broadcast %and3A_974 : i32 to vector<16xi32>
      %mul3A_976 = arith.mulf %gather3A_960, %gather3A_965 : vector<16xf32>
      tpu.vector_store_idx %arg11[%shift_right_arithmetic3A_4, %broadcast_in_dim3A_972, %and3A_6, %broadcast_in_dim3A_975], %mul3A_976 : memref<4x4x8x128xf32, #tpu.memory_space<vmem>>[vector<16xi32>, vector<16xi32>, vector<16xi32>, vector<16xi32>], vector<16xf32>,
      %mul3A_977 = arith.mulf %gather3A_964, %gather3A_969 : vector<16xf32>
      tpu.vector_store_idx %arg11[%shift_right_arithmetic3A_12, %broadcast_in_dim3A_972, %and3A_6, %broadcast_in_dim3A_975], %mul3A_977 : memref<4x4x8x128xf32, #tpu.memory_space<vmem>>[vector<16xi32>, vector<16xi32>, vector<16xi32>, vector<16xi32>], vector<16xf32>,
      %slice3A_978 = vector.extract_strided_slice %mul3A_541 {offsets = [8], sizes = [1], strides = [1]} : vector<16xi32> to vector<1xi32>
      %squeeze3A_979 = vector.extract %slice3A_978[0] : i32 from vector<1xi32>
      %multiple_of3A_980 = tpu.assume_multiple %squeeze3A_979, 128 : i32
      %slice3A_981 = vector.extract_strided_slice %mul3A_547 {offsets = [8], sizes = [1], strides = [1]} : vector<16xi32> to vector<1xi32>
      %squeeze3A_982 = vector.extract %slice3A_981[0] : i32 from vector<1xi32>
      %multiple_of3A_983 = tpu.assume_multiple %squeeze3A_982, 128 : i32
      %dma_start3A_984 = arith.constant 0 : i32
      %dma_start3A_985 = arith.constant 0 : i32
      %dma_start3A_986 = arith.constant 0 : i32
      %dma_start3A_987 = arith.constant 0 : i32
      %dma_start3A_988 = arith.constant 0 : i32
      %dma_start3A_989 = tpu.memref_slice %arg9[%dma_start3A_984, %dma_start3A_987, %dma_start3A_988] : memref<8x32x128xf32, #tpu.memory_space<vmem>> -> memref<1x32x128xf32, #tpu.memory_space<vmem>>
      %dma_start3A_990 = tpu.memref_squeeze %dma_start3A_989 : memref<1x32x128xf32, #tpu.memory_space<vmem>> -> memref<32x128xf32, #tpu.memory_space<vmem>>
      %dma_start3A_991 = arith.constant 0 : i32
      %dma_start3A_992 = tpu.memref_slice %arg4[%dma_start3A_991, %multiple_of3A_980] : memref<32x1000000xf32, #tpu.memory_space<hbm>> -> memref<32x128xf32, #tpu.memory_space<hbm>>
      %dma_start3A_993 = tpu.memref_slice %arg12[%dma_start3A_985, %dma_start3A_986] : memref<2x8x!tpu.dma_semaphore, #tpu.memory_space<semaphore_mem>> -> memref<1x1x!tpu.dma_semaphore, #tpu.memory_space<semaphore_mem>>
      %dma_start3A_994 = tpu.memref_squeeze %dma_start3A_993 : memref<1x1x!tpu.dma_semaphore, #tpu.memory_space<semaphore_mem>> -> memref<!tpu.dma_semaphore, #tpu.memory_space<semaphore_mem>>
      %dma_start3A_995 = arith.constant 0 : i32
      %dma_start3A_996 = arith.constant 0 : i32
      %dma_start3A_997 = tpu.memref_slice %arg9[%dma_start3A_984, %dma_start3A_995, %dma_start3A_996] : memref<8x32x128xf32, #tpu.memory_space<vmem>> -> memref<1x32x128xf32, #tpu.memory_space<vmem>>
      %dma_start3A_998 = tpu.memref_squeeze %dma_start3A_997 : memref<1x32x128xf32, #tpu.memory_space<vmem>> -> memref<32x128xf32, #tpu.memory_space<vmem>>
      %dma_start3A_999 = arith.constant 0 : i32
      %dma_start3A_1000 = tpu.memref_slice %arg4[%dma_start3A_999, %multiple_of3A_980] : memref<32x1000000xf32, #tpu.memory_space<hbm>> -> memref<32x128xf32, #tpu.memory_space<hbm>>
      tpu.enqueue_dma source(%dma_start3A_1000 : memref<32x128xf32, #tpu.memory_space<hbm>>) target(%dma_start3A_998 : memref<32x128xf32, #tpu.memory_space<vmem>>) target_semaphore(%dma_start3A_994 : memref<!tpu.dma_semaphore, #tpu.memory_space<semaphore_mem>>)
      %dma_start3A_1001 = arith.constant 0 : i32
      %dma_start3A_1002 = arith.constant 1 : i32
      %dma_start3A_1003 = arith.constant 0 : i32
      %dma_start3A_1004 = arith.constant 0 : i32
      %dma_start3A_1005 = arith.constant 0 : i32
      %dma_start3A_1006 = tpu.memref_slice %arg10[%dma_start3A_1001, %dma_start3A_1004, %dma_start3A_1005] : memref<8x32x128xf32, #tpu.memory_space<vmem>> -> memref<1x32x128xf32, #tpu.memory_space<vmem>>
      %dma_start3A_1007 = tpu.memref_squeeze %dma_start3A_1006 : memref<1x32x128xf32, #tpu.memory_space<vmem>> -> memref<32x128xf32, #tpu.memory_space<vmem>>
      %dma_start3A_1008 = arith.constant 0 : i32
      %dma_start3A_1009 = tpu.memref_slice %arg5[%dma_start3A_1008, %multiple_of3A_983] : memref<32x1000000xf32, #tpu.memory_space<hbm>> -> memref<32x128xf32, #tpu.memory_space<hbm>>
      %dma_start3A_1010 = tpu.memref_slice %arg12[%dma_start3A_1002, %dma_start3A_1003] : memref<2x8x!tpu.dma_semaphore, #tpu.memory_space<semaphore_mem>> -> memref<1x1x!tpu.dma_semaphore, #tpu.memory_space<semaphore_mem>>
      %dma_start3A_1011 = tpu.memref_squeeze %dma_start3A_1010 : memref<1x1x!tpu.dma_semaphore, #tpu.memory_space<semaphore_mem>> -> memref<!tpu.dma_semaphore, #tpu.memory_space<semaphore_mem>>
      %dma_start3A_1012 = arith.constant 0 : i32
      %dma_start3A_1013 = arith.constant 0 : i32
      %dma_start3A_1014 = tpu.memref_slice %arg10[%dma_start3A_1001, %dma_start3A_1012, %dma_start3A_1013] : memref<8x32x128xf32, #tpu.memory_space<vmem>> -> memref<1x32x128xf32, #tpu.memory_space<vmem>>
      %dma_start3A_1015 = tpu.memref_squeeze %dma_start3A_1014 : memref<1x32x128xf32, #tpu.memory_space<vmem>> -> memref<32x128xf32, #tpu.memory_space<vmem>>
      %dma_start3A_1016 = arith.constant 0 : i32
      %dma_start3A_1017 = tpu.memref_slice %arg5[%dma_start3A_1016, %multiple_of3A_983] : memref<32x1000000xf32, #tpu.memory_space<hbm>> -> memref<32x128xf32, #tpu.memory_space<hbm>>
      tpu.enqueue_dma source(%dma_start3A_1017 : memref<32x128xf32, #tpu.memory_space<hbm>>) target(%dma_start3A_1015 : memref<32x128xf32, #tpu.memory_space<vmem>>) target_semaphore(%dma_start3A_1011 : memref<!tpu.dma_semaphore, #tpu.memory_space<semaphore_mem>>)
      %dma_wait3A_1018 = arith.constant 1 : i32
      %dma_wait3A_1019 = arith.constant 0 : i32
      %dma_wait3A_1020 = arith.constant 1 : i32
      %dma_wait3A_1021 = arith.constant 0 : i32
      %dma_wait3A_1022 = arith.constant 0 : i32
      %dma_wait3A_1023 = tpu.memref_slice %arg9[%dma_wait3A_1018, %dma_wait3A_1021, %dma_wait3A_1022] : memref<8x32x128xf32, #tpu.memory_space<vmem>> -> memref<1x32x128xf32, #tpu.memory_space<vmem>>
      %dma_wait3A_1024 = tpu.memref_squeeze %dma_wait3A_1023 : memref<1x32x128xf32, #tpu.memory_space<vmem>> -> memref<32x128xf32, #tpu.memory_space<vmem>>
      %dma_wait3A_1025 = arith.constant 0 : i32
      %dma_wait3A_1026 = arith.constant 0 : i32
      %dma_wait3A_1027 = tpu.memref_slice %arg4[%dma_wait3A_1025, %dma_wait3A_1026] : memref<32x1000000xf32, #tpu.memory_space<hbm>> -> memref<32x128xf32, #tpu.memory_space<hbm>>
      %dma_wait3A_1028 = tpu.memref_slice %arg12[%dma_wait3A_1019, %dma_wait3A_1020] : memref<2x8x!tpu.dma_semaphore, #tpu.memory_space<semaphore_mem>> -> memref<1x1x!tpu.dma_semaphore, #tpu.memory_space<semaphore_mem>>
      %dma_wait3A_1029 = tpu.memref_squeeze %dma_wait3A_1028 : memref<1x1x!tpu.dma_semaphore, #tpu.memory_space<semaphore_mem>> -> memref<!tpu.dma_semaphore, #tpu.memory_space<semaphore_mem>>
      %dma_wait3A_1030 = arith.constant 0 : i32
      %dma_wait3A_1031 = arith.constant 0 : i32
      %dma_wait3A_1032 = tpu.memref_slice %arg9[%dma_wait3A_1018, %dma_wait3A_1030, %dma_wait3A_1031] : memref<8x32x128xf32, #tpu.memory_space<vmem>> -> memref<1x32x128xf32, #tpu.memory_space<vmem>>
      %dma_wait3A_1033 = tpu.memref_squeeze %dma_wait3A_1032 : memref<1x32x128xf32, #tpu.memory_space<vmem>> -> memref<32x128xf32, #tpu.memory_space<vmem>>
      %dma_wait3A_1034 = arith.constant 0 : i32
      %dma_wait3A_1035 = arith.constant 0 : i32
      %dma_wait3A_1036 = tpu.memref_slice %arg4[%dma_wait3A_1034, %dma_wait3A_1035] : memref<32x1000000xf32, #tpu.memory_space<hbm>> -> memref<32x128xf32, #tpu.memory_space<hbm>>
      tpu.wait_dma2 semaphore(%dma_wait3A_1029 : memref<!tpu.dma_semaphore, #tpu.memory_space<semaphore_mem>>) src(%dma_wait3A_1036 : memref<32x128xf32, #tpu.memory_space<hbm>>) dst(%dma_wait3A_1033 : memref<32x128xf32, #tpu.memory_space<vmem>>)
      %dma_wait3A_1037 = arith.constant 1 : i32
      %dma_wait3A_1038 = arith.constant 1 : i32
      %dma_wait3A_1039 = arith.constant 1 : i32
      %dma_wait3A_1040 = arith.constant 0 : i32
      %dma_wait3A_1041 = arith.constant 0 : i32
      %dma_wait3A_1042 = tpu.memref_slice %arg10[%dma_wait3A_1037, %dma_wait3A_1040, %dma_wait3A_1041] : memref<8x32x128xf32, #tpu.memory_space<vmem>> -> memref<1x32x128xf32, #tpu.memory_space<vmem>>
      %dma_wait3A_1043 = tpu.memref_squeeze %dma_wait3A_1042 : memref<1x32x128xf32, #tpu.memory_space<vmem>> -> memref<32x128xf32, #tpu.memory_space<vmem>>
      %dma_wait3A_1044 = arith.constant 0 : i32
      %dma_wait3A_1045 = arith.constant 0 : i32
      %dma_wait3A_1046 = tpu.memref_slice %arg5[%dma_wait3A_1044, %dma_wait3A_1045] : memref<32x1000000xf32, #tpu.memory_space<hbm>> -> memref<32x128xf32, #tpu.memory_space<hbm>>
      %dma_wait3A_1047 = tpu.memref_slice %arg12[%dma_wait3A_1038, %dma_wait3A_1039] : memref<2x8x!tpu.dma_semaphore, #tpu.memory_space<semaphore_mem>> -> memref<1x1x!tpu.dma_semaphore, #tpu.memory_space<semaphore_mem>>
      %dma_wait3A_1048 = tpu.memref_squeeze %dma_wait3A_1047 : memref<1x1x!tpu.dma_semaphore, #tpu.memory_space<semaphore_mem>> -> memref<!tpu.dma_semaphore, #tpu.memory_space<semaphore_mem>>
      %dma_wait3A_1049 = arith.constant 0 : i32
      %dma_wait3A_1050 = arith.constant 0 : i32
      %dma_wait3A_1051 = tpu.memref_slice %arg10[%dma_wait3A_1037, %dma_wait3A_1049, %dma_wait3A_1050] : memref<8x32x128xf32, #tpu.memory_space<vmem>> -> memref<1x32x128xf32, #tpu.memory_space<vmem>>
      %dma_wait3A_1052 = tpu.memref_squeeze %dma_wait3A_1051 : memref<1x32x128xf32, #tpu.memory_space<vmem>> -> memref<32x128xf32, #tpu.memory_space<vmem>>
      %dma_wait3A_1053 = arith.constant 0 : i32
      %dma_wait3A_1054 = arith.constant 0 : i32
      %dma_wait3A_1055 = tpu.memref_slice %arg5[%dma_wait3A_1053, %dma_wait3A_1054] : memref<32x1000000xf32, #tpu.memory_space<hbm>> -> memref<32x128xf32, #tpu.memory_space<hbm>>
      tpu.wait_dma2 semaphore(%dma_wait3A_1048 : memref<!tpu.dma_semaphore, #tpu.memory_space<semaphore_mem>>) src(%dma_wait3A_1055 : memref<32x128xf32, #tpu.memory_space<hbm>>) dst(%dma_wait3A_1052 : memref<32x128xf32, #tpu.memory_space<vmem>>)
      %mul3A_1056 = arith.constant 16 : i32
      %mul3A_1057 = arith.muli %scan3A_526, %mul3A_1056 : i32
      %add3A_1058 = arith.constant 9 : i32
      %add3A_1059 = arith.addi %mul3A_1057, %add3A_1058 : i32
      %sub3A_1060 = arith.constant 8 : i32
      %sub3A_1061 = arith.subi %add3A_1059, %sub3A_1060 : i32
      %slice3A_1062 = vector.extract_strided_slice %and3A_550 {offsets = [1], sizes = [1], strides = [1]} : vector<16xi32> to vector<1xi32>
      %squeeze3A_1063 = vector.extract %slice3A_1062[0] : i32 from vector<1xi32>
      %broadcast_in_dim3A_1064 = vector.broadcast %squeeze3A_1063 : i32 to vector<16xi32>
      %slice3A_1065 = vector.extract_strided_slice %and3A_553 {offsets = [1], sizes = [1], strides = [1]} : vector<16xi32> to vector<1xi32>
      %squeeze3A_1066 = vector.extract %slice3A_1065[0] : i32 from vector<1xi32>
      %broadcast_in_dim3A_1067 = vector.broadcast %squeeze3A_1066 : i32 to vector<16xi32>
      %broadcast_in_dim3A_1068 = arith.constant 1 : i32
      %broadcast_in_dim3A_1069 = vector.broadcast %broadcast_in_dim3A_1068 : i32 to vector<16xi32>
      %gather3A_1070 = tpu.vector_load_idx %arg9[%broadcast_in_dim3A_1069, %iota3A, %broadcast_in_dim3A_1064] : memref<8x32x128xf32, #tpu.memory_space<vmem>>[vector<16xi32>, vector<16xi32>, vector<16xi32>], vector<16xf32>,
      %add3A_1071 = arith.constant 16 : i32
      %add3A_1072 = vector.broadcast %add3A_1071 : i32 to vector<16xi32>
      %add3A_1073 = arith.addi %iota3A, %add3A_1072 : vector<16xi32>
      %gather3A_1074 = tpu.vector_load_idx %arg9[%broadcast_in_dim3A_1069, %add3A_1073, %broadcast_in_dim3A_1064] : memref<8x32x128xf32, #tpu.memory_space<vmem>>[vector<16xi32>, vector<16xi32>, vector<16xi32>], vector<16xf32>,
      %gather3A_1075 = tpu.vector_load_idx %arg10[%broadcast_in_dim3A_1069, %iota3A, %broadcast_in_dim3A_1067] : memref<8x32x128xf32, #tpu.memory_space<vmem>>[vector<16xi32>, vector<16xi32>, vector<16xi32>], vector<16xf32>,
      %add3A_1076 = arith.constant 16 : i32
      %add3A_1077 = vector.broadcast %add3A_1076 : i32 to vector<16xi32>
      %add3A_1078 = arith.addi %iota3A, %add3A_1077 : vector<16xi32>
      %gather3A_1079 = tpu.vector_load_idx %arg10[%broadcast_in_dim3A_1069, %add3A_1078, %broadcast_in_dim3A_1067] : memref<8x32x128xf32, #tpu.memory_space<vmem>>[vector<16xi32>, vector<16xi32>, vector<16xi32>], vector<16xf32>,
      %shift_right_arithmetic3A_1080 = arith.constant 7 : i32
      %shift_right_arithmetic3A_1081 = arith.shrsi %sub3A_1061, %shift_right_arithmetic3A_1080 : i32
      %broadcast_in_dim3A_1082 = vector.broadcast %shift_right_arithmetic3A_1081 : i32 to vector<16xi32>
      %and3A_1083 = arith.constant 127 : i32
      %and3A_1084 = arith.andi %sub3A_1061, %and3A_1083 : i32
      %broadcast_in_dim3A_1085 = vector.broadcast %and3A_1084 : i32 to vector<16xi32>
      %mul3A_1086 = arith.mulf %gather3A_1070, %gather3A_1075 : vector<16xf32>
      tpu.vector_store_idx %arg11[%shift_right_arithmetic3A_4, %broadcast_in_dim3A_1082, %and3A_6, %broadcast_in_dim3A_1085], %mul3A_1086 : memref<4x4x8x128xf32, #tpu.memory_space<vmem>>[vector<16xi32>, vector<16xi32>, vector<16xi32>, vector<16xi32>], vector<16xf32>,
      %mul3A_1087 = arith.mulf %gather3A_1074, %gather3A_1079 : vector<16xf32>
      tpu.vector_store_idx %arg11[%shift_right_arithmetic3A_12, %broadcast_in_dim3A_1082, %and3A_6, %broadcast_in_dim3A_1085], %mul3A_1087 : memref<4x4x8x128xf32, #tpu.memory_space<vmem>>[vector<16xi32>, vector<16xi32>, vector<16xi32>, vector<16xi32>], vector<16xf32>,
      %slice3A_1088 = vector.extract_strided_slice %mul3A_541 {offsets = [9], sizes = [1], strides = [1]} : vector<16xi32> to vector<1xi32>
      %squeeze3A_1089 = vector.extract %slice3A_1088[0] : i32 from vector<1xi32>
      %multiple_of3A_1090 = tpu.assume_multiple %squeeze3A_1089, 128 : i32
      %slice3A_1091 = vector.extract_strided_slice %mul3A_547 {offsets = [9], sizes = [1], strides = [1]} : vector<16xi32> to vector<1xi32>
      %squeeze3A_1092 = vector.extract %slice3A_1091[0] : i32 from vector<1xi32>
      %multiple_of3A_1093 = tpu.assume_multiple %squeeze3A_1092, 128 : i32
      %dma_start3A_1094 = arith.constant 1 : i32
      %dma_start3A_1095 = arith.constant 0 : i32
      %dma_start3A_1096 = arith.constant 1 : i32
      %dma_start3A_1097 = arith.constant 0 : i32
      %dma_start3A_1098 = arith.constant 0 : i32
      %dma_start3A_1099 = tpu.memref_slice %arg9[%dma_start3A_1094, %dma_start3A_1097, %dma_start3A_1098] : memref<8x32x128xf32, #tpu.memory_space<vmem>> -> memref<1x32x128xf32, #tpu.memory_space<vmem>>
      %dma_start3A_1100 = tpu.memref_squeeze %dma_start3A_1099 : memref<1x32x128xf32, #tpu.memory_space<vmem>> -> memref<32x128xf32, #tpu.memory_space<vmem>>
      %dma_start3A_1101 = arith.constant 0 : i32
      %dma_start3A_1102 = tpu.memref_slice %arg4[%dma_start3A_1101, %multiple_of3A_1090] : memref<32x1000000xf32, #tpu.memory_space<hbm>> -> memref<32x128xf32, #tpu.memory_space<hbm>>
      %dma_start3A_1103 = tpu.memref_slice %arg12[%dma_start3A_1095, %dma_start3A_1096] : memref<2x8x!tpu.dma_semaphore, #tpu.memory_space<semaphore_mem>> -> memref<1x1x!tpu.dma_semaphore, #tpu.memory_space<semaphore_mem>>
      %dma_start3A_1104 = tpu.memref_squeeze %dma_start3A_1103 : memref<1x1x!tpu.dma_semaphore, #tpu.memory_space<semaphore_mem>> -> memref<!tpu.dma_semaphore, #tpu.memory_space<semaphore_mem>>
      %dma_start3A_1105 = arith.constant 0 : i32
      %dma_start3A_1106 = arith.constant 0 : i32
      %dma_start3A_1107 = tpu.memref_slice %arg9[%dma_start3A_1094, %dma_start3A_1105, %dma_start3A_1106] : memref<8x32x128xf32, #tpu.memory_space<vmem>> -> memref<1x32x128xf32, #tpu.memory_space<vmem>>
      %dma_start3A_1108 = tpu.memref_squeeze %dma_start3A_1107 : memref<1x32x128xf32, #tpu.memory_space<vmem>> -> memref<32x128xf32, #tpu.memory_space<vmem>>
      %dma_start3A_1109 = arith.constant 0 : i32
      %dma_start3A_1110 = tpu.memref_slice %arg4[%dma_start3A_1109, %multiple_of3A_1090] : memref<32x1000000xf32, #tpu.memory_space<hbm>> -> memref<32x128xf32, #tpu.memory_space<hbm>>
      tpu.enqueue_dma source(%dma_start3A_1110 : memref<32x128xf32, #tpu.memory_space<hbm>>) target(%dma_start3A_1108 : memref<32x128xf32, #tpu.memory_space<vmem>>) target_semaphore(%dma_start3A_1104 : memref<!tpu.dma_semaphore, #tpu.memory_space<semaphore_mem>>)
      %dma_start3A_1111 = arith.constant 1 : i32
      %dma_start3A_1112 = arith.constant 1 : i32
      %dma_start3A_1113 = arith.constant 1 : i32
      %dma_start3A_1114 = arith.constant 0 : i32
      %dma_start3A_1115 = arith.constant 0 : i32
      %dma_start3A_1116 = tpu.memref_slice %arg10[%dma_start3A_1111, %dma_start3A_1114, %dma_start3A_1115] : memref<8x32x128xf32, #tpu.memory_space<vmem>> -> memref<1x32x128xf32, #tpu.memory_space<vmem>>
      %dma_start3A_1117 = tpu.memref_squeeze %dma_start3A_1116 : memref<1x32x128xf32, #tpu.memory_space<vmem>> -> memref<32x128xf32, #tpu.memory_space<vmem>>
      %dma_start3A_1118 = arith.constant 0 : i32
      %dma_start3A_1119 = tpu.memref_slice %arg5[%dma_start3A_1118, %multiple_of3A_1093] : memref<32x1000000xf32, #tpu.memory_space<hbm>> -> memref<32x128xf32, #tpu.memory_space<hbm>>
      %dma_start3A_1120 = tpu.memref_slice %arg12[%dma_start3A_1112, %dma_start3A_1113] : memref<2x8x!tpu.dma_semaphore, #tpu.memory_space<semaphore_mem>> -> memref<1x1x!tpu.dma_semaphore, #tpu.memory_space<semaphore_mem>>
      %dma_start3A_1121 = tpu.memref_squeeze %dma_start3A_1120 : memref<1x1x!tpu.dma_semaphore, #tpu.memory_space<semaphore_mem>> -> memref<!tpu.dma_semaphore, #tpu.memory_space<semaphore_mem>>
      %dma_start3A_1122 = arith.constant 0 : i32
      %dma_start3A_1123 = arith.constant 0 : i32
      %dma_start3A_1124 = tpu.memref_slice %arg10[%dma_start3A_1111, %dma_start3A_1122, %dma_start3A_1123] : memref<8x32x128xf32, #tpu.memory_space<vmem>> -> memref<1x32x128xf32, #tpu.memory_space<vmem>>
      %dma_start3A_1125 = tpu.memref_squeeze %dma_start3A_1124 : memref<1x32x128xf32, #tpu.memory_space<vmem>> -> memref<32x128xf32, #tpu.memory_space<vmem>>
      %dma_start3A_1126 = arith.constant 0 : i32
      %dma_start3A_1127 = tpu.memref_slice %arg5[%dma_start3A_1126, %multiple_of3A_1093] : memref<32x1000000xf32, #tpu.memory_space<hbm>> -> memref<32x128xf32, #tpu.memory_space<hbm>>
      tpu.enqueue_dma source(%dma_start3A_1127 : memref<32x128xf32, #tpu.memory_space<hbm>>) target(%dma_start3A_1125 : memref<32x128xf32, #tpu.memory_space<vmem>>) target_semaphore(%dma_start3A_1121 : memref<!tpu.dma_semaphore, #tpu.memory_space<semaphore_mem>>)
      %dma_wait3A_1128 = arith.constant 2 : i32
      %dma_wait3A_1129 = arith.constant 0 : i32
      %dma_wait3A_1130 = arith.constant 2 : i32
      %dma_wait3A_1131 = arith.constant 0 : i32
      %dma_wait3A_1132 = arith.constant 0 : i32
      %dma_wait3A_1133 = tpu.memref_slice %arg9[%dma_wait3A_1128, %dma_wait3A_1131, %dma_wait3A_1132] : memref<8x32x128xf32, #tpu.memory_space<vmem>> -> memref<1x32x128xf32, #tpu.memory_space<vmem>>
      %dma_wait3A_1134 = tpu.memref_squeeze %dma_wait3A_1133 : memref<1x32x128xf32, #tpu.memory_space<vmem>> -> memref<32x128xf32, #tpu.memory_space<vmem>>
      %dma_wait3A_1135 = arith.constant 0 : i32
      %dma_wait3A_1136 = arith.constant 0 : i32
      %dma_wait3A_1137 = tpu.memref_slice %arg4[%dma_wait3A_1135, %dma_wait3A_1136] : memref<32x1000000xf32, #tpu.memory_space<hbm>> -> memref<32x128xf32, #tpu.memory_space<hbm>>
      %dma_wait3A_1138 = tpu.memref_slice %arg12[%dma_wait3A_1129, %dma_wait3A_1130] : memref<2x8x!tpu.dma_semaphore, #tpu.memory_space<semaphore_mem>> -> memref<1x1x!tpu.dma_semaphore, #tpu.memory_space<semaphore_mem>>
      %dma_wait3A_1139 = tpu.memref_squeeze %dma_wait3A_1138 : memref<1x1x!tpu.dma_semaphore, #tpu.memory_space<semaphore_mem>> -> memref<!tpu.dma_semaphore, #tpu.memory_space<semaphore_mem>>
      %dma_wait3A_1140 = arith.constant 0 : i32
      %dma_wait3A_1141 = arith.constant 0 : i32
      %dma_wait3A_1142 = tpu.memref_slice %arg9[%dma_wait3A_1128, %dma_wait3A_1140, %dma_wait3A_1141] : memref<8x32x128xf32, #tpu.memory_space<vmem>> -> memref<1x32x128xf32, #tpu.memory_space<vmem>>
      %dma_wait3A_1143 = tpu.memref_squeeze %dma_wait3A_1142 : memref<1x32x128xf32, #tpu.memory_space<vmem>> -> memref<32x128xf32, #tpu.memory_space<vmem>>
      %dma_wait3A_1144 = arith.constant 0 : i32
      %dma_wait3A_1145 = arith.constant 0 : i32
      %dma_wait3A_1146 = tpu.memref_slice %arg4[%dma_wait3A_1144, %dma_wait3A_1145] : memref<32x1000000xf32, #tpu.memory_space<hbm>> -> memref<32x128xf32, #tpu.memory_space<hbm>>
      tpu.wait_dma2 semaphore(%dma_wait3A_1139 : memref<!tpu.dma_semaphore, #tpu.memory_space<semaphore_mem>>) src(%dma_wait3A_1146 : memref<32x128xf32, #tpu.memory_space<hbm>>) dst(%dma_wait3A_1143 : memref<32x128xf32, #tpu.memory_space<vmem>>)
      %dma_wait3A_1147 = arith.constant 2 : i32
      %dma_wait3A_1148 = arith.constant 1 : i32
      %dma_wait3A_1149 = arith.constant 2 : i32
      %dma_wait3A_1150 = arith.constant 0 : i32
      %dma_wait3A_1151 = arith.constant 0 : i32
      %dma_wait3A_1152 = tpu.memref_slice %arg10[%dma_wait3A_1147, %dma_wait3A_1150, %dma_wait3A_1151] : memref<8x32x128xf32, #tpu.memory_space<vmem>> -> memref<1x32x128xf32, #tpu.memory_space<vmem>>
      %dma_wait3A_1153 = tpu.memref_squeeze %dma_wait3A_1152 : memref<1x32x128xf32, #tpu.memory_space<vmem>> -> memref<32x128xf32, #tpu.memory_space<vmem>>
      %dma_wait3A_1154 = arith.constant 0 : i32
      %dma_wait3A_1155 = arith.constant 0 : i32
      %dma_wait3A_1156 = tpu.memref_slice %arg5[%dma_wait3A_1154, %dma_wait3A_1155] : memref<32x1000000xf32, #tpu.memory_space<hbm>> -> memref<32x128xf32, #tpu.memory_space<hbm>>
      %dma_wait3A_1157 = tpu.memref_slice %arg12[%dma_wait3A_1148, %dma_wait3A_1149] : memref<2x8x!tpu.dma_semaphore, #tpu.memory_space<semaphore_mem>> -> memref<1x1x!tpu.dma_semaphore, #tpu.memory_space<semaphore_mem>>
      %dma_wait3A_1158 = tpu.memref_squeeze %dma_wait3A_1157 : memref<1x1x!tpu.dma_semaphore, #tpu.memory_space<semaphore_mem>> -> memref<!tpu.dma_semaphore, #tpu.memory_space<semaphore_mem>>
      %dma_wait3A_1159 = arith.constant 0 : i32
      %dma_wait3A_1160 = arith.constant 0 : i32
      %dma_wait3A_1161 = tpu.memref_slice %arg10[%dma_wait3A_1147, %dma_wait3A_1159, %dma_wait3A_1160] : memref<8x32x128xf32, #tpu.memory_space<vmem>> -> memref<1x32x128xf32, #tpu.memory_space<vmem>>
      %dma_wait3A_1162 = tpu.memref_squeeze %dma_wait3A_1161 : memref<1x32x128xf32, #tpu.memory_space<vmem>> -> memref<32x128xf32, #tpu.memory_space<vmem>>
      %dma_wait3A_1163 = arith.constant 0 : i32
      %dma_wait3A_1164 = arith.constant 0 : i32
      %dma_wait3A_1165 = tpu.memref_slice %arg5[%dma_wait3A_1163, %dma_wait3A_1164] : memref<32x1000000xf32, #tpu.memory_space<hbm>> -> memref<32x128xf32, #tpu.memory_space<hbm>>
      tpu.wait_dma2 semaphore(%dma_wait3A_1158 : memref<!tpu.dma_semaphore, #tpu.memory_space<semaphore_mem>>) src(%dma_wait3A_1165 : memref<32x128xf32, #tpu.memory_space<hbm>>) dst(%dma_wait3A_1162 : memref<32x128xf32, #tpu.memory_space<vmem>>)
      %mul3A_1166 = arith.constant 16 : i32
      %mul3A_1167 = arith.muli %scan3A_526, %mul3A_1166 : i32
      %add3A_1168 = arith.constant 10 : i32
      %add3A_1169 = arith.addi %mul3A_1167, %add3A_1168 : i32
      %sub3A_1170 = arith.constant 8 : i32
      %sub3A_1171 = arith.subi %add3A_1169, %sub3A_1170 : i32
      %slice3A_1172 = vector.extract_strided_slice %and3A_550 {offsets = [2], sizes = [1], strides = [1]} : vector<16xi32> to vector<1xi32>
      %squeeze3A_1173 = vector.extract %slice3A_1172[0] : i32 from vector<1xi32>
      %broadcast_in_dim3A_1174 = vector.broadcast %squeeze3A_1173 : i32 to vector<16xi32>
      %slice3A_1175 = vector.extract_strided_slice %and3A_553 {offsets = [2], sizes = [1], strides = [1]} : vector<16xi32> to vector<1xi32>
      %squeeze3A_1176 = vector.extract %slice3A_1175[0] : i32 from vector<1xi32>
      %broadcast_in_dim3A_1177 = vector.broadcast %squeeze3A_1176 : i32 to vector<16xi32>
      %broadcast_in_dim3A_1178 = arith.constant 2 : i32
      %broadcast_in_dim3A_1179 = vector.broadcast %broadcast_in_dim3A_1178 : i32 to vector<16xi32>
      %gather3A_1180 = tpu.vector_load_idx %arg9[%broadcast_in_dim3A_1179, %iota3A, %broadcast_in_dim3A_1174] : memref<8x32x128xf32, #tpu.memory_space<vmem>>[vector<16xi32>, vector<16xi32>, vector<16xi32>], vector<16xf32>,
      %add3A_1181 = arith.constant 16 : i32
      %add3A_1182 = vector.broadcast %add3A_1181 : i32 to vector<16xi32>
      %add3A_1183 = arith.addi %iota3A, %add3A_1182 : vector<16xi32>
      %gather3A_1184 = tpu.vector_load_idx %arg9[%broadcast_in_dim3A_1179, %add3A_1183, %broadcast_in_dim3A_1174] : memref<8x32x128xf32, #tpu.memory_space<vmem>>[vector<16xi32>, vector<16xi32>, vector<16xi32>], vector<16xf32>,
      %gather3A_1185 = tpu.vector_load_idx %arg10[%broadcast_in_dim3A_1179, %iota3A, %broadcast_in_dim3A_1177] : memref<8x32x128xf32, #tpu.memory_space<vmem>>[vector<16xi32>, vector<16xi32>, vector<16xi32>], vector<16xf32>,
      %add3A_1186 = arith.constant 16 : i32
      %add3A_1187 = vector.broadcast %add3A_1186 : i32 to vector<16xi32>
      %add3A_1188 = arith.addi %iota3A, %add3A_1187 : vector<16xi32>
      %gather3A_1189 = tpu.vector_load_idx %arg10[%broadcast_in_dim3A_1179, %add3A_1188, %broadcast_in_dim3A_1177] : memref<8x32x128xf32, #tpu.memory_space<vmem>>[vector<16xi32>, vector<16xi32>, vector<16xi32>], vector<16xf32>,
      %shift_right_arithmetic3A_1190 = arith.constant 7 : i32
      %shift_right_arithmetic3A_1191 = arith.shrsi %sub3A_1171, %shift_right_arithmetic3A_1190 : i32
      %broadcast_in_dim3A_1192 = vector.broadcast %shift_right_arithmetic3A_1191 : i32 to vector<16xi32>
      %and3A_1193 = arith.constant 127 : i32
      %and3A_1194 = arith.andi %sub3A_1171, %and3A_1193 : i32
      %broadcast_in_dim3A_1195 = vector.broadcast %and3A_1194 : i32 to vector<16xi32>
      %mul3A_1196 = arith.mulf %gather3A_1180, %gather3A_1185 : vector<16xf32>
      tpu.vector_store_idx %arg11[%shift_right_arithmetic3A_4, %broadcast_in_dim3A_1192, %and3A_6, %broadcast_in_dim3A_1195], %mul3A_1196 : memref<4x4x8x128xf32, #tpu.memory_space<vmem>>[vector<16xi32>, vector<16xi32>, vector<16xi32>, vector<16xi32>], vector<16xf32>,
      %mul3A_1197 = arith.mulf %gather3A_1184, %gather3A_1189 : vector<16xf32>
      tpu.vector_store_idx %arg11[%shift_right_arithmetic3A_12, %broadcast_in_dim3A_1192, %and3A_6, %broadcast_in_dim3A_1195], %mul3A_1197 : memref<4x4x8x128xf32, #tpu.memory_space<vmem>>[vector<16xi32>, vector<16xi32>, vector<16xi32>, vector<16xi32>], vector<16xf32>,
      %slice3A_1198 = vector.extract_strided_slice %mul3A_541 {offsets = [10], sizes = [1], strides = [1]} : vector<16xi32> to vector<1xi32>
      %squeeze3A_1199 = vector.extract %slice3A_1198[0] : i32 from vector<1xi32>
      %multiple_of3A_1200 = tpu.assume_multiple %squeeze3A_1199, 128 : i32
      %slice3A_1201 = vector.extract_strided_slice %mul3A_547 {offsets = [10], sizes = [1], strides = [1]} : vector<16xi32> to vector<1xi32>
      %squeeze3A_1202 = vector.extract %slice3A_1201[0] : i32 from vector<1xi32>
      %multiple_of3A_1203 = tpu.assume_multiple %squeeze3A_1202, 128 : i32
      %dma_start3A_1204 = arith.constant 2 : i32
      %dma_start3A_1205 = arith.constant 0 : i32
      %dma_start3A_1206 = arith.constant 2 : i32
      %dma_start3A_1207 = arith.constant 0 : i32
      %dma_start3A_1208 = arith.constant 0 : i32
      %dma_start3A_1209 = tpu.memref_slice %arg9[%dma_start3A_1204, %dma_start3A_1207, %dma_start3A_1208] : memref<8x32x128xf32, #tpu.memory_space<vmem>> -> memref<1x32x128xf32, #tpu.memory_space<vmem>>
      %dma_start3A_1210 = tpu.memref_squeeze %dma_start3A_1209 : memref<1x32x128xf32, #tpu.memory_space<vmem>> -> memref<32x128xf32, #tpu.memory_space<vmem>>
      %dma_start3A_1211 = arith.constant 0 : i32
      %dma_start3A_1212 = tpu.memref_slice %arg4[%dma_start3A_1211, %multiple_of3A_1200] : memref<32x1000000xf32, #tpu.memory_space<hbm>> -> memref<32x128xf32, #tpu.memory_space<hbm>>
      %dma_start3A_1213 = tpu.memref_slice %arg12[%dma_start3A_1205, %dma_start3A_1206] : memref<2x8x!tpu.dma_semaphore, #tpu.memory_space<semaphore_mem>> -> memref<1x1x!tpu.dma_semaphore, #tpu.memory_space<semaphore_mem>>
      %dma_start3A_1214 = tpu.memref_squeeze %dma_start3A_1213 : memref<1x1x!tpu.dma_semaphore, #tpu.memory_space<semaphore_mem>> -> memref<!tpu.dma_semaphore, #tpu.memory_space<semaphore_mem>>
      %dma_start3A_1215 = arith.constant 0 : i32
      %dma_start3A_1216 = arith.constant 0 : i32
      %dma_start3A_1217 = tpu.memref_slice %arg9[%dma_start3A_1204, %dma_start3A_1215, %dma_start3A_1216] : memref<8x32x128xf32, #tpu.memory_space<vmem>> -> memref<1x32x128xf32, #tpu.memory_space<vmem>>
      %dma_start3A_1218 = tpu.memref_squeeze %dma_start3A_1217 : memref<1x32x128xf32, #tpu.memory_space<vmem>> -> memref<32x128xf32, #tpu.memory_space<vmem>>
      %dma_start3A_1219 = arith.constant 0 : i32
      %dma_start3A_1220 = tpu.memref_slice %arg4[%dma_start3A_1219, %multiple_of3A_1200] : memref<32x1000000xf32, #tpu.memory_space<hbm>> -> memref<32x128xf32, #tpu.memory_space<hbm>>
      tpu.enqueue_dma source(%dma_start3A_1220 : memref<32x128xf32, #tpu.memory_space<hbm>>) target(%dma_start3A_1218 : memref<32x128xf32, #tpu.memory_space<vmem>>) target_semaphore(%dma_start3A_1214 : memref<!tpu.dma_semaphore, #tpu.memory_space<semaphore_mem>>)
      %dma_start3A_1221 = arith.constant 2 : i32
      %dma_start3A_1222 = arith.constant 1 : i32
      %dma_start3A_1223 = arith.constant 2 : i32
      %dma_start3A_1224 = arith.constant 0 : i32
      %dma_start3A_1225 = arith.constant 0 : i32
      %dma_start3A_1226 = tpu.memref_slice %arg10[%dma_start3A_1221, %dma_start3A_1224, %dma_start3A_1225] : memref<8x32x128xf32, #tpu.memory_space<vmem>> -> memref<1x32x128xf32, #tpu.memory_space<vmem>>
      %dma_start3A_1227 = tpu.memref_squeeze %dma_start3A_1226 : memref<1x32x128xf32, #tpu.memory_space<vmem>> -> memref<32x128xf32, #tpu.memory_space<vmem>>
      %dma_start3A_1228 = arith.constant 0 : i32
      %dma_start3A_1229 = tpu.memref_slice %arg5[%dma_start3A_1228, %multiple_of3A_1203] : memref<32x1000000xf32, #tpu.memory_space<hbm>> -> memref<32x128xf32, #tpu.memory_space<hbm>>
      %dma_start3A_1230 = tpu.memref_slice %arg12[%dma_start3A_1222, %dma_start3A_1223] : memref<2x8x!tpu.dma_semaphore, #tpu.memory_space<semaphore_mem>> -> memref<1x1x!tpu.dma_semaphore, #tpu.memory_space<semaphore_mem>>
      %dma_start3A_1231 = tpu.memref_squeeze %dma_start3A_1230 : memref<1x1x!tpu.dma_semaphore, #tpu.memory_space<semaphore_mem>> -> memref<!tpu.dma_semaphore, #tpu.memory_space<semaphore_mem>>
      %dma_start3A_1232 = arith.constant 0 : i32
      %dma_start3A_1233 = arith.constant 0 : i32
      %dma_start3A_1234 = tpu.memref_slice %arg10[%dma_start3A_1221, %dma_start3A_1232, %dma_start3A_1233] : memref<8x32x128xf32, #tpu.memory_space<vmem>> -> memref<1x32x128xf32, #tpu.memory_space<vmem>>
      %dma_start3A_1235 = tpu.memref_squeeze %dma_start3A_1234 : memref<1x32x128xf32, #tpu.memory_space<vmem>> -> memref<32x128xf32, #tpu.memory_space<vmem>>
      %dma_start3A_1236 = arith.constant 0 : i32
      %dma_start3A_1237 = tpu.memref_slice %arg5[%dma_start3A_1236, %multiple_of3A_1203] : memref<32x1000000xf32, #tpu.memory_space<hbm>> -> memref<32x128xf32, #tpu.memory_space<hbm>>
      tpu.enqueue_dma source(%dma_start3A_1237 : memref<32x128xf32, #tpu.memory_space<hbm>>) target(%dma_start3A_1235 : memref<32x128xf32, #tpu.memory_space<vmem>>) target_semaphore(%dma_start3A_1231 : memref<!tpu.dma_semaphore, #tpu.memory_space<semaphore_mem>>)
      %dma_wait3A_1238 = arith.constant 3 : i32
      %dma_wait3A_1239 = arith.constant 0 : i32
      %dma_wait3A_1240 = arith.constant 3 : i32
      %dma_wait3A_1241 = arith.constant 0 : i32
      %dma_wait3A_1242 = arith.constant 0 : i32
      %dma_wait3A_1243 = tpu.memref_slice %arg9[%dma_wait3A_1238, %dma_wait3A_1241, %dma_wait3A_1242] : memref<8x32x128xf32, #tpu.memory_space<vmem>> -> memref<1x32x128xf32, #tpu.memory_space<vmem>>
      %dma_wait3A_1244 = tpu.memref_squeeze %dma_wait3A_1243 : memref<1x32x128xf32, #tpu.memory_space<vmem>> -> memref<32x128xf32, #tpu.memory_space<vmem>>
      %dma_wait3A_1245 = arith.constant 0 : i32
      %dma_wait3A_1246 = arith.constant 0 : i32
      %dma_wait3A_1247 = tpu.memref_slice %arg4[%dma_wait3A_1245, %dma_wait3A_1246] : memref<32x1000000xf32, #tpu.memory_space<hbm>> -> memref<32x128xf32, #tpu.memory_space<hbm>>
      %dma_wait3A_1248 = tpu.memref_slice %arg12[%dma_wait3A_1239, %dma_wait3A_1240] : memref<2x8x!tpu.dma_semaphore, #tpu.memory_space<semaphore_mem>> -> memref<1x1x!tpu.dma_semaphore, #tpu.memory_space<semaphore_mem>>
      %dma_wait3A_1249 = tpu.memref_squeeze %dma_wait3A_1248 : memref<1x1x!tpu.dma_semaphore, #tpu.memory_space<semaphore_mem>> -> memref<!tpu.dma_semaphore, #tpu.memory_space<semaphore_mem>>
      %dma_wait3A_1250 = arith.constant 0 : i32
      %dma_wait3A_1251 = arith.constant 0 : i32
      %dma_wait3A_1252 = tpu.memref_slice %arg9[%dma_wait3A_1238, %dma_wait3A_1250, %dma_wait3A_1251] : memref<8x32x128xf32, #tpu.memory_space<vmem>> -> memref<1x32x128xf32, #tpu.memory_space<vmem>>
      %dma_wait3A_1253 = tpu.memref_squeeze %dma_wait3A_1252 : memref<1x32x128xf32, #tpu.memory_space<vmem>> -> memref<32x128xf32, #tpu.memory_space<vmem>>
      %dma_wait3A_1254 = arith.constant 0 : i32
      %dma_wait3A_1255 = arith.constant 0 : i32
      %dma_wait3A_1256 = tpu.memref_slice %arg4[%dma_wait3A_1254, %dma_wait3A_1255] : memref<32x1000000xf32, #tpu.memory_space<hbm>> -> memref<32x128xf32, #tpu.memory_space<hbm>>
      tpu.wait_dma2 semaphore(%dma_wait3A_1249 : memref<!tpu.dma_semaphore, #tpu.memory_space<semaphore_mem>>) src(%dma_wait3A_1256 : memref<32x128xf32, #tpu.memory_space<hbm>>) dst(%dma_wait3A_1253 : memref<32x128xf32, #tpu.memory_space<vmem>>)
      %dma_wait3A_1257 = arith.constant 3 : i32
      %dma_wait3A_1258 = arith.constant 1 : i32
      %dma_wait3A_1259 = arith.constant 3 : i32
      %dma_wait3A_1260 = arith.constant 0 : i32
      %dma_wait3A_1261 = arith.constant 0 : i32
      %dma_wait3A_1262 = tpu.memref_slice %arg10[%dma_wait3A_1257, %dma_wait3A_1260, %dma_wait3A_1261] : memref<8x32x128xf32, #tpu.memory_space<vmem>> -> memref<1x32x128xf32, #tpu.memory_space<vmem>>
      %dma_wait3A_1263 = tpu.memref_squeeze %dma_wait3A_1262 : memref<1x32x128xf32, #tpu.memory_space<vmem>> -> memref<32x128xf32, #tpu.memory_space<vmem>>
      %dma_wait3A_1264 = arith.constant 0 : i32
      %dma_wait3A_1265 = arith.constant 0 : i32
      %dma_wait3A_1266 = tpu.memref_slice %arg5[%dma_wait3A_1264, %dma_wait3A_1265] : memref<32x1000000xf32, #tpu.memory_space<hbm>> -> memref<32x128xf32, #tpu.memory_space<hbm>>
      %dma_wait3A_1267 = tpu.memref_slice %arg12[%dma_wait3A_1258, %dma_wait3A_1259] : memref<2x8x!tpu.dma_semaphore, #tpu.memory_space<semaphore_mem>> -> memref<1x1x!tpu.dma_semaphore, #tpu.memory_space<semaphore_mem>>
      %dma_wait3A_1268 = tpu.memref_squeeze %dma_wait3A_1267 : memref<1x1x!tpu.dma_semaphore, #tpu.memory_space<semaphore_mem>> -> memref<!tpu.dma_semaphore, #tpu.memory_space<semaphore_mem>>
      %dma_wait3A_1269 = arith.constant 0 : i32
      %dma_wait3A_1270 = arith.constant 0 : i32
      %dma_wait3A_1271 = tpu.memref_slice %arg10[%dma_wait3A_1257, %dma_wait3A_1269, %dma_wait3A_1270] : memref<8x32x128xf32, #tpu.memory_space<vmem>> -> memref<1x32x128xf32, #tpu.memory_space<vmem>>
      %dma_wait3A_1272 = tpu.memref_squeeze %dma_wait3A_1271 : memref<1x32x128xf32, #tpu.memory_space<vmem>> -> memref<32x128xf32, #tpu.memory_space<vmem>>
      %dma_wait3A_1273 = arith.constant 0 : i32
      %dma_wait3A_1274 = arith.constant 0 : i32
      %dma_wait3A_1275 = tpu.memref_slice %arg5[%dma_wait3A_1273, %dma_wait3A_1274] : memref<32x1000000xf32, #tpu.memory_space<hbm>> -> memref<32x128xf32, #tpu.memory_space<hbm>>
      tpu.wait_dma2 semaphore(%dma_wait3A_1268 : memref<!tpu.dma_semaphore, #tpu.memory_space<semaphore_mem>>) src(%dma_wait3A_1275 : memref<32x128xf32, #tpu.memory_space<hbm>>) dst(%dma_wait3A_1272 : memref<32x128xf32, #tpu.memory_space<vmem>>)
      %mul3A_1276 = arith.constant 16 : i32
      %mul3A_1277 = arith.muli %scan3A_526, %mul3A_1276 : i32
      %add3A_1278 = arith.constant 11 : i32
      %add3A_1279 = arith.addi %mul3A_1277, %add3A_1278 : i32
      %sub3A_1280 = arith.constant 8 : i32
      %sub3A_1281 = arith.subi %add3A_1279, %sub3A_1280 : i32
      %slice3A_1282 = vector.extract_strided_slice %and3A_550 {offsets = [3], sizes = [1], strides = [1]} : vector<16xi32> to vector<1xi32>
      %squeeze3A_1283 = vector.extract %slice3A_1282[0] : i32 from vector<1xi32>
      %broadcast_in_dim3A_1284 = vector.broadcast %squeeze3A_1283 : i32 to vector<16xi32>
      %slice3A_1285 = vector.extract_strided_slice %and3A_553 {offsets = [3], sizes = [1], strides = [1]} : vector<16xi32> to vector<1xi32>
      %squeeze3A_1286 = vector.extract %slice3A_1285[0] : i32 from vector<1xi32>
      %broadcast_in_dim3A_1287 = vector.broadcast %squeeze3A_1286 : i32 to vector<16xi32>
      %broadcast_in_dim3A_1288 = arith.constant 3 : i32
      %broadcast_in_dim3A_1289 = vector.broadcast %broadcast_in_dim3A_1288 : i32 to vector<16xi32>
      %gather3A_1290 = tpu.vector_load_idx %arg9[%broadcast_in_dim3A_1289, %iota3A, %broadcast_in_dim3A_1284] : memref<8x32x128xf32, #tpu.memory_space<vmem>>[vector<16xi32>, vector<16xi32>, vector<16xi32>], vector<16xf32>,
      %add3A_1291 = arith.constant 16 : i32
      %add3A_1292 = vector.broadcast %add3A_1291 : i32 to vector<16xi32>
      %add3A_1293 = arith.addi %iota3A, %add3A_1292 : vector<16xi32>
      %gather3A_1294 = tpu.vector_load_idx %arg9[%broadcast_in_dim3A_1289, %add3A_1293, %broadcast_in_dim3A_1284] : memref<8x32x128xf32, #tpu.memory_space<vmem>>[vector<16xi32>, vector<16xi32>, vector<16xi32>], vector<16xf32>,
      %gather3A_1295 = tpu.vector_load_idx %arg10[%broadcast_in_dim3A_1289, %iota3A, %broadcast_in_dim3A_1287] : memref<8x32x128xf32, #tpu.memory_space<vmem>>[vector<16xi32>, vector<16xi32>, vector<16xi32>], vector<16xf32>,
      %add3A_1296 = arith.constant 16 : i32
      %add3A_1297 = vector.broadcast %add3A_1296 : i32 to vector<16xi32>
      %add3A_1298 = arith.addi %iota3A, %add3A_1297 : vector<16xi32>
      %gather3A_1299 = tpu.vector_load_idx %arg10[%broadcast_in_dim3A_1289, %add3A_1298, %broadcast_in_dim3A_1287] : memref<8x32x128xf32, #tpu.memory_space<vmem>>[vector<16xi32>, vector<16xi32>, vector<16xi32>], vector<16xf32>,
      %shift_right_arithmetic3A_1300 = arith.constant 7 : i32
      %shift_right_arithmetic3A_1301 = arith.shrsi %sub3A_1281, %shift_right_arithmetic3A_1300 : i32
      %broadcast_in_dim3A_1302 = vector.broadcast %shift_right_arithmetic3A_1301 : i32 to vector<16xi32>
      %and3A_1303 = arith.constant 127 : i32
      %and3A_1304 = arith.andi %sub3A_1281, %and3A_1303 : i32
      %broadcast_in_dim3A_1305 = vector.broadcast %and3A_1304 : i32 to vector<16xi32>
      %mul3A_1306 = arith.mulf %gather3A_1290, %gather3A_1295 : vector<16xf32>
      tpu.vector_store_idx %arg11[%shift_right_arithmetic3A_4, %broadcast_in_dim3A_1302, %and3A_6, %broadcast_in_dim3A_1305], %mul3A_1306 : memref<4x4x8x128xf32, #tpu.memory_space<vmem>>[vector<16xi32>, vector<16xi32>, vector<16xi32>, vector<16xi32>], vector<16xf32>,
      %mul3A_1307 = arith.mulf %gather3A_1294, %gather3A_1299 : vector<16xf32>
      tpu.vector_store_idx %arg11[%shift_right_arithmetic3A_12, %broadcast_in_dim3A_1302, %and3A_6, %broadcast_in_dim3A_1305], %mul3A_1307 : memref<4x4x8x128xf32, #tpu.memory_space<vmem>>[vector<16xi32>, vector<16xi32>, vector<16xi32>, vector<16xi32>], vector<16xf32>,
      %slice3A_1308 = vector.extract_strided_slice %mul3A_541 {offsets = [11], sizes = [1], strides = [1]} : vector<16xi32> to vector<1xi32>
      %squeeze3A_1309 = vector.extract %slice3A_1308[0] : i32 from vector<1xi32>
      %multiple_of3A_1310 = tpu.assume_multiple %squeeze3A_1309, 128 : i32
      %slice3A_1311 = vector.extract_strided_slice %mul3A_547 {offsets = [11], sizes = [1], strides = [1]} : vector<16xi32> to vector<1xi32>
      %squeeze3A_1312 = vector.extract %slice3A_1311[0] : i32 from vector<1xi32>
      %multiple_of3A_1313 = tpu.assume_multiple %squeeze3A_1312, 128 : i32
      %dma_start3A_1314 = arith.constant 3 : i32
      %dma_start3A_1315 = arith.constant 0 : i32
      %dma_start3A_1316 = arith.constant 3 : i32
      %dma_start3A_1317 = arith.constant 0 : i32
      %dma_start3A_1318 = arith.constant 0 : i32
      %dma_start3A_1319 = tpu.memref_slice %arg9[%dma_start3A_1314, %dma_start3A_1317, %dma_start3A_1318] : memref<8x32x128xf32, #tpu.memory_space<vmem>> -> memref<1x32x128xf32, #tpu.memory_space<vmem>>
      %dma_start3A_1320 = tpu.memref_squeeze %dma_start3A_1319 : memref<1x32x128xf32, #tpu.memory_space<vmem>> -> memref<32x128xf32, #tpu.memory_space<vmem>>
      %dma_start3A_1321 = arith.constant 0 : i32
      %dma_start3A_1322 = tpu.memref_slice %arg4[%dma_start3A_1321, %multiple_of3A_1310] : memref<32x1000000xf32, #tpu.memory_space<hbm>> -> memref<32x128xf32, #tpu.memory_space<hbm>>
      %dma_start3A_1323 = tpu.memref_slice %arg12[%dma_start3A_1315, %dma_start3A_1316] : memref<2x8x!tpu.dma_semaphore, #tpu.memory_space<semaphore_mem>> -> memref<1x1x!tpu.dma_semaphore, #tpu.memory_space<semaphore_mem>>
      %dma_start3A_1324 = tpu.memref_squeeze %dma_start3A_1323 : memref<1x1x!tpu.dma_semaphore, #tpu.memory_space<semaphore_mem>> -> memref<!tpu.dma_semaphore, #tpu.memory_space<semaphore_mem>>
      %dma_start3A_1325 = arith.constant 0 : i32
      %dma_start3A_1326 = arith.constant 0 : i32
      %dma_start3A_1327 = tpu.memref_slice %arg9[%dma_start3A_1314, %dma_start3A_1325, %dma_start3A_1326] : memref<8x32x128xf32, #tpu.memory_space<vmem>> -> memref<1x32x128xf32, #tpu.memory_space<vmem>>
      %dma_start3A_1328 = tpu.memref_squeeze %dma_start3A_1327 : memref<1x32x128xf32, #tpu.memory_space<vmem>> -> memref<32x128xf32, #tpu.memory_space<vmem>>
      %dma_start3A_1329 = arith.constant 0 : i32
      %dma_start3A_1330 = tpu.memref_slice %arg4[%dma_start3A_1329, %multiple_of3A_1310] : memref<32x1000000xf32, #tpu.memory_space<hbm>> -> memref<32x128xf32, #tpu.memory_space<hbm>>
      tpu.enqueue_dma source(%dma_start3A_1330 : memref<32x128xf32, #tpu.memory_space<hbm>>) target(%dma_start3A_1328 : memref<32x128xf32, #tpu.memory_space<vmem>>) target_semaphore(%dma_start3A_1324 : memref<!tpu.dma_semaphore, #tpu.memory_space<semaphore_mem>>)
      %dma_start3A_1331 = arith.constant 3 : i32
      %dma_start3A_1332 = arith.constant 1 : i32
      %dma_start3A_1333 = arith.constant 3 : i32
      %dma_start3A_1334 = arith.constant 0 : i32
      %dma_start3A_1335 = arith.constant 0 : i32
      %dma_start3A_1336 = tpu.memref_slice %arg10[%dma_start3A_1331, %dma_start3A_1334, %dma_start3A_1335] : memref<8x32x128xf32, #tpu.memory_space<vmem>> -> memref<1x32x128xf32, #tpu.memory_space<vmem>>
      %dma_start3A_1337 = tpu.memref_squeeze %dma_start3A_1336 : memref<1x32x128xf32, #tpu.memory_space<vmem>> -> memref<32x128xf32, #tpu.memory_space<vmem>>
      %dma_start3A_1338 = arith.constant 0 : i32
      %dma_start3A_1339 = tpu.memref_slice %arg5[%dma_start3A_1338, %multiple_of3A_1313] : memref<32x1000000xf32, #tpu.memory_space<hbm>> -> memref<32x128xf32, #tpu.memory_space<hbm>>
      %dma_start3A_1340 = tpu.memref_slice %arg12[%dma_start3A_1332, %dma_start3A_1333] : memref<2x8x!tpu.dma_semaphore, #tpu.memory_space<semaphore_mem>> -> memref<1x1x!tpu.dma_semaphore, #tpu.memory_space<semaphore_mem>>
      %dma_start3A_1341 = tpu.memref_squeeze %dma_start3A_1340 : memref<1x1x!tpu.dma_semaphore, #tpu.memory_space<semaphore_mem>> -> memref<!tpu.dma_semaphore, #tpu.memory_space<semaphore_mem>>
      %dma_start3A_1342 = arith.constant 0 : i32
      %dma_start3A_1343 = arith.constant 0 : i32
      %dma_start3A_1344 = tpu.memref_slice %arg10[%dma_start3A_1331, %dma_start3A_1342, %dma_start3A_1343] : memref<8x32x128xf32, #tpu.memory_space<vmem>> -> memref<1x32x128xf32, #tpu.memory_space<vmem>>
      %dma_start3A_1345 = tpu.memref_squeeze %dma_start3A_1344 : memref<1x32x128xf32, #tpu.memory_space<vmem>> -> memref<32x128xf32, #tpu.memory_space<vmem>>
      %dma_start3A_1346 = arith.constant 0 : i32
      %dma_start3A_1347 = tpu.memref_slice %arg5[%dma_start3A_1346, %multiple_of3A_1313] : memref<32x1000000xf32, #tpu.memory_space<hbm>> -> memref<32x128xf32, #tpu.memory_space<hbm>>
      tpu.enqueue_dma source(%dma_start3A_1347 : memref<32x128xf32, #tpu.memory_space<hbm>>) target(%dma_start3A_1345 : memref<32x128xf32, #tpu.memory_space<vmem>>) target_semaphore(%dma_start3A_1341 : memref<!tpu.dma_semaphore, #tpu.memory_space<semaphore_mem>>)
      %dma_wait3A_1348 = arith.constant 4 : i32
      %dma_wait3A_1349 = arith.constant 0 : i32
      %dma_wait3A_1350 = arith.constant 4 : i32
      %dma_wait3A_1351 = arith.constant 0 : i32
      %dma_wait3A_1352 = arith.constant 0 : i32
      %dma_wait3A_1353 = tpu.memref_slice %arg9[%dma_wait3A_1348, %dma_wait3A_1351, %dma_wait3A_1352] : memref<8x32x128xf32, #tpu.memory_space<vmem>> -> memref<1x32x128xf32, #tpu.memory_space<vmem>>
      %dma_wait3A_1354 = tpu.memref_squeeze %dma_wait3A_1353 : memref<1x32x128xf32, #tpu.memory_space<vmem>> -> memref<32x128xf32, #tpu.memory_space<vmem>>
      %dma_wait3A_1355 = arith.constant 0 : i32
      %dma_wait3A_1356 = arith.constant 0 : i32
      %dma_wait3A_1357 = tpu.memref_slice %arg4[%dma_wait3A_1355, %dma_wait3A_1356] : memref<32x1000000xf32, #tpu.memory_space<hbm>> -> memref<32x128xf32, #tpu.memory_space<hbm>>
      %dma_wait3A_1358 = tpu.memref_slice %arg12[%dma_wait3A_1349, %dma_wait3A_1350] : memref<2x8x!tpu.dma_semaphore, #tpu.memory_space<semaphore_mem>> -> memref<1x1x!tpu.dma_semaphore, #tpu.memory_space<semaphore_mem>>
      %dma_wait3A_1359 = tpu.memref_squeeze %dma_wait3A_1358 : memref<1x1x!tpu.dma_semaphore, #tpu.memory_space<semaphore_mem>> -> memref<!tpu.dma_semaphore, #tpu.memory_space<semaphore_mem>>
      %dma_wait3A_1360 = arith.constant 0 : i32
      %dma_wait3A_1361 = arith.constant 0 : i32
      %dma_wait3A_1362 = tpu.memref_slice %arg9[%dma_wait3A_1348, %dma_wait3A_1360, %dma_wait3A_1361] : memref<8x32x128xf32, #tpu.memory_space<vmem>> -> memref<1x32x128xf32, #tpu.memory_space<vmem>>
      %dma_wait3A_1363 = tpu.memref_squeeze %dma_wait3A_1362 : memref<1x32x128xf32, #tpu.memory_space<vmem>> -> memref<32x128xf32, #tpu.memory_space<vmem>>
      %dma_wait3A_1364 = arith.constant 0 : i32
      %dma_wait3A_1365 = arith.constant 0 : i32
      %dma_wait3A_1366 = tpu.memref_slice %arg4[%dma_wait3A_1364, %dma_wait3A_1365] : memref<32x1000000xf32, #tpu.memory_space<hbm>> -> memref<32x128xf32, #tpu.memory_space<hbm>>
      tpu.wait_dma2 semaphore(%dma_wait3A_1359 : memref<!tpu.dma_semaphore, #tpu.memory_space<semaphore_mem>>) src(%dma_wait3A_1366 : memref<32x128xf32, #tpu.memory_space<hbm>>) dst(%dma_wait3A_1363 : memref<32x128xf32, #tpu.memory_space<vmem>>)
      %dma_wait3A_1367 = arith.constant 4 : i32
      %dma_wait3A_1368 = arith.constant 1 : i32
      %dma_wait3A_1369 = arith.constant 4 : i32
      %dma_wait3A_1370 = arith.constant 0 : i32
      %dma_wait3A_1371 = arith.constant 0 : i32
      %dma_wait3A_1372 = tpu.memref_slice %arg10[%dma_wait3A_1367, %dma_wait3A_1370, %dma_wait3A_1371] : memref<8x32x128xf32, #tpu.memory_space<vmem>> -> memref<1x32x128xf32, #tpu.memory_space<vmem>>
      %dma_wait3A_1373 = tpu.memref_squeeze %dma_wait3A_1372 : memref<1x32x128xf32, #tpu.memory_space<vmem>> -> memref<32x128xf32, #tpu.memory_space<vmem>>
      %dma_wait3A_1374 = arith.constant 0 : i32
      %dma_wait3A_1375 = arith.constant 0 : i32
      %dma_wait3A_1376 = tpu.memref_slice %arg5[%dma_wait3A_1374, %dma_wait3A_1375] : memref<32x1000000xf32, #tpu.memory_space<hbm>> -> memref<32x128xf32, #tpu.memory_space<hbm>>
      %dma_wait3A_1377 = tpu.memref_slice %arg12[%dma_wait3A_1368, %dma_wait3A_1369] : memref<2x8x!tpu.dma_semaphore, #tpu.memory_space<semaphore_mem>> -> memref<1x1x!tpu.dma_semaphore, #tpu.memory_space<semaphore_mem>>
      %dma_wait3A_1378 = tpu.memref_squeeze %dma_wait3A_1377 : memref<1x1x!tpu.dma_semaphore, #tpu.memory_space<semaphore_mem>> -> memref<!tpu.dma_semaphore, #tpu.memory_space<semaphore_mem>>
      %dma_wait3A_1379 = arith.constant 0 : i32
      %dma_wait3A_1380 = arith.constant 0 : i32
      %dma_wait3A_1381 = tpu.memref_slice %arg10[%dma_wait3A_1367, %dma_wait3A_1379, %dma_wait3A_1380] : memref<8x32x128xf32, #tpu.memory_space<vmem>> -> memref<1x32x128xf32, #tpu.memory_space<vmem>>
      %dma_wait3A_1382 = tpu.memref_squeeze %dma_wait3A_1381 : memref<1x32x128xf32, #tpu.memory_space<vmem>> -> memref<32x128xf32, #tpu.memory_space<vmem>>
      %dma_wait3A_1383 = arith.constant 0 : i32
      %dma_wait3A_1384 = arith.constant 0 : i32
      %dma_wait3A_1385 = tpu.memref_slice %arg5[%dma_wait3A_1383, %dma_wait3A_1384] : memref<32x1000000xf32, #tpu.memory_space<hbm>> -> memref<32x128xf32, #tpu.memory_space<hbm>>
      tpu.wait_dma2 semaphore(%dma_wait3A_1378 : memref<!tpu.dma_semaphore, #tpu.memory_space<semaphore_mem>>) src(%dma_wait3A_1385 : memref<32x128xf32, #tpu.memory_space<hbm>>) dst(%dma_wait3A_1382 : memref<32x128xf32, #tpu.memory_space<vmem>>)
      %mul3A_1386 = arith.constant 16 : i32
      %mul3A_1387 = arith.muli %scan3A_526, %mul3A_1386 : i32
      %add3A_1388 = arith.constant 12 : i32
      %add3A_1389 = arith.addi %mul3A_1387, %add3A_1388 : i32
      %sub3A_1390 = arith.constant 8 : i32
      %sub3A_1391 = arith.subi %add3A_1389, %sub3A_1390 : i32
      %slice3A_1392 = vector.extract_strided_slice %and3A_550 {offsets = [4], sizes = [1], strides = [1]} : vector<16xi32> to vector<1xi32>
      %squeeze3A_1393 = vector.extract %slice3A_1392[0] : i32 from vector<1xi32>
      %broadcast_in_dim3A_1394 = vector.broadcast %squeeze3A_1393 : i32 to vector<16xi32>
      %slice3A_1395 = vector.extract_strided_slice %and3A_553 {offsets = [4], sizes = [1], strides = [1]} : vector<16xi32> to vector<1xi32>
      %squeeze3A_1396 = vector.extract %slice3A_1395[0] : i32 from vector<1xi32>
      %broadcast_in_dim3A_1397 = vector.broadcast %squeeze3A_1396 : i32 to vector<16xi32>
      %broadcast_in_dim3A_1398 = arith.constant 4 : i32
      %broadcast_in_dim3A_1399 = vector.broadcast %broadcast_in_dim3A_1398 : i32 to vector<16xi32>
      %gather3A_1400 = tpu.vector_load_idx %arg9[%broadcast_in_dim3A_1399, %iota3A, %broadcast_in_dim3A_1394] : memref<8x32x128xf32, #tpu.memory_space<vmem>>[vector<16xi32>, vector<16xi32>, vector<16xi32>], vector<16xf32>,
      %add3A_1401 = arith.constant 16 : i32
      %add3A_1402 = vector.broadcast %add3A_1401 : i32 to vector<16xi32>
      %add3A_1403 = arith.addi %iota3A, %add3A_1402 : vector<16xi32>
      %gather3A_1404 = tpu.vector_load_idx %arg9[%broadcast_in_dim3A_1399, %add3A_1403, %broadcast_in_dim3A_1394] : memref<8x32x128xf32, #tpu.memory_space<vmem>>[vector<16xi32>, vector<16xi32>, vector<16xi32>], vector<16xf32>,
      %gather3A_1405 = tpu.vector_load_idx %arg10[%broadcast_in_dim3A_1399, %iota3A, %broadcast_in_dim3A_1397] : memref<8x32x128xf32, #tpu.memory_space<vmem>>[vector<16xi32>, vector<16xi32>, vector<16xi32>], vector<16xf32>,
      %add3A_1406 = arith.constant 16 : i32
      %add3A_1407 = vector.broadcast %add3A_1406 : i32 to vector<16xi32>
      %add3A_1408 = arith.addi %iota3A, %add3A_1407 : vector<16xi32>
      %gather3A_1409 = tpu.vector_load_idx %arg10[%broadcast_in_dim3A_1399, %add3A_1408, %broadcast_in_dim3A_1397] : memref<8x32x128xf32, #tpu.memory_space<vmem>>[vector<16xi32>, vector<16xi32>, vector<16xi32>], vector<16xf32>,
      %shift_right_arithmetic3A_1410 = arith.constant 7 : i32
      %shift_right_arithmetic3A_1411 = arith.shrsi %sub3A_1391, %shift_right_arithmetic3A_1410 : i32
      %broadcast_in_dim3A_1412 = vector.broadcast %shift_right_arithmetic3A_1411 : i32 to vector<16xi32>
      %and3A_1413 = arith.constant 127 : i32
      %and3A_1414 = arith.andi %sub3A_1391, %and3A_1413 : i32
      %broadcast_in_dim3A_1415 = vector.broadcast %and3A_1414 : i32 to vector<16xi32>
      %mul3A_1416 = arith.mulf %gather3A_1400, %gather3A_1405 : vector<16xf32>
      tpu.vector_store_idx %arg11[%shift_right_arithmetic3A_4, %broadcast_in_dim3A_1412, %and3A_6, %broadcast_in_dim3A_1415], %mul3A_1416 : memref<4x4x8x128xf32, #tpu.memory_space<vmem>>[vector<16xi32>, vector<16xi32>, vector<16xi32>, vector<16xi32>], vector<16xf32>,
      %mul3A_1417 = arith.mulf %gather3A_1404, %gather3A_1409 : vector<16xf32>
      tpu.vector_store_idx %arg11[%shift_right_arithmetic3A_12, %broadcast_in_dim3A_1412, %and3A_6, %broadcast_in_dim3A_1415], %mul3A_1417 : memref<4x4x8x128xf32, #tpu.memory_space<vmem>>[vector<16xi32>, vector<16xi32>, vector<16xi32>, vector<16xi32>], vector<16xf32>,
      %slice3A_1418 = vector.extract_strided_slice %mul3A_541 {offsets = [12], sizes = [1], strides = [1]} : vector<16xi32> to vector<1xi32>
      %squeeze3A_1419 = vector.extract %slice3A_1418[0] : i32 from vector<1xi32>
      %multiple_of3A_1420 = tpu.assume_multiple %squeeze3A_1419, 128 : i32
      %slice3A_1421 = vector.extract_strided_slice %mul3A_547 {offsets = [12], sizes = [1], strides = [1]} : vector<16xi32> to vector<1xi32>
      %squeeze3A_1422 = vector.extract %slice3A_1421[0] : i32 from vector<1xi32>
      %multiple_of3A_1423 = tpu.assume_multiple %squeeze3A_1422, 128 : i32
      %dma_start3A_1424 = arith.constant 4 : i32
      %dma_start3A_1425 = arith.constant 0 : i32
      %dma_start3A_1426 = arith.constant 4 : i32
      %dma_start3A_1427 = arith.constant 0 : i32
      %dma_start3A_1428 = arith.constant 0 : i32
      %dma_start3A_1429 = tpu.memref_slice %arg9[%dma_start3A_1424, %dma_start3A_1427, %dma_start3A_1428] : memref<8x32x128xf32, #tpu.memory_space<vmem>> -> memref<1x32x128xf32, #tpu.memory_space<vmem>>
      %dma_start3A_1430 = tpu.memref_squeeze %dma_start3A_1429 : memref<1x32x128xf32, #tpu.memory_space<vmem>> -> memref<32x128xf32, #tpu.memory_space<vmem>>
      %dma_start3A_1431 = arith.constant 0 : i32
      %dma_start3A_1432 = tpu.memref_slice %arg4[%dma_start3A_1431, %multiple_of3A_1420] : memref<32x1000000xf32, #tpu.memory_space<hbm>> -> memref<32x128xf32, #tpu.memory_space<hbm>>
      %dma_start3A_1433 = tpu.memref_slice %arg12[%dma_start3A_1425, %dma_start3A_1426] : memref<2x8x!tpu.dma_semaphore, #tpu.memory_space<semaphore_mem>> -> memref<1x1x!tpu.dma_semaphore, #tpu.memory_space<semaphore_mem>>
      %dma_start3A_1434 = tpu.memref_squeeze %dma_start3A_1433 : memref<1x1x!tpu.dma_semaphore, #tpu.memory_space<semaphore_mem>> -> memref<!tpu.dma_semaphore, #tpu.memory_space<semaphore_mem>>
      %dma_start3A_1435 = arith.constant 0 : i32
      %dma_start3A_1436 = arith.constant 0 : i32
      %dma_start3A_1437 = tpu.memref_slice %arg9[%dma_start3A_1424, %dma_start3A_1435, %dma_start3A_1436] : memref<8x32x128xf32, #tpu.memory_space<vmem>> -> memref<1x32x128xf32, #tpu.memory_space<vmem>>
      %dma_start3A_1438 = tpu.memref_squeeze %dma_start3A_1437 : memref<1x32x128xf32, #tpu.memory_space<vmem>> -> memref<32x128xf32, #tpu.memory_space<vmem>>
      %dma_start3A_1439 = arith.constant 0 : i32
      %dma_start3A_1440 = tpu.memref_slice %arg4[%dma_start3A_1439, %multiple_of3A_1420] : memref<32x1000000xf32, #tpu.memory_space<hbm>> -> memref<32x128xf32, #tpu.memory_space<hbm>>
      tpu.enqueue_dma source(%dma_start3A_1440 : memref<32x128xf32, #tpu.memory_space<hbm>>) target(%dma_start3A_1438 : memref<32x128xf32, #tpu.memory_space<vmem>>) target_semaphore(%dma_start3A_1434 : memref<!tpu.dma_semaphore, #tpu.memory_space<semaphore_mem>>)
      %dma_start3A_1441 = arith.constant 4 : i32
      %dma_start3A_1442 = arith.constant 1 : i32
      %dma_start3A_1443 = arith.constant 4 : i32
      %dma_start3A_1444 = arith.constant 0 : i32
      %dma_start3A_1445 = arith.constant 0 : i32
      %dma_start3A_1446 = tpu.memref_slice %arg10[%dma_start3A_1441, %dma_start3A_1444, %dma_start3A_1445] : memref<8x32x128xf32, #tpu.memory_space<vmem>> -> memref<1x32x128xf32, #tpu.memory_space<vmem>>
      %dma_start3A_1447 = tpu.memref_squeeze %dma_start3A_1446 : memref<1x32x128xf32, #tpu.memory_space<vmem>> -> memref<32x128xf32, #tpu.memory_space<vmem>>
      %dma_start3A_1448 = arith.constant 0 : i32
      %dma_start3A_1449 = tpu.memref_slice %arg5[%dma_start3A_1448, %multiple_of3A_1423] : memref<32x1000000xf32, #tpu.memory_space<hbm>> -> memref<32x128xf32, #tpu.memory_space<hbm>>
      %dma_start3A_1450 = tpu.memref_slice %arg12[%dma_start3A_1442, %dma_start3A_1443] : memref<2x8x!tpu.dma_semaphore, #tpu.memory_space<semaphore_mem>> -> memref<1x1x!tpu.dma_semaphore, #tpu.memory_space<semaphore_mem>>
      %dma_start3A_1451 = tpu.memref_squeeze %dma_start3A_1450 : memref<1x1x!tpu.dma_semaphore, #tpu.memory_space<semaphore_mem>> -> memref<!tpu.dma_semaphore, #tpu.memory_space<semaphore_mem>>
      %dma_start3A_1452 = arith.constant 0 : i32
      %dma_start3A_1453 = arith.constant 0 : i32
      %dma_start3A_1454 = tpu.memref_slice %arg10[%dma_start3A_1441, %dma_start3A_1452, %dma_start3A_1453] : memref<8x32x128xf32, #tpu.memory_space<vmem>> -> memref<1x32x128xf32, #tpu.memory_space<vmem>>
      %dma_start3A_1455 = tpu.memref_squeeze %dma_start3A_1454 : memref<1x32x128xf32, #tpu.memory_space<vmem>> -> memref<32x128xf32, #tpu.memory_space<vmem>>
      %dma_start3A_1456 = arith.constant 0 : i32
      %dma_start3A_1457 = tpu.memref_slice %arg5[%dma_start3A_1456, %multiple_of3A_1423] : memref<32x1000000xf32, #tpu.memory_space<hbm>> -> memref<32x128xf32, #tpu.memory_space<hbm>>
      tpu.enqueue_dma source(%dma_start3A_1457 : memref<32x128xf32, #tpu.memory_space<hbm>>) target(%dma_start3A_1455 : memref<32x128xf32, #tpu.memory_space<vmem>>) target_semaphore(%dma_start3A_1451 : memref<!tpu.dma_semaphore, #tpu.memory_space<semaphore_mem>>)
      %dma_wait3A_1458 = arith.constant 5 : i32
      %dma_wait3A_1459 = arith.constant 0 : i32
      %dma_wait3A_1460 = arith.constant 5 : i32
      %dma_wait3A_1461 = arith.constant 0 : i32
      %dma_wait3A_1462 = arith.constant 0 : i32
      %dma_wait3A_1463 = tpu.memref_slice %arg9[%dma_wait3A_1458, %dma_wait3A_1461, %dma_wait3A_1462] : memref<8x32x128xf32, #tpu.memory_space<vmem>> -> memref<1x32x128xf32, #tpu.memory_space<vmem>>
      %dma_wait3A_1464 = tpu.memref_squeeze %dma_wait3A_1463 : memref<1x32x128xf32, #tpu.memory_space<vmem>> -> memref<32x128xf32, #tpu.memory_space<vmem>>
      %dma_wait3A_1465 = arith.constant 0 : i32
      %dma_wait3A_1466 = arith.constant 0 : i32
      %dma_wait3A_1467 = tpu.memref_slice %arg4[%dma_wait3A_1465, %dma_wait3A_1466] : memref<32x1000000xf32, #tpu.memory_space<hbm>> -> memref<32x128xf32, #tpu.memory_space<hbm>>
      %dma_wait3A_1468 = tpu.memref_slice %arg12[%dma_wait3A_1459, %dma_wait3A_1460] : memref<2x8x!tpu.dma_semaphore, #tpu.memory_space<semaphore_mem>> -> memref<1x1x!tpu.dma_semaphore, #tpu.memory_space<semaphore_mem>>
      %dma_wait3A_1469 = tpu.memref_squeeze %dma_wait3A_1468 : memref<1x1x!tpu.dma_semaphore, #tpu.memory_space<semaphore_mem>> -> memref<!tpu.dma_semaphore, #tpu.memory_space<semaphore_mem>>
      %dma_wait3A_1470 = arith.constant 0 : i32
      %dma_wait3A_1471 = arith.constant 0 : i32
      %dma_wait3A_1472 = tpu.memref_slice %arg9[%dma_wait3A_1458, %dma_wait3A_1470, %dma_wait3A_1471] : memref<8x32x128xf32, #tpu.memory_space<vmem>> -> memref<1x32x128xf32, #tpu.memory_space<vmem>>
      %dma_wait3A_1473 = tpu.memref_squeeze %dma_wait3A_1472 : memref<1x32x128xf32, #tpu.memory_space<vmem>> -> memref<32x128xf32, #tpu.memory_space<vmem>>
      %dma_wait3A_1474 = arith.constant 0 : i32
      %dma_wait3A_1475 = arith.constant 0 : i32
      %dma_wait3A_1476 = tpu.memref_slice %arg4[%dma_wait3A_1474, %dma_wait3A_1475] : memref<32x1000000xf32, #tpu.memory_space<hbm>> -> memref<32x128xf32, #tpu.memory_space<hbm>>
      tpu.wait_dma2 semaphore(%dma_wait3A_1469 : memref<!tpu.dma_semaphore, #tpu.memory_space<semaphore_mem>>) src(%dma_wait3A_1476 : memref<32x128xf32, #tpu.memory_space<hbm>>) dst(%dma_wait3A_1473 : memref<32x128xf32, #tpu.memory_space<vmem>>)
      %dma_wait3A_1477 = arith.constant 5 : i32
      %dma_wait3A_1478 = arith.constant 1 : i32
      %dma_wait3A_1479 = arith.constant 5 : i32
      %dma_wait3A_1480 = arith.constant 0 : i32
      %dma_wait3A_1481 = arith.constant 0 : i32
      %dma_wait3A_1482 = tpu.memref_slice %arg10[%dma_wait3A_1477, %dma_wait3A_1480, %dma_wait3A_1481] : memref<8x32x128xf32, #tpu.memory_space<vmem>> -> memref<1x32x128xf32, #tpu.memory_space<vmem>>
      %dma_wait3A_1483 = tpu.memref_squeeze %dma_wait3A_1482 : memref<1x32x128xf32, #tpu.memory_space<vmem>> -> memref<32x128xf32, #tpu.memory_space<vmem>>
      %dma_wait3A_1484 = arith.constant 0 : i32
      %dma_wait3A_1485 = arith.constant 0 : i32
      %dma_wait3A_1486 = tpu.memref_slice %arg5[%dma_wait3A_1484, %dma_wait3A_1485] : memref<32x1000000xf32, #tpu.memory_space<hbm>> -> memref<32x128xf32, #tpu.memory_space<hbm>>
      %dma_wait3A_1487 = tpu.memref_slice %arg12[%dma_wait3A_1478, %dma_wait3A_1479] : memref<2x8x!tpu.dma_semaphore, #tpu.memory_space<semaphore_mem>> -> memref<1x1x!tpu.dma_semaphore, #tpu.memory_space<semaphore_mem>>
      %dma_wait3A_1488 = tpu.memref_squeeze %dma_wait3A_1487 : memref<1x1x!tpu.dma_semaphore, #tpu.memory_space<semaphore_mem>> -> memref<!tpu.dma_semaphore, #tpu.memory_space<semaphore_mem>>
      %dma_wait3A_1489 = arith.constant 0 : i32
      %dma_wait3A_1490 = arith.constant 0 : i32
      %dma_wait3A_1491 = tpu.memref_slice %arg10[%dma_wait3A_1477, %dma_wait3A_1489, %dma_wait3A_1490] : memref<8x32x128xf32, #tpu.memory_space<vmem>> -> memref<1x32x128xf32, #tpu.memory_space<vmem>>
      %dma_wait3A_1492 = tpu.memref_squeeze %dma_wait3A_1491 : memref<1x32x128xf32, #tpu.memory_space<vmem>> -> memref<32x128xf32, #tpu.memory_space<vmem>>
      %dma_wait3A_1493 = arith.constant 0 : i32
      %dma_wait3A_1494 = arith.constant 0 : i32
      %dma_wait3A_1495 = tpu.memref_slice %arg5[%dma_wait3A_1493, %dma_wait3A_1494] : memref<32x1000000xf32, #tpu.memory_space<hbm>> -> memref<32x128xf32, #tpu.memory_space<hbm>>
      tpu.wait_dma2 semaphore(%dma_wait3A_1488 : memref<!tpu.dma_semaphore, #tpu.memory_space<semaphore_mem>>) src(%dma_wait3A_1495 : memref<32x128xf32, #tpu.memory_space<hbm>>) dst(%dma_wait3A_1492 : memref<32x128xf32, #tpu.memory_space<vmem>>)
      %mul3A_1496 = arith.constant 16 : i32
      %mul3A_1497 = arith.muli %scan3A_526, %mul3A_1496 : i32
      %add3A_1498 = arith.constant 13 : i32
      %add3A_1499 = arith.addi %mul3A_1497, %add3A_1498 : i32
      %sub3A_1500 = arith.constant 8 : i32
      %sub3A_1501 = arith.subi %add3A_1499, %sub3A_1500 : i32
      %slice3A_1502 = vector.extract_strided_slice %and3A_550 {offsets = [5], sizes = [1], strides = [1]} : vector<16xi32> to vector<1xi32>
      %squeeze3A_1503 = vector.extract %slice3A_1502[0] : i32 from vector<1xi32>
      %broadcast_in_dim3A_1504 = vector.broadcast %squeeze3A_1503 : i32 to vector<16xi32>
      %slice3A_1505 = vector.extract_strided_slice %and3A_553 {offsets = [5], sizes = [1], strides = [1]} : vector<16xi32> to vector<1xi32>
      %squeeze3A_1506 = vector.extract %slice3A_1505[0] : i32 from vector<1xi32>
      %broadcast_in_dim3A_1507 = vector.broadcast %squeeze3A_1506 : i32 to vector<16xi32>
      %broadcast_in_dim3A_1508 = arith.constant 5 : i32
      %broadcast_in_dim3A_1509 = vector.broadcast %broadcast_in_dim3A_1508 : i32 to vector<16xi32>
      %gather3A_1510 = tpu.vector_load_idx %arg9[%broadcast_in_dim3A_1509, %iota3A, %broadcast_in_dim3A_1504] : memref<8x32x128xf32, #tpu.memory_space<vmem>>[vector<16xi32>, vector<16xi32>, vector<16xi32>], vector<16xf32>,
      %add3A_1511 = arith.constant 16 : i32
      %add3A_1512 = vector.broadcast %add3A_1511 : i32 to vector<16xi32>
      %add3A_1513 = arith.addi %iota3A, %add3A_1512 : vector<16xi32>
      %gather3A_1514 = tpu.vector_load_idx %arg9[%broadcast_in_dim3A_1509, %add3A_1513, %broadcast_in_dim3A_1504] : memref<8x32x128xf32, #tpu.memory_space<vmem>>[vector<16xi32>, vector<16xi32>, vector<16xi32>], vector<16xf32>,
      %gather3A_1515 = tpu.vector_load_idx %arg10[%broadcast_in_dim3A_1509, %iota3A, %broadcast_in_dim3A_1507] : memref<8x32x128xf32, #tpu.memory_space<vmem>>[vector<16xi32>, vector<16xi32>, vector<16xi32>], vector<16xf32>,
      %add3A_1516 = arith.constant 16 : i32
      %add3A_1517 = vector.broadcast %add3A_1516 : i32 to vector<16xi32>
      %add3A_1518 = arith.addi %iota3A, %add3A_1517 : vector<16xi32>
      %gather3A_1519 = tpu.vector_load_idx %arg10[%broadcast_in_dim3A_1509, %add3A_1518, %broadcast_in_dim3A_1507] : memref<8x32x128xf32, #tpu.memory_space<vmem>>[vector<16xi32>, vector<16xi32>, vector<16xi32>], vector<16xf32>,
      %shift_right_arithmetic3A_1520 = arith.constant 7 : i32
      %shift_right_arithmetic3A_1521 = arith.shrsi %sub3A_1501, %shift_right_arithmetic3A_1520 : i32
      %broadcast_in_dim3A_1522 = vector.broadcast %shift_right_arithmetic3A_1521 : i32 to vector<16xi32>
      %and3A_1523 = arith.constant 127 : i32
      %and3A_1524 = arith.andi %sub3A_1501, %and3A_1523 : i32
      %broadcast_in_dim3A_1525 = vector.broadcast %and3A_1524 : i32 to vector<16xi32>
      %mul3A_1526 = arith.mulf %gather3A_1510, %gather3A_1515 : vector<16xf32>
      tpu.vector_store_idx %arg11[%shift_right_arithmetic3A_4, %broadcast_in_dim3A_1522, %and3A_6, %broadcast_in_dim3A_1525], %mul3A_1526 : memref<4x4x8x128xf32, #tpu.memory_space<vmem>>[vector<16xi32>, vector<16xi32>, vector<16xi32>, vector<16xi32>], vector<16xf32>,
      %mul3A_1527 = arith.mulf %gather3A_1514, %gather3A_1519 : vector<16xf32>
      tpu.vector_store_idx %arg11[%shift_right_arithmetic3A_12, %broadcast_in_dim3A_1522, %and3A_6, %broadcast_in_dim3A_1525], %mul3A_1527 : memref<4x4x8x128xf32, #tpu.memory_space<vmem>>[vector<16xi32>, vector<16xi32>, vector<16xi32>, vector<16xi32>], vector<16xf32>,
      %slice3A_1528 = vector.extract_strided_slice %mul3A_541 {offsets = [13], sizes = [1], strides = [1]} : vector<16xi32> to vector<1xi32>
      %squeeze3A_1529 = vector.extract %slice3A_1528[0] : i32 from vector<1xi32>
      %multiple_of3A_1530 = tpu.assume_multiple %squeeze3A_1529, 128 : i32
      %slice3A_1531 = vector.extract_strided_slice %mul3A_547 {offsets = [13], sizes = [1], strides = [1]} : vector<16xi32> to vector<1xi32>
      %squeeze3A_1532 = vector.extract %slice3A_1531[0] : i32 from vector<1xi32>
      %multiple_of3A_1533 = tpu.assume_multiple %squeeze3A_1532, 128 : i32
      %dma_start3A_1534 = arith.constant 5 : i32
      %dma_start3A_1535 = arith.constant 0 : i32
      %dma_start3A_1536 = arith.constant 5 : i32
      %dma_start3A_1537 = arith.constant 0 : i32
      %dma_start3A_1538 = arith.constant 0 : i32
      %dma_start3A_1539 = tpu.memref_slice %arg9[%dma_start3A_1534, %dma_start3A_1537, %dma_start3A_1538] : memref<8x32x128xf32, #tpu.memory_space<vmem>> -> memref<1x32x128xf32, #tpu.memory_space<vmem>>
      %dma_start3A_1540 = tpu.memref_squeeze %dma_start3A_1539 : memref<1x32x128xf32, #tpu.memory_space<vmem>> -> memref<32x128xf32, #tpu.memory_space<vmem>>
      %dma_start3A_1541 = arith.constant 0 : i32
      %dma_start3A_1542 = tpu.memref_slice %arg4[%dma_start3A_1541, %multiple_of3A_1530] : memref<32x1000000xf32, #tpu.memory_space<hbm>> -> memref<32x128xf32, #tpu.memory_space<hbm>>
      %dma_start3A_1543 = tpu.memref_slice %arg12[%dma_start3A_1535, %dma_start3A_1536] : memref<2x8x!tpu.dma_semaphore, #tpu.memory_space<semaphore_mem>> -> memref<1x1x!tpu.dma_semaphore, #tpu.memory_space<semaphore_mem>>
      %dma_start3A_1544 = tpu.memref_squeeze %dma_start3A_1543 : memref<1x1x!tpu.dma_semaphore, #tpu.memory_space<semaphore_mem>> -> memref<!tpu.dma_semaphore, #tpu.memory_space<semaphore_mem>>
      %dma_start3A_1545 = arith.constant 0 : i32
      %dma_start3A_1546 = arith.constant 0 : i32
      %dma_start3A_1547 = tpu.memref_slice %arg9[%dma_start3A_1534, %dma_start3A_1545, %dma_start3A_1546] : memref<8x32x128xf32, #tpu.memory_space<vmem>> -> memref<1x32x128xf32, #tpu.memory_space<vmem>>
      %dma_start3A_1548 = tpu.memref_squeeze %dma_start3A_1547 : memref<1x32x128xf32, #tpu.memory_space<vmem>> -> memref<32x128xf32, #tpu.memory_space<vmem>>
      %dma_start3A_1549 = arith.constant 0 : i32
      %dma_start3A_1550 = tpu.memref_slice %arg4[%dma_start3A_1549, %multiple_of3A_1530] : memref<32x1000000xf32, #tpu.memory_space<hbm>> -> memref<32x128xf32, #tpu.memory_space<hbm>>
      tpu.enqueue_dma source(%dma_start3A_1550 : memref<32x128xf32, #tpu.memory_space<hbm>>) target(%dma_start3A_1548 : memref<32x128xf32, #tpu.memory_space<vmem>>) target_semaphore(%dma_start3A_1544 : memref<!tpu.dma_semaphore, #tpu.memory_space<semaphore_mem>>)
      %dma_start3A_1551 = arith.constant 5 : i32
      %dma_start3A_1552 = arith.constant 1 : i32
      %dma_start3A_1553 = arith.constant 5 : i32
      %dma_start3A_1554 = arith.constant 0 : i32
      %dma_start3A_1555 = arith.constant 0 : i32
      %dma_start3A_1556 = tpu.memref_slice %arg10[%dma_start3A_1551, %dma_start3A_1554, %dma_start3A_1555] : memref<8x32x128xf32, #tpu.memory_space<vmem>> -> memref<1x32x128xf32, #tpu.memory_space<vmem>>
      %dma_start3A_1557 = tpu.memref_squeeze %dma_start3A_1556 : memref<1x32x128xf32, #tpu.memory_space<vmem>> -> memref<32x128xf32, #tpu.memory_space<vmem>>
      %dma_start3A_1558 = arith.constant 0 : i32
      %dma_start3A_1559 = tpu.memref_slice %arg5[%dma_start3A_1558, %multiple_of3A_1533] : memref<32x1000000xf32, #tpu.memory_space<hbm>> -> memref<32x128xf32, #tpu.memory_space<hbm>>
      %dma_start3A_1560 = tpu.memref_slice %arg12[%dma_start3A_1552, %dma_start3A_1553] : memref<2x8x!tpu.dma_semaphore, #tpu.memory_space<semaphore_mem>> -> memref<1x1x!tpu.dma_semaphore, #tpu.memory_space<semaphore_mem>>
      %dma_start3A_1561 = tpu.memref_squeeze %dma_start3A_1560 : memref<1x1x!tpu.dma_semaphore, #tpu.memory_space<semaphore_mem>> -> memref<!tpu.dma_semaphore, #tpu.memory_space<semaphore_mem>>
      %dma_start3A_1562 = arith.constant 0 : i32
      %dma_start3A_1563 = arith.constant 0 : i32
      %dma_start3A_1564 = tpu.memref_slice %arg10[%dma_start3A_1551, %dma_start3A_1562, %dma_start3A_1563] : memref<8x32x128xf32, #tpu.memory_space<vmem>> -> memref<1x32x128xf32, #tpu.memory_space<vmem>>
      %dma_start3A_1565 = tpu.memref_squeeze %dma_start3A_1564 : memref<1x32x128xf32, #tpu.memory_space<vmem>> -> memref<32x128xf32, #tpu.memory_space<vmem>>
      %dma_start3A_1566 = arith.constant 0 : i32
      %dma_start3A_1567 = tpu.memref_slice %arg5[%dma_start3A_1566, %multiple_of3A_1533] : memref<32x1000000xf32, #tpu.memory_space<hbm>> -> memref<32x128xf32, #tpu.memory_space<hbm>>
      tpu.enqueue_dma source(%dma_start3A_1567 : memref<32x128xf32, #tpu.memory_space<hbm>>) target(%dma_start3A_1565 : memref<32x128xf32, #tpu.memory_space<vmem>>) target_semaphore(%dma_start3A_1561 : memref<!tpu.dma_semaphore, #tpu.memory_space<semaphore_mem>>)
      %dma_wait3A_1568 = arith.constant 6 : i32
      %dma_wait3A_1569 = arith.constant 0 : i32
      %dma_wait3A_1570 = arith.constant 6 : i32
      %dma_wait3A_1571 = arith.constant 0 : i32
      %dma_wait3A_1572 = arith.constant 0 : i32
      %dma_wait3A_1573 = tpu.memref_slice %arg9[%dma_wait3A_1568, %dma_wait3A_1571, %dma_wait3A_1572] : memref<8x32x128xf32, #tpu.memory_space<vmem>> -> memref<1x32x128xf32, #tpu.memory_space<vmem>>
      %dma_wait3A_1574 = tpu.memref_squeeze %dma_wait3A_1573 : memref<1x32x128xf32, #tpu.memory_space<vmem>> -> memref<32x128xf32, #tpu.memory_space<vmem>>
      %dma_wait3A_1575 = arith.constant 0 : i32
      %dma_wait3A_1576 = arith.constant 0 : i32
      %dma_wait3A_1577 = tpu.memref_slice %arg4[%dma_wait3A_1575, %dma_wait3A_1576] : memref<32x1000000xf32, #tpu.memory_space<hbm>> -> memref<32x128xf32, #tpu.memory_space<hbm>>
      %dma_wait3A_1578 = tpu.memref_slice %arg12[%dma_wait3A_1569, %dma_wait3A_1570] : memref<2x8x!tpu.dma_semaphore, #tpu.memory_space<semaphore_mem>> -> memref<1x1x!tpu.dma_semaphore, #tpu.memory_space<semaphore_mem>>
      %dma_wait3A_1579 = tpu.memref_squeeze %dma_wait3A_1578 : memref<1x1x!tpu.dma_semaphore, #tpu.memory_space<semaphore_mem>> -> memref<!tpu.dma_semaphore, #tpu.memory_space<semaphore_mem>>
      %dma_wait3A_1580 = arith.constant 0 : i32
      %dma_wait3A_1581 = arith.constant 0 : i32
      %dma_wait3A_1582 = tpu.memref_slice %arg9[%dma_wait3A_1568, %dma_wait3A_1580, %dma_wait3A_1581] : memref<8x32x128xf32, #tpu.memory_space<vmem>> -> memref<1x32x128xf32, #tpu.memory_space<vmem>>
      %dma_wait3A_1583 = tpu.memref_squeeze %dma_wait3A_1582 : memref<1x32x128xf32, #tpu.memory_space<vmem>> -> memref<32x128xf32, #tpu.memory_space<vmem>>
      %dma_wait3A_1584 = arith.constant 0 : i32
      %dma_wait3A_1585 = arith.constant 0 : i32
      %dma_wait3A_1586 = tpu.memref_slice %arg4[%dma_wait3A_1584, %dma_wait3A_1585] : memref<32x1000000xf32, #tpu.memory_space<hbm>> -> memref<32x128xf32, #tpu.memory_space<hbm>>
      tpu.wait_dma2 semaphore(%dma_wait3A_1579 : memref<!tpu.dma_semaphore, #tpu.memory_space<semaphore_mem>>) src(%dma_wait3A_1586 : memref<32x128xf32, #tpu.memory_space<hbm>>) dst(%dma_wait3A_1583 : memref<32x128xf32, #tpu.memory_space<vmem>>)
      %dma_wait3A_1587 = arith.constant 6 : i32
      %dma_wait3A_1588 = arith.constant 1 : i32
      %dma_wait3A_1589 = arith.constant 6 : i32
      %dma_wait3A_1590 = arith.constant 0 : i32
      %dma_wait3A_1591 = arith.constant 0 : i32
      %dma_wait3A_1592 = tpu.memref_slice %arg10[%dma_wait3A_1587, %dma_wait3A_1590, %dma_wait3A_1591] : memref<8x32x128xf32, #tpu.memory_space<vmem>> -> memref<1x32x128xf32, #tpu.memory_space<vmem>>
      %dma_wait3A_1593 = tpu.memref_squeeze %dma_wait3A_1592 : memref<1x32x128xf32, #tpu.memory_space<vmem>> -> memref<32x128xf32, #tpu.memory_space<vmem>>
      %dma_wait3A_1594 = arith.constant 0 : i32
      %dma_wait3A_1595 = arith.constant 0 : i32
      %dma_wait3A_1596 = tpu.memref_slice %arg5[%dma_wait3A_1594, %dma_wait3A_1595] : memref<32x1000000xf32, #tpu.memory_space<hbm>> -> memref<32x128xf32, #tpu.memory_space<hbm>>
      %dma_wait3A_1597 = tpu.memref_slice %arg12[%dma_wait3A_1588, %dma_wait3A_1589] : memref<2x8x!tpu.dma_semaphore, #tpu.memory_space<semaphore_mem>> -> memref<1x1x!tpu.dma_semaphore, #tpu.memory_space<semaphore_mem>>
      %dma_wait3A_1598 = tpu.memref_squeeze %dma_wait3A_1597 : memref<1x1x!tpu.dma_semaphore, #tpu.memory_space<semaphore_mem>> -> memref<!tpu.dma_semaphore, #tpu.memory_space<semaphore_mem>>
      %dma_wait3A_1599 = arith.constant 0 : i32
      %dma_wait3A_1600 = arith.constant 0 : i32
      %dma_wait3A_1601 = tpu.memref_slice %arg10[%dma_wait3A_1587, %dma_wait3A_1599, %dma_wait3A_1600] : memref<8x32x128xf32, #tpu.memory_space<vmem>> -> memref<1x32x128xf32, #tpu.memory_space<vmem>>
      %dma_wait3A_1602 = tpu.memref_squeeze %dma_wait3A_1601 : memref<1x32x128xf32, #tpu.memory_space<vmem>> -> memref<32x128xf32, #tpu.memory_space<vmem>>
      %dma_wait3A_1603 = arith.constant 0 : i32
      %dma_wait3A_1604 = arith.constant 0 : i32
      %dma_wait3A_1605 = tpu.memref_slice %arg5[%dma_wait3A_1603, %dma_wait3A_1604] : memref<32x1000000xf32, #tpu.memory_space<hbm>> -> memref<32x128xf32, #tpu.memory_space<hbm>>
      tpu.wait_dma2 semaphore(%dma_wait3A_1598 : memref<!tpu.dma_semaphore, #tpu.memory_space<semaphore_mem>>) src(%dma_wait3A_1605 : memref<32x128xf32, #tpu.memory_space<hbm>>) dst(%dma_wait3A_1602 : memref<32x128xf32, #tpu.memory_space<vmem>>)
      %mul3A_1606 = arith.constant 16 : i32
      %mul3A_1607 = arith.muli %scan3A_526, %mul3A_1606 : i32
      %add3A_1608 = arith.constant 14 : i32
      %add3A_1609 = arith.addi %mul3A_1607, %add3A_1608 : i32
      %sub3A_1610 = arith.constant 8 : i32
      %sub3A_1611 = arith.subi %add3A_1609, %sub3A_1610 : i32
      %slice3A_1612 = vector.extract_strided_slice %and3A_550 {offsets = [6], sizes = [1], strides = [1]} : vector<16xi32> to vector<1xi32>
      %squeeze3A_1613 = vector.extract %slice3A_1612[0] : i32 from vector<1xi32>
      %broadcast_in_dim3A_1614 = vector.broadcast %squeeze3A_1613 : i32 to vector<16xi32>
      %slice3A_1615 = vector.extract_strided_slice %and3A_553 {offsets = [6], sizes = [1], strides = [1]} : vector<16xi32> to vector<1xi32>
      %squeeze3A_1616 = vector.extract %slice3A_1615[0] : i32 from vector<1xi32>
      %broadcast_in_dim3A_1617 = vector.broadcast %squeeze3A_1616 : i32 to vector<16xi32>
      %broadcast_in_dim3A_1618 = arith.constant 6 : i32
      %broadcast_in_dim3A_1619 = vector.broadcast %broadcast_in_dim3A_1618 : i32 to vector<16xi32>
      %gather3A_1620 = tpu.vector_load_idx %arg9[%broadcast_in_dim3A_1619, %iota3A, %broadcast_in_dim3A_1614] : memref<8x32x128xf32, #tpu.memory_space<vmem>>[vector<16xi32>, vector<16xi32>, vector<16xi32>], vector<16xf32>,
      %add3A_1621 = arith.constant 16 : i32
      %add3A_1622 = vector.broadcast %add3A_1621 : i32 to vector<16xi32>
      %add3A_1623 = arith.addi %iota3A, %add3A_1622 : vector<16xi32>
      %gather3A_1624 = tpu.vector_load_idx %arg9[%broadcast_in_dim3A_1619, %add3A_1623, %broadcast_in_dim3A_1614] : memref<8x32x128xf32, #tpu.memory_space<vmem>>[vector<16xi32>, vector<16xi32>, vector<16xi32>], vector<16xf32>,
      %gather3A_1625 = tpu.vector_load_idx %arg10[%broadcast_in_dim3A_1619, %iota3A, %broadcast_in_dim3A_1617] : memref<8x32x128xf32, #tpu.memory_space<vmem>>[vector<16xi32>, vector<16xi32>, vector<16xi32>], vector<16xf32>,
      %add3A_1626 = arith.constant 16 : i32
      %add3A_1627 = vector.broadcast %add3A_1626 : i32 to vector<16xi32>
      %add3A_1628 = arith.addi %iota3A, %add3A_1627 : vector<16xi32>
      %gather3A_1629 = tpu.vector_load_idx %arg10[%broadcast_in_dim3A_1619, %add3A_1628, %broadcast_in_dim3A_1617] : memref<8x32x128xf32, #tpu.memory_space<vmem>>[vector<16xi32>, vector<16xi32>, vector<16xi32>], vector<16xf32>,
      %shift_right_arithmetic3A_1630 = arith.constant 7 : i32
      %shift_right_arithmetic3A_1631 = arith.shrsi %sub3A_1611, %shift_right_arithmetic3A_1630 : i32
      %broadcast_in_dim3A_1632 = vector.broadcast %shift_right_arithmetic3A_1631 : i32 to vector<16xi32>
      %and3A_1633 = arith.constant 127 : i32
      %and3A_1634 = arith.andi %sub3A_1611, %and3A_1633 : i32
      %broadcast_in_dim3A_1635 = vector.broadcast %and3A_1634 : i32 to vector<16xi32>
      %mul3A_1636 = arith.mulf %gather3A_1620, %gather3A_1625 : vector<16xf32>
      tpu.vector_store_idx %arg11[%shift_right_arithmetic3A_4, %broadcast_in_dim3A_1632, %and3A_6, %broadcast_in_dim3A_1635], %mul3A_1636 : memref<4x4x8x128xf32, #tpu.memory_space<vmem>>[vector<16xi32>, vector<16xi32>, vector<16xi32>, vector<16xi32>], vector<16xf32>,
      %mul3A_1637 = arith.mulf %gather3A_1624, %gather3A_1629 : vector<16xf32>
      tpu.vector_store_idx %arg11[%shift_right_arithmetic3A_12, %broadcast_in_dim3A_1632, %and3A_6, %broadcast_in_dim3A_1635], %mul3A_1637 : memref<4x4x8x128xf32, #tpu.memory_space<vmem>>[vector<16xi32>, vector<16xi32>, vector<16xi32>, vector<16xi32>], vector<16xf32>,
      %slice3A_1638 = vector.extract_strided_slice %mul3A_541 {offsets = [14], sizes = [1], strides = [1]} : vector<16xi32> to vector<1xi32>
      %squeeze3A_1639 = vector.extract %slice3A_1638[0] : i32 from vector<1xi32>
      %multiple_of3A_1640 = tpu.assume_multiple %squeeze3A_1639, 128 : i32
      %slice3A_1641 = vector.extract_strided_slice %mul3A_547 {offsets = [14], sizes = [1], strides = [1]} : vector<16xi32> to vector<1xi32>
      %squeeze3A_1642 = vector.extract %slice3A_1641[0] : i32 from vector<1xi32>
      %multiple_of3A_1643 = tpu.assume_multiple %squeeze3A_1642, 128 : i32
      %dma_start3A_1644 = arith.constant 6 : i32
      %dma_start3A_1645 = arith.constant 0 : i32
      %dma_start3A_1646 = arith.constant 6 : i32
      %dma_start3A_1647 = arith.constant 0 : i32
      %dma_start3A_1648 = arith.constant 0 : i32
      %dma_start3A_1649 = tpu.memref_slice %arg9[%dma_start3A_1644, %dma_start3A_1647, %dma_start3A_1648] : memref<8x32x128xf32, #tpu.memory_space<vmem>> -> memref<1x32x128xf32, #tpu.memory_space<vmem>>
      %dma_start3A_1650 = tpu.memref_squeeze %dma_start3A_1649 : memref<1x32x128xf32, #tpu.memory_space<vmem>> -> memref<32x128xf32, #tpu.memory_space<vmem>>
      %dma_start3A_1651 = arith.constant 0 : i32
      %dma_start3A_1652 = tpu.memref_slice %arg4[%dma_start3A_1651, %multiple_of3A_1640] : memref<32x1000000xf32, #tpu.memory_space<hbm>> -> memref<32x128xf32, #tpu.memory_space<hbm>>
      %dma_start3A_1653 = tpu.memref_slice %arg12[%dma_start3A_1645, %dma_start3A_1646] : memref<2x8x!tpu.dma_semaphore, #tpu.memory_space<semaphore_mem>> -> memref<1x1x!tpu.dma_semaphore, #tpu.memory_space<semaphore_mem>>
      %dma_start3A_1654 = tpu.memref_squeeze %dma_start3A_1653 : memref<1x1x!tpu.dma_semaphore, #tpu.memory_space<semaphore_mem>> -> memref<!tpu.dma_semaphore, #tpu.memory_space<semaphore_mem>>
      %dma_start3A_1655 = arith.constant 0 : i32
      %dma_start3A_1656 = arith.constant 0 : i32
      %dma_start3A_1657 = tpu.memref_slice %arg9[%dma_start3A_1644, %dma_start3A_1655, %dma_start3A_1656] : memref<8x32x128xf32, #tpu.memory_space<vmem>> -> memref<1x32x128xf32, #tpu.memory_space<vmem>>
      %dma_start3A_1658 = tpu.memref_squeeze %dma_start3A_1657 : memref<1x32x128xf32, #tpu.memory_space<vmem>> -> memref<32x128xf32, #tpu.memory_space<vmem>>
      %dma_start3A_1659 = arith.constant 0 : i32
      %dma_start3A_1660 = tpu.memref_slice %arg4[%dma_start3A_1659, %multiple_of3A_1640] : memref<32x1000000xf32, #tpu.memory_space<hbm>> -> memref<32x128xf32, #tpu.memory_space<hbm>>
      tpu.enqueue_dma source(%dma_start3A_1660 : memref<32x128xf32, #tpu.memory_space<hbm>>) target(%dma_start3A_1658 : memref<32x128xf32, #tpu.memory_space<vmem>>) target_semaphore(%dma_start3A_1654 : memref<!tpu.dma_semaphore, #tpu.memory_space<semaphore_mem>>)
      %dma_start3A_1661 = arith.constant 6 : i32
      %dma_start3A_1662 = arith.constant 1 : i32
      %dma_start3A_1663 = arith.constant 6 : i32
      %dma_start3A_1664 = arith.constant 0 : i32
      %dma_start3A_1665 = arith.constant 0 : i32
      %dma_start3A_1666 = tpu.memref_slice %arg10[%dma_start3A_1661, %dma_start3A_1664, %dma_start3A_1665] : memref<8x32x128xf32, #tpu.memory_space<vmem>> -> memref<1x32x128xf32, #tpu.memory_space<vmem>>
      %dma_start3A_1667 = tpu.memref_squeeze %dma_start3A_1666 : memref<1x32x128xf32, #tpu.memory_space<vmem>> -> memref<32x128xf32, #tpu.memory_space<vmem>>
      %dma_start3A_1668 = arith.constant 0 : i32
      %dma_start3A_1669 = tpu.memref_slice %arg5[%dma_start3A_1668, %multiple_of3A_1643] : memref<32x1000000xf32, #tpu.memory_space<hbm>> -> memref<32x128xf32, #tpu.memory_space<hbm>>
      %dma_start3A_1670 = tpu.memref_slice %arg12[%dma_start3A_1662, %dma_start3A_1663] : memref<2x8x!tpu.dma_semaphore, #tpu.memory_space<semaphore_mem>> -> memref<1x1x!tpu.dma_semaphore, #tpu.memory_space<semaphore_mem>>
      %dma_start3A_1671 = tpu.memref_squeeze %dma_start3A_1670 : memref<1x1x!tpu.dma_semaphore, #tpu.memory_space<semaphore_mem>> -> memref<!tpu.dma_semaphore, #tpu.memory_space<semaphore_mem>>
      %dma_start3A_1672 = arith.constant 0 : i32
      %dma_start3A_1673 = arith.constant 0 : i32
      %dma_start3A_1674 = tpu.memref_slice %arg10[%dma_start3A_1661, %dma_start3A_1672, %dma_start3A_1673] : memref<8x32x128xf32, #tpu.memory_space<vmem>> -> memref<1x32x128xf32, #tpu.memory_space<vmem>>
      %dma_start3A_1675 = tpu.memref_squeeze %dma_start3A_1674 : memref<1x32x128xf32, #tpu.memory_space<vmem>> -> memref<32x128xf32, #tpu.memory_space<vmem>>
      %dma_start3A_1676 = arith.constant 0 : i32
      %dma_start3A_1677 = tpu.memref_slice %arg5[%dma_start3A_1676, %multiple_of3A_1643] : memref<32x1000000xf32, #tpu.memory_space<hbm>> -> memref<32x128xf32, #tpu.memory_space<hbm>>
      tpu.enqueue_dma source(%dma_start3A_1677 : memref<32x128xf32, #tpu.memory_space<hbm>>) target(%dma_start3A_1675 : memref<32x128xf32, #tpu.memory_space<vmem>>) target_semaphore(%dma_start3A_1671 : memref<!tpu.dma_semaphore, #tpu.memory_space<semaphore_mem>>)
      %dma_wait3A_1678 = arith.constant 7 : i32
      %dma_wait3A_1679 = arith.constant 0 : i32
      %dma_wait3A_1680 = arith.constant 7 : i32
      %dma_wait3A_1681 = arith.constant 0 : i32
      %dma_wait3A_1682 = arith.constant 0 : i32
      %dma_wait3A_1683 = tpu.memref_slice %arg9[%dma_wait3A_1678, %dma_wait3A_1681, %dma_wait3A_1682] : memref<8x32x128xf32, #tpu.memory_space<vmem>> -> memref<1x32x128xf32, #tpu.memory_space<vmem>>
      %dma_wait3A_1684 = tpu.memref_squeeze %dma_wait3A_1683 : memref<1x32x128xf32, #tpu.memory_space<vmem>> -> memref<32x128xf32, #tpu.memory_space<vmem>>
      %dma_wait3A_1685 = arith.constant 0 : i32
      %dma_wait3A_1686 = arith.constant 0 : i32
      %dma_wait3A_1687 = tpu.memref_slice %arg4[%dma_wait3A_1685, %dma_wait3A_1686] : memref<32x1000000xf32, #tpu.memory_space<hbm>> -> memref<32x128xf32, #tpu.memory_space<hbm>>
      %dma_wait3A_1688 = tpu.memref_slice %arg12[%dma_wait3A_1679, %dma_wait3A_1680] : memref<2x8x!tpu.dma_semaphore, #tpu.memory_space<semaphore_mem>> -> memref<1x1x!tpu.dma_semaphore, #tpu.memory_space<semaphore_mem>>
      %dma_wait3A_1689 = tpu.memref_squeeze %dma_wait3A_1688 : memref<1x1x!tpu.dma_semaphore, #tpu.memory_space<semaphore_mem>> -> memref<!tpu.dma_semaphore, #tpu.memory_space<semaphore_mem>>
      %dma_wait3A_1690 = arith.constant 0 : i32
      %dma_wait3A_1691 = arith.constant 0 : i32
      %dma_wait3A_1692 = tpu.memref_slice %arg9[%dma_wait3A_1678, %dma_wait3A_1690, %dma_wait3A_1691] : memref<8x32x128xf32, #tpu.memory_space<vmem>> -> memref<1x32x128xf32, #tpu.memory_space<vmem>>
      %dma_wait3A_1693 = tpu.memref_squeeze %dma_wait3A_1692 : memref<1x32x128xf32, #tpu.memory_space<vmem>> -> memref<32x128xf32, #tpu.memory_space<vmem>>
      %dma_wait3A_1694 = arith.constant 0 : i32
      %dma_wait3A_1695 = arith.constant 0 : i32
      %dma_wait3A_1696 = tpu.memref_slice %arg4[%dma_wait3A_1694, %dma_wait3A_1695] : memref<32x1000000xf32, #tpu.memory_space<hbm>> -> memref<32x128xf32, #tpu.memory_space<hbm>>
      tpu.wait_dma2 semaphore(%dma_wait3A_1689 : memref<!tpu.dma_semaphore, #tpu.memory_space<semaphore_mem>>) src(%dma_wait3A_1696 : memref<32x128xf32, #tpu.memory_space<hbm>>) dst(%dma_wait3A_1693 : memref<32x128xf32, #tpu.memory_space<vmem>>)
      %dma_wait3A_1697 = arith.constant 7 : i32
      %dma_wait3A_1698 = arith.constant 1 : i32
      %dma_wait3A_1699 = arith.constant 7 : i32
      %dma_wait3A_1700 = arith.constant 0 : i32
      %dma_wait3A_1701 = arith.constant 0 : i32
      %dma_wait3A_1702 = tpu.memref_slice %arg10[%dma_wait3A_1697, %dma_wait3A_1700, %dma_wait3A_1701] : memref<8x32x128xf32, #tpu.memory_space<vmem>> -> memref<1x32x128xf32, #tpu.memory_space<vmem>>
      %dma_wait3A_1703 = tpu.memref_squeeze %dma_wait3A_1702 : memref<1x32x128xf32, #tpu.memory_space<vmem>> -> memref<32x128xf32, #tpu.memory_space<vmem>>
      %dma_wait3A_1704 = arith.constant 0 : i32
      %dma_wait3A_1705 = arith.constant 0 : i32
      %dma_wait3A_1706 = tpu.memref_slice %arg5[%dma_wait3A_1704, %dma_wait3A_1705] : memref<32x1000000xf32, #tpu.memory_space<hbm>> -> memref<32x128xf32, #tpu.memory_space<hbm>>
      %dma_wait3A_1707 = tpu.memref_slice %arg12[%dma_wait3A_1698, %dma_wait3A_1699] : memref<2x8x!tpu.dma_semaphore, #tpu.memory_space<semaphore_mem>> -> memref<1x1x!tpu.dma_semaphore, #tpu.memory_space<semaphore_mem>>
      %dma_wait3A_1708 = tpu.memref_squeeze %dma_wait3A_1707 : memref<1x1x!tpu.dma_semaphore, #tpu.memory_space<semaphore_mem>> -> memref<!tpu.dma_semaphore, #tpu.memory_space<semaphore_mem>>
      %dma_wait3A_1709 = arith.constant 0 : i32
      %dma_wait3A_1710 = arith.constant 0 : i32
      %dma_wait3A_1711 = tpu.memref_slice %arg10[%dma_wait3A_1697, %dma_wait3A_1709, %dma_wait3A_1710] : memref<8x32x128xf32, #tpu.memory_space<vmem>> -> memref<1x32x128xf32, #tpu.memory_space<vmem>>
      %dma_wait3A_1712 = tpu.memref_squeeze %dma_wait3A_1711 : memref<1x32x128xf32, #tpu.memory_space<vmem>> -> memref<32x128xf32, #tpu.memory_space<vmem>>
      %dma_wait3A_1713 = arith.constant 0 : i32
      %dma_wait3A_1714 = arith.constant 0 : i32
      %dma_wait3A_1715 = tpu.memref_slice %arg5[%dma_wait3A_1713, %dma_wait3A_1714] : memref<32x1000000xf32, #tpu.memory_space<hbm>> -> memref<32x128xf32, #tpu.memory_space<hbm>>
      tpu.wait_dma2 semaphore(%dma_wait3A_1708 : memref<!tpu.dma_semaphore, #tpu.memory_space<semaphore_mem>>) src(%dma_wait3A_1715 : memref<32x128xf32, #tpu.memory_space<hbm>>) dst(%dma_wait3A_1712 : memref<32x128xf32, #tpu.memory_space<vmem>>)
      %mul3A_1716 = arith.constant 16 : i32
      %mul3A_1717 = arith.muli %scan3A_526, %mul3A_1716 : i32
      %add3A_1718 = arith.constant 15 : i32
      %add3A_1719 = arith.addi %mul3A_1717, %add3A_1718 : i32
      %sub3A_1720 = arith.constant 8 : i32
      %sub3A_1721 = arith.subi %add3A_1719, %sub3A_1720 : i32
      %slice3A_1722 = vector.extract_strided_slice %and3A_550 {offsets = [7], sizes = [1], strides = [1]} : vector<16xi32> to vector<1xi32>
      %squeeze3A_1723 = vector.extract %slice3A_1722[0] : i32 from vector<1xi32>
      %broadcast_in_dim3A_1724 = vector.broadcast %squeeze3A_1723 : i32 to vector<16xi32>
      %slice3A_1725 = vector.extract_strided_slice %and3A_553 {offsets = [7], sizes = [1], strides = [1]} : vector<16xi32> to vector<1xi32>
      %squeeze3A_1726 = vector.extract %slice3A_1725[0] : i32 from vector<1xi32>
      %broadcast_in_dim3A_1727 = vector.broadcast %squeeze3A_1726 : i32 to vector<16xi32>
      %broadcast_in_dim3A_1728 = arith.constant 7 : i32
      %broadcast_in_dim3A_1729 = vector.broadcast %broadcast_in_dim3A_1728 : i32 to vector<16xi32>
      %gather3A_1730 = tpu.vector_load_idx %arg9[%broadcast_in_dim3A_1729, %iota3A, %broadcast_in_dim3A_1724] : memref<8x32x128xf32, #tpu.memory_space<vmem>>[vector<16xi32>, vector<16xi32>, vector<16xi32>], vector<16xf32>,
      %add3A_1731 = arith.constant 16 : i32
      %add3A_1732 = vector.broadcast %add3A_1731 : i32 to vector<16xi32>
      %add3A_1733 = arith.addi %iota3A, %add3A_1732 : vector<16xi32>
      %gather3A_1734 = tpu.vector_load_idx %arg9[%broadcast_in_dim3A_1729, %add3A_1733, %broadcast_in_dim3A_1724] : memref<8x32x128xf32, #tpu.memory_space<vmem>>[vector<16xi32>, vector<16xi32>, vector<16xi32>], vector<16xf32>,
      %gather3A_1735 = tpu.vector_load_idx %arg10[%broadcast_in_dim3A_1729, %iota3A, %broadcast_in_dim3A_1727] : memref<8x32x128xf32, #tpu.memory_space<vmem>>[vector<16xi32>, vector<16xi32>, vector<16xi32>], vector<16xf32>,
      %add3A_1736 = arith.constant 16 : i32
      %add3A_1737 = vector.broadcast %add3A_1736 : i32 to vector<16xi32>
      %add3A_1738 = arith.addi %iota3A, %add3A_1737 : vector<16xi32>
      %gather3A_1739 = tpu.vector_load_idx %arg10[%broadcast_in_dim3A_1729, %add3A_1738, %broadcast_in_dim3A_1727] : memref<8x32x128xf32, #tpu.memory_space<vmem>>[vector<16xi32>, vector<16xi32>, vector<16xi32>], vector<16xf32>,
      %shift_right_arithmetic3A_1740 = arith.constant 7 : i32
      %shift_right_arithmetic3A_1741 = arith.shrsi %sub3A_1721, %shift_right_arithmetic3A_1740 : i32
      %broadcast_in_dim3A_1742 = vector.broadcast %shift_right_arithmetic3A_1741 : i32 to vector<16xi32>
      %and3A_1743 = arith.constant 127 : i32
      %and3A_1744 = arith.andi %sub3A_1721, %and3A_1743 : i32
      %broadcast_in_dim3A_1745 = vector.broadcast %and3A_1744 : i32 to vector<16xi32>
      %mul3A_1746 = arith.mulf %gather3A_1730, %gather3A_1735 : vector<16xf32>
      tpu.vector_store_idx %arg11[%shift_right_arithmetic3A_4, %broadcast_in_dim3A_1742, %and3A_6, %broadcast_in_dim3A_1745], %mul3A_1746 : memref<4x4x8x128xf32, #tpu.memory_space<vmem>>[vector<16xi32>, vector<16xi32>, vector<16xi32>, vector<16xi32>], vector<16xf32>,
      %mul3A_1747 = arith.mulf %gather3A_1734, %gather3A_1739 : vector<16xf32>
      tpu.vector_store_idx %arg11[%shift_right_arithmetic3A_12, %broadcast_in_dim3A_1742, %and3A_6, %broadcast_in_dim3A_1745], %mul3A_1747 : memref<4x4x8x128xf32, #tpu.memory_space<vmem>>[vector<16xi32>, vector<16xi32>, vector<16xi32>, vector<16xi32>], vector<16xf32>,
      %slice3A_1748 = vector.extract_strided_slice %mul3A_541 {offsets = [15], sizes = [1], strides = [1]} : vector<16xi32> to vector<1xi32>
      %squeeze3A_1749 = vector.extract %slice3A_1748[0] : i32 from vector<1xi32>
      %multiple_of3A_1750 = tpu.assume_multiple %squeeze3A_1749, 128 : i32
      %slice3A_1751 = vector.extract_strided_slice %mul3A_547 {offsets = [15], sizes = [1], strides = [1]} : vector<16xi32> to vector<1xi32>
      %squeeze3A_1752 = vector.extract %slice3A_1751[0] : i32 from vector<1xi32>
      %multiple_of3A_1753 = tpu.assume_multiple %squeeze3A_1752, 128 : i32
      %dma_start3A_1754 = arith.constant 7 : i32
      %dma_start3A_1755 = arith.constant 0 : i32
      %dma_start3A_1756 = arith.constant 7 : i32
      %dma_start3A_1757 = arith.constant 0 : i32
      %dma_start3A_1758 = arith.constant 0 : i32
      %dma_start3A_1759 = tpu.memref_slice %arg9[%dma_start3A_1754, %dma_start3A_1757, %dma_start3A_1758] : memref<8x32x128xf32, #tpu.memory_space<vmem>> -> memref<1x32x128xf32, #tpu.memory_space<vmem>>
      %dma_start3A_1760 = tpu.memref_squeeze %dma_start3A_1759 : memref<1x32x128xf32, #tpu.memory_space<vmem>> -> memref<32x128xf32, #tpu.memory_space<vmem>>
      %dma_start3A_1761 = arith.constant 0 : i32
      %dma_start3A_1762 = tpu.memref_slice %arg4[%dma_start3A_1761, %multiple_of3A_1750] : memref<32x1000000xf32, #tpu.memory_space<hbm>> -> memref<32x128xf32, #tpu.memory_space<hbm>>
      %dma_start3A_1763 = tpu.memref_slice %arg12[%dma_start3A_1755, %dma_start3A_1756] : memref<2x8x!tpu.dma_semaphore, #tpu.memory_space<semaphore_mem>> -> memref<1x1x!tpu.dma_semaphore, #tpu.memory_space<semaphore_mem>>
      %dma_start3A_1764 = tpu.memref_squeeze %dma_start3A_1763 : memref<1x1x!tpu.dma_semaphore, #tpu.memory_space<semaphore_mem>> -> memref<!tpu.dma_semaphore, #tpu.memory_space<semaphore_mem>>
      %dma_start3A_1765 = arith.constant 0 : i32
      %dma_start3A_1766 = arith.constant 0 : i32
      %dma_start3A_1767 = tpu.memref_slice %arg9[%dma_start3A_1754, %dma_start3A_1765, %dma_start3A_1766] : memref<8x32x128xf32, #tpu.memory_space<vmem>> -> memref<1x32x128xf32, #tpu.memory_space<vmem>>
      %dma_start3A_1768 = tpu.memref_squeeze %dma_start3A_1767 : memref<1x32x128xf32, #tpu.memory_space<vmem>> -> memref<32x128xf32, #tpu.memory_space<vmem>>
      %dma_start3A_1769 = arith.constant 0 : i32
      %dma_start3A_1770 = tpu.memref_slice %arg4[%dma_start3A_1769, %multiple_of3A_1750] : memref<32x1000000xf32, #tpu.memory_space<hbm>> -> memref<32x128xf32, #tpu.memory_space<hbm>>
      tpu.enqueue_dma source(%dma_start3A_1770 : memref<32x128xf32, #tpu.memory_space<hbm>>) target(%dma_start3A_1768 : memref<32x128xf32, #tpu.memory_space<vmem>>) target_semaphore(%dma_start3A_1764 : memref<!tpu.dma_semaphore, #tpu.memory_space<semaphore_mem>>)
      %dma_start3A_1771 = arith.constant 7 : i32
      %dma_start3A_1772 = arith.constant 1 : i32
      %dma_start3A_1773 = arith.constant 7 : i32
      %dma_start3A_1774 = arith.constant 0 : i32
      %dma_start3A_1775 = arith.constant 0 : i32
      %dma_start3A_1776 = tpu.memref_slice %arg10[%dma_start3A_1771, %dma_start3A_1774, %dma_start3A_1775] : memref<8x32x128xf32, #tpu.memory_space<vmem>> -> memref<1x32x128xf32, #tpu.memory_space<vmem>>
      %dma_start3A_1777 = tpu.memref_squeeze %dma_start3A_1776 : memref<1x32x128xf32, #tpu.memory_space<vmem>> -> memref<32x128xf32, #tpu.memory_space<vmem>>
      %dma_start3A_1778 = arith.constant 0 : i32
      %dma_start3A_1779 = tpu.memref_slice %arg5[%dma_start3A_1778, %multiple_of3A_1753] : memref<32x1000000xf32, #tpu.memory_space<hbm>> -> memref<32x128xf32, #tpu.memory_space<hbm>>
      %dma_start3A_1780 = tpu.memref_slice %arg12[%dma_start3A_1772, %dma_start3A_1773] : memref<2x8x!tpu.dma_semaphore, #tpu.memory_space<semaphore_mem>> -> memref<1x1x!tpu.dma_semaphore, #tpu.memory_space<semaphore_mem>>
      %dma_start3A_1781 = tpu.memref_squeeze %dma_start3A_1780 : memref<1x1x!tpu.dma_semaphore, #tpu.memory_space<semaphore_mem>> -> memref<!tpu.dma_semaphore, #tpu.memory_space<semaphore_mem>>
      %dma_start3A_1782 = arith.constant 0 : i32
      %dma_start3A_1783 = arith.constant 0 : i32
      %dma_start3A_1784 = tpu.memref_slice %arg10[%dma_start3A_1771, %dma_start3A_1782, %dma_start3A_1783] : memref<8x32x128xf32, #tpu.memory_space<vmem>> -> memref<1x32x128xf32, #tpu.memory_space<vmem>>
      %dma_start3A_1785 = tpu.memref_squeeze %dma_start3A_1784 : memref<1x32x128xf32, #tpu.memory_space<vmem>> -> memref<32x128xf32, #tpu.memory_space<vmem>>
      %dma_start3A_1786 = arith.constant 0 : i32
      %dma_start3A_1787 = tpu.memref_slice %arg5[%dma_start3A_1786, %multiple_of3A_1753] : memref<32x1000000xf32, #tpu.memory_space<hbm>> -> memref<32x128xf32, #tpu.memory_space<hbm>>
      tpu.enqueue_dma source(%dma_start3A_1787 : memref<32x128xf32, #tpu.memory_space<hbm>>) target(%dma_start3A_1785 : memref<32x128xf32, #tpu.memory_space<vmem>>) target_semaphore(%dma_start3A_1781 : memref<!tpu.dma_semaphore, #tpu.memory_space<semaphore_mem>>)
      scf.yield %and3A_550, %and3A_553 : vector<16xi32>, vector<16xi32>
    }
    %scan3A_18 = arith.constant 32 : i32
    %dma_wait3A = arith.constant 0 : i32
    %dma_wait3A_19 = arith.constant 0 : i32
    %dma_wait3A_20 = arith.constant 0 : i32
    %dma_wait3A_21 = arith.constant 0 : i32
    %dma_wait3A_22 = arith.constant 0 : i32
    %dma_wait3A_23 = tpu.memref_slice %arg9[%dma_wait3A, %dma_wait3A_21, %dma_wait3A_22] : memref<8x32x128xf32, #tpu.memory_space<vmem>> -> memref<1x32x128xf32, #tpu.memory_space<vmem>>
    %dma_wait3A_24 = tpu.memref_squeeze %dma_wait3A_23 : memref<1x32x128xf32, #tpu.memory_space<vmem>> -> memref<32x128xf32, #tpu.memory_space<vmem>>
    %dma_wait3A_25 = arith.constant 0 : i32
    %dma_wait3A_26 = arith.constant 0 : i32
    %dma_wait3A_27 = tpu.memref_slice %arg4[%dma_wait3A_25, %dma_wait3A_26] : memref<32x1000000xf32, #tpu.memory_space<hbm>> -> memref<32x128xf32, #tpu.memory_space<hbm>>
    %dma_wait3A_28 = tpu.memref_slice %arg12[%dma_wait3A_19, %dma_wait3A_20] : memref<2x8x!tpu.dma_semaphore, #tpu.memory_space<semaphore_mem>> -> memref<1x1x!tpu.dma_semaphore, #tpu.memory_space<semaphore_mem>>
    %dma_wait3A_29 = tpu.memref_squeeze %dma_wait3A_28 : memref<1x1x!tpu.dma_semaphore, #tpu.memory_space<semaphore_mem>> -> memref<!tpu.dma_semaphore, #tpu.memory_space<semaphore_mem>>
    %dma_wait3A_30 = arith.constant 0 : i32
    %dma_wait3A_31 = arith.constant 0 : i32
    %dma_wait3A_32 = tpu.memref_slice %arg9[%dma_wait3A, %dma_wait3A_30, %dma_wait3A_31] : memref<8x32x128xf32, #tpu.memory_space<vmem>> -> memref<1x32x128xf32, #tpu.memory_space<vmem>>
    %dma_wait3A_33 = tpu.memref_squeeze %dma_wait3A_32 : memref<1x32x128xf32, #tpu.memory_space<vmem>> -> memref<32x128xf32, #tpu.memory_space<vmem>>
    %dma_wait3A_34 = arith.constant 0 : i32
    %dma_wait3A_35 = arith.constant 0 : i32
    %dma_wait3A_36 = tpu.memref_slice %arg4[%dma_wait3A_34, %dma_wait3A_35] : memref<32x1000000xf32, #tpu.memory_space<hbm>> -> memref<32x128xf32, #tpu.memory_space<hbm>>
    tpu.wait_dma2 semaphore(%dma_wait3A_29 : memref<!tpu.dma_semaphore, #tpu.memory_space<semaphore_mem>>) src(%dma_wait3A_36 : memref<32x128xf32, #tpu.memory_space<hbm>>) dst(%dma_wait3A_33 : memref<32x128xf32, #tpu.memory_space<vmem>>)
    %dma_wait3A_37 = arith.constant 0 : i32
    %dma_wait3A_38 = arith.constant 1 : i32
    %dma_wait3A_39 = arith.constant 0 : i32
    %dma_wait3A_40 = arith.constant 0 : i32
    %dma_wait3A_41 = arith.constant 0 : i32
    %dma_wait3A_42 = tpu.memref_slice %arg10[%dma_wait3A_37, %dma_wait3A_40, %dma_wait3A_41] : memref<8x32x128xf32, #tpu.memory_space<vmem>> -> memref<1x32x128xf32, #tpu.memory_space<vmem>>
    %dma_wait3A_43 = tpu.memref_squeeze %dma_wait3A_42 : memref<1x32x128xf32, #tpu.memory_space<vmem>> -> memref<32x128xf32, #tpu.memory_space<vmem>>
    %dma_wait3A_44 = arith.constant 0 : i32
    %dma_wait3A_45 = arith.constant 0 : i32
    %dma_wait3A_46 = tpu.memref_slice %arg5[%dma_wait3A_44, %dma_wait3A_45] : memref<32x1000000xf32, #tpu.memory_space<hbm>> -> memref<32x128xf32, #tpu.memory_space<hbm>>
    %dma_wait3A_47 = tpu.memref_slice %arg12[%dma_wait3A_38, %dma_wait3A_39] : memref<2x8x!tpu.dma_semaphore, #tpu.memory_space<semaphore_mem>> -> memref<1x1x!tpu.dma_semaphore, #tpu.memory_space<semaphore_mem>>
    %dma_wait3A_48 = tpu.memref_squeeze %dma_wait3A_47 : memref<1x1x!tpu.dma_semaphore, #tpu.memory_space<semaphore_mem>> -> memref<!tpu.dma_semaphore, #tpu.memory_space<semaphore_mem>>
    %dma_wait3A_49 = arith.constant 0 : i32
    %dma_wait3A_50 = arith.constant 0 : i32
    %dma_wait3A_51 = tpu.memref_slice %arg10[%dma_wait3A_37, %dma_wait3A_49, %dma_wait3A_50] : memref<8x32x128xf32, #tpu.memory_space<vmem>> -> memref<1x32x128xf32, #tpu.memory_space<vmem>>
    %dma_wait3A_52 = tpu.memref_squeeze %dma_wait3A_51 : memref<1x32x128xf32, #tpu.memory_space<vmem>> -> memref<32x128xf32, #tpu.memory_space<vmem>>
    %dma_wait3A_53 = arith.constant 0 : i32
    %dma_wait3A_54 = arith.constant 0 : i32
    %dma_wait3A_55 = tpu.memref_slice %arg5[%dma_wait3A_53, %dma_wait3A_54] : memref<32x1000000xf32, #tpu.memory_space<hbm>> -> memref<32x128xf32, #tpu.memory_space<hbm>>
    tpu.wait_dma2 semaphore(%dma_wait3A_48 : memref<!tpu.dma_semaphore, #tpu.memory_space<semaphore_mem>>) src(%dma_wait3A_55 : memref<32x128xf32, #tpu.memory_space<hbm>>) dst(%dma_wait3A_52 : memref<32x128xf32, #tpu.memory_space<vmem>>)
    %slice3A = vector.extract_strided_slice %scan3A_17#0 {offsets = [8], sizes = [1], strides = [1]} : vector<16xi32> to vector<1xi32>
    %squeeze3A = vector.extract %slice3A[0] : i32 from vector<1xi32>
    %broadcast_in_dim3A_56 = vector.broadcast %squeeze3A : i32 to vector<16xi32>
    %slice3A_57 = vector.extract_strided_slice %scan3A_17#1 {offsets = [8], sizes = [1], strides = [1]} : vector<16xi32> to vector<1xi32>
    %squeeze3A_58 = vector.extract %slice3A_57[0] : i32 from vector<1xi32>
    %broadcast_in_dim3A_59 = vector.broadcast %squeeze3A_58 : i32 to vector<16xi32>
    %broadcast_in_dim3A_60 = arith.constant 0 : i32
    %broadcast_in_dim3A_61 = vector.broadcast %broadcast_in_dim3A_60 : i32 to vector<16xi32>
    %gather3A = tpu.vector_load_idx %arg9[%broadcast_in_dim3A_61, %iota3A, %broadcast_in_dim3A_56] : memref<8x32x128xf32, #tpu.memory_space<vmem>>[vector<16xi32>, vector<16xi32>, vector<16xi32>], vector<16xf32>,
    %add3A_62 = arith.constant 16 : i32
    %add3A_63 = vector.broadcast %add3A_62 : i32 to vector<16xi32>
    %add3A_64 = arith.addi %iota3A, %add3A_63 : vector<16xi32>
    %gather3A_65 = tpu.vector_load_idx %arg9[%broadcast_in_dim3A_61, %add3A_64, %broadcast_in_dim3A_56] : memref<8x32x128xf32, #tpu.memory_space<vmem>>[vector<16xi32>, vector<16xi32>, vector<16xi32>], vector<16xf32>,
    %gather3A_66 = tpu.vector_load_idx %arg10[%broadcast_in_dim3A_61, %iota3A, %broadcast_in_dim3A_59] : memref<8x32x128xf32, #tpu.memory_space<vmem>>[vector<16xi32>, vector<16xi32>, vector<16xi32>], vector<16xf32>,
    %add3A_67 = arith.constant 16 : i32
    %add3A_68 = vector.broadcast %add3A_67 : i32 to vector<16xi32>
    %add3A_69 = arith.addi %iota3A, %add3A_68 : vector<16xi32>
    %gather3A_70 = tpu.vector_load_idx %arg10[%broadcast_in_dim3A_61, %add3A_69, %broadcast_in_dim3A_59] : memref<8x32x128xf32, #tpu.memory_space<vmem>>[vector<16xi32>, vector<16xi32>, vector<16xi32>], vector<16xf32>,
    %broadcast_in_dim3A_71 = arith.constant 3 : i32
    %broadcast_in_dim3A_72 = vector.broadcast %broadcast_in_dim3A_71 : i32 to vector<16xi32>
    %broadcast_in_dim3A_73 = arith.constant 120 : i32
    %broadcast_in_dim3A_74 = vector.broadcast %broadcast_in_dim3A_73 : i32 to vector<16xi32>
    %mul3A_75 = arith.mulf %gather3A, %gather3A_66 : vector<16xf32>
    tpu.vector_store_idx %arg11[%shift_right_arithmetic3A_4, %broadcast_in_dim3A_72, %and3A_6, %broadcast_in_dim3A_74], %mul3A_75 : memref<4x4x8x128xf32, #tpu.memory_space<vmem>>[vector<16xi32>, vector<16xi32>, vector<16xi32>, vector<16xi32>], vector<16xf32>,
    %mul3A_76 = arith.mulf %gather3A_65, %gather3A_70 : vector<16xf32>
    tpu.vector_store_idx %arg11[%shift_right_arithmetic3A_12, %broadcast_in_dim3A_72, %and3A_6, %broadcast_in_dim3A_74], %mul3A_76 : memref<4x4x8x128xf32, #tpu.memory_space<vmem>>[vector<16xi32>, vector<16xi32>, vector<16xi32>, vector<16xi32>], vector<16xf32>,
    %dma_wait3A_77 = arith.constant 1 : i32
    %dma_wait3A_78 = arith.constant 0 : i32
    %dma_wait3A_79 = arith.constant 1 : i32
    %dma_wait3A_80 = arith.constant 0 : i32
    %dma_wait3A_81 = arith.constant 0 : i32
    %dma_wait3A_82 = tpu.memref_slice %arg9[%dma_wait3A_77, %dma_wait3A_80, %dma_wait3A_81] : memref<8x32x128xf32, #tpu.memory_space<vmem>> -> memref<1x32x128xf32, #tpu.memory_space<vmem>>
    %dma_wait3A_83 = tpu.memref_squeeze %dma_wait3A_82 : memref<1x32x128xf32, #tpu.memory_space<vmem>> -> memref<32x128xf32, #tpu.memory_space<vmem>>
    %dma_wait3A_84 = arith.constant 0 : i32
    %dma_wait3A_85 = arith.constant 0 : i32
    %dma_wait3A_86 = tpu.memref_slice %arg4[%dma_wait3A_84, %dma_wait3A_85] : memref<32x1000000xf32, #tpu.memory_space<hbm>> -> memref<32x128xf32, #tpu.memory_space<hbm>>
    %dma_wait3A_87 = tpu.memref_slice %arg12[%dma_wait3A_78, %dma_wait3A_79] : memref<2x8x!tpu.dma_semaphore, #tpu.memory_space<semaphore_mem>> -> memref<1x1x!tpu.dma_semaphore, #tpu.memory_space<semaphore_mem>>
    %dma_wait3A_88 = tpu.memref_squeeze %dma_wait3A_87 : memref<1x1x!tpu.dma_semaphore, #tpu.memory_space<semaphore_mem>> -> memref<!tpu.dma_semaphore, #tpu.memory_space<semaphore_mem>>
    %dma_wait3A_89 = arith.constant 0 : i32
    %dma_wait3A_90 = arith.constant 0 : i32
    %dma_wait3A_91 = tpu.memref_slice %arg9[%dma_wait3A_77, %dma_wait3A_89, %dma_wait3A_90] : memref<8x32x128xf32, #tpu.memory_space<vmem>> -> memref<1x32x128xf32, #tpu.memory_space<vmem>>
    %dma_wait3A_92 = tpu.memref_squeeze %dma_wait3A_91 : memref<1x32x128xf32, #tpu.memory_space<vmem>> -> memref<32x128xf32, #tpu.memory_space<vmem>>
    %dma_wait3A_93 = arith.constant 0 : i32
    %dma_wait3A_94 = arith.constant 0 : i32
    %dma_wait3A_95 = tpu.memref_slice %arg4[%dma_wait3A_93, %dma_wait3A_94] : memref<32x1000000xf32, #tpu.memory_space<hbm>> -> memref<32x128xf32, #tpu.memory_space<hbm>>
    tpu.wait_dma2 semaphore(%dma_wait3A_88 : memref<!tpu.dma_semaphore, #tpu.memory_space<semaphore_mem>>) src(%dma_wait3A_95 : memref<32x128xf32, #tpu.memory_space<hbm>>) dst(%dma_wait3A_92 : memref<32x128xf32, #tpu.memory_space<vmem>>)
    %dma_wait3A_96 = arith.constant 1 : i32
    %dma_wait3A_97 = arith.constant 1 : i32
    %dma_wait3A_98 = arith.constant 1 : i32
    %dma_wait3A_99 = arith.constant 0 : i32
    %dma_wait3A_100 = arith.constant 0 : i32
    %dma_wait3A_101 = tpu.memref_slice %arg10[%dma_wait3A_96, %dma_wait3A_99, %dma_wait3A_100] : memref<8x32x128xf32, #tpu.memory_space<vmem>> -> memref<1x32x128xf32, #tpu.memory_space<vmem>>
    %dma_wait3A_102 = tpu.memref_squeeze %dma_wait3A_101 : memref<1x32x128xf32, #tpu.memory_space<vmem>> -> memref<32x128xf32, #tpu.memory_space<vmem>>
    %dma_wait3A_103 = arith.constant 0 : i32
    %dma_wait3A_104 = arith.constant 0 : i32
    %dma_wait3A_105 = tpu.memref_slice %arg5[%dma_wait3A_103, %dma_wait3A_104] : memref<32x1000000xf32, #tpu.memory_space<hbm>> -> memref<32x128xf32, #tpu.memory_space<hbm>>
    %dma_wait3A_106 = tpu.memref_slice %arg12[%dma_wait3A_97, %dma_wait3A_98] : memref<2x8x!tpu.dma_semaphore, #tpu.memory_space<semaphore_mem>> -> memref<1x1x!tpu.dma_semaphore, #tpu.memory_space<semaphore_mem>>
    %dma_wait3A_107 = tpu.memref_squeeze %dma_wait3A_106 : memref<1x1x!tpu.dma_semaphore, #tpu.memory_space<semaphore_mem>> -> memref<!tpu.dma_semaphore, #tpu.memory_space<semaphore_mem>>
    %dma_wait3A_108 = arith.constant 0 : i32
    %dma_wait3A_109 = arith.constant 0 : i32
    %dma_wait3A_110 = tpu.memref_slice %arg10[%dma_wait3A_96, %dma_wait3A_108, %dma_wait3A_109] : memref<8x32x128xf32, #tpu.memory_space<vmem>> -> memref<1x32x128xf32, #tpu.memory_space<vmem>>
    %dma_wait3A_111 = tpu.memref_squeeze %dma_wait3A_110 : memref<1x32x128xf32, #tpu.memory_space<vmem>> -> memref<32x128xf32, #tpu.memory_space<vmem>>
    %dma_wait3A_112 = arith.constant 0 : i32
    %dma_wait3A_113 = arith.constant 0 : i32
    %dma_wait3A_114 = tpu.memref_slice %arg5[%dma_wait3A_112, %dma_wait3A_113] : memref<32x1000000xf32, #tpu.memory_space<hbm>> -> memref<32x128xf32, #tpu.memory_space<hbm>>
    tpu.wait_dma2 semaphore(%dma_wait3A_107 : memref<!tpu.dma_semaphore, #tpu.memory_space<semaphore_mem>>) src(%dma_wait3A_114 : memref<32x128xf32, #tpu.memory_space<hbm>>) dst(%dma_wait3A_111 : memref<32x128xf32, #tpu.memory_space<vmem>>)
    %slice3A_115 = vector.extract_strided_slice %scan3A_17#0 {offsets = [9], sizes = [1], strides = [1]} : vector<16xi32> to vector<1xi32>
    %squeeze3A_116 = vector.extract %slice3A_115[0] : i32 from vector<1xi32>
    %broadcast_in_dim3A_117 = vector.broadcast %squeeze3A_116 : i32 to vector<16xi32>
    %slice3A_118 = vector.extract_strided_slice %scan3A_17#1 {offsets = [9], sizes = [1], strides = [1]} : vector<16xi32> to vector<1xi32>
    %squeeze3A_119 = vector.extract %slice3A_118[0] : i32 from vector<1xi32>
    %broadcast_in_dim3A_120 = vector.broadcast %squeeze3A_119 : i32 to vector<16xi32>
    %broadcast_in_dim3A_121 = arith.constant 1 : i32
    %broadcast_in_dim3A_122 = vector.broadcast %broadcast_in_dim3A_121 : i32 to vector<16xi32>
    %gather3A_123 = tpu.vector_load_idx %arg9[%broadcast_in_dim3A_122, %iota3A, %broadcast_in_dim3A_117] : memref<8x32x128xf32, #tpu.memory_space<vmem>>[vector<16xi32>, vector<16xi32>, vector<16xi32>], vector<16xf32>,
    %add3A_124 = arith.constant 16 : i32
    %add3A_125 = vector.broadcast %add3A_124 : i32 to vector<16xi32>
    %add3A_126 = arith.addi %iota3A, %add3A_125 : vector<16xi32>
    %gather3A_127 = tpu.vector_load_idx %arg9[%broadcast_in_dim3A_122, %add3A_126, %broadcast_in_dim3A_117] : memref<8x32x128xf32, #tpu.memory_space<vmem>>[vector<16xi32>, vector<16xi32>, vector<16xi32>], vector<16xf32>,
    %gather3A_128 = tpu.vector_load_idx %arg10[%broadcast_in_dim3A_122, %iota3A, %broadcast_in_dim3A_120] : memref<8x32x128xf32, #tpu.memory_space<vmem>>[vector<16xi32>, vector<16xi32>, vector<16xi32>], vector<16xf32>,
    %add3A_129 = arith.constant 16 : i32
    %add3A_130 = vector.broadcast %add3A_129 : i32 to vector<16xi32>
    %add3A_131 = arith.addi %iota3A, %add3A_130 : vector<16xi32>
    %gather3A_132 = tpu.vector_load_idx %arg10[%broadcast_in_dim3A_122, %add3A_131, %broadcast_in_dim3A_120] : memref<8x32x128xf32, #tpu.memory_space<vmem>>[vector<16xi32>, vector<16xi32>, vector<16xi32>], vector<16xf32>,
    %broadcast_in_dim3A_133 = arith.constant 3 : i32
    %broadcast_in_dim3A_134 = vector.broadcast %broadcast_in_dim3A_133 : i32 to vector<16xi32>
    %broadcast_in_dim3A_135 = arith.constant 121 : i32
    %broadcast_in_dim3A_136 = vector.broadcast %broadcast_in_dim3A_135 : i32 to vector<16xi32>
    %mul3A_137 = arith.mulf %gather3A_123, %gather3A_128 : vector<16xf32>
    tpu.vector_store_idx %arg11[%shift_right_arithmetic3A_4, %broadcast_in_dim3A_134, %and3A_6, %broadcast_in_dim3A_136], %mul3A_137 : memref<4x4x8x128xf32, #tpu.memory_space<vmem>>[vector<16xi32>, vector<16xi32>, vector<16xi32>, vector<16xi32>], vector<16xf32>,
    %mul3A_138 = arith.mulf %gather3A_127, %gather3A_132 : vector<16xf32>
    tpu.vector_store_idx %arg11[%shift_right_arithmetic3A_12, %broadcast_in_dim3A_134, %and3A_6, %broadcast_in_dim3A_136], %mul3A_138 : memref<4x4x8x128xf32, #tpu.memory_space<vmem>>[vector<16xi32>, vector<16xi32>, vector<16xi32>, vector<16xi32>], vector<16xf32>,
    %dma_wait3A_139 = arith.constant 2 : i32
    %dma_wait3A_140 = arith.constant 0 : i32
    %dma_wait3A_141 = arith.constant 2 : i32
    %dma_wait3A_142 = arith.constant 0 : i32
    %dma_wait3A_143 = arith.constant 0 : i32
    %dma_wait3A_144 = tpu.memref_slice %arg9[%dma_wait3A_139, %dma_wait3A_142, %dma_wait3A_143] : memref<8x32x128xf32, #tpu.memory_space<vmem>> -> memref<1x32x128xf32, #tpu.memory_space<vmem>>
    %dma_wait3A_145 = tpu.memref_squeeze %dma_wait3A_144 : memref<1x32x128xf32, #tpu.memory_space<vmem>> -> memref<32x128xf32, #tpu.memory_space<vmem>>
    %dma_wait3A_146 = arith.constant 0 : i32
    %dma_wait3A_147 = arith.constant 0 : i32
    %dma_wait3A_148 = tpu.memref_slice %arg4[%dma_wait3A_146, %dma_wait3A_147] : memref<32x1000000xf32, #tpu.memory_space<hbm>> -> memref<32x128xf32, #tpu.memory_space<hbm>>
    %dma_wait3A_149 = tpu.memref_slice %arg12[%dma_wait3A_140, %dma_wait3A_141] : memref<2x8x!tpu.dma_semaphore, #tpu.memory_space<semaphore_mem>> -> memref<1x1x!tpu.dma_semaphore, #tpu.memory_space<semaphore_mem>>
    %dma_wait3A_150 = tpu.memref_squeeze %dma_wait3A_149 : memref<1x1x!tpu.dma_semaphore, #tpu.memory_space<semaphore_mem>> -> memref<!tpu.dma_semaphore, #tpu.memory_space<semaphore_mem>>
    %dma_wait3A_151 = arith.constant 0 : i32
    %dma_wait3A_152 = arith.constant 0 : i32
    %dma_wait3A_153 = tpu.memref_slice %arg9[%dma_wait3A_139, %dma_wait3A_151, %dma_wait3A_152] : memref<8x32x128xf32, #tpu.memory_space<vmem>> -> memref<1x32x128xf32, #tpu.memory_space<vmem>>
    %dma_wait3A_154 = tpu.memref_squeeze %dma_wait3A_153 : memref<1x32x128xf32, #tpu.memory_space<vmem>> -> memref<32x128xf32, #tpu.memory_space<vmem>>
    %dma_wait3A_155 = arith.constant 0 : i32
    %dma_wait3A_156 = arith.constant 0 : i32
    %dma_wait3A_157 = tpu.memref_slice %arg4[%dma_wait3A_155, %dma_wait3A_156] : memref<32x1000000xf32, #tpu.memory_space<hbm>> -> memref<32x128xf32, #tpu.memory_space<hbm>>
    tpu.wait_dma2 semaphore(%dma_wait3A_150 : memref<!tpu.dma_semaphore, #tpu.memory_space<semaphore_mem>>) src(%dma_wait3A_157 : memref<32x128xf32, #tpu.memory_space<hbm>>) dst(%dma_wait3A_154 : memref<32x128xf32, #tpu.memory_space<vmem>>)
    %dma_wait3A_158 = arith.constant 2 : i32
    %dma_wait3A_159 = arith.constant 1 : i32
    %dma_wait3A_160 = arith.constant 2 : i32
    %dma_wait3A_161 = arith.constant 0 : i32
    %dma_wait3A_162 = arith.constant 0 : i32
    %dma_wait3A_163 = tpu.memref_slice %arg10[%dma_wait3A_158, %dma_wait3A_161, %dma_wait3A_162] : memref<8x32x128xf32, #tpu.memory_space<vmem>> -> memref<1x32x128xf32, #tpu.memory_space<vmem>>
    %dma_wait3A_164 = tpu.memref_squeeze %dma_wait3A_163 : memref<1x32x128xf32, #tpu.memory_space<vmem>> -> memref<32x128xf32, #tpu.memory_space<vmem>>
    %dma_wait3A_165 = arith.constant 0 : i32
    %dma_wait3A_166 = arith.constant 0 : i32
    %dma_wait3A_167 = tpu.memref_slice %arg5[%dma_wait3A_165, %dma_wait3A_166] : memref<32x1000000xf32, #tpu.memory_space<hbm>> -> memref<32x128xf32, #tpu.memory_space<hbm>>
    %dma_wait3A_168 = tpu.memref_slice %arg12[%dma_wait3A_159, %dma_wait3A_160] : memref<2x8x!tpu.dma_semaphore, #tpu.memory_space<semaphore_mem>> -> memref<1x1x!tpu.dma_semaphore, #tpu.memory_space<semaphore_mem>>
    %dma_wait3A_169 = tpu.memref_squeeze %dma_wait3A_168 : memref<1x1x!tpu.dma_semaphore, #tpu.memory_space<semaphore_mem>> -> memref<!tpu.dma_semaphore, #tpu.memory_space<semaphore_mem>>
    %dma_wait3A_170 = arith.constant 0 : i32
    %dma_wait3A_171 = arith.constant 0 : i32
    %dma_wait3A_172 = tpu.memref_slice %arg10[%dma_wait3A_158, %dma_wait3A_170, %dma_wait3A_171] : memref<8x32x128xf32, #tpu.memory_space<vmem>> -> memref<1x32x128xf32, #tpu.memory_space<vmem>>
    %dma_wait3A_173 = tpu.memref_squeeze %dma_wait3A_172 : memref<1x32x128xf32, #tpu.memory_space<vmem>> -> memref<32x128xf32, #tpu.memory_space<vmem>>
    %dma_wait3A_174 = arith.constant 0 : i32
    %dma_wait3A_175 = arith.constant 0 : i32
    %dma_wait3A_176 = tpu.memref_slice %arg5[%dma_wait3A_174, %dma_wait3A_175] : memref<32x1000000xf32, #tpu.memory_space<hbm>> -> memref<32x128xf32, #tpu.memory_space<hbm>>
    tpu.wait_dma2 semaphore(%dma_wait3A_169 : memref<!tpu.dma_semaphore, #tpu.memory_space<semaphore_mem>>) src(%dma_wait3A_176 : memref<32x128xf32, #tpu.memory_space<hbm>>) dst(%dma_wait3A_173 : memref<32x128xf32, #tpu.memory_space<vmem>>)
    %slice3A_177 = vector.extract_strided_slice %scan3A_17#0 {offsets = [10], sizes = [1], strides = [1]} : vector<16xi32> to vector<1xi32>
    %squeeze3A_178 = vector.extract %slice3A_177[0] : i32 from vector<1xi32>
    %broadcast_in_dim3A_179 = vector.broadcast %squeeze3A_178 : i32 to vector<16xi32>
    %slice3A_180 = vector.extract_strided_slice %scan3A_17#1 {offsets = [10], sizes = [1], strides = [1]} : vector<16xi32> to vector<1xi32>
    %squeeze3A_181 = vector.extract %slice3A_180[0] : i32 from vector<1xi32>
    %broadcast_in_dim3A_182 = vector.broadcast %squeeze3A_181 : i32 to vector<16xi32>
    %broadcast_in_dim3A_183 = arith.constant 2 : i32
    %broadcast_in_dim3A_184 = vector.broadcast %broadcast_in_dim3A_183 : i32 to vector<16xi32>
    %gather3A_185 = tpu.vector_load_idx %arg9[%broadcast_in_dim3A_184, %iota3A, %broadcast_in_dim3A_179] : memref<8x32x128xf32, #tpu.memory_space<vmem>>[vector<16xi32>, vector<16xi32>, vector<16xi32>], vector<16xf32>,
    %add3A_186 = arith.constant 16 : i32
    %add3A_187 = vector.broadcast %add3A_186 : i32 to vector<16xi32>
    %add3A_188 = arith.addi %iota3A, %add3A_187 : vector<16xi32>
    %gather3A_189 = tpu.vector_load_idx %arg9[%broadcast_in_dim3A_184, %add3A_188, %broadcast_in_dim3A_179] : memref<8x32x128xf32, #tpu.memory_space<vmem>>[vector<16xi32>, vector<16xi32>, vector<16xi32>], vector<16xf32>,
    %gather3A_190 = tpu.vector_load_idx %arg10[%broadcast_in_dim3A_184, %iota3A, %broadcast_in_dim3A_182] : memref<8x32x128xf32, #tpu.memory_space<vmem>>[vector<16xi32>, vector<16xi32>, vector<16xi32>], vector<16xf32>,
    %add3A_191 = arith.constant 16 : i32
    %add3A_192 = vector.broadcast %add3A_191 : i32 to vector<16xi32>
    %add3A_193 = arith.addi %iota3A, %add3A_192 : vector<16xi32>
    %gather3A_194 = tpu.vector_load_idx %arg10[%broadcast_in_dim3A_184, %add3A_193, %broadcast_in_dim3A_182] : memref<8x32x128xf32, #tpu.memory_space<vmem>>[vector<16xi32>, vector<16xi32>, vector<16xi32>], vector<16xf32>,
    %broadcast_in_dim3A_195 = arith.constant 3 : i32
    %broadcast_in_dim3A_196 = vector.broadcast %broadcast_in_dim3A_195 : i32 to vector<16xi32>
    %broadcast_in_dim3A_197 = arith.constant 122 : i32
    %broadcast_in_dim3A_198 = vector.broadcast %broadcast_in_dim3A_197 : i32 to vector<16xi32>
    %mul3A_199 = arith.mulf %gather3A_185, %gather3A_190 : vector<16xf32>
    tpu.vector_store_idx %arg11[%shift_right_arithmetic3A_4, %broadcast_in_dim3A_196, %and3A_6, %broadcast_in_dim3A_198], %mul3A_199 : memref<4x4x8x128xf32, #tpu.memory_space<vmem>>[vector<16xi32>, vector<16xi32>, vector<16xi32>, vector<16xi32>], vector<16xf32>,
    %mul3A_200 = arith.mulf %gather3A_189, %gather3A_194 : vector<16xf32>
    tpu.vector_store_idx %arg11[%shift_right_arithmetic3A_12, %broadcast_in_dim3A_196, %and3A_6, %broadcast_in_dim3A_198], %mul3A_200 : memref<4x4x8x128xf32, #tpu.memory_space<vmem>>[vector<16xi32>, vector<16xi32>, vector<16xi32>, vector<16xi32>], vector<16xf32>,
    %dma_wait3A_201 = arith.constant 3 : i32
    %dma_wait3A_202 = arith.constant 0 : i32
    %dma_wait3A_203 = arith.constant 3 : i32
    %dma_wait3A_204 = arith.constant 0 : i32
    %dma_wait3A_205 = arith.constant 0 : i32
    %dma_wait3A_206 = tpu.memref_slice %arg9[%dma_wait3A_201, %dma_wait3A_204, %dma_wait3A_205] : memref<8x32x128xf32, #tpu.memory_space<vmem>> -> memref<1x32x128xf32, #tpu.memory_space<vmem>>
    %dma_wait3A_207 = tpu.memref_squeeze %dma_wait3A_206 : memref<1x32x128xf32, #tpu.memory_space<vmem>> -> memref<32x128xf32, #tpu.memory_space<vmem>>
    %dma_wait3A_208 = arith.constant 0 : i32
    %dma_wait3A_209 = arith.constant 0 : i32
    %dma_wait3A_210 = tpu.memref_slice %arg4[%dma_wait3A_208, %dma_wait3A_209] : memref<32x1000000xf32, #tpu.memory_space<hbm>> -> memref<32x128xf32, #tpu.memory_space<hbm>>
    %dma_wait3A_211 = tpu.memref_slice %arg12[%dma_wait3A_202, %dma_wait3A_203] : memref<2x8x!tpu.dma_semaphore, #tpu.memory_space<semaphore_mem>> -> memref<1x1x!tpu.dma_semaphore, #tpu.memory_space<semaphore_mem>>
    %dma_wait3A_212 = tpu.memref_squeeze %dma_wait3A_211 : memref<1x1x!tpu.dma_semaphore, #tpu.memory_space<semaphore_mem>> -> memref<!tpu.dma_semaphore, #tpu.memory_space<semaphore_mem>>
    %dma_wait3A_213 = arith.constant 0 : i32
    %dma_wait3A_214 = arith.constant 0 : i32
    %dma_wait3A_215 = tpu.memref_slice %arg9[%dma_wait3A_201, %dma_wait3A_213, %dma_wait3A_214] : memref<8x32x128xf32, #tpu.memory_space<vmem>> -> memref<1x32x128xf32, #tpu.memory_space<vmem>>
    %dma_wait3A_216 = tpu.memref_squeeze %dma_wait3A_215 : memref<1x32x128xf32, #tpu.memory_space<vmem>> -> memref<32x128xf32, #tpu.memory_space<vmem>>
    %dma_wait3A_217 = arith.constant 0 : i32
    %dma_wait3A_218 = arith.constant 0 : i32
    %dma_wait3A_219 = tpu.memref_slice %arg4[%dma_wait3A_217, %dma_wait3A_218] : memref<32x1000000xf32, #tpu.memory_space<hbm>> -> memref<32x128xf32, #tpu.memory_space<hbm>>
    tpu.wait_dma2 semaphore(%dma_wait3A_212 : memref<!tpu.dma_semaphore, #tpu.memory_space<semaphore_mem>>) src(%dma_wait3A_219 : memref<32x128xf32, #tpu.memory_space<hbm>>) dst(%dma_wait3A_216 : memref<32x128xf32, #tpu.memory_space<vmem>>)
    %dma_wait3A_220 = arith.constant 3 : i32
    %dma_wait3A_221 = arith.constant 1 : i32
    %dma_wait3A_222 = arith.constant 3 : i32
    %dma_wait3A_223 = arith.constant 0 : i32
    %dma_wait3A_224 = arith.constant 0 : i32
    %dma_wait3A_225 = tpu.memref_slice %arg10[%dma_wait3A_220, %dma_wait3A_223, %dma_wait3A_224] : memref<8x32x128xf32, #tpu.memory_space<vmem>> -> memref<1x32x128xf32, #tpu.memory_space<vmem>>
    %dma_wait3A_226 = tpu.memref_squeeze %dma_wait3A_225 : memref<1x32x128xf32, #tpu.memory_space<vmem>> -> memref<32x128xf32, #tpu.memory_space<vmem>>
    %dma_wait3A_227 = arith.constant 0 : i32
    %dma_wait3A_228 = arith.constant 0 : i32
    %dma_wait3A_229 = tpu.memref_slice %arg5[%dma_wait3A_227, %dma_wait3A_228] : memref<32x1000000xf32, #tpu.memory_space<hbm>> -> memref<32x128xf32, #tpu.memory_space<hbm>>
    %dma_wait3A_230 = tpu.memref_slice %arg12[%dma_wait3A_221, %dma_wait3A_222] : memref<2x8x!tpu.dma_semaphore, #tpu.memory_space<semaphore_mem>> -> memref<1x1x!tpu.dma_semaphore, #tpu.memory_space<semaphore_mem>>
    %dma_wait3A_231 = tpu.memref_squeeze %dma_wait3A_230 : memref<1x1x!tpu.dma_semaphore, #tpu.memory_space<semaphore_mem>> -> memref<!tpu.dma_semaphore, #tpu.memory_space<semaphore_mem>>
    %dma_wait3A_232 = arith.constant 0 : i32
    %dma_wait3A_233 = arith.constant 0 : i32
    %dma_wait3A_234 = tpu.memref_slice %arg10[%dma_wait3A_220, %dma_wait3A_232, %dma_wait3A_233] : memref<8x32x128xf32, #tpu.memory_space<vmem>> -> memref<1x32x128xf32, #tpu.memory_space<vmem>>
    %dma_wait3A_235 = tpu.memref_squeeze %dma_wait3A_234 : memref<1x32x128xf32, #tpu.memory_space<vmem>> -> memref<32x128xf32, #tpu.memory_space<vmem>>
    %dma_wait3A_236 = arith.constant 0 : i32
    %dma_wait3A_237 = arith.constant 0 : i32
    %dma_wait3A_238 = tpu.memref_slice %arg5[%dma_wait3A_236, %dma_wait3A_237] : memref<32x1000000xf32, #tpu.memory_space<hbm>> -> memref<32x128xf32, #tpu.memory_space<hbm>>
    tpu.wait_dma2 semaphore(%dma_wait3A_231 : memref<!tpu.dma_semaphore, #tpu.memory_space<semaphore_mem>>) src(%dma_wait3A_238 : memref<32x128xf32, #tpu.memory_space<hbm>>) dst(%dma_wait3A_235 : memref<32x128xf32, #tpu.memory_space<vmem>>)
    %slice3A_239 = vector.extract_strided_slice %scan3A_17#0 {offsets = [11], sizes = [1], strides = [1]} : vector<16xi32> to vector<1xi32>
    %squeeze3A_240 = vector.extract %slice3A_239[0] : i32 from vector<1xi32>
    %broadcast_in_dim3A_241 = vector.broadcast %squeeze3A_240 : i32 to vector<16xi32>
    %slice3A_242 = vector.extract_strided_slice %scan3A_17#1 {offsets = [11], sizes = [1], strides = [1]} : vector<16xi32> to vector<1xi32>
    %squeeze3A_243 = vector.extract %slice3A_242[0] : i32 from vector<1xi32>
    %broadcast_in_dim3A_244 = vector.broadcast %squeeze3A_243 : i32 to vector<16xi32>
    %broadcast_in_dim3A_245 = arith.constant 3 : i32
    %broadcast_in_dim3A_246 = vector.broadcast %broadcast_in_dim3A_245 : i32 to vector<16xi32>
    %gather3A_247 = tpu.vector_load_idx %arg9[%broadcast_in_dim3A_246, %iota3A, %broadcast_in_dim3A_241] : memref<8x32x128xf32, #tpu.memory_space<vmem>>[vector<16xi32>, vector<16xi32>, vector<16xi32>], vector<16xf32>,
    %add3A_248 = arith.constant 16 : i32
    %add3A_249 = vector.broadcast %add3A_248 : i32 to vector<16xi32>
    %add3A_250 = arith.addi %iota3A, %add3A_249 : vector<16xi32>
    %gather3A_251 = tpu.vector_load_idx %arg9[%broadcast_in_dim3A_246, %add3A_250, %broadcast_in_dim3A_241] : memref<8x32x128xf32, #tpu.memory_space<vmem>>[vector<16xi32>, vector<16xi32>, vector<16xi32>], vector<16xf32>,
    %gather3A_252 = tpu.vector_load_idx %arg10[%broadcast_in_dim3A_246, %iota3A, %broadcast_in_dim3A_244] : memref<8x32x128xf32, #tpu.memory_space<vmem>>[vector<16xi32>, vector<16xi32>, vector<16xi32>], vector<16xf32>,
    %add3A_253 = arith.constant 16 : i32
    %add3A_254 = vector.broadcast %add3A_253 : i32 to vector<16xi32>
    %add3A_255 = arith.addi %iota3A, %add3A_254 : vector<16xi32>
    %gather3A_256 = tpu.vector_load_idx %arg10[%broadcast_in_dim3A_246, %add3A_255, %broadcast_in_dim3A_244] : memref<8x32x128xf32, #tpu.memory_space<vmem>>[vector<16xi32>, vector<16xi32>, vector<16xi32>], vector<16xf32>,
    %broadcast_in_dim3A_257 = arith.constant 3 : i32
    %broadcast_in_dim3A_258 = vector.broadcast %broadcast_in_dim3A_257 : i32 to vector<16xi32>
    %broadcast_in_dim3A_259 = arith.constant 123 : i32
    %broadcast_in_dim3A_260 = vector.broadcast %broadcast_in_dim3A_259 : i32 to vector<16xi32>
    %mul3A_261 = arith.mulf %gather3A_247, %gather3A_252 : vector<16xf32>
    tpu.vector_store_idx %arg11[%shift_right_arithmetic3A_4, %broadcast_in_dim3A_258, %and3A_6, %broadcast_in_dim3A_260], %mul3A_261 : memref<4x4x8x128xf32, #tpu.memory_space<vmem>>[vector<16xi32>, vector<16xi32>, vector<16xi32>, vector<16xi32>], vector<16xf32>,
    %mul3A_262 = arith.mulf %gather3A_251, %gather3A_256 : vector<16xf32>
    tpu.vector_store_idx %arg11[%shift_right_arithmetic3A_12, %broadcast_in_dim3A_258, %and3A_6, %broadcast_in_dim3A_260], %mul3A_262 : memref<4x4x8x128xf32, #tpu.memory_space<vmem>>[vector<16xi32>, vector<16xi32>, vector<16xi32>, vector<16xi32>], vector<16xf32>,
    %dma_wait3A_263 = arith.constant 4 : i32
    %dma_wait3A_264 = arith.constant 0 : i32
    %dma_wait3A_265 = arith.constant 4 : i32
    %dma_wait3A_266 = arith.constant 0 : i32
    %dma_wait3A_267 = arith.constant 0 : i32
    %dma_wait3A_268 = tpu.memref_slice %arg9[%dma_wait3A_263, %dma_wait3A_266, %dma_wait3A_267] : memref<8x32x128xf32, #tpu.memory_space<vmem>> -> memref<1x32x128xf32, #tpu.memory_space<vmem>>
    %dma_wait3A_269 = tpu.memref_squeeze %dma_wait3A_268 : memref<1x32x128xf32, #tpu.memory_space<vmem>> -> memref<32x128xf32, #tpu.memory_space<vmem>>
    %dma_wait3A_270 = arith.constant 0 : i32
    %dma_wait3A_271 = arith.constant 0 : i32
    %dma_wait3A_272 = tpu.memref_slice %arg4[%dma_wait3A_270, %dma_wait3A_271] : memref<32x1000000xf32, #tpu.memory_space<hbm>> -> memref<32x128xf32, #tpu.memory_space<hbm>>
    %dma_wait3A_273 = tpu.memref_slice %arg12[%dma_wait3A_264, %dma_wait3A_265] : memref<2x8x!tpu.dma_semaphore, #tpu.memory_space<semaphore_mem>> -> memref<1x1x!tpu.dma_semaphore, #tpu.memory_space<semaphore_mem>>
    %dma_wait3A_274 = tpu.memref_squeeze %dma_wait3A_273 : memref<1x1x!tpu.dma_semaphore, #tpu.memory_space<semaphore_mem>> -> memref<!tpu.dma_semaphore, #tpu.memory_space<semaphore_mem>>
    %dma_wait3A_275 = arith.constant 0 : i32
    %dma_wait3A_276 = arith.constant 0 : i32
    %dma_wait3A_277 = tpu.memref_slice %arg9[%dma_wait3A_263, %dma_wait3A_275, %dma_wait3A_276] : memref<8x32x128xf32, #tpu.memory_space<vmem>> -> memref<1x32x128xf32, #tpu.memory_space<vmem>>
    %dma_wait3A_278 = tpu.memref_squeeze %dma_wait3A_277 : memref<1x32x128xf32, #tpu.memory_space<vmem>> -> memref<32x128xf32, #tpu.memory_space<vmem>>
    %dma_wait3A_279 = arith.constant 0 : i32
    %dma_wait3A_280 = arith.constant 0 : i32
    %dma_wait3A_281 = tpu.memref_slice %arg4[%dma_wait3A_279, %dma_wait3A_280] : memref<32x1000000xf32, #tpu.memory_space<hbm>> -> memref<32x128xf32, #tpu.memory_space<hbm>>
    tpu.wait_dma2 semaphore(%dma_wait3A_274 : memref<!tpu.dma_semaphore, #tpu.memory_space<semaphore_mem>>) src(%dma_wait3A_281 : memref<32x128xf32, #tpu.memory_space<hbm>>) dst(%dma_wait3A_278 : memref<32x128xf32, #tpu.memory_space<vmem>>)
    %dma_wait3A_282 = arith.constant 4 : i32
    %dma_wait3A_283 = arith.constant 1 : i32
    %dma_wait3A_284 = arith.constant 4 : i32
    %dma_wait3A_285 = arith.constant 0 : i32
    %dma_wait3A_286 = arith.constant 0 : i32
    %dma_wait3A_287 = tpu.memref_slice %arg10[%dma_wait3A_282, %dma_wait3A_285, %dma_wait3A_286] : memref<8x32x128xf32, #tpu.memory_space<vmem>> -> memref<1x32x128xf32, #tpu.memory_space<vmem>>
    %dma_wait3A_288 = tpu.memref_squeeze %dma_wait3A_287 : memref<1x32x128xf32, #tpu.memory_space<vmem>> -> memref<32x128xf32, #tpu.memory_space<vmem>>
    %dma_wait3A_289 = arith.constant 0 : i32
    %dma_wait3A_290 = arith.constant 0 : i32
    %dma_wait3A_291 = tpu.memref_slice %arg5[%dma_wait3A_289, %dma_wait3A_290] : memref<32x1000000xf32, #tpu.memory_space<hbm>> -> memref<32x128xf32, #tpu.memory_space<hbm>>
    %dma_wait3A_292 = tpu.memref_slice %arg12[%dma_wait3A_283, %dma_wait3A_284] : memref<2x8x!tpu.dma_semaphore, #tpu.memory_space<semaphore_mem>> -> memref<1x1x!tpu.dma_semaphore, #tpu.memory_space<semaphore_mem>>
    %dma_wait3A_293 = tpu.memref_squeeze %dma_wait3A_292 : memref<1x1x!tpu.dma_semaphore, #tpu.memory_space<semaphore_mem>> -> memref<!tpu.dma_semaphore, #tpu.memory_space<semaphore_mem>>
    %dma_wait3A_294 = arith.constant 0 : i32
    %dma_wait3A_295 = arith.constant 0 : i32
    %dma_wait3A_296 = tpu.memref_slice %arg10[%dma_wait3A_282, %dma_wait3A_294, %dma_wait3A_295] : memref<8x32x128xf32, #tpu.memory_space<vmem>> -> memref<1x32x128xf32, #tpu.memory_space<vmem>>
    %dma_wait3A_297 = tpu.memref_squeeze %dma_wait3A_296 : memref<1x32x128xf32, #tpu.memory_space<vmem>> -> memref<32x128xf32, #tpu.memory_space<vmem>>
    %dma_wait3A_298 = arith.constant 0 : i32
    %dma_wait3A_299 = arith.constant 0 : i32
    %dma_wait3A_300 = tpu.memref_slice %arg5[%dma_wait3A_298, %dma_wait3A_299] : memref<32x1000000xf32, #tpu.memory_space<hbm>> -> memref<32x128xf32, #tpu.memory_space<hbm>>
    tpu.wait_dma2 semaphore(%dma_wait3A_293 : memref<!tpu.dma_semaphore, #tpu.memory_space<semaphore_mem>>) src(%dma_wait3A_300 : memref<32x128xf32, #tpu.memory_space<hbm>>) dst(%dma_wait3A_297 : memref<32x128xf32, #tpu.memory_space<vmem>>)
    %slice3A_301 = vector.extract_strided_slice %scan3A_17#0 {offsets = [12], sizes = [1], strides = [1]} : vector<16xi32> to vector<1xi32>
    %squeeze3A_302 = vector.extract %slice3A_301[0] : i32 from vector<1xi32>
    %broadcast_in_dim3A_303 = vector.broadcast %squeeze3A_302 : i32 to vector<16xi32>
    %slice3A_304 = vector.extract_strided_slice %scan3A_17#1 {offsets = [12], sizes = [1], strides = [1]} : vector<16xi32> to vector<1xi32>
    %squeeze3A_305 = vector.extract %slice3A_304[0] : i32 from vector<1xi32>
    %broadcast_in_dim3A_306 = vector.broadcast %squeeze3A_305 : i32 to vector<16xi32>
    %broadcast_in_dim3A_307 = arith.constant 4 : i32
    %broadcast_in_dim3A_308 = vector.broadcast %broadcast_in_dim3A_307 : i32 to vector<16xi32>
    %gather3A_309 = tpu.vector_load_idx %arg9[%broadcast_in_dim3A_308, %iota3A, %broadcast_in_dim3A_303] : memref<8x32x128xf32, #tpu.memory_space<vmem>>[vector<16xi32>, vector<16xi32>, vector<16xi32>], vector<16xf32>,
    %add3A_310 = arith.constant 16 : i32
    %add3A_311 = vector.broadcast %add3A_310 : i32 to vector<16xi32>
    %add3A_312 = arith.addi %iota3A, %add3A_311 : vector<16xi32>
    %gather3A_313 = tpu.vector_load_idx %arg9[%broadcast_in_dim3A_308, %add3A_312, %broadcast_in_dim3A_303] : memref<8x32x128xf32, #tpu.memory_space<vmem>>[vector<16xi32>, vector<16xi32>, vector<16xi32>], vector<16xf32>,
    %gather3A_314 = tpu.vector_load_idx %arg10[%broadcast_in_dim3A_308, %iota3A, %broadcast_in_dim3A_306] : memref<8x32x128xf32, #tpu.memory_space<vmem>>[vector<16xi32>, vector<16xi32>, vector<16xi32>], vector<16xf32>,
    %add3A_315 = arith.constant 16 : i32
    %add3A_316 = vector.broadcast %add3A_315 : i32 to vector<16xi32>
    %add3A_317 = arith.addi %iota3A, %add3A_316 : vector<16xi32>
    %gather3A_318 = tpu.vector_load_idx %arg10[%broadcast_in_dim3A_308, %add3A_317, %broadcast_in_dim3A_306] : memref<8x32x128xf32, #tpu.memory_space<vmem>>[vector<16xi32>, vector<16xi32>, vector<16xi32>], vector<16xf32>,
    %broadcast_in_dim3A_319 = arith.constant 3 : i32
    %broadcast_in_dim3A_320 = vector.broadcast %broadcast_in_dim3A_319 : i32 to vector<16xi32>
    %broadcast_in_dim3A_321 = arith.constant 124 : i32
    %broadcast_in_dim3A_322 = vector.broadcast %broadcast_in_dim3A_321 : i32 to vector<16xi32>
    %mul3A_323 = arith.mulf %gather3A_309, %gather3A_314 : vector<16xf32>
    tpu.vector_store_idx %arg11[%shift_right_arithmetic3A_4, %broadcast_in_dim3A_320, %and3A_6, %broadcast_in_dim3A_322], %mul3A_323 : memref<4x4x8x128xf32, #tpu.memory_space<vmem>>[vector<16xi32>, vector<16xi32>, vector<16xi32>, vector<16xi32>], vector<16xf32>,
    %mul3A_324 = arith.mulf %gather3A_313, %gather3A_318 : vector<16xf32>
    tpu.vector_store_idx %arg11[%shift_right_arithmetic3A_12, %broadcast_in_dim3A_320, %and3A_6, %broadcast_in_dim3A_322], %mul3A_324 : memref<4x4x8x128xf32, #tpu.memory_space<vmem>>[vector<16xi32>, vector<16xi32>, vector<16xi32>, vector<16xi32>], vector<16xf32>,
    %dma_wait3A_325 = arith.constant 5 : i32
    %dma_wait3A_326 = arith.constant 0 : i32
    %dma_wait3A_327 = arith.constant 5 : i32
    %dma_wait3A_328 = arith.constant 0 : i32
    %dma_wait3A_329 = arith.constant 0 : i32
    %dma_wait3A_330 = tpu.memref_slice %arg9[%dma_wait3A_325, %dma_wait3A_328, %dma_wait3A_329] : memref<8x32x128xf32, #tpu.memory_space<vmem>> -> memref<1x32x128xf32, #tpu.memory_space<vmem>>
    %dma_wait3A_331 = tpu.memref_squeeze %dma_wait3A_330 : memref<1x32x128xf32, #tpu.memory_space<vmem>> -> memref<32x128xf32, #tpu.memory_space<vmem>>
    %dma_wait3A_332 = arith.constant 0 : i32
    %dma_wait3A_333 = arith.constant 0 : i32
    %dma_wait3A_334 = tpu.memref_slice %arg4[%dma_wait3A_332, %dma_wait3A_333] : memref<32x1000000xf32, #tpu.memory_space<hbm>> -> memref<32x128xf32, #tpu.memory_space<hbm>>
    %dma_wait3A_335 = tpu.memref_slice %arg12[%dma_wait3A_326, %dma_wait3A_327] : memref<2x8x!tpu.dma_semaphore, #tpu.memory_space<semaphore_mem>> -> memref<1x1x!tpu.dma_semaphore, #tpu.memory_space<semaphore_mem>>
    %dma_wait3A_336 = tpu.memref_squeeze %dma_wait3A_335 : memref<1x1x!tpu.dma_semaphore, #tpu.memory_space<semaphore_mem>> -> memref<!tpu.dma_semaphore, #tpu.memory_space<semaphore_mem>>
    %dma_wait3A_337 = arith.constant 0 : i32
    %dma_wait3A_338 = arith.constant 0 : i32
    %dma_wait3A_339 = tpu.memref_slice %arg9[%dma_wait3A_325, %dma_wait3A_337, %dma_wait3A_338] : memref<8x32x128xf32, #tpu.memory_space<vmem>> -> memref<1x32x128xf32, #tpu.memory_space<vmem>>
    %dma_wait3A_340 = tpu.memref_squeeze %dma_wait3A_339 : memref<1x32x128xf32, #tpu.memory_space<vmem>> -> memref<32x128xf32, #tpu.memory_space<vmem>>
    %dma_wait3A_341 = arith.constant 0 : i32
    %dma_wait3A_342 = arith.constant 0 : i32
    %dma_wait3A_343 = tpu.memref_slice %arg4[%dma_wait3A_341, %dma_wait3A_342] : memref<32x1000000xf32, #tpu.memory_space<hbm>> -> memref<32x128xf32, #tpu.memory_space<hbm>>
    tpu.wait_dma2 semaphore(%dma_wait3A_336 : memref<!tpu.dma_semaphore, #tpu.memory_space<semaphore_mem>>) src(%dma_wait3A_343 : memref<32x128xf32, #tpu.memory_space<hbm>>) dst(%dma_wait3A_340 : memref<32x128xf32, #tpu.memory_space<vmem>>)
    %dma_wait3A_344 = arith.constant 5 : i32
    %dma_wait3A_345 = arith.constant 1 : i32
    %dma_wait3A_346 = arith.constant 5 : i32
    %dma_wait3A_347 = arith.constant 0 : i32
    %dma_wait3A_348 = arith.constant 0 : i32
    %dma_wait3A_349 = tpu.memref_slice %arg10[%dma_wait3A_344, %dma_wait3A_347, %dma_wait3A_348] : memref<8x32x128xf32, #tpu.memory_space<vmem>> -> memref<1x32x128xf32, #tpu.memory_space<vmem>>
    %dma_wait3A_350 = tpu.memref_squeeze %dma_wait3A_349 : memref<1x32x128xf32, #tpu.memory_space<vmem>> -> memref<32x128xf32, #tpu.memory_space<vmem>>
    %dma_wait3A_351 = arith.constant 0 : i32
    %dma_wait3A_352 = arith.constant 0 : i32
    %dma_wait3A_353 = tpu.memref_slice %arg5[%dma_wait3A_351, %dma_wait3A_352] : memref<32x1000000xf32, #tpu.memory_space<hbm>> -> memref<32x128xf32, #tpu.memory_space<hbm>>
    %dma_wait3A_354 = tpu.memref_slice %arg12[%dma_wait3A_345, %dma_wait3A_346] : memref<2x8x!tpu.dma_semaphore, #tpu.memory_space<semaphore_mem>> -> memref<1x1x!tpu.dma_semaphore, #tpu.memory_space<semaphore_mem>>
    %dma_wait3A_355 = tpu.memref_squeeze %dma_wait3A_354 : memref<1x1x!tpu.dma_semaphore, #tpu.memory_space<semaphore_mem>> -> memref<!tpu.dma_semaphore, #tpu.memory_space<semaphore_mem>>
    %dma_wait3A_356 = arith.constant 0 : i32
    %dma_wait3A_357 = arith.constant 0 : i32
    %dma_wait3A_358 = tpu.memref_slice %arg10[%dma_wait3A_344, %dma_wait3A_356, %dma_wait3A_357] : memref<8x32x128xf32, #tpu.memory_space<vmem>> -> memref<1x32x128xf32, #tpu.memory_space<vmem>>
    %dma_wait3A_359 = tpu.memref_squeeze %dma_wait3A_358 : memref<1x32x128xf32, #tpu.memory_space<vmem>> -> memref<32x128xf32, #tpu.memory_space<vmem>>
    %dma_wait3A_360 = arith.constant 0 : i32
    %dma_wait3A_361 = arith.constant 0 : i32
    %dma_wait3A_362 = tpu.memref_slice %arg5[%dma_wait3A_360, %dma_wait3A_361] : memref<32x1000000xf32, #tpu.memory_space<hbm>> -> memref<32x128xf32, #tpu.memory_space<hbm>>
    tpu.wait_dma2 semaphore(%dma_wait3A_355 : memref<!tpu.dma_semaphore, #tpu.memory_space<semaphore_mem>>) src(%dma_wait3A_362 : memref<32x128xf32, #tpu.memory_space<hbm>>) dst(%dma_wait3A_359 : memref<32x128xf32, #tpu.memory_space<vmem>>)
    %slice3A_363 = vector.extract_strided_slice %scan3A_17#0 {offsets = [13], sizes = [1], strides = [1]} : vector<16xi32> to vector<1xi32>
    %squeeze3A_364 = vector.extract %slice3A_363[0] : i32 from vector<1xi32>
    %broadcast_in_dim3A_365 = vector.broadcast %squeeze3A_364 : i32 to vector<16xi32>
    %slice3A_366 = vector.extract_strided_slice %scan3A_17#1 {offsets = [13], sizes = [1], strides = [1]} : vector<16xi32> to vector<1xi32>
    %squeeze3A_367 = vector.extract %slice3A_366[0] : i32 from vector<1xi32>
    %broadcast_in_dim3A_368 = vector.broadcast %squeeze3A_367 : i32 to vector<16xi32>
    %broadcast_in_dim3A_369 = arith.constant 5 : i32
    %broadcast_in_dim3A_370 = vector.broadcast %broadcast_in_dim3A_369 : i32 to vector<16xi32>
    %gather3A_371 = tpu.vector_load_idx %arg9[%broadcast_in_dim3A_370, %iota3A, %broadcast_in_dim3A_365] : memref<8x32x128xf32, #tpu.memory_space<vmem>>[vector<16xi32>, vector<16xi32>, vector<16xi32>], vector<16xf32>,
    %add3A_372 = arith.constant 16 : i32
    %add3A_373 = vector.broadcast %add3A_372 : i32 to vector<16xi32>
    %add3A_374 = arith.addi %iota3A, %add3A_373 : vector<16xi32>
    %gather3A_375 = tpu.vector_load_idx %arg9[%broadcast_in_dim3A_370, %add3A_374, %broadcast_in_dim3A_365] : memref<8x32x128xf32, #tpu.memory_space<vmem>>[vector<16xi32>, vector<16xi32>, vector<16xi32>], vector<16xf32>,
    %gather3A_376 = tpu.vector_load_idx %arg10[%broadcast_in_dim3A_370, %iota3A, %broadcast_in_dim3A_368] : memref<8x32x128xf32, #tpu.memory_space<vmem>>[vector<16xi32>, vector<16xi32>, vector<16xi32>], vector<16xf32>,
    %add3A_377 = arith.constant 16 : i32
    %add3A_378 = vector.broadcast %add3A_377 : i32 to vector<16xi32>
    %add3A_379 = arith.addi %iota3A, %add3A_378 : vector<16xi32>
    %gather3A_380 = tpu.vector_load_idx %arg10[%broadcast_in_dim3A_370, %add3A_379, %broadcast_in_dim3A_368] : memref<8x32x128xf32, #tpu.memory_space<vmem>>[vector<16xi32>, vector<16xi32>, vector<16xi32>], vector<16xf32>,
    %broadcast_in_dim3A_381 = arith.constant 3 : i32
    %broadcast_in_dim3A_382 = vector.broadcast %broadcast_in_dim3A_381 : i32 to vector<16xi32>
    %broadcast_in_dim3A_383 = arith.constant 125 : i32
    %broadcast_in_dim3A_384 = vector.broadcast %broadcast_in_dim3A_383 : i32 to vector<16xi32>
    %mul3A_385 = arith.mulf %gather3A_371, %gather3A_376 : vector<16xf32>
    tpu.vector_store_idx %arg11[%shift_right_arithmetic3A_4, %broadcast_in_dim3A_382, %and3A_6, %broadcast_in_dim3A_384], %mul3A_385 : memref<4x4x8x128xf32, #tpu.memory_space<vmem>>[vector<16xi32>, vector<16xi32>, vector<16xi32>, vector<16xi32>], vector<16xf32>,
    %mul3A_386 = arith.mulf %gather3A_375, %gather3A_380 : vector<16xf32>
    tpu.vector_store_idx %arg11[%shift_right_arithmetic3A_12, %broadcast_in_dim3A_382, %and3A_6, %broadcast_in_dim3A_384], %mul3A_386 : memref<4x4x8x128xf32, #tpu.memory_space<vmem>>[vector<16xi32>, vector<16xi32>, vector<16xi32>, vector<16xi32>], vector<16xf32>,
    %dma_wait3A_387 = arith.constant 6 : i32
    %dma_wait3A_388 = arith.constant 0 : i32
    %dma_wait3A_389 = arith.constant 6 : i32
    %dma_wait3A_390 = arith.constant 0 : i32
    %dma_wait3A_391 = arith.constant 0 : i32
    %dma_wait3A_392 = tpu.memref_slice %arg9[%dma_wait3A_387, %dma_wait3A_390, %dma_wait3A_391] : memref<8x32x128xf32, #tpu.memory_space<vmem>> -> memref<1x32x128xf32, #tpu.memory_space<vmem>>
    %dma_wait3A_393 = tpu.memref_squeeze %dma_wait3A_392 : memref<1x32x128xf32, #tpu.memory_space<vmem>> -> memref<32x128xf32, #tpu.memory_space<vmem>>
    %dma_wait3A_394 = arith.constant 0 : i32
    %dma_wait3A_395 = arith.constant 0 : i32
    %dma_wait3A_396 = tpu.memref_slice %arg4[%dma_wait3A_394, %dma_wait3A_395] : memref<32x1000000xf32, #tpu.memory_space<hbm>> -> memref<32x128xf32, #tpu.memory_space<hbm>>
    %dma_wait3A_397 = tpu.memref_slice %arg12[%dma_wait3A_388, %dma_wait3A_389] : memref<2x8x!tpu.dma_semaphore, #tpu.memory_space<semaphore_mem>> -> memref<1x1x!tpu.dma_semaphore, #tpu.memory_space<semaphore_mem>>
    %dma_wait3A_398 = tpu.memref_squeeze %dma_wait3A_397 : memref<1x1x!tpu.dma_semaphore, #tpu.memory_space<semaphore_mem>> -> memref<!tpu.dma_semaphore, #tpu.memory_space<semaphore_mem>>
    %dma_wait3A_399 = arith.constant 0 : i32
    %dma_wait3A_400 = arith.constant 0 : i32
    %dma_wait3A_401 = tpu.memref_slice %arg9[%dma_wait3A_387, %dma_wait3A_399, %dma_wait3A_400] : memref<8x32x128xf32, #tpu.memory_space<vmem>> -> memref<1x32x128xf32, #tpu.memory_space<vmem>>
    %dma_wait3A_402 = tpu.memref_squeeze %dma_wait3A_401 : memref<1x32x128xf32, #tpu.memory_space<vmem>> -> memref<32x128xf32, #tpu.memory_space<vmem>>
    %dma_wait3A_403 = arith.constant 0 : i32
    %dma_wait3A_404 = arith.constant 0 : i32
    %dma_wait3A_405 = tpu.memref_slice %arg4[%dma_wait3A_403, %dma_wait3A_404] : memref<32x1000000xf32, #tpu.memory_space<hbm>> -> memref<32x128xf32, #tpu.memory_space<hbm>>
    tpu.wait_dma2 semaphore(%dma_wait3A_398 : memref<!tpu.dma_semaphore, #tpu.memory_space<semaphore_mem>>) src(%dma_wait3A_405 : memref<32x128xf32, #tpu.memory_space<hbm>>) dst(%dma_wait3A_402 : memref<32x128xf32, #tpu.memory_space<vmem>>)
    %dma_wait3A_406 = arith.constant 6 : i32
    %dma_wait3A_407 = arith.constant 1 : i32
    %dma_wait3A_408 = arith.constant 6 : i32
    %dma_wait3A_409 = arith.constant 0 : i32
    %dma_wait3A_410 = arith.constant 0 : i32
    %dma_wait3A_411 = tpu.memref_slice %arg10[%dma_wait3A_406, %dma_wait3A_409, %dma_wait3A_410] : memref<8x32x128xf32, #tpu.memory_space<vmem>> -> memref<1x32x128xf32, #tpu.memory_space<vmem>>
    %dma_wait3A_412 = tpu.memref_squeeze %dma_wait3A_411 : memref<1x32x128xf32, #tpu.memory_space<vmem>> -> memref<32x128xf32, #tpu.memory_space<vmem>>
    %dma_wait3A_413 = arith.constant 0 : i32
    %dma_wait3A_414 = arith.constant 0 : i32
    %dma_wait3A_415 = tpu.memref_slice %arg5[%dma_wait3A_413, %dma_wait3A_414] : memref<32x1000000xf32, #tpu.memory_space<hbm>> -> memref<32x128xf32, #tpu.memory_space<hbm>>
    %dma_wait3A_416 = tpu.memref_slice %arg12[%dma_wait3A_407, %dma_wait3A_408] : memref<2x8x!tpu.dma_semaphore, #tpu.memory_space<semaphore_mem>> -> memref<1x1x!tpu.dma_semaphore, #tpu.memory_space<semaphore_mem>>
    %dma_wait3A_417 = tpu.memref_squeeze %dma_wait3A_416 : memref<1x1x!tpu.dma_semaphore, #tpu.memory_space<semaphore_mem>> -> memref<!tpu.dma_semaphore, #tpu.memory_space<semaphore_mem>>
    %dma_wait3A_418 = arith.constant 0 : i32
    %dma_wait3A_419 = arith.constant 0 : i32
    %dma_wait3A_420 = tpu.memref_slice %arg10[%dma_wait3A_406, %dma_wait3A_418, %dma_wait3A_419] : memref<8x32x128xf32, #tpu.memory_space<vmem>> -> memref<1x32x128xf32, #tpu.memory_space<vmem>>
    %dma_wait3A_421 = tpu.memref_squeeze %dma_wait3A_420 : memref<1x32x128xf32, #tpu.memory_space<vmem>> -> memref<32x128xf32, #tpu.memory_space<vmem>>
    %dma_wait3A_422 = arith.constant 0 : i32
    %dma_wait3A_423 = arith.constant 0 : i32
    %dma_wait3A_424 = tpu.memref_slice %arg5[%dma_wait3A_422, %dma_wait3A_423] : memref<32x1000000xf32, #tpu.memory_space<hbm>> -> memref<32x128xf32, #tpu.memory_space<hbm>>
    tpu.wait_dma2 semaphore(%dma_wait3A_417 : memref<!tpu.dma_semaphore, #tpu.memory_space<semaphore_mem>>) src(%dma_wait3A_424 : memref<32x128xf32, #tpu.memory_space<hbm>>) dst(%dma_wait3A_421 : memref<32x128xf32, #tpu.memory_space<vmem>>)
    %slice3A_425 = vector.extract_strided_slice %scan3A_17#0 {offsets = [14], sizes = [1], strides = [1]} : vector<16xi32> to vector<1xi32>
    %squeeze3A_426 = vector.extract %slice3A_425[0] : i32 from vector<1xi32>
    %broadcast_in_dim3A_427 = vector.broadcast %squeeze3A_426 : i32 to vector<16xi32>
    %slice3A_428 = vector.extract_strided_slice %scan3A_17#1 {offsets = [14], sizes = [1], strides = [1]} : vector<16xi32> to vector<1xi32>
    %squeeze3A_429 = vector.extract %slice3A_428[0] : i32 from vector<1xi32>
    %broadcast_in_dim3A_430 = vector.broadcast %squeeze3A_429 : i32 to vector<16xi32>
    %broadcast_in_dim3A_431 = arith.constant 6 : i32
    %broadcast_in_dim3A_432 = vector.broadcast %broadcast_in_dim3A_431 : i32 to vector<16xi32>
    %gather3A_433 = tpu.vector_load_idx %arg9[%broadcast_in_dim3A_432, %iota3A, %broadcast_in_dim3A_427] : memref<8x32x128xf32, #tpu.memory_space<vmem>>[vector<16xi32>, vector<16xi32>, vector<16xi32>], vector<16xf32>,
    %add3A_434 = arith.constant 16 : i32
    %add3A_435 = vector.broadcast %add3A_434 : i32 to vector<16xi32>
    %add3A_436 = arith.addi %iota3A, %add3A_435 : vector<16xi32>
    %gather3A_437 = tpu.vector_load_idx %arg9[%broadcast_in_dim3A_432, %add3A_436, %broadcast_in_dim3A_427] : memref<8x32x128xf32, #tpu.memory_space<vmem>>[vector<16xi32>, vector<16xi32>, vector<16xi32>], vector<16xf32>,
    %gather3A_438 = tpu.vector_load_idx %arg10[%broadcast_in_dim3A_432, %iota3A, %broadcast_in_dim3A_430] : memref<8x32x128xf32, #tpu.memory_space<vmem>>[vector<16xi32>, vector<16xi32>, vector<16xi32>], vector<16xf32>,
    %add3A_439 = arith.constant 16 : i32
    %add3A_440 = vector.broadcast %add3A_439 : i32 to vector<16xi32>
    %add3A_441 = arith.addi %iota3A, %add3A_440 : vector<16xi32>
    %gather3A_442 = tpu.vector_load_idx %arg10[%broadcast_in_dim3A_432, %add3A_441, %broadcast_in_dim3A_430] : memref<8x32x128xf32, #tpu.memory_space<vmem>>[vector<16xi32>, vector<16xi32>, vector<16xi32>], vector<16xf32>,
    %broadcast_in_dim3A_443 = arith.constant 3 : i32
    %broadcast_in_dim3A_444 = vector.broadcast %broadcast_in_dim3A_443 : i32 to vector<16xi32>
    %broadcast_in_dim3A_445 = arith.constant 126 : i32
    %broadcast_in_dim3A_446 = vector.broadcast %broadcast_in_dim3A_445 : i32 to vector<16xi32>
    %mul3A_447 = arith.mulf %gather3A_433, %gather3A_438 : vector<16xf32>
    tpu.vector_store_idx %arg11[%shift_right_arithmetic3A_4, %broadcast_in_dim3A_444, %and3A_6, %broadcast_in_dim3A_446], %mul3A_447 : memref<4x4x8x128xf32, #tpu.memory_space<vmem>>[vector<16xi32>, vector<16xi32>, vector<16xi32>, vector<16xi32>], vector<16xf32>,
    %mul3A_448 = arith.mulf %gather3A_437, %gather3A_442 : vector<16xf32>
    tpu.vector_store_idx %arg11[%shift_right_arithmetic3A_12, %broadcast_in_dim3A_444, %and3A_6, %broadcast_in_dim3A_446], %mul3A_448 : memref<4x4x8x128xf32, #tpu.memory_space<vmem>>[vector<16xi32>, vector<16xi32>, vector<16xi32>, vector<16xi32>], vector<16xf32>,
    %dma_wait3A_449 = arith.constant 7 : i32
    %dma_wait3A_450 = arith.constant 0 : i32
    %dma_wait3A_451 = arith.constant 7 : i32
    %dma_wait3A_452 = arith.constant 0 : i32
    %dma_wait3A_453 = arith.constant 0 : i32
    %dma_wait3A_454 = tpu.memref_slice %arg9[%dma_wait3A_449, %dma_wait3A_452, %dma_wait3A_453] : memref<8x32x128xf32, #tpu.memory_space<vmem>> -> memref<1x32x128xf32, #tpu.memory_space<vmem>>
    %dma_wait3A_455 = tpu.memref_squeeze %dma_wait3A_454 : memref<1x32x128xf32, #tpu.memory_space<vmem>> -> memref<32x128xf32, #tpu.memory_space<vmem>>
    %dma_wait3A_456 = arith.constant 0 : i32
    %dma_wait3A_457 = arith.constant 0 : i32
    %dma_wait3A_458 = tpu.memref_slice %arg4[%dma_wait3A_456, %dma_wait3A_457] : memref<32x1000000xf32, #tpu.memory_space<hbm>> -> memref<32x128xf32, #tpu.memory_space<hbm>>
    %dma_wait3A_459 = tpu.memref_slice %arg12[%dma_wait3A_450, %dma_wait3A_451] : memref<2x8x!tpu.dma_semaphore, #tpu.memory_space<semaphore_mem>> -> memref<1x1x!tpu.dma_semaphore, #tpu.memory_space<semaphore_mem>>
    %dma_wait3A_460 = tpu.memref_squeeze %dma_wait3A_459 : memref<1x1x!tpu.dma_semaphore, #tpu.memory_space<semaphore_mem>> -> memref<!tpu.dma_semaphore, #tpu.memory_space<semaphore_mem>>
    %dma_wait3A_461 = arith.constant 0 : i32
    %dma_wait3A_462 = arith.constant 0 : i32
    %dma_wait3A_463 = tpu.memref_slice %arg9[%dma_wait3A_449, %dma_wait3A_461, %dma_wait3A_462] : memref<8x32x128xf32, #tpu.memory_space<vmem>> -> memref<1x32x128xf32, #tpu.memory_space<vmem>>
    %dma_wait3A_464 = tpu.memref_squeeze %dma_wait3A_463 : memref<1x32x128xf32, #tpu.memory_space<vmem>> -> memref<32x128xf32, #tpu.memory_space<vmem>>
    %dma_wait3A_465 = arith.constant 0 : i32
    %dma_wait3A_466 = arith.constant 0 : i32
    %dma_wait3A_467 = tpu.memref_slice %arg4[%dma_wait3A_465, %dma_wait3A_466] : memref<32x1000000xf32, #tpu.memory_space<hbm>> -> memref<32x128xf32, #tpu.memory_space<hbm>>
    tpu.wait_dma2 semaphore(%dma_wait3A_460 : memref<!tpu.dma_semaphore, #tpu.memory_space<semaphore_mem>>) src(%dma_wait3A_467 : memref<32x128xf32, #tpu.memory_space<hbm>>) dst(%dma_wait3A_464 : memref<32x128xf32, #tpu.memory_space<vmem>>)
    %dma_wait3A_468 = arith.constant 7 : i32
    %dma_wait3A_469 = arith.constant 1 : i32
    %dma_wait3A_470 = arith.constant 7 : i32
    %dma_wait3A_471 = arith.constant 0 : i32
    %dma_wait3A_472 = arith.constant 0 : i32
    %dma_wait3A_473 = tpu.memref_slice %arg10[%dma_wait3A_468, %dma_wait3A_471, %dma_wait3A_472] : memref<8x32x128xf32, #tpu.memory_space<vmem>> -> memref<1x32x128xf32, #tpu.memory_space<vmem>>
    %dma_wait3A_474 = tpu.memref_squeeze %dma_wait3A_473 : memref<1x32x128xf32, #tpu.memory_space<vmem>> -> memref<32x128xf32, #tpu.memory_space<vmem>>
    %dma_wait3A_475 = arith.constant 0 : i32
    %dma_wait3A_476 = arith.constant 0 : i32
    %dma_wait3A_477 = tpu.memref_slice %arg5[%dma_wait3A_475, %dma_wait3A_476] : memref<32x1000000xf32, #tpu.memory_space<hbm>> -> memref<32x128xf32, #tpu.memory_space<hbm>>
    %dma_wait3A_478 = tpu.memref_slice %arg12[%dma_wait3A_469, %dma_wait3A_470] : memref<2x8x!tpu.dma_semaphore, #tpu.memory_space<semaphore_mem>> -> memref<1x1x!tpu.dma_semaphore, #tpu.memory_space<semaphore_mem>>
    %dma_wait3A_479 = tpu.memref_squeeze %dma_wait3A_478 : memref<1x1x!tpu.dma_semaphore, #tpu.memory_space<semaphore_mem>> -> memref<!tpu.dma_semaphore, #tpu.memory_space<semaphore_mem>>
    %dma_wait3A_480 = arith.constant 0 : i32
    %dma_wait3A_481 = arith.constant 0 : i32
    %dma_wait3A_482 = tpu.memref_slice %arg10[%dma_wait3A_468, %dma_wait3A_480, %dma_wait3A_481] : memref<8x32x128xf32, #tpu.memory_space<vmem>> -> memref<1x32x128xf32, #tpu.memory_space<vmem>>
    %dma_wait3A_483 = tpu.memref_squeeze %dma_wait3A_482 : memref<1x32x128xf32, #tpu.memory_space<vmem>> -> memref<32x128xf32, #tpu.memory_space<vmem>>
    %dma_wait3A_484 = arith.constant 0 : i32
    %dma_wait3A_485 = arith.constant 0 : i32
    %dma_wait3A_486 = tpu.memref_slice %arg5[%dma_wait3A_484, %dma_wait3A_485] : memref<32x1000000xf32, #tpu.memory_space<hbm>> -> memref<32x128xf32, #tpu.memory_space<hbm>>
    tpu.wait_dma2 semaphore(%dma_wait3A_479 : memref<!tpu.dma_semaphore, #tpu.memory_space<semaphore_mem>>) src(%dma_wait3A_486 : memref<32x128xf32, #tpu.memory_space<hbm>>) dst(%dma_wait3A_483 : memref<32x128xf32, #tpu.memory_space<vmem>>)
    %slice3A_487 = vector.extract_strided_slice %scan3A_17#0 {offsets = [15], sizes = [1], strides = [1]} : vector<16xi32> to vector<1xi32>
    %squeeze3A_488 = vector.extract %slice3A_487[0] : i32 from vector<1xi32>
    %broadcast_in_dim3A_489 = vector.broadcast %squeeze3A_488 : i32 to vector<16xi32>
    %slice3A_490 = vector.extract_strided_slice %scan3A_17#1 {offsets = [15], sizes = [1], strides = [1]} : vector<16xi32> to vector<1xi32>
    %squeeze3A_491 = vector.extract %slice3A_490[0] : i32 from vector<1xi32>
    %broadcast_in_dim3A_492 = vector.broadcast %squeeze3A_491 : i32 to vector<16xi32>
    %broadcast_in_dim3A_493 = arith.constant 7 : i32
    %broadcast_in_dim3A_494 = vector.broadcast %broadcast_in_dim3A_493 : i32 to vector<16xi32>
    %gather3A_495 = tpu.vector_load_idx %arg9[%broadcast_in_dim3A_494, %iota3A, %broadcast_in_dim3A_489] : memref<8x32x128xf32, #tpu.memory_space<vmem>>[vector<16xi32>, vector<16xi32>, vector<16xi32>], vector<16xf32>,
    %add3A_496 = arith.constant 16 : i32
    %add3A_497 = vector.broadcast %add3A_496 : i32 to vector<16xi32>
    %add3A_498 = arith.addi %iota3A, %add3A_497 : vector<16xi32>
    %gather3A_499 = tpu.vector_load_idx %arg9[%broadcast_in_dim3A_494, %add3A_498, %broadcast_in_dim3A_489] : memref<8x32x128xf32, #tpu.memory_space<vmem>>[vector<16xi32>, vector<16xi32>, vector<16xi32>], vector<16xf32>,
    %gather3A_500 = tpu.vector_load_idx %arg10[%broadcast_in_dim3A_494, %iota3A, %broadcast_in_dim3A_492] : memref<8x32x128xf32, #tpu.memory_space<vmem>>[vector<16xi32>, vector<16xi32>, vector<16xi32>], vector<16xf32>,
    %add3A_501 = arith.constant 16 : i32
    %add3A_502 = vector.broadcast %add3A_501 : i32 to vector<16xi32>
    %add3A_503 = arith.addi %iota3A, %add3A_502 : vector<16xi32>
    %gather3A_504 = tpu.vector_load_idx %arg10[%broadcast_in_dim3A_494, %add3A_503, %broadcast_in_dim3A_492] : memref<8x32x128xf32, #tpu.memory_space<vmem>>[vector<16xi32>, vector<16xi32>, vector<16xi32>], vector<16xf32>,
    %broadcast_in_dim3A_505 = arith.constant 3 : i32
    %broadcast_in_dim3A_506 = vector.broadcast %broadcast_in_dim3A_505 : i32 to vector<16xi32>
    %broadcast_in_dim3A_507 = arith.constant 127 : i32
    %broadcast_in_dim3A_508 = vector.broadcast %broadcast_in_dim3A_507 : i32 to vector<16xi32>
    %mul3A_509 = arith.mulf %gather3A_495, %gather3A_500 : vector<16xf32>
    tpu.vector_store_idx %arg11[%shift_right_arithmetic3A_4, %broadcast_in_dim3A_506, %and3A_6, %broadcast_in_dim3A_508], %mul3A_509 : memref<4x4x8x128xf32, #tpu.memory_space<vmem>>[vector<16xi32>, vector<16xi32>, vector<16xi32>, vector<16xi32>], vector<16xf32>,
    %mul3A_510 = arith.mulf %gather3A_499, %gather3A_504 : vector<16xf32>
    tpu.vector_store_idx %arg11[%shift_right_arithmetic3A_12, %broadcast_in_dim3A_506, %and3A_6, %broadcast_in_dim3A_508], %mul3A_510 : memref<4x4x8x128xf32, #tpu.memory_space<vmem>>[vector<16xi32>, vector<16xi32>, vector<16xi32>, vector<16xi32>], vector<16xf32>,
    %mul3A_511 = arith.constant 4 : i32
    %mul3A_512 = arith.muli %add3A, %mul3A_511 : i32
    %run_scoped3A = arith.constant 0 : i32
    %run_scoped3A_513 = arith.constant 0 : i32
    "tpu.region"() ({
      %run_scoped3A_526 = tpu.sem_alloc : memref<!tpu.dma_semaphore, #tpu.memory_space<semaphore_mem>>
      %dma_start3A = arith.constant 0 : i32
      %dma_start3A_527 = arith.constant 0 : i32
      %dma_start3A_528 = arith.constant 0 : i32
      %dma_start3A_529 = tpu.memref_slice %arg11[%run_scoped3A, %dma_start3A, %dma_start3A_527, %dma_start3A_528] : memref<4x4x8x128xf32, #tpu.memory_space<vmem>> -> memref<1x4x8x128xf32, #tpu.memory_space<vmem>>
      %dma_start3A_530 = tpu.memref_squeeze %dma_start3A_529 : memref<1x4x8x128xf32, #tpu.memory_space<vmem>> -> memref<4x8x128xf32, #tpu.memory_space<vmem>>
      %dma_start3A_531 = arith.constant 0 : i32
      %dma_start3A_532 = arith.constant 0 : i32
      %dma_start3A_533 = tpu.memref_slice %arg6[%run_scoped3A_513, %mul3A_512, %dma_start3A_531, %dma_start3A_532] : memref<4x128x8x128xf32, #tpu.memory_space<hbm>> -> memref<1x4x8x128xf32, #tpu.memory_space<hbm>>
      %dma_start3A_534 = tpu.memref_squeeze %dma_start3A_533 : memref<1x4x8x128xf32, #tpu.memory_space<hbm>> -> memref<4x8x128xf32, #tpu.memory_space<hbm>>
      %dma_start3A_535 = arith.constant 0 : i32
      %dma_start3A_536 = arith.constant 0 : i32
      %dma_start3A_537 = tpu.memref_slice %arg6[%run_scoped3A_513, %mul3A_512, %dma_start3A_535, %dma_start3A_536] : memref<4x128x8x128xf32, #tpu.memory_space<hbm>> -> memref<1x4x8x128xf32, #tpu.memory_space<hbm>>
      %dma_start3A_538 = tpu.memref_squeeze %dma_start3A_537 : memref<1x4x8x128xf32, #tpu.memory_space<hbm>> -> memref<4x8x128xf32, #tpu.memory_space<hbm>>
      %dma_start3A_539 = arith.constant 0 : i32
      %dma_start3A_540 = arith.constant 0 : i32
      %dma_start3A_541 = arith.constant 0 : i32
      %dma_start3A_542 = tpu.memref_slice %arg11[%run_scoped3A, %dma_start3A_539, %dma_start3A_540, %dma_start3A_541] : memref<4x4x8x128xf32, #tpu.memory_space<vmem>> -> memref<1x4x8x128xf32, #tpu.memory_space<vmem>>
      %dma_start3A_543 = tpu.memref_squeeze %dma_start3A_542 : memref<1x4x8x128xf32, #tpu.memory_space<vmem>> -> memref<4x8x128xf32, #tpu.memory_space<vmem>>
      tpu.enqueue_dma source(%dma_start3A_543 : memref<4x8x128xf32, #tpu.memory_space<vmem>>) target(%dma_start3A_538 : memref<4x8x128xf32, #tpu.memory_space<hbm>>) target_semaphore(%run_scoped3A_526 : memref<!tpu.dma_semaphore, #tpu.memory_space<semaphore_mem>>)
      %dma_wait3A_544 = arith.constant 0 : i32
      %dma_wait3A_545 = arith.constant 0 : i32
      %dma_wait3A_546 = arith.constant 0 : i32
      %dma_wait3A_547 = tpu.memref_slice %arg11[%run_scoped3A, %dma_wait3A_544, %dma_wait3A_545, %dma_wait3A_546] : memref<4x4x8x128xf32, #tpu.memory_space<vmem>> -> memref<1x4x8x128xf32, #tpu.memory_space<vmem>>
      %dma_wait3A_548 = tpu.memref_squeeze %dma_wait3A_547 : memref<1x4x8x128xf32, #tpu.memory_space<vmem>> -> memref<4x8x128xf32, #tpu.memory_space<vmem>>
      %dma_wait3A_549 = arith.constant 0 : i32
      %dma_wait3A_550 = arith.constant 0 : i32
      %dma_wait3A_551 = tpu.memref_slice %arg6[%run_scoped3A_513, %mul3A_512, %dma_wait3A_549, %dma_wait3A_550] : memref<4x128x8x128xf32, #tpu.memory_space<hbm>> -> memref<1x4x8x128xf32, #tpu.memory_space<hbm>>
      %dma_wait3A_552 = tpu.memref_squeeze %dma_wait3A_551 : memref<1x4x8x128xf32, #tpu.memory_space<hbm>> -> memref<4x8x128xf32, #tpu.memory_space<hbm>>
      %dma_wait3A_553 = arith.constant 0 : i32
      %dma_wait3A_554 = arith.constant 0 : i32
      %dma_wait3A_555 = tpu.memref_slice %arg6[%run_scoped3A_513, %mul3A_512, %dma_wait3A_553, %dma_wait3A_554] : memref<4x128x8x128xf32, #tpu.memory_space<hbm>> -> memref<1x4x8x128xf32, #tpu.memory_space<hbm>>
      %dma_wait3A_556 = tpu.memref_squeeze %dma_wait3A_555 : memref<1x4x8x128xf32, #tpu.memory_space<hbm>> -> memref<4x8x128xf32, #tpu.memory_space<hbm>>
      %dma_wait3A_557 = arith.constant 0 : i32
      %dma_wait3A_558 = arith.constant 0 : i32
      %dma_wait3A_559 = arith.constant 0 : i32
      %dma_wait3A_560 = tpu.memref_slice %arg11[%run_scoped3A, %dma_wait3A_557, %dma_wait3A_558, %dma_wait3A_559] : memref<4x4x8x128xf32, #tpu.memory_space<vmem>> -> memref<1x4x8x128xf32, #tpu.memory_space<vmem>>
      %dma_wait3A_561 = tpu.memref_squeeze %dma_wait3A_560 : memref<1x4x8x128xf32, #tpu.memory_space<vmem>> -> memref<4x8x128xf32, #tpu.memory_space<vmem>>
      tpu.wait_dma2 semaphore(%run_scoped3A_526 : memref<!tpu.dma_semaphore, #tpu.memory_space<semaphore_mem>>) src(%dma_wait3A_561 : memref<4x8x128xf32, #tpu.memory_space<vmem>>) dst(%dma_wait3A_556 : memref<4x8x128xf32, #tpu.memory_space<hbm>>)
      tpu.yield
    }) : () -> ()
    %mul3A_514 = arith.constant 4 : i32
    %mul3A_515 = arith.muli %add3A, %mul3A_514 : i32
    %run_scoped3A_516 = arith.constant 1 : i32
    %run_scoped3A_517 = arith.constant 1 : i32
    "tpu.region"() ({
      %run_scoped3A_526 = tpu.sem_alloc : memref<!tpu.dma_semaphore, #tpu.memory_space<semaphore_mem>>
      %dma_start3A = arith.constant 0 : i32
      %dma_start3A_527 = arith.constant 0 : i32
      %dma_start3A_528 = arith.constant 0 : i32
      %dma_start3A_529 = tpu.memref_slice %arg11[%run_scoped3A_516, %dma_start3A, %dma_start3A_527, %dma_start3A_528] : memref<4x4x8x128xf32, #tpu.memory_space<vmem>> -> memref<1x4x8x128xf32, #tpu.memory_space<vmem>>
      %dma_start3A_530 = tpu.memref_squeeze %dma_start3A_529 : memref<1x4x8x128xf32, #tpu.memory_space<vmem>> -> memref<4x8x128xf32, #tpu.memory_space<vmem>>
      %dma_start3A_531 = arith.constant 0 : i32
      %dma_start3A_532 = arith.constant 0 : i32
      %dma_start3A_533 = tpu.memref_slice %arg6[%run_scoped3A_517, %mul3A_515, %dma_start3A_531, %dma_start3A_532] : memref<4x128x8x128xf32, #tpu.memory_space<hbm>> -> memref<1x4x8x128xf32, #tpu.memory_space<hbm>>
      %dma_start3A_534 = tpu.memref_squeeze %dma_start3A_533 : memref<1x4x8x128xf32, #tpu.memory_space<hbm>> -> memref<4x8x128xf32, #tpu.memory_space<hbm>>
      %dma_start3A_535 = arith.constant 0 : i32
      %dma_start3A_536 = arith.constant 0 : i32
      %dma_start3A_537 = tpu.memref_slice %arg6[%run_scoped3A_517, %mul3A_515, %dma_start3A_535, %dma_start3A_536] : memref<4x128x8x128xf32, #tpu.memory_space<hbm>> -> memref<1x4x8x128xf32, #tpu.memory_space<hbm>>
      %dma_start3A_538 = tpu.memref_squeeze %dma_start3A_537 : memref<1x4x8x128xf32, #tpu.memory_space<hbm>> -> memref<4x8x128xf32, #tpu.memory_space<hbm>>
      %dma_start3A_539 = arith.constant 0 : i32
      %dma_start3A_540 = arith.constant 0 : i32
      %dma_start3A_541 = arith.constant 0 : i32
      %dma_start3A_542 = tpu.memref_slice %arg11[%run_scoped3A_516, %dma_start3A_539, %dma_start3A_540, %dma_start3A_541] : memref<4x4x8x128xf32, #tpu.memory_space<vmem>> -> memref<1x4x8x128xf32, #tpu.memory_space<vmem>>
      %dma_start3A_543 = tpu.memref_squeeze %dma_start3A_542 : memref<1x4x8x128xf32, #tpu.memory_space<vmem>> -> memref<4x8x128xf32, #tpu.memory_space<vmem>>
      tpu.enqueue_dma source(%dma_start3A_543 : memref<4x8x128xf32, #tpu.memory_space<vmem>>) target(%dma_start3A_538 : memref<4x8x128xf32, #tpu.memory_space<hbm>>) target_semaphore(%run_scoped3A_526 : memref<!tpu.dma_semaphore, #tpu.memory_space<semaphore_mem>>)
      %dma_wait3A_544 = arith.constant 0 : i32
      %dma_wait3A_545 = arith.constant 0 : i32
      %dma_wait3A_546 = arith.constant 0 : i32
      %dma_wait3A_547 = tpu.memref_slice %arg11[%run_scoped3A_516, %dma_wait3A_544, %dma_wait3A_545, %dma_wait3A_546] : memref<4x4x8x128xf32, #tpu.memory_space<vmem>> -> memref<1x4x8x128xf32, #tpu.memory_space<vmem>>
      %dma_wait3A_548 = tpu.memref_squeeze %dma_wait3A_547 : memref<1x4x8x128xf32, #tpu.memory_space<vmem>> -> memref<4x8x128xf32, #tpu.memory_space<vmem>>
      %dma_wait3A_549 = arith.constant 0 : i32
      %dma_wait3A_550 = arith.constant 0 : i32
      %dma_wait3A_551 = tpu.memref_slice %arg6[%run_scoped3A_517, %mul3A_515, %dma_wait3A_549, %dma_wait3A_550] : memref<4x128x8x128xf32, #tpu.memory_space<hbm>> -> memref<1x4x8x128xf32, #tpu.memory_space<hbm>>
      %dma_wait3A_552 = tpu.memref_squeeze %dma_wait3A_551 : memref<1x4x8x128xf32, #tpu.memory_space<hbm>> -> memref<4x8x128xf32, #tpu.memory_space<hbm>>
      %dma_wait3A_553 = arith.constant 0 : i32
      %dma_wait3A_554 = arith.constant 0 : i32
      %dma_wait3A_555 = tpu.memref_slice %arg6[%run_scoped3A_517, %mul3A_515, %dma_wait3A_553, %dma_wait3A_554] : memref<4x128x8x128xf32, #tpu.memory_space<hbm>> -> memref<1x4x8x128xf32, #tpu.memory_space<hbm>>
      %dma_wait3A_556 = tpu.memref_squeeze %dma_wait3A_555 : memref<1x4x8x128xf32, #tpu.memory_space<hbm>> -> memref<4x8x128xf32, #tpu.memory_space<hbm>>
      %dma_wait3A_557 = arith.constant 0 : i32
      %dma_wait3A_558 = arith.constant 0 : i32
      %dma_wait3A_559 = arith.constant 0 : i32
      %dma_wait3A_560 = tpu.memref_slice %arg11[%run_scoped3A_516, %dma_wait3A_557, %dma_wait3A_558, %dma_wait3A_559] : memref<4x4x8x128xf32, #tpu.memory_space<vmem>> -> memref<1x4x8x128xf32, #tpu.memory_space<vmem>>
      %dma_wait3A_561 = tpu.memref_squeeze %dma_wait3A_560 : memref<1x4x8x128xf32, #tpu.memory_space<vmem>> -> memref<4x8x128xf32, #tpu.memory_space<vmem>>
      tpu.wait_dma2 semaphore(%run_scoped3A_526 : memref<!tpu.dma_semaphore, #tpu.memory_space<semaphore_mem>>) src(%dma_wait3A_561 : memref<4x8x128xf32, #tpu.memory_space<vmem>>) dst(%dma_wait3A_556 : memref<4x8x128xf32, #tpu.memory_space<hbm>>)
      tpu.yield
    }) : () -> ()
    %mul3A_518 = arith.constant 4 : i32
    %mul3A_519 = arith.muli %add3A, %mul3A_518 : i32
    %run_scoped3A_520 = arith.constant 2 : i32
    %run_scoped3A_521 = arith.constant 2 : i32
    "tpu.region"() ({
      %run_scoped3A_526 = tpu.sem_alloc : memref<!tpu.dma_semaphore, #tpu.memory_space<semaphore_mem>>
      %dma_start3A = arith.constant 0 : i32
      %dma_start3A_527 = arith.constant 0 : i32
      %dma_start3A_528 = arith.constant 0 : i32
      %dma_start3A_529 = tpu.memref_slice %arg11[%run_scoped3A_520, %dma_start3A, %dma_start3A_527, %dma_start3A_528] : memref<4x4x8x128xf32, #tpu.memory_space<vmem>> -> memref<1x4x8x128xf32, #tpu.memory_space<vmem>>
      %dma_start3A_530 = tpu.memref_squeeze %dma_start3A_529 : memref<1x4x8x128xf32, #tpu.memory_space<vmem>> -> memref<4x8x128xf32, #tpu.memory_space<vmem>>
      %dma_start3A_531 = arith.constant 0 : i32
      %dma_start3A_532 = arith.constant 0 : i32
      %dma_start3A_533 = tpu.memref_slice %arg6[%run_scoped3A_521, %mul3A_519, %dma_start3A_531, %dma_start3A_532] : memref<4x128x8x128xf32, #tpu.memory_space<hbm>> -> memref<1x4x8x128xf32, #tpu.memory_space<hbm>>
      %dma_start3A_534 = tpu.memref_squeeze %dma_start3A_533 : memref<1x4x8x128xf32, #tpu.memory_space<hbm>> -> memref<4x8x128xf32, #tpu.memory_space<hbm>>
      %dma_start3A_535 = arith.constant 0 : i32
      %dma_start3A_536 = arith.constant 0 : i32
      %dma_start3A_537 = tpu.memref_slice %arg6[%run_scoped3A_521, %mul3A_519, %dma_start3A_535, %dma_start3A_536] : memref<4x128x8x128xf32, #tpu.memory_space<hbm>> -> memref<1x4x8x128xf32, #tpu.memory_space<hbm>>
      %dma_start3A_538 = tpu.memref_squeeze %dma_start3A_537 : memref<1x4x8x128xf32, #tpu.memory_space<hbm>> -> memref<4x8x128xf32, #tpu.memory_space<hbm>>
      %dma_start3A_539 = arith.constant 0 : i32
      %dma_start3A_540 = arith.constant 0 : i32
      %dma_start3A_541 = arith.constant 0 : i32
      %dma_start3A_542 = tpu.memref_slice %arg11[%run_scoped3A_520, %dma_start3A_539, %dma_start3A_540, %dma_start3A_541] : memref<4x4x8x128xf32, #tpu.memory_space<vmem>> -> memref<1x4x8x128xf32, #tpu.memory_space<vmem>>
      %dma_start3A_543 = tpu.memref_squeeze %dma_start3A_542 : memref<1x4x8x128xf32, #tpu.memory_space<vmem>> -> memref<4x8x128xf32, #tpu.memory_space<vmem>>
      tpu.enqueue_dma source(%dma_start3A_543 : memref<4x8x128xf32, #tpu.memory_space<vmem>>) target(%dma_start3A_538 : memref<4x8x128xf32, #tpu.memory_space<hbm>>) target_semaphore(%run_scoped3A_526 : memref<!tpu.dma_semaphore, #tpu.memory_space<semaphore_mem>>)
      %dma_wait3A_544 = arith.constant 0 : i32
      %dma_wait3A_545 = arith.constant 0 : i32
      %dma_wait3A_546 = arith.constant 0 : i32
      %dma_wait3A_547 = tpu.memref_slice %arg11[%run_scoped3A_520, %dma_wait3A_544, %dma_wait3A_545, %dma_wait3A_546] : memref<4x4x8x128xf32, #tpu.memory_space<vmem>> -> memref<1x4x8x128xf32, #tpu.memory_space<vmem>>
      %dma_wait3A_548 = tpu.memref_squeeze %dma_wait3A_547 : memref<1x4x8x128xf32, #tpu.memory_space<vmem>> -> memref<4x8x128xf32, #tpu.memory_space<vmem>>
      %dma_wait3A_549 = arith.constant 0 : i32
      %dma_wait3A_550 = arith.constant 0 : i32
      %dma_wait3A_551 = tpu.memref_slice %arg6[%run_scoped3A_521, %mul3A_519, %dma_wait3A_549, %dma_wait3A_550] : memref<4x128x8x128xf32, #tpu.memory_space<hbm>> -> memref<1x4x8x128xf32, #tpu.memory_space<hbm>>
      %dma_wait3A_552 = tpu.memref_squeeze %dma_wait3A_551 : memref<1x4x8x128xf32, #tpu.memory_space<hbm>> -> memref<4x8x128xf32, #tpu.memory_space<hbm>>
      %dma_wait3A_553 = arith.constant 0 : i32
      %dma_wait3A_554 = arith.constant 0 : i32
      %dma_wait3A_555 = tpu.memref_slice %arg6[%run_scoped3A_521, %mul3A_519, %dma_wait3A_553, %dma_wait3A_554] : memref<4x128x8x128xf32, #tpu.memory_space<hbm>> -> memref<1x4x8x128xf32, #tpu.memory_space<hbm>>
      %dma_wait3A_556 = tpu.memref_squeeze %dma_wait3A_555 : memref<1x4x8x128xf32, #tpu.memory_space<hbm>> -> memref<4x8x128xf32, #tpu.memory_space<hbm>>
      %dma_wait3A_557 = arith.constant 0 : i32
      %dma_wait3A_558 = arith.constant 0 : i32
      %dma_wait3A_559 = arith.constant 0 : i32
      %dma_wait3A_560 = tpu.memref_slice %arg11[%run_scoped3A_520, %dma_wait3A_557, %dma_wait3A_558, %dma_wait3A_559] : memref<4x4x8x128xf32, #tpu.memory_space<vmem>> -> memref<1x4x8x128xf32, #tpu.memory_space<vmem>>
      %dma_wait3A_561 = tpu.memref_squeeze %dma_wait3A_560 : memref<1x4x8x128xf32, #tpu.memory_space<vmem>> -> memref<4x8x128xf32, #tpu.memory_space<vmem>>
      tpu.wait_dma2 semaphore(%run_scoped3A_526 : memref<!tpu.dma_semaphore, #tpu.memory_space<semaphore_mem>>) src(%dma_wait3A_561 : memref<4x8x128xf32, #tpu.memory_space<vmem>>) dst(%dma_wait3A_556 : memref<4x8x128xf32, #tpu.memory_space<hbm>>)
      tpu.yield
    }) : () -> ()
    %mul3A_522 = arith.constant 4 : i32
    %mul3A_523 = arith.muli %add3A, %mul3A_522 : i32
    %run_scoped3A_524 = arith.constant 3 : i32
    %run_scoped3A_525 = arith.constant 3 : i32
    "tpu.region"() ({
      %run_scoped3A_526 = tpu.sem_alloc : memref<!tpu.dma_semaphore, #tpu.memory_space<semaphore_mem>>
      %dma_start3A = arith.constant 0 : i32
      %dma_start3A_527 = arith.constant 0 : i32
      %dma_start3A_528 = arith.constant 0 : i32
      %dma_start3A_529 = tpu.memref_slice %arg11[%run_scoped3A_524, %dma_start3A, %dma_start3A_527, %dma_start3A_528] : memref<4x4x8x128xf32, #tpu.memory_space<vmem>> -> memref<1x4x8x128xf32, #tpu.memory_space<vmem>>
      %dma_start3A_530 = tpu.memref_squeeze %dma_start3A_529 : memref<1x4x8x128xf32, #tpu.memory_space<vmem>> -> memref<4x8x128xf32, #tpu.memory_space<vmem>>
      %dma_start3A_531 = arith.constant 0 : i32
      %dma_start3A_532 = arith.constant 0 : i32
      %dma_start3A_533 = tpu.memref_slice %arg6[%run_scoped3A_525, %mul3A_523, %dma_start3A_531, %dma_start3A_532] : memref<4x128x8x128xf32, #tpu.memory_space<hbm>> -> memref<1x4x8x128xf32, #tpu.memory_space<hbm>>
      %dma_start3A_534 = tpu.memref_squeeze %dma_start3A_533 : memref<1x4x8x128xf32, #tpu.memory_space<hbm>> -> memref<4x8x128xf32, #tpu.memory_space<hbm>>
      %dma_start3A_535 = arith.constant 0 : i32
      %dma_start3A_536 = arith.constant 0 : i32
      %dma_start3A_537 = tpu.memref_slice %arg6[%run_scoped3A_525, %mul3A_523, %dma_start3A_535, %dma_start3A_536] : memref<4x128x8x128xf32, #tpu.memory_space<hbm>> -> memref<1x4x8x128xf32, #tpu.memory_space<hbm>>
      %dma_start3A_538 = tpu.memref_squeeze %dma_start3A_537 : memref<1x4x8x128xf32, #tpu.memory_space<hbm>> -> memref<4x8x128xf32, #tpu.memory_space<hbm>>
      %dma_start3A_539 = arith.constant 0 : i32
      %dma_start3A_540 = arith.constant 0 : i32
      %dma_start3A_541 = arith.constant 0 : i32
      %dma_start3A_542 = tpu.memref_slice %arg11[%run_scoped3A_524, %dma_start3A_539, %dma_start3A_540, %dma_start3A_541] : memref<4x4x8x128xf32, #tpu.memory_space<vmem>> -> memref<1x4x8x128xf32, #tpu.memory_space<vmem>>
      %dma_start3A_543 = tpu.memref_squeeze %dma_start3A_542 : memref<1x4x8x128xf32, #tpu.memory_space<vmem>> -> memref<4x8x128xf32, #tpu.memory_space<vmem>>
      tpu.enqueue_dma source(%dma_start3A_543 : memref<4x8x128xf32, #tpu.memory_space<vmem>>) target(%dma_start3A_538 : memref<4x8x128xf32, #tpu.memory_space<hbm>>) target_semaphore(%run_scoped3A_526 : memref<!tpu.dma_semaphore, #tpu.memory_space<semaphore_mem>>)
      %dma_wait3A_544 = arith.constant 0 : i32
      %dma_wait3A_545 = arith.constant 0 : i32
      %dma_wait3A_546 = arith.constant 0 : i32
      %dma_wait3A_547 = tpu.memref_slice %arg11[%run_scoped3A_524, %dma_wait3A_544, %dma_wait3A_545, %dma_wait3A_546] : memref<4x4x8x128xf32, #tpu.memory_space<vmem>> -> memref<1x4x8x128xf32, #tpu.memory_space<vmem>>
      %dma_wait3A_548 = tpu.memref_squeeze %dma_wait3A_547 : memref<1x4x8x128xf32, #tpu.memory_space<vmem>> -> memref<4x8x128xf32, #tpu.memory_space<vmem>>
      %dma_wait3A_549 = arith.constant 0 : i32
      %dma_wait3A_550 = arith.constant 0 : i32
      %dma_wait3A_551 = tpu.memref_slice %arg6[%run_scoped3A_525, %mul3A_523, %dma_wait3A_549, %dma_wait3A_550] : memref<4x128x8x128xf32, #tpu.memory_space<hbm>> -> memref<1x4x8x128xf32, #tpu.memory_space<hbm>>
      %dma_wait3A_552 = tpu.memref_squeeze %dma_wait3A_551 : memref<1x4x8x128xf32, #tpu.memory_space<hbm>> -> memref<4x8x128xf32, #tpu.memory_space<hbm>>
      %dma_wait3A_553 = arith.constant 0 : i32
      %dma_wait3A_554 = arith.constant 0 : i32
      %dma_wait3A_555 = tpu.memref_slice %arg6[%run_scoped3A_525, %mul3A_523, %dma_wait3A_553, %dma_wait3A_554] : memref<4x128x8x128xf32, #tpu.memory_space<hbm>> -> memref<1x4x8x128xf32, #tpu.memory_space<hbm>>
      %dma_wait3A_556 = tpu.memref_squeeze %dma_wait3A_555 : memref<1x4x8x128xf32, #tpu.memory_space<hbm>> -> memref<4x8x128xf32, #tpu.memory_space<hbm>>
      %dma_wait3A_557 = arith.constant 0 : i32
      %dma_wait3A_558 = arith.constant 0 : i32
      %dma_wait3A_559 = arith.constant 0 : i32
      %dma_wait3A_560 = tpu.memref_slice %arg11[%run_scoped3A_524, %dma_wait3A_557, %dma_wait3A_558, %dma_wait3A_559] : memref<4x4x8x128xf32, #tpu.memory_space<vmem>> -> memref<1x4x8x128xf32, #tpu.memory_space<vmem>>
      %dma_wait3A_561 = tpu.memref_squeeze %dma_wait3A_560 : memref<1x4x8x128xf32, #tpu.memory_space<vmem>> -> memref<4x8x128xf32, #tpu.memory_space<vmem>>
      tpu.wait_dma2 semaphore(%run_scoped3A_526 : memref<!tpu.dma_semaphore, #tpu.memory_space<semaphore_mem>>) src(%dma_wait3A_561 : memref<4x8x128xf32, #tpu.memory_space<vmem>>) dst(%dma_wait3A_556 : memref<4x8x128xf32, #tpu.memory_space<hbm>>)
      tpu.yield
    }) : () -> ()
    return
  }
}

</mosaic_0001>

<sc_bundles>
// kernel: kernel.3.cloned.1.call-start
scs
__scs_entry_jumppad:
0x0: {  	(pc) =	sbr.rel $0x88, $3  }
0x1: {  	(tag) =	ssettag $0x0;
	lr =	simm.s32 $0x1  }
0x2: {  	[smem:$0x3F9D] =	sst lr;
	_ =	strace $0xD0000000  }
0x3: {  	_ = 	snop  }
0x4: {  	_ = 	snop  }
0x5: {  	_ = 	snop  }
0x6: {  	_ = 	snop  }
0x7: {  	_ = 	snop  }
__scs_overlays_trampoline_lowered:
0x8: {  	[smem:$0x3FAC] =	sst s0  }
0x9: {  	[smem:$0x3FAD] =	sst s1  }
0xa: {  	[smem:$0x3FAE] =	sst s2  }
0xb: {  	[smem:$0x3FAF] =	sst s3  }
0xc: {  	[smem:$0x3FB0] =	sst s4  }
0xd: {  	[smem:$0x3FB1] =	sst s5  }
0xe: {  	[smem:$0x3FB2] =	sst s6  }
0xf: {  	[smem:$0x3FB3] =	sst s7  }
0x10: {  	[smem:$0x3FB4] =	sst s8  }
0x11: {  	[smem:$0x3FB5] =	sst s9;
	s0 =	simm.s32 @!p0 $0x0  }
0x12: {  	s1 =	sld [smem:$0x3F9B];
	s0 =	simm.s32 @p0 $0x1  }
0x13: {  	[smem:$0x3FB6] =	sst s0;
	s0 =	simm.s32 @!p1 $0x0  }
0x14: {  	s2 =	sld [smem:$0x3F9A];
	s0 =	simm.s32 @p1 $0x1  }
0x15: {  	[smem:$0x3FB7] =	sst s0;
	s0 =	simm.s32 @!p2 $0x0  }
0x16: {  	s3 =	sld [smem:$0x3FDB];
	s0 =	simm.s32 @p2 $0x1  }
0x17: {  	s4 =	simm.s32 $0x1BF5;
	[smem:$0x3FB9] =	sst s0  }
0x18: {  	s0 =	sld [smem:$0x3F9C];
	_ =	swait.ge [sflag:s4], $0x0  }
0x19: {  	s7 =	sld [smem:$0x3F9D]  }
0x1a: {  	s8 =	sadd.s32 $0xFFFFE003, lr  }
0x1b: {  	s9 =	sadd.s32 $0xFFFFFEF7, lr;
	s5 =	simm.s32 $0xFFFFFFFF;
	p2 =	slt.u32 s8, $0xFFFFF086  }
0x1c: {  	p1 =	slt.u32 s9, $0xF7A;
	s5 =	simm.s32 @!p2 $0x0  }
0x1d: {  	s5 =	simm.s32 @p1 $0x1;
	p0 =	seq.s32 s7, s2  }
0x1e: {  	s7 =	smul.u32 @!p0 $0xF7A, s2;
	p2 =	seq.s32 @!p0 s5, $0x0  }
0x1f: {  	s9 =	smul.u32 $0xF7A, s1;
	s8 =	simm.s32 @!p0 $0x1BF5;
	p2 =	por !p2, p0  }
0x20: {  	[sflag:s8] =	ssyncset.s32 @!p0 $0xFFFFF086;
	s6 =	sadd.s32 @!p0 s3, s7;
	s7 =	simm.s32 @!p0 $0x108  }
0x21: {  	s3 =	sadd.s32 s3, s9;
	s6 =	sadd.s32 @!p0 $0x88, s6;
	s7 =	simm.s32 @p2 $0x1082  }
0x22: {  	[simem:s7], [sflag:s8] =	dma.local @!p0 [hbm:s6], $0xF7A  }
0x23: {  	s9 =	sor.u32 $0xD0000000, s2;
	s6 =	simm.s32 $0x108;
	_ =	swait.ge @!p0 [sflag:s8], $0x0  }
0x24: {  	s3 =	sadd.s32 $0x88, s3;
	s6 =	simm.s32 @!p1 $0x1082;
	[sflag:s4] =	ssyncset.s32 $0xFFFFF086  }
0x25: {  	[simem:s6], [sflag:s4] =	dma.local [hbm:s3], $0xF7A  }
0x26: {  	[smem:$0x3F9D] =	sst s1;
	(tag) =	ssettag s2;
	_ =	strace s9  }
0x27: {  	s1 =	sld [smem:$0x3FAD]  }
0x28: {  	s2 =	sld [smem:$0x3FAE]  }
0x29: {  	s4 =	sld [smem:$0x3FB0]  }
0x2a: {  	p0 =	seq.s32 s5, $0x0;
	s5 =	sld [smem:$0x3FB1]  }
0x2b: {  	s6 =	sld [smem:$0x3FB2]  }
0x2c: {  	s7 =	sld [smem:$0x3FB3]  }
0x2d: {  	s3 =	simm.s32 $0x108;
	s8 =	sld [smem:$0x3FB4]  }
0x2e: {  	s3 =	simm.s32 @!p0 $0x1082;
	s9 =	sld [smem:$0x3FB5]  }
0x2f: {  	lr =	sadd.s32 s0, s3;
	s0 =	sld [smem:$0x3FAC]  }
0x30: {  	s3 =	sld [smem:$0x3FAF]  }
0x31: {  	[smem:$0x3FB8] =	sst s10  }
0x32: {  	s10 =	sld [smem:$0x3FB6];
	_ =	sdelay $0x3  }
0x33: {  	p0 =	seq.s32 s10, $0x1;
	s10 =	sld [smem:$0x3FB8];
	_ =	sdelay $0x3  }
0x34: {  	[smem:$0x3FB8] =	sst s10  }
0x35: {  	s10 =	sld [smem:$0x3FB7];
	_ =	sdelay $0x3  }
0x36: {  	p1 =	seq.s32 s10, $0x1;
	s10 =	sld [smem:$0x3FB8];
	_ =	sdelay $0x3  }
0x37: {  	[smem:$0x3FB8] =	sst s10  }
0x38: {  	s10 =	sld [smem:$0x3FB9]  }
0x39: {  	_ = 	snop;
	(pc) =	sbr.ind lr, $3  }
0x3a: {  	_ = 	snop  }
0x3b: {  	_ = 	snop  }
0x3c: {  	p2 =	seq.s32 s10, $0x1;
	s10 =	sld [smem:$0x3FB8]  }
0x3d: {  	_ =	shalt  }
0x3e: {  	_ =	shalt  }
0x3f: {  	_ =	shalt  }
0x40: {  	_ =	shalt  }
0x41: {  	_ =	shalt  }
0x42: {  	_ =	shalt  }
0x43: {  	_ =	shalt  }
0x44: {  	_ =	shalt  }
0x45: {  	_ =	shalt  }
0x46: {  	_ =	shalt  }
0x47: {  	_ =	shalt  }
0x48: {  	_ =	shalt  }
0x49: {  	_ =	shalt  }
0x4a: {  	_ =	shalt  }
0x4b: {  	_ =	shalt  }
0x4c: {  	_ =	shalt  }
0x4d: {  	_ =	shalt  }
0x4e: {  	_ =	shalt  }
0x4f: {  	_ =	shalt  }
0x50: {  	_ =	shalt  }
0x51: {  	_ =	shalt  }
0x52: {  	_ =	shalt  }
0x53: {  	_ =	shalt  }
0x54: {  	_ =	shalt  }
0x55: {  	_ =	shalt  }
0x56: {  	_ =	shalt  }
0x57: {  	_ =	shalt  }
0x58: {  	_ =	shalt  }
0x59: {  	_ =	shalt  }
0x5a: {  	_ =	shalt  }
0x5b: {  	_ =	shalt  }
0x5c: {  	_ =	shalt  }
0x5d: {  	_ =	shalt  }
0x5e: {  	_ =	shalt  }
0x5f: {  	_ =	shalt  }
0x60: {  	_ =	shalt  }
0x61: {  	_ =	shalt  }
0x62: {  	_ =	shalt  }
0x63: {  	_ =	shalt  }
0x64: {  	_ =	shalt  }
0x65: {  	_ =	shalt  }
0x66: {  	_ =	shalt  }
0x67: {  	_ =	shalt  }
0x68: {  	_ =	shalt  }
0x69: {  	_ =	shalt  }
0x6a: {  	_ =	shalt  }
0x6b: {  	_ =	shalt  }
0x6c: {  	_ =	shalt  }
0x6d: {  	_ =	shalt  }
0x6e: {  	_ =	shalt  }
0x6f: {  	_ =	shalt  }
0x70: {  	_ =	shalt  }
0x71: {  	_ =	shalt  }
0x72: {  	_ =	shalt  }
0x73: {  	_ =	shalt  }
0x74: {  	_ =	shalt  }
0x75: {  	_ =	shalt  }
0x76: {  	_ =	shalt  }
0x77: {  	_ =	shalt  }
0x78: {  	_ =	shalt  }
0x79: {  	_ =	shalt  }
0x7a: {  	_ =	shalt  }
0x7b: {  	_ =	shalt  }
0x7c: {  	_ =	shalt  }
0x7d: {  	_ =	shalt  }
0x7e: {  	_ =	shalt  }
0x7f: {  	_ =	shalt  }
0x80: {  	_ =	shalt  }
0x81: {  	_ =	shalt  }
0x82: {  	_ =	shalt  }
0x83: {  	_ =	shalt  }
0x84: {  	_ =	shalt  }
0x85: {  	_ =	shalt  }
0x86: {  	_ =	shalt  }
0x87: {  	_ =	shalt  }
.Lfunc_end0:
.L_simem_size_0:
called_computation_lowered:
.L_overlay_start_0:
0x88: {  	s2 =	sld [smem:$0x3FD9]  }
0x89: {  	s3 =	sld [smem:$0x3FFE];
	_ =	sdelay $0x1  }
0x8a: {  	s1 =	srdreg.scid  }
0x8b: {  	s0 =	sand.u32 $0x1, s1  }
0x8c: {  	s18 =	sshll.u32 s0, $0xA;
	s2 =	sadd.s32 s3, s2  }
0x8d: {  	s2 =	sadd.s32 s2, s18  }
0x8e: {  	[smem:$0x3FC4] =	sst s2  }
0x8f: {  	_ = 	snop  }
0x90: {  	s2 =	sld [smem:$0x3FC9]  }
0x91: {  	s19 =	sld [smem:$0x3FC8]  }
0x92: {  	s4 =	sld [smem:$0x3FC7]  }
0x93: {  	s5 =	sld [smem:$0x3FC6]  }
0x94: {  	s6 =	sld [smem:$0x3FD0];
	(tm) =	ssettm $0x1  }
0x95: {  	s7 =	sld [smem:$0x3FFB];
	_ =	sdelay $0x3  }
0x96: {  	_ =	strace s7  }
0x97: {  	s7 =	sld [smem:$0x3FFC];
	_ =	sdelay $0x3  }
0x98: {  	_ =	strace s7  }
0x99: {  	s7 =	sld [smem:$0x3FFD];
	_ =	sdelay $0x3  }
0x9a: {  	_ =	strace s7  }
0x9b: {  	_ =	strace $0x8FFFFFFF  }
0x9c: {  	s20 =	sld [smem:$0x3FDB];
	_ =	sdelay $0x1  }
0x9d: {  	s8 =	simm.s32 $_scs_section_size  }
0x9e: {  	s9 =	simm.s32 $_size__tile_overlayer_lowered;
	s10 =	simm.s32 $_tile_overlayer_lowered  }
0x9f: {  	s23 =	simm.s32 $0x1BFF;
	s22 =	sshll.u32 s10, $0x1;
	s7 =	sadd.s32 s8, s20  }
0xa0: {  	s11 =	simm.s32 $0x0;
	s21 =	sshll.u32 s9, $0x1;
	s9 =	sadd.s32 s22, s7  }
0xa1: {  	[timem:s11], [sflag:s23] =	dma.local [hbm:s9], s21  }
0xa2: {  	_ =	swait.ge [sflag:s23], s21  }
0xa3: {  	s8 =	ssub.s32 $0x0, s21;
	[sflag:s23] =	ssyncset.done $0x0  }
0xa4: {  	[sflag:s23] =	ssyncadd.s32 s8;
	_ =	sdelay $0x1  }
0xa5: {  	s24 =	simm.s32 $0x1B8B  }
0xa6: {  	_ =	swait.ge [sflag:s24], $0x1  }
0xa7: {  	[sflag:s24] =	ssyncset.done $0x0  }
0xa8: {  	s25 =	simm.s32 $0x1B8E;
	[sflag:s24] =	ssyncadd.s32 $0xFFFFFFFF  }
0xa9: {  	s26 =	simm.s32 $execute0_lowered;
	[smem:$0x3FD2] =	sst s25  }
0xaa: {  	s8 =	sshll.u32 s26, $0x1;
	_ =	strace $0x80000046;
	[dreg:$0x1] =	wrdreg $0xFFFFFFFF  }
0xab: {  	s28 =	simm.s32 $_size_execute0_lowered;
	s7 =	sadd.s32 s7, s8;
	[dreg:$0x0] =	wrdreg $0x0  }
0xac: {  	s8 =	sshll.u32 s28, $0x1;
	[dreg:$0x2] =	wrdreg s7  }
0xad: {  	[dreg:$0x3] =	wrdreg s8  }
0xae: {  	[dreg:$0x4] =	wrdreg $0xC0  }
0xaf: {  	_ =	task [dreg:s11], $0x5FFFF  }
0xb0: {  	[dreg:$0x1] =	wrdreg $0xFFFFFFFF  }
0xb1: {  	[dreg:$0x0] =	wrdreg $0x60  }
0xb2: {  	[dreg:$0x2] =	wrdreg s2  }
0xb3: {  	[dreg:$0x3] =	wrdreg s19  }
0xb4: {  	[dreg:$0x4] =	wrdreg s4  }
0xb5: {  	[dreg:$0x5] =	wrdreg s5  }
0xb6: {  	[dreg:$0x6] =	wrdreg s6  }
0xb7: {  	[dreg:$0x7] =	wrdreg $0x9  }
0xb8: {  	_ =	task.clear_ibuf [dreg:s11], $0x8FFFF;
	_ =	strace $0x90000046  }
0xb9: {  	s29 =	simm.s32 $0x9;
	_ =	strace $0x80000048  }
0xba: {  	_ =	swait.ge [sflag:s29], $0x1  }
0xbb: {  	[sflag:s29] =	ssyncadd.s32 $0xFFFFFFFF  }
0xbc: {  	_ =	strace $0x90000048  }
0xbd: {  	_ =	sfence  }
0xbe: {  	s30 =	sld [smem:$0x0];
	_ =	sdelay $0x2  }
0xbf: {  	s31 =	sshll.u32 s1, $0xD;
	s1 =	sshrl.u32 s1, $0x2  }
0xc0: {  	s3 =	sand.u32 $0x4000, s31;
	s1 =	sadd.s32 s1, s30  }
0xc1: {  	s0 =	sor.u32 s3, s0;
	s1 =	sshll.u32 s1, $0x11  }
0xc2: {  	s0 =	sor.u32 s1, s0  }
0xc3: {  	s0 =	sadd.s32 $0x8F2B, s0  }
0xc4: {  	[sflag:s0] =	ssyncadd.remote.s32 $0x1  }
0xc5: {  	_ =	sfence.sel $0xFFFF  }
0xc6: {  	[dreg:$0x0] =	wrdreg $0xFFFFFFFF;
	(pc) =	sbr.abs _section_cstart, $3  }
0xc7: {  	[dreg:$0x1] =	wrdreg $0xFFFFFFFF  }
0xc8: {  	_ =	task.clear_ibuf [dreg:s11], $0x2FFFF;
	_ =	strace $0x9FFFFFFF  }
0xc9: {  	(tm) =	ssettm $0x7FFFFFFF  }
tec
execute0_lowered:
.L_overlay_start_1:
0x0: {  	(tag) =	ssettag $0x1  }
0x1: {  	v0 =	vlaneseq.u32;
	v1 =	vimm.s32 $0x1380  }
0x2: {  	vm14 =	vcmask $0x300;
	vm13 =	vcmask $0x704;
	vm12 =	vcmask $0xB08  }
0x3: {  	vm11 =	vcmask $0xF0C;
	vm10 =	vcmask $0x1310;
	v3 =	vimm.s32 $0x3380  }
0x4: {  	vm9 =	vcmask $0x1714;
	vm8 =	vcmask $0x1B18;
	vm7 =	vcmask $0x1F1C  }
0x5: {  	vm6 =	vcmask $0x2320;
	vm5 =	vcmask $0x2724;
	vm4 =	vcmask $0x2B28  }
0x6: {  	v4 =	vimm.s32 $0x1FF8;
	vm0 =	vcmask $0x2F2C;
	vm1 =	vcmask $0x3330  }
0x7: {  	vm2 =	vcmask $0x3734;
	vm3 =	vcmask $0x3B38;
	v19 =	vimm.s32 $0x3FF8  }
0x8: {  	v20 =	vimm.s32 $0x1FF9;
	v21 =	vimm.s32 $0x3FF9;
	v22 =	vimm.s32 $0x1FFA  }
0x9: {  	v23 =	vimm.s32 $0x3FFA;
	v24 =	vimm.s32 $0x1FFB;
	v25 =	vimm.s32 $0x3FFB  }
0xa: {  	v26 =	vimm.s32 $0x1FFC;
	v27 =	vimm.s32 $0x3FFC;
	v28 =	vimm.s32 $0x1FFD  }
0xb: {  	v29 =	vimm.s32 $0x3FFD;
	v30 =	vimm.s32 $0x1FFE;
	v31 =	vimm.s32 $0x3FFE  }
0xc: {  	v32 =	vimm.s32 $0x1FFF;
	v33 =	vimm.s32 $0x3FFF;
	v0 =	vmul.u32 $0x80, v0  }
0xd: {  	v1 =	vsel vm14, $0x0, v1;
	v3 =	vsel vm14, $0x2000, v3;
	v4 =	vsel vm14, $0xC78, v4  }
0xe: {  	v19 =	vsel vm14, $0x2C78, v19;
	v20 =	vsel vm14, $0xC79, v20;
	v21 =	vsel vm14, $0x2C79, v21  }
0xf: {  	v22 =	vsel vm14, $0xC7A, v22;
	v23 =	vsel vm14, $0x2C7A, v23;
	v24 =	vsel vm14, $0xC7B, v24  }
0x10: {  	v25 =	vsel vm14, $0x2C7B, v25;
	v26 =	vsel vm14, $0xC7C, v26;
	v27 =	vsel vm14, $0x2C7C, v27  }
0x11: {  	v28 =	vsel vm14, $0xC7D, v28;
	v29 =	vsel vm14, $0x2C7D, v29;
	v30 =	vsel vm14, $0xC7E, v30  }
0x12: {  	v31 =	vsel vm14, $0x2C7E, v31;
	v32 =	vsel vm14, $0xC7F, v32;
	v33 =	vsel vm14, $0x2C7F, v33  }
0x13: {  	v2 =	vsel vm13, $0x80, v1;
	v3 =	vsel vm13, $0x2080, v3;
	v4 =	vsel vm13, $0xCF8, v4  }
0x14: {  	v19 =	vsel vm13, $0x2CF8, v19;
	v20 =	vsel vm13, $0xCF9, v20;
	v21 =	vsel vm13, $0x2CF9, v21  }
0x15: {  	v22 =	vsel vm13, $0xCFA, v22;
	v23 =	vsel vm13, $0x2CFA, v23;
	v24 =	vsel vm13, $0xCFB, v24  }
0x16: {  	v25 =	vsel vm13, $0x2CFB, v25;
	v26 =	vsel vm13, $0xCFC, v26;
	v27 =	vsel vm13, $0x2CFC, v27  }
0x17: {  	v28 =	vsel vm13, $0xCFD, v28;
	v29 =	vsel vm13, $0x2CFD, v29;
	v30 =	vsel vm13, $0xCFE, v30  }
0x18: {  	v31 =	vsel vm13, $0x2CFE, v31;
	v32 =	vsel vm13, $0xCFF, v32;
	v33 =	vsel vm13, $0x2CFF, v33  }
0x19: {  	v1 =	vor.u32 $0x800, v0;
	v2 =	vsel vm12, $0x100, v2;
	v3 =	vsel vm12, $0x2100, v3  }
0x1a: {  	v4 =	vsel vm12, $0xD78, v4;
	v5 =	vor.u32 $0x1800, v0;
	v7 =	vor.u32 $0x2800, v0  }
0x1b: {  	v9 =	vor.u32 $0x3800, v0;
	v11 =	vor.u32 $0x4800, v0;
	v13 =	vor.u32 $0x5800, v0  }
0x1c: {  	v15 =	vor.u32 $0x6800, v0;
	v17 =	vor.u32 $0x7800, v0;
	v19 =	vsel vm12, $0x2D78, v19  }
0x1d: {  	v20 =	vsel vm12, $0xD79, v20;
	v21 =	vsel vm12, $0x2D79, v21;
	v22 =	vsel vm12, $0xD7A, v22  }
0x1e: {  	v23 =	vsel vm12, $0x2D7A, v23;
	v24 =	vsel vm12, $0xD7B, v24;
	v25 =	vsel vm12, $0x2D7B, v25  }
0x1f: {  	v26 =	vsel vm12, $0xD7C, v26;
	v27 =	vsel vm12, $0x2D7C, v27;
	v28 =	vsel vm12, $0xD7D, v28  }
0x20: {  	v29 =	vsel vm12, $0x2D7D, v29;
	v30 =	vsel vm12, $0xD7E, v30;
	v31 =	vsel vm12, $0x2D7E, v31  }
0x21: {  	v32 =	vsel vm12, $0xD7F, v32;
	v33 =	vsel vm12, $0x2D7F, v33;
	v2 =	vsel vm11, $0x180, v2  }
0x22: {  	v3 =	vsel vm11, $0x2180, v3;
	v4 =	vsel vm11, $0xDF8, v4;
	v19 =	vsel vm11, $0x2DF8, v19  }
0x23: {  	v20 =	vsel vm11, $0xDF9, v20;
	v21 =	vsel vm11, $0x2DF9, v21;
	v22 =	vsel vm11, $0xDFA, v22  }
0x24: {  	v23 =	vsel vm11, $0x2DFA, v23;
	v24 =	vsel vm11, $0xDFB, v24;
	v25 =	vsel vm11, $0x2DFB, v25  }
0x25: {  	v26 =	vsel vm11, $0xDFC, v26;
	v27 =	vsel vm11, $0x2DFC, v27;
	v28 =	vsel vm11, $0xDFD, v28  }
0x26: {  	v29 =	vsel vm11, $0x2DFD, v29;
	v30 =	vsel vm11, $0xDFE, v30;
	v31 =	vsel vm11, $0x2DFE, v31  }
0x27: {  	v32 =	vsel vm11, $0xDFF, v32;
	v33 =	vsel vm11, $0x2DFF, v33;
	v2 =	vsel vm10, $0x200, v2  }
0x28: {  	v3 =	vsel vm10, $0x2200, v3;
	v4 =	vsel vm10, $0xE78, v4;
	v19 =	vsel vm10, $0x2E78, v19  }
0x29: {  	v20 =	vsel vm10, $0xE79, v20;
	v21 =	vsel vm10, $0x2E79, v21;
	v22 =	vsel vm10, $0xE7A, v22  }
0x2a: {  	v23 =	vsel vm10, $0x2E7A, v23;
	v24 =	vsel vm10, $0xE7B, v24;
	v25 =	vsel vm10, $0x2E7B, v25  }
0x2b: {  	v26 =	vsel vm10, $0xE7C, v26;
	v27 =	vsel vm10, $0x2E7C, v27;
	v28 =	vsel vm10, $0xE7D, v28  }
0x2c: {  	v29 =	vsel vm10, $0x2E7D, v29;
	v30 =	vsel vm10, $0xE7E, v30;
	v31 =	vsel vm10, $0x2E7E, v31  }
0x2d: {  	v32 =	vsel vm10, $0xE7F, v32;
	v33 =	vsel vm10, $0x2E7F, v33;
	v2 =	vsel vm9, $0x280, v2  }
0x2e: {  	v3 =	vsel vm9, $0x2280, v3;
	v4 =	vsel vm9, $0xEF8, v4;
	v19 =	vsel vm9, $0x2EF8, v19  }
0x2f: {  	v20 =	vsel vm9, $0xEF9, v20;
	v21 =	vsel vm9, $0x2EF9, v21;
	v22 =	vsel vm9, $0xEFA, v22  }
0x30: {  	v23 =	vsel vm9, $0x2EFA, v23;
	v24 =	vsel vm9, $0xEFB, v24;
	v25 =	vsel vm9, $0x2EFB, v25  }
0x31: {  	v26 =	vsel vm9, $0xEFC, v26;
	v27 =	vsel vm9, $0x2EFC, v27;
	v28 =	vsel vm9, $0xEFD, v28  }
0x32: {  	v29 =	vsel vm9, $0x2EFD, v29;
	v30 =	vsel vm9, $0xEFE, v30;
	v31 =	vsel vm9, $0x2EFE, v31  }
0x33: {  	v32 =	vsel vm9, $0xEFF, v32;
	v33 =	vsel vm9, $0x2EFF, v33;
	v2 =	vsel vm8, $0x300, v2  }
0x34: {  	v3 =	vsel vm8, $0x2300, v3;
	v4 =	vsel vm8, $0xF78, v4;
	v19 =	vsel vm8, $0x2F78, v19  }
0x35: {  	v20 =	vsel vm8, $0xF79, v20;
	v21 =	vsel vm8, $0x2F79, v21;
	v22 =	vsel vm8, $0xF7A, v22  }
0x36: {  	v23 =	vsel vm8, $0x2F7A, v23;
	v24 =	vsel vm8, $0xF7B, v24;
	v25 =	vsel vm8, $0x2F7B, v25  }
0x37: {  	v26 =	vsel vm8, $0xF7C, v26;
	v27 =	vsel vm8, $0x2F7C, v27;
	v28 =	vsel vm8, $0xF7D, v28  }
0x38: {  	v29 =	vsel vm8, $0x2F7D, v29;
	v30 =	vsel vm8, $0xF7E, v30;
	v31 =	vsel vm8, $0x2F7E, v31  }
0x39: {  	v32 =	vsel vm8, $0xF7F, v32;
	v33 =	vsel vm8, $0x2F7F, v33;
	v2 =	vsel vm7, $0x380, v2  }
0x3a: {  	v3 =	vsel vm7, $0x2380, v3;
	v6 =	vsel vm7, $0xFF8, v4;
	v4 =	vor.u32 $0x1000, v0  }
0x3b: {  	v19 =	vsel vm7, $0x2FF8, v19;
	v20 =	vsel vm7, $0xFF9, v20;
	v21 =	vsel vm7, $0x2FF9, v21  }
0x3c: {  	v22 =	vsel vm7, $0xFFA, v22;
	v23 =	vsel vm7, $0x2FFA, v23;
	v24 =	vsel vm7, $0xFFB, v24  }
0x3d: {  	v25 =	vsel vm7, $0x2FFB, v25;
	v26 =	vsel vm7, $0xFFC, v26;
	v27 =	vsel vm7, $0x2FFC, v27  }
0x3e: {  	v28 =	vsel vm7, $0xFFD, v28;
	v29 =	vsel vm7, $0x2FFD, v29;
	v30 =	vsel vm7, $0xFFE, v30  }
0x3f: {  	v31 =	vsel vm7, $0x2FFE, v31;
	v32 =	vsel vm7, $0xFFF, v32;
	v33 =	vsel vm7, $0x2FFF, v33  }
0x40: {  	v2 =	vsel vm6, $0x1000, v2;
	v3 =	vsel vm6, $0x3000, v3;
	v8 =	vsel vm6, $0x1C78, v6  }
0x41: {  	v6 =	vor.u32 $0x2000, v0;
	v19 =	vsel vm6, $0x3C78, v19;
	v20 =	vsel vm6, $0x1C79, v20  }
0x42: {  	v21 =	vsel vm6, $0x3C79, v21;
	v22 =	vsel vm6, $0x1C7A, v22;
	v23 =	vsel vm6, $0x3C7A, v23  }
0x43: {  	v24 =	vsel vm6, $0x1C7B, v24;
	v25 =	vsel vm6, $0x3C7B, v25;
	v26 =	vsel vm6, $0x1C7C, v26  }
0x44: {  	v27 =	vsel vm6, $0x3C7C, v27;
	v28 =	vsel vm6, $0x1C7D, v28;
	v29 =	vsel vm6, $0x3C7D, v29  }
0x45: {  	v30 =	vsel vm6, $0x1C7E, v30;
	v31 =	vsel vm6, $0x3C7E, v31;
	v32 =	vsel vm6, $0x1C7F, v32  }
0x46: {  	v33 =	vsel vm6, $0x3C7F, v33;
	v2 =	vsel vm5, $0x1080, v2;
	v3 =	vsel vm5, $0x3080, v3  }
0x47: {  	v10 =	vsel vm5, $0x1CF8, v8;
	v8 =	vor.u32 $0x3000, v0;
	v19 =	vsel vm5, $0x3CF8, v19  }
0x48: {  	v20 =	vsel vm5, $0x1CF9, v20;
	v21 =	vsel vm5, $0x3CF9, v21;
	v22 =	vsel vm5, $0x1CFA, v22  }
0x49: {  	v23 =	vsel vm5, $0x3CFA, v23;
	v24 =	vsel vm5, $0x1CFB, v24;
	v25 =	vsel vm5, $0x3CFB, v25  }
0x4a: {  	v26 =	vsel vm5, $0x1CFC, v26;
	v27 =	vsel vm5, $0x3CFC, v27;
	v28 =	vsel vm5, $0x1CFD, v28  }
0x4b: {  	v29 =	vsel vm5, $0x3CFD, v29;
	v30 =	vsel vm5, $0x1CFE, v30;
	v31 =	vsel vm5, $0x3CFE, v31  }
0x4c: {  	v32 =	vsel vm5, $0x1CFF, v32;
	v33 =	vsel vm5, $0x3CFF, v33;
	v2 =	vsel vm4, $0x1100, v2  }
0x4d: {  	v3 =	vsel vm4, $0x3100, v3;
	v12 =	vsel vm4, $0x1D78, v10;
	v10 =	vor.u32 $0x4000, v0  }
0x4e: {  	v19 =	vsel vm4, $0x3D78, v19;
	v20 =	vsel vm4, $0x1D79, v20;
	v21 =	vsel vm4, $0x3D79, v21  }
0x4f: {  	v22 =	vsel vm4, $0x1D7A, v22;
	v23 =	vsel vm4, $0x3D7A, v23;
	v24 =	vsel vm4, $0x1D7B, v24  }
0x50: {  	v25 =	vsel vm4, $0x3D7B, v25;
	v26 =	vsel vm4, $0x1D7C, v26;
	v27 =	vsel vm4, $0x3D7C, v27  }
0x51: {  	v28 =	vsel vm4, $0x1D7D, v28;
	v29 =	vsel vm4, $0x3D7D, v29;
	v30 =	vsel vm4, $0x1D7E, v30  }
0x52: {  	v31 =	vsel vm4, $0x3D7E, v31;
	v32 =	vsel vm4, $0x1D7F, v32;
	v33 =	vsel vm4, $0x3D7F, v33  }
0x53: {  	v2 =	vsel vm0, $0x1180, v2;
	v3 =	vsel vm0, $0x3180, v3;
	v14 =	vsel vm0, $0x1DF8, v12  }
0x54: {  	v12 =	vor.u32 $0x5000, v0;
	v19 =	vsel vm0, $0x3DF8, v19;
	v20 =	vsel vm0, $0x1DF9, v20  }
0x55: {  	v21 =	vsel vm0, $0x3DF9, v21;
	v22 =	vsel vm0, $0x1DFA, v22;
	v23 =	vsel vm0, $0x3DFA, v23  }
0x56: {  	s2 =	rddreg [dreg:$0x0];
	v24 =	vsel vm0, $0x1DFB, v24;
	v25 =	vsel vm0, $0x3DFB, v25;
	v26 =	vsel vm0, $0x1DFC, v26  }
0x57: {  	s3 =	rddreg [dreg:$0x1];
	v27 =	vsel vm0, $0x3DFC, v27;
	v28 =	vsel vm0, $0x1DFD, v28;
	v29 =	vsel vm0, $0x3DFD, v29  }
0x58: {  	s0 =	rddreg [dreg:$0x2];
	v30 =	vsel vm0, $0x1DFE, v30;
	v31 =	vsel vm0, $0x3DFE, v31;
	v32 =	vsel vm0, $0x1DFF, v32  }
0x59: {  	s1 =	rddreg [dreg:$0x3];
	v33 =	vsel vm0, $0x3DFF, v33;
	v2 =	vsel vm1, $0x1200, v2;
	v3 =	vsel vm1, $0x3200, v3  }
0x5a: {  	s4 =	rddreg [dreg:$0x4];
	v16 =	vsel vm1, $0x1E78, v14;
	v14 =	vor.u32 $0x6000, v0;
	v19 =	vsel vm1, $0x3E78, v19  }
0x5b: {  	s5 =	srdreg.scid;
	s6 =	stileid.u32;
	s13 =	simm.s32 $0x7A1400;
	v20 =	vsel vm1, $0x1E79, v20;
	v21 =	vsel vm1, $0x3E79, v21;
	v22 =	vsel vm1, $0x1E7A, v22  }
0x5c: {  	s22 =	simm.s32 $0x0;
	s14 =	simm.s32 $0x400;
	s15 =	simm.s32 $0x8400;
	v23 =	vsel vm1, $0x3E7A, v23;
	v24 =	vsel vm1, $0x1E7B, v24;
	v25 =	vsel vm1, $0x3E7B, v25  }
0x5d: {  	s28 =	simm.s32 $0x1400;
	s29 =	simm.s32 $0x2400;
	s30 =	simm.s32 $0x3400;
	v26 =	vsel vm1, $0x1E7C, v26;
	v27 =	vsel vm1, $0x3E7C, v27;
	v28 =	vsel vm1, $0x1E7D, v28  }
0x5e: {  	s31 =	simm.s32 $0x4400;
	s10 =	simm.s32 $0x4;
	s12 =	simm.s32 $0xC;
	v29 =	vsel vm1, $0x3E7D, v29;
	v30 =	vsel vm1, $0x1E7E, v30;
	v31 =	vsel vm1, $0x3E7E, v31  }
0x5f: {  	s11 =	simm.s32 $0x6;
	s16 =	simm.s32 $0xE;
	s17 =	simm.s32 $0x7;
	v32 =	vsel vm1, $0x1E7F, v32;
	v33 =	vsel vm1, $0x3E7F, v33;
	v2 =	vsel vm2, $0x1280, v2  }
0x60: {  	s18 =	simm.s32 $0xF;
	s19 =	simm.s32 $0x8;
	s9 =	simm.s32 $0xF400;
	v3 =	vsel vm2, $0x3280, v3;
	v18 =	vsel vm2, $0x1EF8, v16;
	v16 =	vor.u32 $0x7000, v0  }
0x61: {  	s5 =	sand.u32 $0x1, s5;
	s6 =	sshll.u32 s6, $0x1;
	[smem:$0x7FF] =	sst s22;
	v19 =	vsel vm2, $0x3EF8, v19;
	v20 =	vsel vm2, $0x1EF9, v20;
	v21 =	vsel vm2, $0x3EF9, v21  }
0x62: {  	s7 =	ssub.s32 $0x2, s5;
	s5 =	sor.u32 s5, s6;
	_ =	strace $0x80000047;
	v22 =	vsel vm2, $0x1EFA, v22;
	v23 =	vsel vm2, $0x3EFA, v23;
	v24 =	vsel vm2, $0x1EFB, v24  }
0x63: {  	s20 =	sshrl.u32 s7, $0x1;
	s8 =	sshll.u32 s5, $0x9;
	s5 =	sshll.u32 s5, $0x6;
	v25 =	vsel vm2, $0x3EFB, v25;
	v26 =	vsel vm2, $0x1EFC, v26;
	v27 =	vsel vm2, $0x3EFC, v27  }
0x64: {  	s6 =	ssub.s32 s7, s20;
	s4 =	sadd.s32 s4, s8;
	s2 =	sadd.s32 s2, s5;
	v28 =	vsel vm2, $0x1EFD, v28;
	v29 =	vsel vm2, $0x3EFD, v29;
	v30 =	vsel vm2, $0x1EFE, v30  }
0x65: {  	s21 =	sadd.s32 s3, s5;
	s3 =	simm.s32 $0x10400;
	[dreg:$0x7] =	wrdreg s2;
	v31 =	vsel vm2, $0x3EFE, v31;
	v32 =	vsel vm2, $0x1EFF, v32;
	v33 =	vsel vm2, $0x3EFF, v33  }
0x66: {  	s5 =	simm.s32 $0x5;
	s20 =	simm.s32 $0x10;
	[dreg:$0x8] =	wrdreg s21;
	v2 =	vsel vm3, $0x1300, v2;
	v3 =	vsel vm3, $0x3300, v3;
	v18 =	vsel vm3, $0x1F78, v18  }
0x67: {  	s7 =	simm.s32 $0x0;
	s23 =	sadd.s32 $0x4000, s4;
	[dreg:$0x6] =	wrdreg s4;
	v19 =	vsel vm3, $0x3F78, v19;
	v20 =	vsel vm3, $0x1F79, v20;
	v21 =	vsel vm3, $0x3F79, v21  }
0x68: {  	s8 =	simm.s32 $0x7400;
	s24 =	sadd.s32 $0x8000, s4;
	[dreg:$0x9] =	wrdreg s23;
	v22 =	vsel vm3, $0x1F7A, v22;
	v23 =	vsel vm3, $0x3F7A, v23;
	v24 =	vsel vm3, $0x1F7B, v24  }
0x69: {  	s25 =	sadd.s32 $0xC000, s4;
	s26 =	smax.u32 s6, $0x1;
	[dreg:$0xa] =	wrdreg s24;
	v25 =	vsel vm3, $0x3F7B, v25;
	v26 =	vsel vm3, $0x1F7C, v26;
	v27 =	vsel vm3, $0x3F7C, v27  }
0x6a: {  	s2 =	simm.s32 $0x5400;
	s6 =	simm.s32 $0x6400;
	[dreg:$0xb] =	wrdreg s25;
	v28 =	vsel vm3, $0x1F7D, v28;
	v29 =	vsel vm3, $0x3F7D, v29;
	v30 =	vsel vm3, $0x1F7E, v30  }
0x6b: {  	s4 =	simm.s32 $0xD;
	s24 =	simm.s32 $0x11;
	[dreg:$0xc] =	wrdreg s26;
	v31 =	vsel vm3, $0x3F7E, v31;
	v32 =	vsel vm3, $0x1F7F, v32;
	v33 =	vsel vm3, $0x3F7F, v33  }
.LBB2_1:
0x6c: {  	[dreg:$0xd] =	wrdreg s7  }
0x6d: {  	s21 =	rddreg [dreg:$0x7]  }
0x6e: {  	[tilespmem:s22], [sflag:$0x11] =	stream.linear.gather [hbm4b:s21+s22], $0x200, $0x38;
	[tilespmem:$0x14400] =	vst v63  }
0x6f: {  	_ =	swait.ge [sflag:s24], $0x200  }
0x70: {  	[sflag:s24] =	ssyncset.done $0x0  }
0x71: {  	s21 =	simm.s32 $0x200;
	s23 =	rddreg [dreg:$0x8];
	[sflag:s24] =	ssyncadd.s32 $0xFFFFFE00  }
0x72: {  	[tilespmem:s21], [sflag:$0x11] =	stream.linear.gather [hbm4b:s23+s22], $0x200, $0x38;
	[tilespmem:$0x14400] =	vst v63  }
0x73: {  	_ =	swait.ge [sflag:s24], $0x200  }
0x74: {  	s22 =	simm.s32 $0xFFFFFFF8;
	[sflag:s24] =	ssyncset.done $0x0  }
0x75: {  	v34 =	vimm.s32 $0x0;
	v35 =	vimm.s32 $0x0;
	s23 =	simm.s32 $0x0;
	[sflag:s24] =	ssyncadd.s32 $0xFFFFFE00;
	s24 =	simm.s32 $0x0  }
.LBB2_2:
0x76: {  	p0 =	seq.s32 s22, $0xFFFFFFF8;
	v36 =	vld [tilespmem:s21+$0x0]  }
0x77: {  	v37 =	vld [tilespmem:s23+$0x0];
	s7 =	simm.s32 @!p0 $0x1  }
0x78: {  	_ =	swait.ge @!p0 [sflag:s7], $0x1000  }
0x79: {  	[sflag:s7] =	ssyncset.done @!p0 $0x0  }
0x7a: {  	[sflag:s7] =	ssyncadd.s32 @!p0 $0xFFFFF000;
	s7 =	simm.s32 @!p0 $0x9  }
0x7b: {  	_ =	swait.ge @!p0 [sflag:s7], $0x1000;
	v49 =	vand.u32 $0xFFFFFF80, v36  }
0x7c: {  	v38 =	vbroadcast @!p0 v35, $0x8;
	v50 =	vand.u32 $0xFFFFFF80, v37;
	(v2sf) =	vpush v49, $0x0  }
0x7d: {  	(v2sf) =	vpush v50, $0x0  }
0x7e: {  	v39 =	vbroadcast @!p0 v34, $0x8;
	v40 =	vor.u32 @!p0 v0, v38  }
0x7f: {  	v38 =	vor.u32 @!p0 v1, v38  }
0x80: {  	v41 =	vor.u32 @!p0 v0, v39  }
0x81: {  	s25 =	sshll.u32 @!p0 s22, $0x3;
	v39 =	vor.u32 @!p0 v1, v39;
	[sflag:s7] =	ssyncset.done @!p0 $0x0  }
0x82: {  	s25 =	sand.u32 @!p0 $0xFFFFFC00, s25;
	[sflag:s7] =	ssyncadd.s32 @!p0 $0xFFFFF000  }
0x83: {  	s26 =	sand.u32 @!p0 $0x78, s22;
	v42 =	vmov @!p0 s25;
	v40 =	vld.idx.msk @!p0 [tilespmem:v40+s14+$0x0], $0xffff  }
0x84: {  	v42 =	vor.u32 @!p0 s26, v42;
	v38 =	vld.idx.msk @!p0 [tilespmem:v38+s14+$0x0], $0xffff  }
0x85: {  	v42 =	vbroadcast @!p0 v42, $0x0;
	v41 =	vld.idx.msk @!p0 [tilespmem:v41+s15+$0x0], $0xffff  }
0x86: {  	v39 =	vld.idx.msk @!p0 [tilespmem:v39+s15+$0x0], $0xffff  }
0x87: {  	v43 =	vadd.s32 @!p0 v2, v42  }
0x88: {  	v42 =	vadd.s32 @!p0 v3, v42;
	_ =	sdelay $0x1  }
0x89: {  	v40 =	vmul.f32 @!p0 v41, v40  }
0x8a: {  	v38 =	vmul.f32 @!p0 v39, v38;
	s25 =	spop (v2sf)  }
0x8b: {  	[tilespmem:v43+s3+$0x0] =	vst.idx.msk @!p0 $0xffff, v40;
	s7 =	spop (v2sf)  }
0x8c: {  	[tilespmem:v42+s3+$0x0] =	vst.idx.msk @!p0 $0xffff, v38;
	s26 =	sadd.s32 s0, s7  }
0x8d: {  	[tilespmem:s14], [sflag:$0x1] =	stream.strided.gather [hbm4b:s26+s14], $0x1000, s13, s14, $0x38;
	[tilespmem:$0x14400] =	vst v63  }
0x8e: {  	s25 =	sadd.s32 s1, s25;
	s7 =	simm.s32 @!p0 $0x2  }
0x8f: {  	[tilespmem:s15], [sflag:$0x9] =	stream.strided.gather [hbm4b:s25+s14], $0x1000, s13, s14, $0x38;
	[tilespmem:$0x14400] =	vst v63  }
0x90: {  	_ =	swait.ge @!p0 [sflag:s7], $0x1000  }
0x91: {  	[sflag:s7] =	ssyncset.done @!p0 $0x0  }
0x92: {  	[sflag:s7] =	ssyncadd.s32 @!p0 $0xFFFFF000;
	s7 =	simm.s32 @!p0 $0xA  }
0x93: {  	_ =	swait.ge @!p0 [sflag:s7], $0x1000  }
0x94: {  	v40 =	vbroadcast @!p0 v35, $0x9;
	(v2sf) =	vpush v49, $0x1  }
0x95: {  	(v2sf) =	vpush v50, $0x1  }
0x96: {  	v41 =	vbroadcast @!p0 v34, $0x9;
	v42 =	vor.u32 @!p0 v4, v40  }
0x97: {  	v40 =	vor.u32 @!p0 v5, v40  }
0x98: {  	v43 =	vor.u32 @!p0 v4, v41;
	s25 =	sadd.s32 @!p0 $0x1, s22  }
0x99: {  	v41 =	vor.u32 @!p0 v5, v41;
	s26 =	sshll.u32 @!p0 s25, $0x3;
	[sflag:s7] =	ssyncset.done @!p0 $0x0  }
0x9a: {  	s26 =	sand.u32 @!p0 $0xFFFFFC00, s26;
	[sflag:s7] =	ssyncadd.s32 @!p0 $0xFFFFF000  }
0x9b: {  	s25 =	sand.u32 @!p0 $0x79, s25;
	v44 =	vmov @!p0 s26;
	v42 =	vld.idx.msk @!p0 [tilespmem:v42+s14+$0x0], $0xffff  }
0x9c: {  	v44 =	vor.u32 @!p0 s25, v44;
	v40 =	vld.idx.msk @!p0 [tilespmem:v40+s14+$0x0], $0xffff  }
0x9d: {  	v44 =	vbroadcast @!p0 v44, $0x0;
	v43 =	vld.idx.msk @!p0 [tilespmem:v43+s15+$0x0], $0xffff  }
0x9e: {  	v41 =	vld.idx.msk @!p0 [tilespmem:v41+s15+$0x0], $0xffff  }
0x9f: {  	v45 =	vadd.s32 @!p0 v2, v44  }
0xa0: {  	v44 =	vadd.s32 @!p0 v3, v44;
	_ =	sdelay $0x1  }
0xa1: {  	v42 =	vmul.f32 @!p0 v43, v42  }
0xa2: {  	v40 =	vmul.f32 @!p0 v41, v40;
	s25 =	spop (v2sf)  }
0xa3: {  	[tilespmem:v45+s3+$0x0] =	vst.idx.msk @!p0 $0xffff, v42;
	s7 =	spop (v2sf)  }
0xa4: {  	[tilespmem:v44+s3+$0x0] =	vst.idx.msk @!p0 $0xffff, v40;
	s26 =	sadd.s32 s0, s7  }
0xa5: {  	[tilespmem:s28], [sflag:$0x2] =	stream.strided.gather [hbm4b:s26+s14], $0x1000, s13, s14, $0x38;
	[tilespmem:$0x14400] =	vst v63  }
0xa6: {  	s25 =	sadd.s32 s1, s25;
	s7 =	simm.s32 $0x9400  }
0xa7: {  	[tilespmem:s7], [sflag:$0xA] =	stream.strided.gather [hbm4b:s25+s14], $0x1000, s13, s14, $0x38;
	[tilespmem:$0x14400] =	vst v63  }
0xa8: {  	s7 =	simm.s32 @!p0 $0x3  }
0xa9: {  	_ =	swait.ge @!p0 [sflag:s7], $0x1000  }
0xaa: {  	[sflag:s7] =	ssyncset.done @!p0 $0x0  }
0xab: {  	[sflag:s7] =	ssyncadd.s32 @!p0 $0xFFFFF000;
	s7 =	simm.s32 @!p0 $0xB  }
0xac: {  	_ =	swait.ge @!p0 [sflag:s7], $0x1000  }
0xad: {  	v40 =	vbroadcast @!p0 v35, $0xA;
	(v2sf) =	vpush v49, $0x2  }
0xae: {  	(v2sf) =	vpush v50, $0x2  }
0xaf: {  	v41 =	vbroadcast @!p0 v34, $0xA;
	v42 =	vor.u32 @!p0 v6, v40  }
0xb0: {  	v40 =	vor.u32 @!p0 v7, v40  }
0xb1: {  	v43 =	vor.u32 @!p0 v6, v41;
	s25 =	sadd.s32 @!p0 $0x2, s22  }
0xb2: {  	v41 =	vor.u32 @!p0 v7, v41;
	s26 =	sshll.u32 @!p0 s25, $0x3;
	[sflag:s7] =	ssyncset.done @!p0 $0x0  }
0xb3: {  	s26 =	sand.u32 @!p0 $0xFFFFFC00, s26;
	[sflag:s7] =	ssyncadd.s32 @!p0 $0xFFFFF000  }
0xb4: {  	s25 =	sand.u32 @!p0 $0x7A, s25;
	v44 =	vmov @!p0 s26;
	v42 =	vld.idx.msk @!p0 [tilespmem:v42+s14+$0x0], $0xffff  }
0xb5: {  	v44 =	vor.u32 @!p0 s25, v44;
	v40 =	vld.idx.msk @!p0 [tilespmem:v40+s14+$0x0], $0xffff  }
0xb6: {  	v44 =	vbroadcast @!p0 v44, $0x0;
	v43 =	vld.idx.msk @!p0 [tilespmem:v43+s15+$0x0], $0xffff  }
0xb7: {  	v41 =	vld.idx.msk @!p0 [tilespmem:v41+s15+$0x0], $0xffff  }
0xb8: {  	v45 =	vadd.s32 @!p0 v2, v44  }
0xb9: {  	v44 =	vadd.s32 @!p0 v3, v44;
	_ =	sdelay $0x1  }
0xba: {  	v42 =	vmul.f32 @!p0 v43, v42  }
0xbb: {  	v40 =	vmul.f32 @!p0 v41, v40;
	s25 =	spop (v2sf)  }
0xbc: {  	[tilespmem:v45+s3+$0x0] =	vst.idx.msk @!p0 $0xffff, v42;
	s7 =	spop (v2sf)  }
0xbd: {  	[tilespmem:v44+s3+$0x0] =	vst.idx.msk @!p0 $0xffff, v40;
	s26 =	sadd.s32 s0, s7  }
0xbe: {  	[tilespmem:s29], [sflag:$0x3] =	stream.strided.gather [hbm4b:s26+s14], $0x1000, s13, s14, $0x38;
	[tilespmem:$0x14400] =	vst v63  }
0xbf: {  	s25 =	sadd.s32 s1, s25;
	s7 =	simm.s32 $0xA400  }
0xc0: {  	[tilespmem:s7], [sflag:$0xB] =	stream.strided.gather [hbm4b:s25+s14], $0x1000, s13, s14, $0x38;
	[tilespmem:$0x14400] =	vst v63  }
0xc1: {  	_ =	swait.ge @!p0 [sflag:s10], $0x1000  }
0xc2: {  	[sflag:s10] =	ssyncset.done @!p0 $0x0  }
0xc3: {  	[sflag:s10] =	ssyncadd.s32 @!p0 $0xFFFFF000  }
0xc4: {  	_ =	swait.ge @!p0 [sflag:s12], $0x1000  }
0xc5: {  	v40 =	vbroadcast @!p0 v35, $0xB;
	(v2sf) =	vpush v49, $0x3  }
0xc6: {  	(v2sf) =	vpush v50, $0x3  }
0xc7: {  	v41 =	vbroadcast @!p0 v34, $0xB;
	v42 =	vor.u32 @!p0 v8, v40  }
0xc8: {  	v40 =	vor.u32 @!p0 v9, v40  }
0xc9: {  	v43 =	vor.u32 @!p0 v8, v41;
	s25 =	sadd.s32 @!p0 $0x3, s22  }
0xca: {  	v41 =	vor.u32 @!p0 v9, v41;
	s26 =	sshll.u32 @!p0 s25, $0x3;
	[sflag:s12] =	ssyncset.done @!p0 $0x0  }
0xcb: {  	s26 =	sand.u32 @!p0 $0xFFFFFC00, s26;
	[sflag:s12] =	ssyncadd.s32 @!p0 $0xFFFFF000  }
0xcc: {  	s25 =	sand.u32 @!p0 $0x7B, s25;
	v44 =	vmov @!p0 s26;
	v42 =	vld.idx.msk @!p0 [tilespmem:v42+s14+$0x0], $0xffff  }
0xcd: {  	v44 =	vor.u32 @!p0 s25, v44;
	v40 =	vld.idx.msk @!p0 [tilespmem:v40+s14+$0x0], $0xffff  }
0xce: {  	v44 =	vbroadcast @!p0 v44, $0x0;
	v43 =	vld.idx.msk @!p0 [tilespmem:v43+s15+$0x0], $0xffff  }
0xcf: {  	v41 =	vld.idx.msk @!p0 [tilespmem:v41+s15+$0x0], $0xffff  }
0xd0: {  	v45 =	vadd.s32 @!p0 v2, v44  }
0xd1: {  	v44 =	vadd.s32 @!p0 v3, v44;
	_ =	sdelay $0x1  }
0xd2: {  	v42 =	vmul.f32 @!p0 v43, v42  }
0xd3: {  	v40 =	vmul.f32 @!p0 v41, v40;
	s25 =	spop (v2sf)  }
0xd4: {  	[tilespmem:v45+s3+$0x0] =	vst.idx.msk @!p0 $0xffff, v42;
	s7 =	spop (v2sf)  }
0xd5: {  	[tilespmem:v44+s3+$0x0] =	vst.idx.msk @!p0 $0xffff, v40;
	s26 =	sadd.s32 s0, s7  }
0xd6: {  	[tilespmem:s30], [sflag:$0x4] =	stream.strided.gather [hbm4b:s26+s14], $0x1000, s13, s14, $0x38;
	[tilespmem:$0x14400] =	vst v63  }
0xd7: {  	s25 =	sadd.s32 s1, s25;
	s7 =	simm.s32 $0xB400  }
0xd8: {  	[tilespmem:s7], [sflag:$0xC] =	stream.strided.gather [hbm4b:s25+s14], $0x1000, s13, s14, $0x38;
	[tilespmem:$0x14400] =	vst v63  }
0xd9: {  	_ =	swait.ge @!p0 [sflag:s5], $0x1000  }
0xda: {  	[sflag:s5] =	ssyncset.done @!p0 $0x0  }
0xdb: {  	[sflag:s5] =	ssyncadd.s32 @!p0 $0xFFFFF000  }
0xdc: {  	_ =	swait.ge @!p0 [sflag:s4], $0x1000  }
0xdd: {  	v40 =	vbroadcast @!p0 v35, $0xC;
	(v2sf) =	vpush v49, $0x4  }
0xde: {  	(v2sf) =	vpush v50, $0x4  }
0xdf: {  	v41 =	vbroadcast @!p0 v34, $0xC;
	v42 =	vor.u32 @!p0 v10, v40  }
0xe0: {  	v40 =	vor.u32 @!p0 v11, v40  }
0xe1: {  	v43 =	vor.u32 @!p0 v10, v41;
	s25 =	sadd.s32 @!p0 $0x4, s22  }
0xe2: {  	v41 =	vor.u32 @!p0 v11, v41;
	s26 =	sshll.u32 @!p0 s25, $0x3;
	[sflag:s4] =	ssyncset.done @!p0 $0x0  }
0xe3: {  	s26 =	sand.u32 @!p0 $0xFFFFFC00, s26;
	[sflag:s4] =	ssyncadd.s32 @!p0 $0xFFFFF000  }
0xe4: {  	s25 =	sand.u32 @!p0 $0x7C, s25;
	v44 =	vmov @!p0 s26;
	v42 =	vld.idx.msk @!p0 [tilespmem:v42+s14+$0x0], $0xffff  }
0xe5: {  	v44 =	vor.u32 @!p0 s25, v44;
	v40 =	vld.idx.msk @!p0 [tilespmem:v40+s14+$0x0], $0xffff  }
0xe6: {  	v44 =	vbroadcast @!p0 v44, $0x0;
	v43 =	vld.idx.msk @!p0 [tilespmem:v43+s15+$0x0], $0xffff  }
0xe7: {  	v41 =	vld.idx.msk @!p0 [tilespmem:v41+s15+$0x0], $0xffff  }
0xe8: {  	v45 =	vadd.s32 @!p0 v2, v44  }
0xe9: {  	v44 =	vadd.s32 @!p0 v3, v44;
	_ =	sdelay $0x1  }
0xea: {  	v42 =	vmul.f32 @!p0 v43, v42  }
0xeb: {  	v40 =	vmul.f32 @!p0 v41, v40;
	s25 =	spop (v2sf)  }
0xec: {  	[tilespmem:v45+s3+$0x0] =	vst.idx.msk @!p0 $0xffff, v42;
	s7 =	spop (v2sf)  }
0xed: {  	[tilespmem:v44+s3+$0x0] =	vst.idx.msk @!p0 $0xffff, v40;
	s26 =	sadd.s32 s0, s7  }
0xee: {  	[tilespmem:s31], [sflag:$0x5] =	stream.strided.gather [hbm4b:s26+s14], $0x1000, s13, s14, $0x38;
	[tilespmem:$0x14400] =	vst v63  }
0xef: {  	s25 =	sadd.s32 s1, s25;
	s7 =	simm.s32 $0xC400  }
0xf0: {  	[tilespmem:s7], [sflag:$0xD] =	stream.strided.gather [hbm4b:s25+s14], $0x1000, s13, s14, $0x38;
	[tilespmem:$0x14400] =	vst v63  }
0xf1: {  	_ =	swait.ge @!p0 [sflag:s11], $0x1000  }
0xf2: {  	[sflag:s11] =	ssyncset.done @!p0 $0x0  }
0xf3: {  	[sflag:s11] =	ssyncadd.s32 @!p0 $0xFFFFF000  }
0xf4: {  	_ =	swait.ge @!p0 [sflag:s16], $0x1000  }
0xf5: {  	v40 =	vbroadcast @!p0 v35, $0xD;
	(v2sf) =	vpush v49, $0x5  }
0xf6: {  	(v2sf) =	vpush v50, $0x5  }
0xf7: {  	v41 =	vbroadcast @!p0 v34, $0xD;
	v42 =	vor.u32 @!p0 v12, v40  }
0xf8: {  	v40 =	vor.u32 @!p0 v13, v40  }
0xf9: {  	v43 =	vor.u32 @!p0 v12, v41;
	s25 =	sadd.s32 @!p0 $0x5, s22  }
0xfa: {  	v41 =	vor.u32 @!p0 v13, v41;
	s26 =	sshll.u32 @!p0 s25, $0x3;
	[sflag:s16] =	ssyncset.done @!p0 $0x0  }
0xfb: {  	s26 =	sand.u32 @!p0 $0xFFFFFC00, s26;
	[sflag:s16] =	ssyncadd.s32 @!p0 $0xFFFFF000  }
0xfc: {  	s25 =	sand.u32 @!p0 $0x7D, s25;
	v44 =	vmov @!p0 s26;
	v42 =	vld.idx.msk @!p0 [tilespmem:v42+s14+$0x0], $0xffff  }
0xfd: {  	v44 =	vor.u32 @!p0 s25, v44;
	v40 =	vld.idx.msk @!p0 [tilespmem:v40+s14+$0x0], $0xffff  }
0xfe: {  	v44 =	vbroadcast @!p0 v44, $0x0;
	v43 =	vld.idx.msk @!p0 [tilespmem:v43+s15+$0x0], $0xffff  }
0xff: {  	v41 =	vld.idx.msk @!p0 [tilespmem:v41+s15+$0x0], $0xffff  }
0x100: {  	v45 =	vadd.s32 @!p0 v2, v44  }
0x101: {  	v44 =	vadd.s32 @!p0 v3, v44;
	_ =	sdelay $0x1  }
0x102: {  	v42 =	vmul.f32 @!p0 v43, v42  }
0x103: {  	v40 =	vmul.f32 @!p0 v41, v40;
	s25 =	spop (v2sf)  }
0x104: {  	[tilespmem:v45+s3+$0x0] =	vst.idx.msk @!p0 $0xffff, v42;
	s7 =	spop (v2sf)  }
0x105: {  	[tilespmem:v44+s3+$0x0] =	vst.idx.msk @!p0 $0xffff, v40;
	s26 =	sadd.s32 s0, s7  }
0x106: {  	[tilespmem:s2], [sflag:$0x6] =	stream.strided.gather [hbm4b:s26+s14], $0x1000, s13, s14, $0x38;
	[tilespmem:$0x14400] =	vst v63  }
0x107: {  	s25 =	sadd.s32 s1, s25;
	s26 =	simm.s32 $0xD400  }
0x108: {  	[tilespmem:s26], [sflag:$0xE] =	stream.strided.gather [hbm4b:s25+s14], $0x1000, s13, s14, $0x38;
	[tilespmem:$0x14400] =	vst v63  }
0x109: {  	_ =	swait.ge @!p0 [sflag:s17], $0x1000  }
0x10a: {  	[sflag:s17] =	ssyncset.done @!p0 $0x0  }
0x10b: {  	[sflag:s17] =	ssyncadd.s32 @!p0 $0xFFFFF000  }
0x10c: {  	_ =	swait.ge @!p0 [sflag:s18], $0x1000  }
0x10d: {  	v40 =	vbroadcast @!p0 v35, $0xE;
	(v2sf) =	vpush v49, $0x6  }
0x10e: {  	(v2sf) =	vpush v50, $0x6  }
0x10f: {  	v41 =	vbroadcast @!p0 v34, $0xE;
	v42 =	vor.u32 @!p0 v14, v40  }
0x110: {  	v40 =	vor.u32 @!p0 v15, v40  }
0x111: {  	v43 =	vor.u32 @!p0 v14, v41;
	s25 =	sadd.s32 @!p0 $0x6, s22  }
0x112: {  	v41 =	vor.u32 @!p0 v15, v41;
	s26 =	sshll.u32 @!p0 s25, $0x3;
	[sflag:s18] =	ssyncset.done @!p0 $0x0  }
0x113: {  	s26 =	sand.u32 @!p0 $0xFFFFFC00, s26;
	[sflag:s18] =	ssyncadd.s32 @!p0 $0xFFFFF000  }
0x114: {  	s25 =	sand.u32 @!p0 $0x7E, s25;
	v44 =	vmov @!p0 s26;
	v42 =	vld.idx.msk @!p0 [tilespmem:v42+s14+$0x0], $0xffff  }
0x115: {  	v44 =	vor.u32 @!p0 s25, v44;
	v40 =	vld.idx.msk @!p0 [tilespmem:v40+s14+$0x0], $0xffff  }
0x116: {  	v44 =	vbroadcast @!p0 v44, $0x0;
	v43 =	vld.idx.msk @!p0 [tilespmem:v43+s15+$0x0], $0xffff  }
0x117: {  	v41 =	vld.idx.msk @!p0 [tilespmem:v41+s15+$0x0], $0xffff  }
0x118: {  	v45 =	vadd.s32 @!p0 v2, v44  }
0x119: {  	v44 =	vadd.s32 @!p0 v3, v44;
	_ =	sdelay $0x1  }
0x11a: {  	v42 =	vmul.f32 @!p0 v43, v42  }
0x11b: {  	v40 =	vmul.f32 @!p0 v41, v40;
	s2 =	spop (v2sf)  }
0x11c: {  	[tilespmem:v45+s3+$0x0] =	vst.idx.msk @!p0 $0xffff, v42;
	s7 =	spop (v2sf)  }
0x11d: {  	[tilespmem:v44+s3+$0x0] =	vst.idx.msk @!p0 $0xffff, v40;
	s26 =	sadd.s32 s0, s7  }
0x11e: {  	[tilespmem:s6], [sflag:$0x7] =	stream.strided.gather [hbm4b:s26+s14], $0x1000, s13, s14, $0x38;
	[tilespmem:$0x14400] =	vst v63  }
0x11f: {  	s25 =	sadd.s32 s1, s2;
	s26 =	simm.s32 $0xE400  }
0x120: {  	[tilespmem:s26], [sflag:$0xF] =	stream.strided.gather [hbm4b:s25+s14], $0x1000, s13, s14, $0x38;
	[tilespmem:$0x14400] =	vst v63  }
0x121: {  	_ =	swait.ge @!p0 [sflag:s19], $0x1000  }
0x122: {  	[sflag:s19] =	ssyncset.done @!p0 $0x0  }
0x123: {  	v35 =	vbroadcast @!p0 v35, $0xF;
	[sflag:s19] =	ssyncadd.s32 @!p0 $0xFFFFF000  }
0x124: {  	v39 =	vadd.s32 s0, v50;
	_ =	swait.ge @!p0 [sflag:s20], $0x1000  }
0x125: {  	v34 =	vbroadcast @!p0 v34, $0xF;
	v40 =	vor.u32 @!p0 v16, v35;
	(v2sf) =	vpush v39, $0x7  }
0x126: {  	v38 =	vadd.s32 s1, v49;
	v35 =	vor.u32 @!p0 v17, v35  }
0x127: {  	v41 =	vor.u32 @!p0 v16, v34;
	s25 =	sadd.s32 @!p0 $0x7, s22;
	(v2sf) =	vpush v38, $0x7  }
0x128: {  	v34 =	vor.u32 @!p0 v17, v34;
	s26 =	sshll.u32 @!p0 s25, $0x3;
	[sflag:s20] =	ssyncset.done @!p0 $0x0  }
0x129: {  	s26 =	sand.u32 @!p0 $0xFFFFFC00, s26;
	[sflag:s20] =	ssyncadd.s32 @!p0 $0xFFFFF000  }
0x12a: {  	s25 =	sand.u32 @!p0 $0x7F, s25;
	v42 =	vmov @!p0 s26;
	v40 =	vld.idx.msk @!p0 [tilespmem:v40+s14+$0x0], $0xffff  }
0x12b: {  	v42 =	vor.u32 @!p0 s25, v42;
	v35 =	vld.idx.msk @!p0 [tilespmem:v35+s14+$0x0], $0xffff  }
0x12c: {  	v42 =	vbroadcast @!p0 v42, $0x0;
	v41 =	vld.idx.msk @!p0 [tilespmem:v41+s15+$0x0], $0xffff  }
0x12d: {  	v34 =	vld.idx.msk @!p0 [tilespmem:v34+s15+$0x0], $0xffff  }
0x12e: {  	v43 =	vadd.s32 @!p0 v2, v42  }
0x12f: {  	v42 =	vadd.s32 @!p0 v3, v42;
	_ =	sdelay $0x1  }
0x130: {  	v40 =	vmul.f32 @!p0 v41, v40  }
0x131: {  	v34 =	vmul.f32 @!p0 v34, v35  }
0x132: {  	[tilespmem:v43+s3+$0x0] =	vst.idx.msk @!p0 $0xffff, v40  }
0x133: {  	[tilespmem:v42+s3+$0x0] =	vst.idx.msk @!p0 $0xffff, v34;
	s6 =	spop (v2sf)  }
0x134: {  	[tilespmem:s8], [sflag:$0x8] =	stream.strided.gather [hbm4b:s6+s14], $0x1000, s13, s14, $0x38;
	[tilespmem:$0x14400] =	vst v63  }
0x135: {  	s25 =	simm.s32 $0x1;
	s7 =	spop (v2sf)  }
0x136: {  	[tilespmem:s9], [sflag:$0x10] =	stream.strided.gather [hbm4b:s7+s14], $0x1000, s13, s14, $0x38;
	[tilespmem:$0x14400] =	vst v63  }
0x137: {  	_ =	swait.ge [sflag:s25], $0x1000  }
0x138: {  	v35 =	vand.u32 $0x7F, v37;
	[sflag:s25] =	ssyncset.done $0x0  }
0x139: {  	s26 =	simm.s32 $0x9;
	v37 =	vbroadcast v35, $0x0;
	[sflag:s25] =	ssyncadd.s32 $0xFFFFF000  }
0x13a: {  	v34 =	vand.u32 $0x7F, v36;
	_ =	swait.ge [sflag:s26], $0x1000  }
0x13b: {  	v51 =	vor.u32 v0, v37;
	v36 =	vbroadcast v34, $0x0;
	(v2sf) =	vpush v39, $0x8  }
0x13c: {  	v37 =	vor.u32 v1, v37  }
0x13d: {  	v52 =	vor.u32 v0, v36;
	(v2sf) =	vpush v38, $0x8  }
0x13e: {  	v36 =	vor.u32 v1, v36;
	[sflag:s26] =	ssyncset.done $0x0  }
0x13f: {  	[sflag:s26] =	ssyncadd.s32 $0xFFFFF000  }
0x140: {  	v40 =	vld.idx.msk [tilespmem:v51+s14+$0x0], $0xffff  }
0x141: {  	s6 =	sshll.u32 s24, $0x7;
	v53 =	vld.idx.msk [tilespmem:v37+s14+$0x0], $0xffff  }
0x142: {  	s28 =	sand.u32 $0xFFFFFC00, s6;
	s7 =	sadd.s32 $0x8, s22;
	v41 =	vld.idx.msk [tilespmem:v52+s15+$0x0], $0xffff  }
0x143: {  	s25 =	sand.u32 $0x70, s7;
	v54 =	vld.idx.msk [tilespmem:v36+s15+$0x0], $0xffff;
	v36 =	vor.u32 s28, v2  }
0x144: {  	v37 =	vor.u32 s28, v3;
	v55 =	vor.u32 s25, v36  }
0x145: {  	v56 =	vor.u32 s25, v37;
	_ =	sdelay $0x1  }
0x146: {  	v40 =	vmul.f32 v41, v40  }
0x147: {  	v57 =	vmul.f32 v54, v53  }
0x148: {  	[tilespmem:v55+s3+$0x0] =	vst.idx.msk $0xffff, v40  }
0x149: {  	[tilespmem:v56+s3+$0x0] =	vst.idx.msk $0xffff, v57;
	s2 =	spop (v2sf)  }
0x14a: {  	[tilespmem:s14], [sflag:$0x1] =	stream.strided.gather [hbm4b:s2+s14], $0x1000, s13, s14, $0x38;
	[tilespmem:$0x14400] =	vst v63  }
0x14b: {  	s7 =	simm.s32 $0x2;
	s6 =	spop (v2sf)  }
0x14c: {  	[tilespmem:s15], [sflag:$0x9] =	stream.strided.gather [hbm4b:s6+s14], $0x1000, s13, s14, $0x38;
	[tilespmem:$0x14400] =	vst v63  }
0x14d: {  	_ =	swait.ge [sflag:s7], $0x1000  }
0x14e: {  	[sflag:s7] =	ssyncset.done $0x0  }
0x14f: {  	v58 =	vbroadcast v35, $0x1;
	s26 =	simm.s32 $0xA;
	[sflag:s7] =	ssyncadd.s32 $0xFFFFF000  }
0x150: {  	_ =	swait.ge [sflag:s26], $0x1000  }
0x151: {  	v60 =	vor.u32 v4, v58;
	v59 =	vbroadcast v34, $0x1;
	(v2sf) =	vpush v39, $0x9  }
0x152: {  	v40 =	vor.u32 v5, v58  }
0x153: {  	v61 =	vor.u32 v4, v59;
	(v2sf) =	vpush v38, $0x9  }
0x154: {  	v41 =	vor.u32 v5, v59;
	[sflag:s26] =	ssyncset.done $0x0  }
0x155: {  	[sflag:s26] =	ssyncadd.s32 $0xFFFFF000  }
0x156: {  	v42 =	vld.idx.msk [tilespmem:v60+s14+$0x0], $0xffff  }
0x157: {  	v40 =	vld.idx.msk [tilespmem:v40+s14+$0x0], $0xffff  }
0x158: {  	v43 =	vld.idx.msk [tilespmem:v61+s15+$0x0], $0xffff  }
0x159: {  	s2 =	sor.u32 $0x1, s25;
	v41 =	vld.idx.msk [tilespmem:v41+s15+$0x0], $0xffff  }
0x15a: {  	v62 =	vor.u32 s2, v36  }
0x15b: {  	v63 =	vor.u32 s2, v37;
	_ =	sdelay $0x1  }
0x15c: {  	v42 =	vmul.f32 v43, v42  }
0x15d: {  	v40 =	vmul.f32 v41, v40  }
0x15e: {  	[tilespmem:v62+s3+$0x0] =	vst.idx.msk $0xffff, v42  }
0x15f: {  	s28 =	simm.s32 $0x1400;
	[tilespmem:v63+s3+$0x0] =	vst.idx.msk $0xffff, v40;
	s6 =	spop (v2sf)  }
0x160: {  	[tilespmem:s28], [sflag:$0x2] =	stream.strided.gather [hbm4b:s6+s14], $0x1000, s13, s14, $0x38;
	[tilespmem:$0x14400] =	vst v63  }
0x161: {  	s29 =	simm.s32 $0x9400;
	s26 =	simm.s32 $0x3;
	s7 =	spop (v2sf)  }
0x162: {  	[tilespmem:s29], [sflag:$0xA] =	stream.strided.gather [hbm4b:s7+s14], $0x1000, s13, s14, $0x38;
	[tilespmem:$0x14400] =	vst v63  }
0x163: {  	_ =	swait.ge [sflag:s26], $0x1000  }
0x164: {  	[sflag:s26] =	ssyncset.done $0x0  }
0x165: {  	v46 =	vbroadcast v35, $0x2;
	s6 =	simm.s32 $0xB;
	[sflag:s26] =	ssyncadd.s32 $0xFFFFF000  }
0x166: {  	_ =	swait.ge [sflag:s6], $0x1000  }
0x167: {  	v48 =	vor.u32 v6, v46;
	v47 =	vbroadcast v34, $0x2;
	(v2sf) =	vpush v39, $0xA  }
0x168: {  	v40 =	vor.u32 v7, v46  }
0x169: {  	v49 =	vor.u32 v6, v47;
	(v2sf) =	vpush v38, $0xA  }
0x16a: {  	v41 =	vor.u32 v7, v47;
	[sflag:s6] =	ssyncset.done $0x0  }
0x16b: {  	[sflag:s6] =	ssyncadd.s32 $0xFFFFF000  }
0x16c: {  	v42 =	vld.idx.msk [tilespmem:v48+s14+$0x0], $0xffff  }
0x16d: {  	v40 =	vld.idx.msk [tilespmem:v40+s14+$0x0], $0xffff  }
0x16e: {  	v43 =	vld.idx.msk [tilespmem:v49+s15+$0x0], $0xffff  }
0x16f: {  	s7 =	sor.u32 $0x2, s25;
	v41 =	vld.idx.msk [tilespmem:v41+s15+$0x0], $0xffff  }
0x170: {  	v50 =	vor.u32 s7, v36  }
0x171: {  	v51 =	vor.u32 s7, v37;
	_ =	sdelay $0x1  }
0x172: {  	v42 =	vmul.f32 v43, v42  }
0x173: {  	v40 =	vmul.f32 v41, v40  }
0x174: {  	[tilespmem:v50+s3+$0x0] =	vst.idx.msk $0xffff, v42  }
0x175: {  	s29 =	simm.s32 $0x2400;
	[tilespmem:v51+s3+$0x0] =	vst.idx.msk $0xffff, v40;
	s2 =	spop (v2sf)  }
0x176: {  	[tilespmem:s29], [sflag:$0x3] =	stream.strided.gather [hbm4b:s2+s14], $0x1000, s13, s14, $0x38;
	[tilespmem:$0x14400] =	vst v63  }
0x177: {  	s30 =	simm.s32 $0xA400;
	s6 =	spop (v2sf)  }
0x178: {  	[tilespmem:s30], [sflag:$0xB] =	stream.strided.gather [hbm4b:s6+s14], $0x1000, s13, s14, $0x38;
	[tilespmem:$0x14400] =	vst v63  }
0x179: {  	_ =	swait.ge [sflag:s10], $0x1000  }
0x17a: {  	[sflag:s10] =	ssyncset.done $0x0  }
0x17b: {  	v52 =	vbroadcast v35, $0x3;
	[sflag:s10] =	ssyncadd.s32 $0xFFFFF000  }
0x17c: {  	_ =	swait.ge [sflag:s12], $0x1000  }
0x17d: {  	v53 =	vbroadcast v34, $0x3;
	v54 =	vor.u32 v8, v52;
	(v2sf) =	vpush v39, $0xB  }
0x17e: {  	v40 =	vor.u32 v9, v52  }
0x17f: {  	v55 =	vor.u32 v8, v53;
	(v2sf) =	vpush v38, $0xB  }
0x180: {  	v41 =	vor.u32 v9, v53;
	[sflag:s12] =	ssyncset.done $0x0  }
0x181: {  	[sflag:s12] =	ssyncadd.s32 $0xFFFFF000  }
0x182: {  	v42 =	vld.idx.msk [tilespmem:v54+s14+$0x0], $0xffff  }
0x183: {  	v40 =	vld.idx.msk [tilespmem:v40+s14+$0x0], $0xffff  }
0x184: {  	v43 =	vld.idx.msk [tilespmem:v55+s15+$0x0], $0xffff  }
0x185: {  	s7 =	sor.u32 $0x3, s25;
	v41 =	vld.idx.msk [tilespmem:v41+s15+$0x0], $0xffff  }
0x186: {  	v56 =	vor.u32 s7, v36  }
0x187: {  	v57 =	vor.u32 s7, v37;
	_ =	sdelay $0x1  }
0x188: {  	v42 =	vmul.f32 v43, v42  }
0x189: {  	v40 =	vmul.f32 v41, v40  }
0x18a: {  	[tilespmem:v56+s3+$0x0] =	vst.idx.msk $0xffff, v42  }
0x18b: {  	s30 =	simm.s32 $0x3400;
	[tilespmem:v57+s3+$0x0] =	vst.idx.msk $0xffff, v40;
	s2 =	spop (v2sf)  }
0x18c: {  	[tilespmem:s30], [sflag:$0x4] =	stream.strided.gather [hbm4b:s2+s14], $0x1000, s13, s14, $0x38;
	[tilespmem:$0x14400] =	vst v63  }
0x18d: {  	s31 =	simm.s32 $0xB400;
	s6 =	spop (v2sf)  }
0x18e: {  	[tilespmem:s31], [sflag:$0xC] =	stream.strided.gather [hbm4b:s6+s14], $0x1000, s13, s14, $0x38;
	[tilespmem:$0x14400] =	vst v63  }
0x18f: {  	_ =	swait.ge [sflag:s5], $0x1000  }
0x190: {  	[sflag:s5] =	ssyncset.done $0x0  }
0x191: {  	v58 =	vbroadcast v35, $0x4;
	[sflag:s5] =	ssyncadd.s32 $0xFFFFF000  }
0x192: {  	_ =	swait.ge [sflag:s4], $0x1000  }
0x193: {  	v59 =	vbroadcast v34, $0x4;
	v60 =	vor.u32 v10, v58;
	(v2sf) =	vpush v39, $0xC  }
0x194: {  	v40 =	vor.u32 v11, v58  }
0x195: {  	v61 =	vor.u32 v10, v59;
	(v2sf) =	vpush v38, $0xC  }
0x196: {  	v41 =	vor.u32 v11, v59;
	[sflag:s4] =	ssyncset.done $0x0  }
0x197: {  	[sflag:s4] =	ssyncadd.s32 $0xFFFFF000  }
0x198: {  	v42 =	vld.idx.msk [tilespmem:v60+s14+$0x0], $0xffff  }
0x199: {  	v40 =	vld.idx.msk [tilespmem:v40+s14+$0x0], $0xffff  }
0x19a: {  	v43 =	vld.idx.msk [tilespmem:v61+s15+$0x0], $0xffff  }
0x19b: {  	s7 =	sor.u32 $0x4, s25;
	v41 =	vld.idx.msk [tilespmem:v41+s15+$0x0], $0xffff  }
0x19c: {  	v62 =	vor.u32 s7, v36  }
0x19d: {  	v63 =	vor.u32 s7, v37;
	_ =	sdelay $0x1  }
0x19e: {  	v42 =	vmul.f32 v43, v42  }
0x19f: {  	v40 =	vmul.f32 v41, v40  }
0x1a0: {  	[tilespmem:v62+s3+$0x0] =	vst.idx.msk $0xffff, v42  }
0x1a1: {  	s31 =	simm.s32 $0x4400;
	[tilespmem:v63+s3+$0x0] =	vst.idx.msk $0xffff, v40;
	s2 =	spop (v2sf)  }
0x1a2: {  	[tilespmem:s31], [sflag:$0x5] =	stream.strided.gather [hbm4b:s2+s14], $0x1000, s13, s14, $0x38;
	[tilespmem:$0x14400] =	vst v63  }
0x1a3: {  	s7 =	simm.s32 $0xC400;
	s6 =	spop (v2sf)  }
0x1a4: {  	[tilespmem:s7], [sflag:$0xD] =	stream.strided.gather [hbm4b:s6+s14], $0x1000, s13, s14, $0x38;
	[tilespmem:$0x14400] =	vst v63  }
0x1a5: {  	_ =	swait.ge [sflag:s11], $0x1000  }
0x1a6: {  	[sflag:s11] =	ssyncset.done $0x0  }
0x1a7: {  	v45 =	vbroadcast v35, $0x5;
	[sflag:s11] =	ssyncadd.s32 $0xFFFFF000  }
0x1a8: {  	_ =	swait.ge [sflag:s16], $0x1000  }
0x1a9: {  	v47 =	vor.u32 v12, v45;
	v46 =	vbroadcast v34, $0x5;
	(v2sf) =	vpush v39, $0xD  }
0x1aa: {  	v40 =	vor.u32 v13, v45  }
0x1ab: {  	v48 =	vor.u32 v12, v46;
	(v2sf) =	vpush v38, $0xD  }
0x1ac: {  	v41 =	vor.u32 v13, v46;
	[sflag:s16] =	ssyncset.done $0x0  }
0x1ad: {  	[sflag:s16] =	ssyncadd.s32 $0xFFFFF000  }
0x1ae: {  	v42 =	vld.idx.msk [tilespmem:v47+s14+$0x0], $0xffff  }
0x1af: {  	v40 =	vld.idx.msk [tilespmem:v40+s14+$0x0], $0xffff  }
0x1b0: {  	v43 =	vld.idx.msk [tilespmem:v48+s15+$0x0], $0xffff  }
0x1b1: {  	s6 =	sor.u32 $0x5, s25;
	v41 =	vld.idx.msk [tilespmem:v41+s15+$0x0], $0xffff  }
0x1b2: {  	v49 =	vor.u32 s6, v36  }
0x1b3: {  	v50 =	vor.u32 s6, v37;
	_ =	sdelay $0x1  }
0x1b4: {  	v42 =	vmul.f32 v43, v42  }
0x1b5: {  	v40 =	vmul.f32 v41, v40  }
0x1b6: {  	[tilespmem:v49+s3+$0x0] =	vst.idx.msk $0xffff, v42  }
0x1b7: {  	s2 =	simm.s32 $0x5400;
	[tilespmem:v50+s3+$0x0] =	vst.idx.msk $0xffff, v40;
	s7 =	spop (v2sf)  }
0x1b8: {  	[tilespmem:s2], [sflag:$0x6] =	stream.strided.gather [hbm4b:s7+s14], $0x1000, s13, s14, $0x38;
	[tilespmem:$0x14400] =	vst v63  }
0x1b9: {  	s6 =	spop (v2sf);
	s7 =	simm.s32 $0xD400  }
0x1ba: {  	[tilespmem:s7], [sflag:$0xE] =	stream.strided.gather [hbm4b:s6+s14], $0x1000, s13, s14, $0x38;
	[tilespmem:$0x14400] =	vst v63  }
0x1bb: {  	_ =	swait.ge [sflag:s17], $0x1000  }
0x1bc: {  	[sflag:s17] =	ssyncset.done $0x0  }
0x1bd: {  	v51 =	vbroadcast v35, $0x6;
	[sflag:s17] =	ssyncadd.s32 $0xFFFFF000  }
0x1be: {  	_ =	swait.ge [sflag:s18], $0x1000  }
0x1bf: {  	v52 =	vbroadcast v34, $0x6;
	v53 =	vor.u32 v14, v51;
	(v2sf) =	vpush v39, $0xE  }
0x1c0: {  	v40 =	vor.u32 v15, v51  }
0x1c1: {  	v54 =	vor.u32 v14, v52;
	(v2sf) =	vpush v38, $0xE  }
0x1c2: {  	v41 =	vor.u32 v15, v52;
	[sflag:s18] =	ssyncset.done $0x0  }
0x1c3: {  	[sflag:s18] =	ssyncadd.s32 $0xFFFFF000  }
0x1c4: {  	v42 =	vld.idx.msk [tilespmem:v53+s14+$0x0], $0xffff  }
0x1c5: {  	v40 =	vld.idx.msk [tilespmem:v40+s14+$0x0], $0xffff  }
0x1c6: {  	v43 =	vld.idx.msk [tilespmem:v54+s15+$0x0], $0xffff  }
0x1c7: {  	s6 =	sor.u32 $0x6, s25;
	v41 =	vld.idx.msk [tilespmem:v41+s15+$0x0], $0xffff  }
0x1c8: {  	v55 =	vor.u32 s6, v36  }
0x1c9: {  	v56 =	vor.u32 s6, v37;
	_ =	sdelay $0x1  }
0x1ca: {  	v42 =	vmul.f32 v43, v42  }
0x1cb: {  	v40 =	vmul.f32 v41, v40  }
0x1cc: {  	[tilespmem:v55+s3+$0x0] =	vst.idx.msk $0xffff, v42  }
0x1cd: {  	s6 =	simm.s32 $0x6400;
	[tilespmem:v56+s3+$0x0] =	vst.idx.msk $0xffff, v40;
	s7 =	spop (v2sf)  }
0x1ce: {  	[tilespmem:s6], [sflag:$0x7] =	stream.strided.gather [hbm4b:s7+s14], $0x1000, s13, s14, $0x38;
	[tilespmem:$0x14400] =	vst v63  }
0x1cf: {  	s26 =	spop (v2sf);
	s7 =	simm.s32 $0xE400  }
0x1d0: {  	[tilespmem:s7], [sflag:$0xF] =	stream.strided.gather [hbm4b:s26+s14], $0x1000, s13, s14, $0x38;
	[tilespmem:$0x14400] =	vst v63  }
0x1d1: {  	_ =	swait.ge [sflag:s19], $0x1000  }
0x1d2: {  	[sflag:s19] =	ssyncset.done $0x0  }
0x1d3: {  	v57 =	vbroadcast v35, $0x7;
	[sflag:s19] =	ssyncadd.s32 $0xFFFFF000  }
0x1d4: {  	_ =	swait.ge [sflag:s20], $0x1000  }
0x1d5: {  	v58 =	vbroadcast v34, $0x7;
	v59 =	vor.u32 v16, v57;
	(v2sf) =	vpush v39, $0xF  }
0x1d6: {  	v60 =	vor.u32 v17, v57  }
0x1d7: {  	v61 =	vor.u32 v16, v58;
	(v2sf) =	vpush v38, $0xF  }
0x1d8: {  	v62 =	vor.u32 v17, v58;
	[sflag:s20] =	ssyncset.done $0x0  }
0x1d9: {  	[sflag:s20] =	ssyncadd.s32 $0xFFFFF000  }
0x1da: {  	v63 =	vld.idx.msk [tilespmem:v59+s14+$0x0], $0xffff  }
0x1db: {  	v39 =	vld.idx.msk [tilespmem:v60+s14+$0x0], $0xffff  }
0x1dc: {  	v40 =	vld.idx.msk [tilespmem:v61+s15+$0x0], $0xffff  }
0x1dd: {  	s25 =	sor.u32 $0x7, s25;
	v38 =	vld.idx.msk [tilespmem:v62+s15+$0x0], $0xffff  }
0x1de: {  	v36 =	vor.u32 s25, v36  }
0x1df: {  	v37 =	vor.u32 s25, v37;
	_ =	sdelay $0x1  }
0x1e0: {  	s22 =	sadd.s32 $0x10, s22;
	v40 =	vmul.f32 v40, v63  }
0x1e1: {  	p0 =	sne.s32 s22, $0x1F8;
	v38 =	vmul.f32 v38, v39  }
.Ltmp0:
0x1e2: {  	[tilespmem:v36+s3+$0x0] =	vst.idx.msk $0xffff, v40;
	(pc) =	sbr.rel @p0 .LBB2_2-.Ltmp0, $4  }
0x1e3: {  	s23 =	sadd.s32 $0x10, s23;
	[tilespmem:v37+s3+$0x0] =	vst.idx.msk $0xffff, v38;
	s7 =	spop (v2sf)  }
0x1e4: {  	[tilespmem:s8], [sflag:$0x8] =	stream.strided.gather [hbm4b:s7+s14], $0x1000, s13, s14, $0x38;
	[tilespmem:$0x14400] =	vst v63  }
0x1e5: {  	s21 =	sadd.s32 $0x10, s21;
	s24 =	sadd.s32 $0x1, s24;
	s26 =	spop (v2sf)  }
0x1e6: {  	[tilespmem:s9], [sflag:$0x10] =	stream.strided.gather [hbm4b:s26+s14], $0x1000, s13, s14, $0x38;
	[tilespmem:$0x14400] =	vst v63  }
0x1e7: {  	v36 =	vbroadcast v35, $0x8;
	s7 =	simm.s32 $0x1  }
0x1e8: {  	_ =	swait.ge [sflag:s7], $0x1000  }
0x1e9: {  	v37 =	vbroadcast v34, $0x8;
	[sflag:s7] =	ssyncset.done $0x0;
	v38 =	vor.u32 v0, v36  }
0x1ea: {  	s22 =	simm.s32 $0x9;
	v36 =	vor.u32 v1, v36;
	[sflag:s7] =	ssyncadd.s32 $0xFFFFF000  }
0x1eb: {  	v39 =	vor.u32 v0, v37;
	_ =	swait.ge [sflag:s22], $0x1000  }
0x1ec: {  	v37 =	vor.u32 v1, v37;
	[sflag:s22] =	ssyncset.done $0x0  }
0x1ed: {  	[sflag:s22] =	ssyncadd.s32 $0xFFFFF000  }
0x1ee: {  	v38 =	vld.idx.msk [tilespmem:v38+s14+$0x0], $0xffff  }
0x1ef: {  	v36 =	vld.idx.msk [tilespmem:v36+s14+$0x0], $0xffff  }
0x1f0: {  	v39 =	vld.idx.msk [tilespmem:v39+s15+$0x0], $0xffff  }
0x1f1: {  	v37 =	vld.idx.msk [tilespmem:v37+s15+$0x0], $0xffff;
	_ =	sdelay $0x3  }
0x1f2: {  	v38 =	vmul.f32 v39, v38  }
0x1f3: {  	v36 =	vmul.f32 v37, v36  }
0x1f4: {  	[tilespmem:v18+s3+$0x0] =	vst.idx.msk $0xffff, v38  }
0x1f5: {  	v58 =	vbroadcast v35, $0x9;
	s23 =	simm.s32 $0x2;
	[tilespmem:v19+s3+$0x0] =	vst.idx.msk $0xffff, v36  }
0x1f6: {  	_ =	swait.ge [sflag:s23], $0x1000  }
0x1f7: {  	v59 =	vbroadcast v34, $0x9;
	v60 =	vor.u32 v4, v58;
	[sflag:s23] =	ssyncset.done $0x0  }
0x1f8: {  	s24 =	simm.s32 $0xA;
	v36 =	vor.u32 v5, v58;
	[sflag:s23] =	ssyncadd.s32 $0xFFFFF000  }
0x1f9: {  	v61 =	vor.u32 v4, v59;
	_ =	swait.ge [sflag:s24], $0x1000  }
0x1fa: {  	v37 =	vor.u32 v5, v59;
	[sflag:s24] =	ssyncset.done $0x0  }
0x1fb: {  	[sflag:s24] =	ssyncadd.s32 $0xFFFFF000  }
0x1fc: {  	v38 =	vld.idx.msk [tilespmem:v60+s14+$0x0], $0xffff  }
0x1fd: {  	v36 =	vld.idx.msk [tilespmem:v36+s14+$0x0], $0xffff  }
0x1fe: {  	v39 =	vld.idx.msk [tilespmem:v61+s15+$0x0], $0xffff  }
0x1ff: {  	v37 =	vld.idx.msk [tilespmem:v37+s15+$0x0], $0xffff;
	_ =	sdelay $0x3  }
0x200: {  	v38 =	vmul.f32 v39, v38  }
0x201: {  	v36 =	vmul.f32 v37, v36  }
0x202: {  	[tilespmem:v20+s3+$0x0] =	vst.idx.msk $0xffff, v38  }
0x203: {  	v62 =	vbroadcast v35, $0xA;
	s25 =	simm.s32 $0x3;
	[tilespmem:v21+s3+$0x0] =	vst.idx.msk $0xffff, v36  }
0x204: {  	_ =	swait.ge [sflag:s25], $0x1000  }
0x205: {  	v63 =	vbroadcast v34, $0xA;
	v42 =	vor.u32 v6, v62;
	[sflag:s25] =	ssyncset.done $0x0  }
0x206: {  	s26 =	simm.s32 $0xB;
	v36 =	vor.u32 v7, v62;
	[sflag:s25] =	ssyncadd.s32 $0xFFFFF000  }
0x207: {  	v43 =	vor.u32 v6, v63;
	_ =	swait.ge [sflag:s26], $0x1000  }
0x208: {  	v37 =	vor.u32 v7, v63;
	[sflag:s26] =	ssyncset.done $0x0  }
0x209: {  	[sflag:s26] =	ssyncadd.s32 $0xFFFFF000  }
0x20a: {  	v38 =	vld.idx.msk [tilespmem:v42+s14+$0x0], $0xffff  }
0x20b: {  	v36 =	vld.idx.msk [tilespmem:v36+s14+$0x0], $0xffff  }
0x20c: {  	v39 =	vld.idx.msk [tilespmem:v43+s15+$0x0], $0xffff  }
0x20d: {  	v37 =	vld.idx.msk [tilespmem:v37+s15+$0x0], $0xffff;
	_ =	sdelay $0x3  }
0x20e: {  	v38 =	vmul.f32 v39, v38  }
0x20f: {  	v36 =	vmul.f32 v37, v36  }
0x210: {  	[tilespmem:v22+s3+$0x0] =	vst.idx.msk $0xffff, v38  }
0x211: {  	v44 =	vbroadcast v35, $0xB;
	[tilespmem:v23+s3+$0x0] =	vst.idx.msk $0xffff, v36  }
0x212: {  	_ =	swait.ge [sflag:s10], $0x1000  }
0x213: {  	v45 =	vbroadcast v34, $0xB;
	v46 =	vor.u32 v8, v44;
	[sflag:s10] =	ssyncset.done $0x0  }
0x214: {  	v36 =	vor.u32 v9, v44;
	[sflag:s10] =	ssyncadd.s32 $0xFFFFF000  }
0x215: {  	v47 =	vor.u32 v8, v45;
	_ =	swait.ge [sflag:s12], $0x1000  }
0x216: {  	v37 =	vor.u32 v9, v45;
	[sflag:s12] =	ssyncset.done $0x0  }
0x217: {  	[sflag:s12] =	ssyncadd.s32 $0xFFFFF000  }
0x218: {  	v38 =	vld.idx.msk [tilespmem:v46+s14+$0x0], $0xffff  }
0x219: {  	v36 =	vld.idx.msk [tilespmem:v36+s14+$0x0], $0xffff  }
0x21a: {  	v39 =	vld.idx.msk [tilespmem:v47+s15+$0x0], $0xffff  }
0x21b: {  	v37 =	vld.idx.msk [tilespmem:v37+s15+$0x0], $0xffff;
	_ =	sdelay $0x3  }
0x21c: {  	v38 =	vmul.f32 v39, v38  }
0x21d: {  	v36 =	vmul.f32 v37, v36  }
0x21e: {  	[tilespmem:v24+s3+$0x0] =	vst.idx.msk $0xffff, v38  }
0x21f: {  	v48 =	vbroadcast v35, $0xC;
	[tilespmem:v25+s3+$0x0] =	vst.idx.msk $0xffff, v36  }
0x220: {  	_ =	swait.ge [sflag:s5], $0x1000  }
0x221: {  	v49 =	vbroadcast v34, $0xC;
	v50 =	vor.u32 v10, v48;
	[sflag:s5] =	ssyncset.done $0x0  }
0x222: {  	v36 =	vor.u32 v11, v48;
	[sflag:s5] =	ssyncadd.s32 $0xFFFFF000  }
0x223: {  	v51 =	vor.u32 v10, v49;
	_ =	swait.ge [sflag:s4], $0x1000  }
0x224: {  	v37 =	vor.u32 v11, v49;
	[sflag:s4] =	ssyncset.done $0x0  }
0x225: {  	[sflag:s4] =	ssyncadd.s32 $0xFFFFF000  }
0x226: {  	v38 =	vld.idx.msk [tilespmem:v50+s14+$0x0], $0xffff  }
0x227: {  	v36 =	vld.idx.msk [tilespmem:v36+s14+$0x0], $0xffff  }
0x228: {  	v39 =	vld.idx.msk [tilespmem:v51+s15+$0x0], $0xffff  }
0x229: {  	v37 =	vld.idx.msk [tilespmem:v37+s15+$0x0], $0xffff;
	_ =	sdelay $0x3  }
0x22a: {  	v38 =	vmul.f32 v39, v38  }
0x22b: {  	v36 =	vmul.f32 v37, v36  }
0x22c: {  	[tilespmem:v26+s3+$0x0] =	vst.idx.msk $0xffff, v38  }
0x22d: {  	v52 =	vbroadcast v35, $0xD;
	[tilespmem:v27+s3+$0x0] =	vst.idx.msk $0xffff, v36  }
0x22e: {  	_ =	swait.ge [sflag:s11], $0x1000  }
0x22f: {  	v53 =	vbroadcast v34, $0xD;
	v54 =	vor.u32 v12, v52;
	[sflag:s11] =	ssyncset.done $0x0  }
0x230: {  	v36 =	vor.u32 v13, v52;
	[sflag:s11] =	ssyncadd.s32 $0xFFFFF000  }
0x231: {  	v55 =	vor.u32 v12, v53;
	_ =	swait.ge [sflag:s16], $0x1000  }
0x232: {  	v37 =	vor.u32 v13, v53;
	[sflag:s16] =	ssyncset.done $0x0  }
0x233: {  	[sflag:s16] =	ssyncadd.s32 $0xFFFFF000  }
0x234: {  	v38 =	vld.idx.msk [tilespmem:v54+s14+$0x0], $0xffff  }
0x235: {  	v36 =	vld.idx.msk [tilespmem:v36+s14+$0x0], $0xffff  }
0x236: {  	v39 =	vld.idx.msk [tilespmem:v55+s15+$0x0], $0xffff  }
0x237: {  	v37 =	vld.idx.msk [tilespmem:v37+s15+$0x0], $0xffff;
	_ =	sdelay $0x3  }
0x238: {  	v38 =	vmul.f32 v39, v38  }
0x239: {  	v36 =	vmul.f32 v37, v36  }
0x23a: {  	[tilespmem:v28+s3+$0x0] =	vst.idx.msk $0xffff, v38  }
0x23b: {  	v56 =	vbroadcast v35, $0xE;
	[tilespmem:v29+s3+$0x0] =	vst.idx.msk $0xffff, v36  }
0x23c: {  	_ =	swait.ge [sflag:s17], $0x1000  }
0x23d: {  	v57 =	vbroadcast v34, $0xE;
	v58 =	vor.u32 v14, v56;
	[sflag:s17] =	ssyncset.done $0x0  }
0x23e: {  	v36 =	vor.u32 v15, v56;
	[sflag:s17] =	ssyncadd.s32 $0xFFFFF000  }
0x23f: {  	v59 =	vor.u32 v14, v57;
	_ =	swait.ge [sflag:s18], $0x1000  }
0x240: {  	v37 =	vor.u32 v15, v57;
	[sflag:s18] =	ssyncset.done $0x0  }
0x241: {  	[sflag:s18] =	ssyncadd.s32 $0xFFFFF000  }
0x242: {  	v38 =	vld.idx.msk [tilespmem:v58+s14+$0x0], $0xffff  }
0x243: {  	v36 =	vld.idx.msk [tilespmem:v36+s14+$0x0], $0xffff  }
0x244: {  	v39 =	vld.idx.msk [tilespmem:v59+s15+$0x0], $0xffff  }
0x245: {  	v37 =	vld.idx.msk [tilespmem:v37+s15+$0x0], $0xffff;
	_ =	sdelay $0x3  }
0x246: {  	v38 =	vmul.f32 v39, v38  }
0x247: {  	v36 =	vmul.f32 v37, v36  }
0x248: {  	[tilespmem:v30+s3+$0x0] =	vst.idx.msk $0xffff, v38  }
0x249: {  	v60 =	vbroadcast v35, $0xF;
	[tilespmem:v31+s3+$0x0] =	vst.idx.msk $0xffff, v36  }
0x24a: {  	_ =	swait.ge [sflag:s19], $0x1000  }
0x24b: {  	v61 =	vbroadcast v34, $0xF;
	v62 =	vor.u32 v16, v60;
	[sflag:s19] =	ssyncset.done $0x0  }
0x24c: {  	v35 =	vor.u32 v17, v60;
	[sflag:s19] =	ssyncadd.s32 $0xFFFFF000  }
0x24d: {  	v63 =	vor.u32 v16, v61;
	_ =	swait.ge [sflag:s20], $0x1000  }
0x24e: {  	v34 =	vor.u32 v17, v61;
	[sflag:s20] =	ssyncset.done $0x0  }
0x24f: {  	[sflag:s20] =	ssyncadd.s32 $0xFFFFF000  }
0x250: {  	v36 =	vld.idx.msk [tilespmem:v62+s14+$0x0], $0xffff  }
0x251: {  	v35 =	vld.idx.msk [tilespmem:v35+s14+$0x0], $0xffff  }
0x252: {  	v37 =	vld.idx.msk [tilespmem:v63+s15+$0x0], $0xffff  }
0x253: {  	v34 =	vld.idx.msk [tilespmem:v34+s15+$0x0], $0xffff;
	_ =	sdelay $0x3  }
0x254: {  	v36 =	vmul.f32 v37, v36  }
0x255: {  	v34 =	vmul.f32 v34, v35  }
0x256: {  	[tilespmem:v32+s3+$0x0] =	vst.idx.msk $0xffff, v36  }
0x257: {  	s22 =	simm.s32 $0x0;
	s24 =	simm.s32 $0x11;
	s21 =	rddreg [dreg:$0x6];
	[tilespmem:v33+s3+$0x0] =	vst.idx.msk $0xffff, v34  }
0x258: {  	[hbm4b:s21+s22] =	stream.linear.scatter [tilespmem:s3], [sflag:$0x11], $0x1000, $0x38;
	[tilespmem:$0x14400] =	vst v63  }
0x259: {  	_ =	swait.ge [sflag:s24], $0x1000  }
0x25a: {  	[sflag:s24] =	ssyncset.done $0x0  }
0x25b: {  	s23 =	simm.s32 $0x11400;
	s7 =	rddreg [dreg:$0x9];
	[sflag:s24] =	ssyncadd.s32 $0xFFFFF000  }
0x25c: {  	[hbm4b:s7+s22] =	stream.linear.scatter [tilespmem:s23], [sflag:$0x11], $0x1000, $0x38;
	[tilespmem:$0x14400] =	vst v63  }
0x25d: {  	_ =	swait.ge [sflag:s24], $0x1000  }
0x25e: {  	[sflag:s24] =	ssyncset.done $0x0  }
0x25f: {  	s26 =	simm.s32 $0x12400;
	s25 =	rddreg [dreg:$0xa];
	[sflag:s24] =	ssyncadd.s32 $0xFFFFF000  }
0x260: {  	[hbm4b:s25+s22] =	stream.linear.scatter [tilespmem:s26], [sflag:$0x11], $0x1000, $0x38;
	[tilespmem:$0x14400] =	vst v63  }
0x261: {  	_ =	swait.ge [sflag:s24], $0x1000  }
0x262: {  	[sflag:s24] =	ssyncset.done $0x0  }
0x263: {  	s23 =	simm.s32 $0x13400;
	s7 =	rddreg [dreg:$0xb];
	[sflag:s24] =	ssyncadd.s32 $0xFFFFF000  }
0x264: {  	[hbm4b:s7+s22] =	stream.linear.scatter [tilespmem:s23], [sflag:$0x11], $0x1000, $0x38;
	[tilespmem:$0x14400] =	vst v63  }
0x265: {  	_ =	swait.ge [sflag:s24], $0x1000  }
0x266: {  	s25 =	rddreg [dreg:$0xd]  }
0x267: {  	s26 =	rddreg [dreg:$0xc];
	s7 =	sadd.s32 $0x1, s25  }
0x268: {  	p0 =	sne.s32 s7, s26  }
.Ltmp1:
0x269: {  	_ = 	snop;
	(pc) =	sbr.rel @p0 .LBB2_1-.Ltmp1, $3  }
0x26a: {  	_ =	sdelay $0x1  }
0x26b: {  	[sflag:s24] =	ssyncset.done $0x0  }
0x26c: {  	[sflag:s24] =	ssyncadd.s32 $0xFFFFF000  }
0x26d: {  	_ =	sfence.sel $0x180000  }
0x26e: {  	[bflag:$0x0] =	sbarrier.arrive $0xFFFF  }
0x26f: {  	_ =	strace $0x90000047  }
0x270: {  	s0 =	stileid.u32;
	[bflag:$0x2] =	sbarrier.arrive $0xFFFF  }
0x271: {  	p0 =	sne.s32 s0, $0x0;
	s0 =	rddreg [dreg:$0x5]  }
0x272: {  	s0 =	sadd.s32 @!p0 $0x100000, s0  }
0x273: {  	[sflag:s0] =	ssyncadd.tile.s32 @!p0 $0x1;
	_ =	shalt  }
.Lfunc_end2:
_tile_overlayer_lowered:
.L_overlay_start_2:
0x274: {  	(tag) =	ssettag $0x2  }
0x275: {  	s0 =	rddreg [dreg:$0x0];
	s2 =	stileid.u32  }
0x276: {  	s1 =	rddreg [dreg:$0x1];
	p0 =	sne.s32 s2, $0x0  }
0x277: {  	s3 =	rddreg [dreg:$0x2];
	[bflag:$0x3] =	sbarrier.arrive $0xFFFF;
	s2 =	simm.s32 @!p0 $0x1C11  }
0x278: {  	[timem:s3], [sflag:s2] =	dma.local @!p0 [hbm:s0], s1  }
0x279: {  	s0 =	simm.s32 @!p0 $0x11  }
0x27a: {  	_ =	swait.ge @!p0 [sflag:s0], s1  }
0x27b: {  	s1 =	ssub.s32 @!p0 $0x0, s1;
	[sflag:s0] =	ssyncset.done @!p0 $0x0  }
0x27c: {  	[sflag:s0] =	ssyncadd.s32 @!p0 s1  }
0x27d: {  	[bflag:$0x3] =	sbarrier.arrive $0xFFFF  }
0x27e: {  	_ =	shalt  }

</sc_bundles>
